<compile_context>
chip_gen: v7x
topology: tpu7x:2x2x1
jax: 0.10.2.dev20260603
libtpu: 0.0.44.dev20260713+nightly
codegen_flags: <defaults>
</compile_context>

<pallas_src>
import dataclasses
import functools

import jax
import jax.numpy as jnp
from jax import lax
from jax.experimental import pallas as pl
from jax.experimental.pallas import tpu as pltpu
from jax.experimental.pallas import tpu_sc as plsc

NUM_CORES = 2
NUM_SUBCORES = 16
NW = NUM_CORES * NUM_SUBCORES
LANES = 16

BATCH = 16384
DIM = 64
WIDE = 2 * DIM
B_PER_W = BATCH // NW
CHUNK = 128
NCHUNK = B_PER_W // CHUNK


def _mf_kernel(ids_hbm, vals_hbm, table_hbm, out_hbm,
               idx0_v, idx1_v, v0_v, v1_v, out_v, part_v,
               rows0a_v, rows0b_v, rows1a_v, rows1b_v,
               sem0a, sem0b, sem1a, sem1b):
    wid = lax.axis_index("s") * NUM_CORES + lax.axis_index("c")
    base = wid * B_PER_W

    pltpu.sync_copy(ids_hbm.at[0, pl.ds(base, B_PER_W)], idx0_v)
    pltpu.sync_copy(ids_hbm.at[1, pl.ds(base, B_PER_W)], idx1_v)
    pltpu.sync_copy(vals_hbm.at[0, pl.ds(base, B_PER_W)], v0_v)
    pltpu.sync_copy(vals_hbm.at[1, pl.ds(base, B_PER_W)], v1_v)

    rows0 = (rows0a_v, rows0b_v)
    rows1 = (rows1a_v, rows1b_v)
    sems0 = (sem0a, sem0b)
    sems1 = (sem1a, sem1b)

    def issue(c):
        lo = c * CHUNK
        buf = c % 2
        return (
            pltpu.async_copy(table_hbm.at[idx0_v.at[pl.ds(lo, CHUNK)]],
                             rows0[buf], sems0[buf]),
            pltpu.async_copy(table_hbm.at[idx1_v.at[pl.ds(lo, CHUNK)]],
                             rows1[buf], sems1[buf]),
        )

    lane_iota = lax.iota(jnp.int32, LANES)
    zeros16 = jnp.full((LANES,), 0, jnp.int32)

    inflight = {0: issue(0)}
    for c in range(NCHUNK):
        if c + 1 < NCHUNK:
            inflight[c + 1] = issue(c + 1)
        cp0, cp1 = inflight.pop(c)
        cp0.wait()
        cp1.wait()
        buf = c % 2
        r0_v = rows0[buf]
        r1_v = rows1[buf]
        clo = c * CHUNK

        @pl.loop(0, CHUNK, step=LANES)
        def _(g):
            for r in range(LANES):
                b = g + r
                part = (r0_v[b, pl.ds(0, LANES)]
                        * r1_v[b, pl.ds(0, LANES)])
                for d in range(LANES, DIM, LANES):
                    part += (r0_v[b, pl.ds(d, LANES)]
                             * r1_v[b, pl.ds(d, LANES)])
                part_v[r, pl.ds(0, LANES)] = part
            acc = plsc.load_gather(part_v, [lane_iota, zeros16])
            for cc in range(1, LANES):
                acc += plsc.load_gather(
                    part_v, [lane_iota, jnp.full((LANES,), cc, jnp.int32)])
            sl = pl.ds(clo + g, LANES)
            out_v[sl] = acc * v0_v[sl] * v1_v[sl]

    pltpu.sync_copy(out_v, out_hbm.at[pl.ds(base, B_PER_W)])


@jax.jit
def kernel(feature_ids, feature_vals, table):
    ids_t = feature_ids.T
    vals_t = feature_vals.T
    table_w = jnp.pad(table, ((0, 0), (0, DIM)))

    mesh = plsc.VectorSubcoreMesh(core_axis_name="c", subcore_axis_name="s")
    cp = pltpu.CompilerParams()
    for fld, val in (("needs_layout_passes", False),
                     ("use_tc_tiling_on_sc", False)):
        if fld in pltpu.CompilerParams.__dataclass_fields__:
            cp = dataclasses.replace(cp, **{fld: val})
    run = functools.partial(
        pl.kernel,
        mesh=mesh,
        compiler_params=cp,
        out_type=jax.ShapeDtypeStruct((BATCH,), jnp.float32),
        scratch_types=[
            pltpu.VMEM((B_PER_W,), jnp.int32),
            pltpu.VMEM((B_PER_W,), jnp.int32),
            pltpu.VMEM((B_PER_W,), jnp.float32),
            pltpu.VMEM((B_PER_W,), jnp.float32),
            pltpu.VMEM((B_PER_W,), jnp.float32),
            pltpu.VMEM((LANES, LANES), jnp.float32),
            pltpu.VMEM((CHUNK, WIDE), jnp.float32),
            pltpu.VMEM((CHUNK, WIDE), jnp.float32),
            pltpu.VMEM((CHUNK, WIDE), jnp.float32),
            pltpu.VMEM((CHUNK, WIDE), jnp.float32),
            pltpu.SemaphoreType.DMA,
            pltpu.SemaphoreType.DMA,
            pltpu.SemaphoreType.DMA,
            pltpu.SemaphoreType.DMA,
        ],
    )(_mf_kernel)
    return run(ids_t, vals_t, table_w)

# --- scband reference (transcript-rebuilt; emitter-appended) ---
"""Pipeline reference for scband-mf-3831110828050 (READ-ONLY COPY).

The authoritative reference and input builder live on the scoring server;
editing this copy changes nothing except your own understanding.
"""

import jax, jax.numpy as jnp
import numpy as np

NUM_FEATURES = 100000
EMBED_DIM = 64
BATCH = 16384


def setup_inputs(seed: int = 0) -> dict:
    key = jax.random.key(seed)
    k1, k2, k3 = jax.random.split(key, 3)
    feature_ids = jax.random.randint(k1, (BATCH, 2), 0, NUM_FEATURES, dtype=jnp.int64 if jax.config.jax_enable_x64 else jnp.int32).astype(jnp.int32)
    feature_vals = jax.random.uniform(k2, (BATCH, 2), dtype=jnp.float32)
    # xavier_normal init for embedding table [num_features, embed_dim]
    std = float(np.sqrt(2.0 / (NUM_FEATURES + EMBED_DIM)))
    table = jax.random.normal(k3, (NUM_FEATURES, EMBED_DIM), dtype=jnp.float32) * std
    return {"feature_ids": feature_ids, "feature_vals": feature_vals, "table": table}


def reference(feature_ids, feature_vals, table):
    # embedding lookup: [B, 2, D]
    input_embeddings = jnp.take(table, feature_ids, axis=0)
    # scale by per-field values
    input_embeddings = input_embeddings * feature_vals[:, :, None]
    # dot product between the two field embeddings -> [B]
    output = jnp.sum(input_embeddings[:, 0, :] * input_embeddings[:, 1, :], axis=1)
    return output

if __name__ == "__main__":
    import jax
    _d = setup_inputs()
    print(jax.jit(kernel)(*tuple(_d.values())))

</pallas_src>

<mosaic_0001>
#map = affine_map<(d0, d1) -> (0, 0)>
#map1 = affine_map<(d0, d1) -> (0)>
module attributes {stable_mosaic.version = 14 : i64} {
  func.func @_mf_kernel(%arg0: i32, %arg1: i32, %arg2: memref<2x16384xi32, #tpu.memory_space<hbm>>, %arg3: memref<2x16384xf32, #tpu.memory_space<hbm>>, %arg4: memref<100000x128xf32, #tpu.memory_space<hbm>>, %arg5: memref<16384xf32, #tpu.memory_space<hbm>>, %arg6: memref<512xi32, #tpu.memory_space<vmem>>, %arg7: memref<512xi32, #tpu.memory_space<vmem>>, %arg8: memref<512xf32, #tpu.memory_space<vmem>>, %arg9: memref<512xf32, #tpu.memory_space<vmem>>, %arg10: memref<512xf32, #tpu.memory_space<vmem>>, %arg11: memref<16x16xf32, #tpu.memory_space<vmem>>, %arg12: memref<128x128xf32, #tpu.memory_space<vmem>>, %arg13: memref<128x128xf32, #tpu.memory_space<vmem>>, %arg14: memref<128x128xf32, #tpu.memory_space<vmem>>, %arg15: memref<128x128xf32, #tpu.memory_space<vmem>>, %arg16: memref<!tpu.dma_semaphore, #tpu.memory_space<semaphore_mem>>, %arg17: memref<!tpu.dma_semaphore, #tpu.memory_space<semaphore_mem>>, %arg18: memref<!tpu.dma_semaphore, #tpu.memory_space<semaphore_mem>>, %arg19: memref<!tpu.dma_semaphore, #tpu.memory_space<semaphore_mem>>) attributes {dimension_semantics = [#tpu.dimension_semantics<core_parallel>, #tpu.dimension_semantics<subcore_parallel>], iteration_bounds = array<i64: 2, 16>, scalar_prefetch = 0 : i64, scratch_operands = 14 : i64, tpu.core_type = #tpu.core_type<sc_vector_subcore>, window_params = [{transform_indices = #map}, {transform_indices = #map}, {transform_indices = #map}, {transform_indices = #map1}]} {
    %mul3A = arith.constant 2 : i32
    %mul3A_0 = arith.muli %arg1, %mul3A : i32
    %add3A = arith.addi %mul3A_0, %arg0 : i32
    %mul3A_1 = arith.constant 512 : i32
    %mul3A_2 = arith.muli %add3A, %mul3A_1 : i32
    %run_scoped3A = arith.constant 0 : i32
    "tpu.region"() ({
      %run_scoped3A_104 = tpu.sem_alloc : memref<!tpu.dma_semaphore, #tpu.memory_space<semaphore_mem>>
      %dma_start3A_105 = tpu.memref_slice %arg2[%run_scoped3A, %mul3A_2] : memref<2x16384xi32, #tpu.memory_space<hbm>> -> memref<1x512xi32, #tpu.memory_space<hbm>>
      %dma_start3A_106 = tpu.memref_squeeze %dma_start3A_105 : memref<1x512xi32, #tpu.memory_space<hbm>> -> memref<512xi32, #tpu.memory_space<hbm>>
      %dma_start3A_107 = tpu.memref_slice %arg2[%run_scoped3A, %mul3A_2] : memref<2x16384xi32, #tpu.memory_space<hbm>> -> memref<1x512xi32, #tpu.memory_space<hbm>>
      %dma_start3A_108 = tpu.memref_squeeze %dma_start3A_107 : memref<1x512xi32, #tpu.memory_space<hbm>> -> memref<512xi32, #tpu.memory_space<hbm>>
      tpu.enqueue_dma source(%dma_start3A_108 : memref<512xi32, #tpu.memory_space<hbm>>) target(%arg6 : memref<512xi32, #tpu.memory_space<vmem>>) target_semaphore(%run_scoped3A_104 : memref<!tpu.dma_semaphore, #tpu.memory_space<semaphore_mem>>)
      %dma_wait3A_109 = tpu.memref_slice %arg2[%run_scoped3A, %mul3A_2] : memref<2x16384xi32, #tpu.memory_space<hbm>> -> memref<1x512xi32, #tpu.memory_space<hbm>>
      %dma_wait3A_110 = tpu.memref_squeeze %dma_wait3A_109 : memref<1x512xi32, #tpu.memory_space<hbm>> -> memref<512xi32, #tpu.memory_space<hbm>>
      %dma_wait3A_111 = tpu.memref_slice %arg2[%run_scoped3A, %mul3A_2] : memref<2x16384xi32, #tpu.memory_space<hbm>> -> memref<1x512xi32, #tpu.memory_space<hbm>>
      %dma_wait3A_112 = tpu.memref_squeeze %dma_wait3A_111 : memref<1x512xi32, #tpu.memory_space<hbm>> -> memref<512xi32, #tpu.memory_space<hbm>>
      tpu.wait_dma2 semaphore(%run_scoped3A_104 : memref<!tpu.dma_semaphore, #tpu.memory_space<semaphore_mem>>) src(%dma_wait3A_112 : memref<512xi32, #tpu.memory_space<hbm>>) dst(%arg6 : memref<512xi32, #tpu.memory_space<vmem>>)
      tpu.yield
    }) : () -> ()
    %run_scoped3A_3 = arith.constant 1 : i32
    "tpu.region"() ({
      %run_scoped3A_104 = tpu.sem_alloc : memref<!tpu.dma_semaphore, #tpu.memory_space<semaphore_mem>>
      %dma_start3A_105 = tpu.memref_slice %arg2[%run_scoped3A_3, %mul3A_2] : memref<2x16384xi32, #tpu.memory_space<hbm>> -> memref<1x512xi32, #tpu.memory_space<hbm>>
      %dma_start3A_106 = tpu.memref_squeeze %dma_start3A_105 : memref<1x512xi32, #tpu.memory_space<hbm>> -> memref<512xi32, #tpu.memory_space<hbm>>
      %dma_start3A_107 = tpu.memref_slice %arg2[%run_scoped3A_3, %mul3A_2] : memref<2x16384xi32, #tpu.memory_space<hbm>> -> memref<1x512xi32, #tpu.memory_space<hbm>>
      %dma_start3A_108 = tpu.memref_squeeze %dma_start3A_107 : memref<1x512xi32, #tpu.memory_space<hbm>> -> memref<512xi32, #tpu.memory_space<hbm>>
      tpu.enqueue_dma source(%dma_start3A_108 : memref<512xi32, #tpu.memory_space<hbm>>) target(%arg7 : memref<512xi32, #tpu.memory_space<vmem>>) target_semaphore(%run_scoped3A_104 : memref<!tpu.dma_semaphore, #tpu.memory_space<semaphore_mem>>)
      %dma_wait3A_109 = tpu.memref_slice %arg2[%run_scoped3A_3, %mul3A_2] : memref<2x16384xi32, #tpu.memory_space<hbm>> -> memref<1x512xi32, #tpu.memory_space<hbm>>
      %dma_wait3A_110 = tpu.memref_squeeze %dma_wait3A_109 : memref<1x512xi32, #tpu.memory_space<hbm>> -> memref<512xi32, #tpu.memory_space<hbm>>
      %dma_wait3A_111 = tpu.memref_slice %arg2[%run_scoped3A_3, %mul3A_2] : memref<2x16384xi32, #tpu.memory_space<hbm>> -> memref<1x512xi32, #tpu.memory_space<hbm>>
      %dma_wait3A_112 = tpu.memref_squeeze %dma_wait3A_111 : memref<1x512xi32, #tpu.memory_space<hbm>> -> memref<512xi32, #tpu.memory_space<hbm>>
      tpu.wait_dma2 semaphore(%run_scoped3A_104 : memref<!tpu.dma_semaphore, #tpu.memory_space<semaphore_mem>>) src(%dma_wait3A_112 : memref<512xi32, #tpu.memory_space<hbm>>) dst(%arg7 : memref<512xi32, #tpu.memory_space<vmem>>)
      tpu.yield
    }) : () -> ()
    %run_scoped3A_4 = arith.constant 0 : i32
    "tpu.region"() ({
      %run_scoped3A_104 = tpu.sem_alloc : memref<!tpu.dma_semaphore, #tpu.memory_space<semaphore_mem>>
      %dma_start3A_105 = tpu.memref_slice %arg3[%run_scoped3A_4, %mul3A_2] : memref<2x16384xf32, #tpu.memory_space<hbm>> -> memref<1x512xf32, #tpu.memory_space<hbm>>
      %dma_start3A_106 = tpu.memref_squeeze %dma_start3A_105 : memref<1x512xf32, #tpu.memory_space<hbm>> -> memref<512xf32, #tpu.memory_space<hbm>>
      %dma_start3A_107 = tpu.memref_slice %arg3[%run_scoped3A_4, %mul3A_2] : memref<2x16384xf32, #tpu.memory_space<hbm>> -> memref<1x512xf32, #tpu.memory_space<hbm>>
      %dma_start3A_108 = tpu.memref_squeeze %dma_start3A_107 : memref<1x512xf32, #tpu.memory_space<hbm>> -> memref<512xf32, #tpu.memory_space<hbm>>
      tpu.enqueue_dma source(%dma_start3A_108 : memref<512xf32, #tpu.memory_space<hbm>>) target(%arg8 : memref<512xf32, #tpu.memory_space<vmem>>) target_semaphore(%run_scoped3A_104 : memref<!tpu.dma_semaphore, #tpu.memory_space<semaphore_mem>>)
      %dma_wait3A_109 = tpu.memref_slice %arg3[%run_scoped3A_4, %mul3A_2] : memref<2x16384xf32, #tpu.memory_space<hbm>> -> memref<1x512xf32, #tpu.memory_space<hbm>>
      %dma_wait3A_110 = tpu.memref_squeeze %dma_wait3A_109 : memref<1x512xf32, #tpu.memory_space<hbm>> -> memref<512xf32, #tpu.memory_space<hbm>>
      %dma_wait3A_111 = tpu.memref_slice %arg3[%run_scoped3A_4, %mul3A_2] : memref<2x16384xf32, #tpu.memory_space<hbm>> -> memref<1x512xf32, #tpu.memory_space<hbm>>
      %dma_wait3A_112 = tpu.memref_squeeze %dma_wait3A_111 : memref<1x512xf32, #tpu.memory_space<hbm>> -> memref<512xf32, #tpu.memory_space<hbm>>
      tpu.wait_dma2 semaphore(%run_scoped3A_104 : memref<!tpu.dma_semaphore, #tpu.memory_space<semaphore_mem>>) src(%dma_wait3A_112 : memref<512xf32, #tpu.memory_space<hbm>>) dst(%arg8 : memref<512xf32, #tpu.memory_space<vmem>>)
      tpu.yield
    }) : () -> ()
    %run_scoped3A_5 = arith.constant 1 : i32
    "tpu.region"() ({
      %run_scoped3A_104 = tpu.sem_alloc : memref<!tpu.dma_semaphore, #tpu.memory_space<semaphore_mem>>
      %dma_start3A_105 = tpu.memref_slice %arg3[%run_scoped3A_5, %mul3A_2] : memref<2x16384xf32, #tpu.memory_space<hbm>> -> memref<1x512xf32, #tpu.memory_space<hbm>>
      %dma_start3A_106 = tpu.memref_squeeze %dma_start3A_105 : memref<1x512xf32, #tpu.memory_space<hbm>> -> memref<512xf32, #tpu.memory_space<hbm>>
      %dma_start3A_107 = tpu.memref_slice %arg3[%run_scoped3A_5, %mul3A_2] : memref<2x16384xf32, #tpu.memory_space<hbm>> -> memref<1x512xf32, #tpu.memory_space<hbm>>
      %dma_start3A_108 = tpu.memref_squeeze %dma_start3A_107 : memref<1x512xf32, #tpu.memory_space<hbm>> -> memref<512xf32, #tpu.memory_space<hbm>>
      tpu.enqueue_dma source(%dma_start3A_108 : memref<512xf32, #tpu.memory_space<hbm>>) target(%arg9 : memref<512xf32, #tpu.memory_space<vmem>>) target_semaphore(%run_scoped3A_104 : memref<!tpu.dma_semaphore, #tpu.memory_space<semaphore_mem>>)
      %dma_wait3A_109 = tpu.memref_slice %arg3[%run_scoped3A_5, %mul3A_2] : memref<2x16384xf32, #tpu.memory_space<hbm>> -> memref<1x512xf32, #tpu.memory_space<hbm>>
      %dma_wait3A_110 = tpu.memref_squeeze %dma_wait3A_109 : memref<1x512xf32, #tpu.memory_space<hbm>> -> memref<512xf32, #tpu.memory_space<hbm>>
      %dma_wait3A_111 = tpu.memref_slice %arg3[%run_scoped3A_5, %mul3A_2] : memref<2x16384xf32, #tpu.memory_space<hbm>> -> memref<1x512xf32, #tpu.memory_space<hbm>>
      %dma_wait3A_112 = tpu.memref_squeeze %dma_wait3A_111 : memref<1x512xf32, #tpu.memory_space<hbm>> -> memref<512xf32, #tpu.memory_space<hbm>>
      tpu.wait_dma2 semaphore(%run_scoped3A_104 : memref<!tpu.dma_semaphore, #tpu.memory_space<semaphore_mem>>) src(%dma_wait3A_112 : memref<512xf32, #tpu.memory_space<hbm>>) dst(%arg9 : memref<512xf32, #tpu.memory_space<vmem>>)
      tpu.yield
    }) : () -> ()
    %iota3A = tpu.iota {dimensions = array<i32: 0>} : vector<16xi32>
    %broadcast_in_dim3A = arith.constant 0 : i32
    %broadcast_in_dim3A_6 = vector.broadcast %broadcast_in_dim3A : i32 to vector<16xi32>
    %dma_start3A = arith.constant 0 : i32
    %dma_start3A_7 = tpu.memref_slice %arg6[%dma_start3A] : memref<512xi32, #tpu.memory_space<vmem>> -> memref<128xi32, #tpu.memory_space<vmem>>
    %dma_start3A_8 = arith.constant 0 : i32
    %dma_start3A_9 = arith.constant 0 : i32
    %dma_start3A_10 = tpu.memref_slice %arg4[%dma_start3A_8, %dma_start3A_9] : memref<100000x128xf32, #tpu.memory_space<hbm>> -> memref<100000x128xf32, #tpu.memory_space<hbm>>
    tpu.enqueue_indirect_dma source(%dma_start3A_10 : memref<100000x128xf32, #tpu.memory_space<hbm>>) target(%arg12 : memref<128x128xf32, #tpu.memory_space<vmem>>) offsets(%dma_start3A_7 : memref<128xi32, #tpu.memory_space<vmem>>) semaphore(%arg16 : memref<!tpu.dma_semaphore, #tpu.memory_space<semaphore_mem>>)
    %dma_start3A_11 = arith.constant 0 : i32
    %dma_start3A_12 = tpu.memref_slice %arg7[%dma_start3A_11] : memref<512xi32, #tpu.memory_space<vmem>> -> memref<128xi32, #tpu.memory_space<vmem>>
    %dma_start3A_13 = arith.constant 0 : i32
    %dma_start3A_14 = arith.constant 0 : i32
    %dma_start3A_15 = tpu.memref_slice %arg4[%dma_start3A_13, %dma_start3A_14] : memref<100000x128xf32, #tpu.memory_space<hbm>> -> memref<100000x128xf32, #tpu.memory_space<hbm>>
    tpu.enqueue_indirect_dma source(%dma_start3A_15 : memref<100000x128xf32, #tpu.memory_space<hbm>>) target(%arg14 : memref<128x128xf32, #tpu.memory_space<vmem>>) offsets(%dma_start3A_12 : memref<128xi32, #tpu.memory_space<vmem>>) semaphore(%arg18 : memref<!tpu.dma_semaphore, #tpu.memory_space<semaphore_mem>>)
    %dma_start3A_16 = arith.constant 128 : i32
    %dma_start3A_17 = tpu.memref_slice %arg6[%dma_start3A_16] : memref<512xi32, #tpu.memory_space<vmem>> -> memref<128xi32, #tpu.memory_space<vmem>>
    %dma_start3A_18 = arith.constant 0 : i32
    %dma_start3A_19 = arith.constant 0 : i32
    %dma_start3A_20 = tpu.memref_slice %arg4[%dma_start3A_18, %dma_start3A_19] : memref<100000x128xf32, #tpu.memory_space<hbm>> -> memref<100000x128xf32, #tpu.memory_space<hbm>>
    tpu.enqueue_indirect_dma source(%dma_start3A_20 : memref<100000x128xf32, #tpu.memory_space<hbm>>) target(%arg13 : memref<128x128xf32, #tpu.memory_space<vmem>>) offsets(%dma_start3A_17 : memref<128xi32, #tpu.memory_space<vmem>>) semaphore(%arg17 : memref<!tpu.dma_semaphore, #tpu.memory_space<semaphore_mem>>)
    %dma_start3A_21 = arith.constant 128 : i32
    %dma_start3A_22 = tpu.memref_slice %arg7[%dma_start3A_21] : memref<512xi32, #tpu.memory_space<vmem>> -> memref<128xi32, #tpu.memory_space<vmem>>
    %dma_start3A_23 = arith.constant 0 : i32
    %dma_start3A_24 = arith.constant 0 : i32
    %dma_start3A_25 = tpu.memref_slice %arg4[%dma_start3A_23, %dma_start3A_24] : memref<100000x128xf32, #tpu.memory_space<hbm>> -> memref<100000x128xf32, #tpu.memory_space<hbm>>
    tpu.enqueue_indirect_dma source(%dma_start3A_25 : memref<100000x128xf32, #tpu.memory_space<hbm>>) target(%arg15 : memref<128x128xf32, #tpu.memory_space<vmem>>) offsets(%dma_start3A_22 : memref<128xi32, #tpu.memory_space<vmem>>) semaphore(%arg19 : memref<!tpu.dma_semaphore, #tpu.memory_space<semaphore_mem>>)
    %dma_wait3A = arith.constant 0 : i32
    %dma_wait3A_26 = tpu.memref_slice %arg6[%dma_wait3A] : memref<512xi32, #tpu.memory_space<vmem>> -> memref<128xi32, #tpu.memory_space<vmem>>
    %dma_wait3A_27 = arith.constant 0 : i32
    %dma_wait3A_28 = arith.constant 0 : i32
    %dma_wait3A_29 = tpu.memref_slice %arg4[%dma_wait3A_27, %dma_wait3A_28] : memref<100000x128xf32, #tpu.memory_space<hbm>> -> memref<100000x128xf32, #tpu.memory_space<hbm>>
    tpu.wait_indirect_dma semaphore(%arg16 : memref<!tpu.dma_semaphore, #tpu.memory_space<semaphore_mem>>) src(%dma_wait3A_29 : memref<100000x128xf32, #tpu.memory_space<hbm>>) dst(%arg12 : memref<128x128xf32, #tpu.memory_space<vmem>>)
    %dma_wait3A_30 = arith.constant 0 : i32
    %dma_wait3A_31 = tpu.memref_slice %arg7[%dma_wait3A_30] : memref<512xi32, #tpu.memory_space<vmem>> -> memref<128xi32, #tpu.memory_space<vmem>>
    %dma_wait3A_32 = arith.constant 0 : i32
    %dma_wait3A_33 = arith.constant 0 : i32
    %dma_wait3A_34 = tpu.memref_slice %arg4[%dma_wait3A_32, %dma_wait3A_33] : memref<100000x128xf32, #tpu.memory_space<hbm>> -> memref<100000x128xf32, #tpu.memory_space<hbm>>
    tpu.wait_indirect_dma semaphore(%arg18 : memref<!tpu.dma_semaphore, #tpu.memory_space<semaphore_mem>>) src(%dma_wait3A_34 : memref<100000x128xf32, #tpu.memory_space<hbm>>) dst(%arg14 : memref<128x128xf32, #tpu.memory_space<vmem>>)
    %scan3A = arith.constant 0 : i32
    %scan3A_35 = arith.constant 8 : i32
    %scan3A_36 = arith.addi %scan3A, %scan3A_35 : i32
    %scan3A_37 = arith.constant 1 : i32
    scf.for %scan3A_104 = %scan3A to %scan3A_36 step %scan3A_37  : i32 {
      %mul3A_105 = arith.constant 16 : i32
      %mul3A_106 = arith.muli %scan3A_104, %mul3A_105 : i32
      %add3A_107 = arith.constant 0 : i32
      %add3A_108 = arith.addi %add3A_107, %mul3A_106 : i32
      %add3A_109 = arith.constant 0 : i32
      %add3A_110 = arith.addi %add3A_108, %add3A_109 : i32
      %get3A = arith.index_cast %add3A_110 : i32 to index
      %get3A_111 = arith.constant 0 : index
      %get3A_112 = tpu.vector_load %arg12[%get3A, %get3A_111] {strides = array<i32>} : memref<128x128xf32, #tpu.memory_space<vmem>>, vector<16xf32>,
      %get3A_113 = arith.index_cast %add3A_110 : i32 to index
      %get3A_114 = arith.constant 0 : index
      %get3A_115 = tpu.vector_load %arg14[%get3A_113, %get3A_114] {strides = array<i32>} : memref<128x128xf32, #tpu.memory_space<vmem>>, vector<16xf32>,
      %mul3A_116 = arith.mulf %get3A_112, %get3A_115 : vector<16xf32>
      %get3A_117 = arith.index_cast %add3A_110 : i32 to index
      %get3A_118 = arith.constant 16 : index
      %get3A_119 = tpu.vector_load %arg12[%get3A_117, %get3A_118] {strides = array<i32>} : memref<128x128xf32, #tpu.memory_space<vmem>>, vector<16xf32>,
      %get3A_120 = arith.index_cast %add3A_110 : i32 to index
      %get3A_121 = arith.constant 16 : index
      %get3A_122 = tpu.vector_load %arg14[%get3A_120, %get3A_121] {strides = array<i32>} : memref<128x128xf32, #tpu.memory_space<vmem>>, vector<16xf32>,
      %mul3A_123 = arith.mulf %get3A_119, %get3A_122 : vector<16xf32>
      %add3A_124 = arith.addf %mul3A_116, %mul3A_123 : vector<16xf32>
      %get3A_125 = arith.index_cast %add3A_110 : i32 to index
      %get3A_126 = arith.constant 32 : index
      %get3A_127 = tpu.vector_load %arg12[%get3A_125, %get3A_126] {strides = array<i32>} : memref<128x128xf32, #tpu.memory_space<vmem>>, vector<16xf32>,
      %get3A_128 = arith.index_cast %add3A_110 : i32 to index
      %get3A_129 = arith.constant 32 : index
      %get3A_130 = tpu.vector_load %arg14[%get3A_128, %get3A_129] {strides = array<i32>} : memref<128x128xf32, #tpu.memory_space<vmem>>, vector<16xf32>,
      %mul3A_131 = arith.mulf %get3A_127, %get3A_130 : vector<16xf32>
      %add3A_132 = arith.addf %add3A_124, %mul3A_131 : vector<16xf32>
      %get3A_133 = arith.index_cast %add3A_110 : i32 to index
      %get3A_134 = arith.constant 48 : index
      %get3A_135 = tpu.vector_load %arg12[%get3A_133, %get3A_134] {strides = array<i32>} : memref<128x128xf32, #tpu.memory_space<vmem>>, vector<16xf32>,
      %get3A_136 = arith.index_cast %add3A_110 : i32 to index
      %get3A_137 = arith.constant 48 : index
      %get3A_138 = tpu.vector_load %arg14[%get3A_136, %get3A_137] {strides = array<i32>} : memref<128x128xf32, #tpu.memory_space<vmem>>, vector<16xf32>,
      %mul3A_139 = arith.mulf %get3A_135, %get3A_138 : vector<16xf32>
      %add3A_140 = arith.addf %add3A_132, %mul3A_139 : vector<16xf32>
      %swap3A = arith.constant 0 : i32
      %swap3A_141 = arith.index_cast %swap3A : i32 to index
      %swap3A_142 = arith.constant 0 : index
      %swap3A_143 = tpu.vector_load %arg11[%swap3A_141, %swap3A_142] {strides = array<i32>} : memref<16x16xf32, #tpu.memory_space<vmem>>, vector<16xf32>,
      tpu.vector_store %arg11[%swap3A_141, %swap3A_142], %add3A_140 {strides = array<i32>} : memref<16x16xf32, #tpu.memory_space<vmem>>, vector<16xf32>,
      %add3A_144 = arith.constant 1 : i32
      %add3A_145 = arith.addi %add3A_108, %add3A_144 : i32
      %get3A_146 = arith.index_cast %add3A_145 : i32 to index
      %get3A_147 = arith.constant 0 : index
      %get3A_148 = tpu.vector_load %arg12[%get3A_146, %get3A_147] {strides = array<i32>} : memref<128x128xf32, #tpu.memory_space<vmem>>, vector<16xf32>,
      %get3A_149 = arith.index_cast %add3A_145 : i32 to index
      %get3A_150 = arith.constant 0 : index
      %get3A_151 = tpu.vector_load %arg14[%get3A_149, %get3A_150] {strides = array<i32>} : memref<128x128xf32, #tpu.memory_space<vmem>>, vector<16xf32>,
      %mul3A_152 = arith.mulf %get3A_148, %get3A_151 : vector<16xf32>
      %get3A_153 = arith.index_cast %add3A_145 : i32 to index
      %get3A_154 = arith.constant 16 : index
      %get3A_155 = tpu.vector_load %arg12[%get3A_153, %get3A_154] {strides = array<i32>} : memref<128x128xf32, #tpu.memory_space<vmem>>, vector<16xf32>,
      %get3A_156 = arith.index_cast %add3A_145 : i32 to index
      %get3A_157 = arith.constant 16 : index
      %get3A_158 = tpu.vector_load %arg14[%get3A_156, %get3A_157] {strides = array<i32>} : memref<128x128xf32, #tpu.memory_space<vmem>>, vector<16xf32>,
      %mul3A_159 = arith.mulf %get3A_155, %get3A_158 : vector<16xf32>
      %add3A_160 = arith.addf %mul3A_152, %mul3A_159 : vector<16xf32>
      %get3A_161 = arith.index_cast %add3A_145 : i32 to index
      %get3A_162 = arith.constant 32 : index
      %get3A_163 = tpu.vector_load %arg12[%get3A_161, %get3A_162] {strides = array<i32>} : memref<128x128xf32, #tpu.memory_space<vmem>>, vector<16xf32>,
      %get3A_164 = arith.index_cast %add3A_145 : i32 to index
      %get3A_165 = arith.constant 32 : index
      %get3A_166 = tpu.vector_load %arg14[%get3A_164, %get3A_165] {strides = array<i32>} : memref<128x128xf32, #tpu.memory_space<vmem>>, vector<16xf32>,
      %mul3A_167 = arith.mulf %get3A_163, %get3A_166 : vector<16xf32>
      %add3A_168 = arith.addf %add3A_160, %mul3A_167 : vector<16xf32>
      %get3A_169 = arith.index_cast %add3A_145 : i32 to index
      %get3A_170 = arith.constant 48 : index
      %get3A_171 = tpu.vector_load %arg12[%get3A_169, %get3A_170] {strides = array<i32>} : memref<128x128xf32, #tpu.memory_space<vmem>>, vector<16xf32>,
      %get3A_172 = arith.index_cast %add3A_145 : i32 to index
      %get3A_173 = arith.constant 48 : index
      %get3A_174 = tpu.vector_load %arg14[%get3A_172, %get3A_173] {strides = array<i32>} : memref<128x128xf32, #tpu.memory_space<vmem>>, vector<16xf32>,
      %mul3A_175 = arith.mulf %get3A_171, %get3A_174 : vector<16xf32>
      %add3A_176 = arith.addf %add3A_168, %mul3A_175 : vector<16xf32>
      %swap3A_177 = arith.constant 1 : i32
      %swap3A_178 = arith.index_cast %swap3A_177 : i32 to index
      %swap3A_179 = arith.constant 0 : index
      %swap3A_180 = tpu.vector_load %arg11[%swap3A_178, %swap3A_179] {strides = array<i32>} : memref<16x16xf32, #tpu.memory_space<vmem>>, vector<16xf32>,
      tpu.vector_store %arg11[%swap3A_178, %swap3A_179], %add3A_176 {strides = array<i32>} : memref<16x16xf32, #tpu.memory_space<vmem>>, vector<16xf32>,
      %add3A_181 = arith.constant 2 : i32
      %add3A_182 = arith.addi %add3A_108, %add3A_181 : i32
      %get3A_183 = arith.index_cast %add3A_182 : i32 to index
      %get3A_184 = arith.constant 0 : index
      %get3A_185 = tpu.vector_load %arg12[%get3A_183, %get3A_184] {strides = array<i32>} : memref<128x128xf32, #tpu.memory_space<vmem>>, vector<16xf32>,
      %get3A_186 = arith.index_cast %add3A_182 : i32 to index
      %get3A_187 = arith.constant 0 : index
      %get3A_188 = tpu.vector_load %arg14[%get3A_186, %get3A_187] {strides = array<i32>} : memref<128x128xf32, #tpu.memory_space<vmem>>, vector<16xf32>,
      %mul3A_189 = arith.mulf %get3A_185, %get3A_188 : vector<16xf32>
      %get3A_190 = arith.index_cast %add3A_182 : i32 to index
      %get3A_191 = arith.constant 16 : index
      %get3A_192 = tpu.vector_load %arg12[%get3A_190, %get3A_191] {strides = array<i32>} : memref<128x128xf32, #tpu.memory_space<vmem>>, vector<16xf32>,
      %get3A_193 = arith.index_cast %add3A_182 : i32 to index
      %get3A_194 = arith.constant 16 : index
      %get3A_195 = tpu.vector_load %arg14[%get3A_193, %get3A_194] {strides = array<i32>} : memref<128x128xf32, #tpu.memory_space<vmem>>, vector<16xf32>,
      %mul3A_196 = arith.mulf %get3A_192, %get3A_195 : vector<16xf32>
      %add3A_197 = arith.addf %mul3A_189, %mul3A_196 : vector<16xf32>
      %get3A_198 = arith.index_cast %add3A_182 : i32 to index
      %get3A_199 = arith.constant 32 : index
      %get3A_200 = tpu.vector_load %arg12[%get3A_198, %get3A_199] {strides = array<i32>} : memref<128x128xf32, #tpu.memory_space<vmem>>, vector<16xf32>,
      %get3A_201 = arith.index_cast %add3A_182 : i32 to index
      %get3A_202 = arith.constant 32 : index
      %get3A_203 = tpu.vector_load %arg14[%get3A_201, %get3A_202] {strides = array<i32>} : memref<128x128xf32, #tpu.memory_space<vmem>>, vector<16xf32>,
      %mul3A_204 = arith.mulf %get3A_200, %get3A_203 : vector<16xf32>
      %add3A_205 = arith.addf %add3A_197, %mul3A_204 : vector<16xf32>
      %get3A_206 = arith.index_cast %add3A_182 : i32 to index
      %get3A_207 = arith.constant 48 : index
      %get3A_208 = tpu.vector_load %arg12[%get3A_206, %get3A_207] {strides = array<i32>} : memref<128x128xf32, #tpu.memory_space<vmem>>, vector<16xf32>,
      %get3A_209 = arith.index_cast %add3A_182 : i32 to index
      %get3A_210 = arith.constant 48 : index
      %get3A_211 = tpu.vector_load %arg14[%get3A_209, %get3A_210] {strides = array<i32>} : memref<128x128xf32, #tpu.memory_space<vmem>>, vector<16xf32>,
      %mul3A_212 = arith.mulf %get3A_208, %get3A_211 : vector<16xf32>
      %add3A_213 = arith.addf %add3A_205, %mul3A_212 : vector<16xf32>
      %swap3A_214 = arith.constant 2 : i32
      %swap3A_215 = arith.index_cast %swap3A_214 : i32 to index
      %swap3A_216 = arith.constant 0 : index
      %swap3A_217 = tpu.vector_load %arg11[%swap3A_215, %swap3A_216] {strides = array<i32>} : memref<16x16xf32, #tpu.memory_space<vmem>>, vector<16xf32>,
      tpu.vector_store %arg11[%swap3A_215, %swap3A_216], %add3A_213 {strides = array<i32>} : memref<16x16xf32, #tpu.memory_space<vmem>>, vector<16xf32>,
      %add3A_218 = arith.constant 3 : i32
      %add3A_219 = arith.addi %add3A_108, %add3A_218 : i32
      %get3A_220 = arith.index_cast %add3A_219 : i32 to index
      %get3A_221 = arith.constant 0 : index
      %get3A_222 = tpu.vector_load %arg12[%get3A_220, %get3A_221] {strides = array<i32>} : memref<128x128xf32, #tpu.memory_space<vmem>>, vector<16xf32>,
      %get3A_223 = arith.index_cast %add3A_219 : i32 to index
      %get3A_224 = arith.constant 0 : index
      %get3A_225 = tpu.vector_load %arg14[%get3A_223, %get3A_224] {strides = array<i32>} : memref<128x128xf32, #tpu.memory_space<vmem>>, vector<16xf32>,
      %mul3A_226 = arith.mulf %get3A_222, %get3A_225 : vector<16xf32>
      %get3A_227 = arith.index_cast %add3A_219 : i32 to index
      %get3A_228 = arith.constant 16 : index
      %get3A_229 = tpu.vector_load %arg12[%get3A_227, %get3A_228] {strides = array<i32>} : memref<128x128xf32, #tpu.memory_space<vmem>>, vector<16xf32>,
      %get3A_230 = arith.index_cast %add3A_219 : i32 to index
      %get3A_231 = arith.constant 16 : index
      %get3A_232 = tpu.vector_load %arg14[%get3A_230, %get3A_231] {strides = array<i32>} : memref<128x128xf32, #tpu.memory_space<vmem>>, vector<16xf32>,
      %mul3A_233 = arith.mulf %get3A_229, %get3A_232 : vector<16xf32>
      %add3A_234 = arith.addf %mul3A_226, %mul3A_233 : vector<16xf32>
      %get3A_235 = arith.index_cast %add3A_219 : i32 to index
      %get3A_236 = arith.constant 32 : index
      %get3A_237 = tpu.vector_load %arg12[%get3A_235, %get3A_236] {strides = array<i32>} : memref<128x128xf32, #tpu.memory_space<vmem>>, vector<16xf32>,
      %get3A_238 = arith.index_cast %add3A_219 : i32 to index
      %get3A_239 = arith.constant 32 : index
      %get3A_240 = tpu.vector_load %arg14[%get3A_238, %get3A_239] {strides = array<i32>} : memref<128x128xf32, #tpu.memory_space<vmem>>, vector<16xf32>,
      %mul3A_241 = arith.mulf %get3A_237, %get3A_240 : vector<16xf32>
      %add3A_242 = arith.addf %add3A_234, %mul3A_241 : vector<16xf32>
      %get3A_243 = arith.index_cast %add3A_219 : i32 to index
      %get3A_244 = arith.constant 48 : index
      %get3A_245 = tpu.vector_load %arg12[%get3A_243, %get3A_244] {strides = array<i32>} : memref<128x128xf32, #tpu.memory_space<vmem>>, vector<16xf32>,
      %get3A_246 = arith.index_cast %add3A_219 : i32 to index
      %get3A_247 = arith.constant 48 : index
      %get3A_248 = tpu.vector_load %arg14[%get3A_246, %get3A_247] {strides = array<i32>} : memref<128x128xf32, #tpu.memory_space<vmem>>, vector<16xf32>,
      %mul3A_249 = arith.mulf %get3A_245, %get3A_248 : vector<16xf32>
      %add3A_250 = arith.addf %add3A_242, %mul3A_249 : vector<16xf32>
      %swap3A_251 = arith.constant 3 : i32
      %swap3A_252 = arith.index_cast %swap3A_251 : i32 to index
      %swap3A_253 = arith.constant 0 : index
      %swap3A_254 = tpu.vector_load %arg11[%swap3A_252, %swap3A_253] {strides = array<i32>} : memref<16x16xf32, #tpu.memory_space<vmem>>, vector<16xf32>,
      tpu.vector_store %arg11[%swap3A_252, %swap3A_253], %add3A_250 {strides = array<i32>} : memref<16x16xf32, #tpu.memory_space<vmem>>, vector<16xf32>,
      %add3A_255 = arith.constant 4 : i32
      %add3A_256 = arith.addi %add3A_108, %add3A_255 : i32
      %get3A_257 = arith.index_cast %add3A_256 : i32 to index
      %get3A_258 = arith.constant 0 : index
      %get3A_259 = tpu.vector_load %arg12[%get3A_257, %get3A_258] {strides = array<i32>} : memref<128x128xf32, #tpu.memory_space<vmem>>, vector<16xf32>,
      %get3A_260 = arith.index_cast %add3A_256 : i32 to index
      %get3A_261 = arith.constant 0 : index
      %get3A_262 = tpu.vector_load %arg14[%get3A_260, %get3A_261] {strides = array<i32>} : memref<128x128xf32, #tpu.memory_space<vmem>>, vector<16xf32>,
      %mul3A_263 = arith.mulf %get3A_259, %get3A_262 : vector<16xf32>
      %get3A_264 = arith.index_cast %add3A_256 : i32 to index
      %get3A_265 = arith.constant 16 : index
      %get3A_266 = tpu.vector_load %arg12[%get3A_264, %get3A_265] {strides = array<i32>} : memref<128x128xf32, #tpu.memory_space<vmem>>, vector<16xf32>,
      %get3A_267 = arith.index_cast %add3A_256 : i32 to index
      %get3A_268 = arith.constant 16 : index
      %get3A_269 = tpu.vector_load %arg14[%get3A_267, %get3A_268] {strides = array<i32>} : memref<128x128xf32, #tpu.memory_space<vmem>>, vector<16xf32>,
      %mul3A_270 = arith.mulf %get3A_266, %get3A_269 : vector<16xf32>
      %add3A_271 = arith.addf %mul3A_263, %mul3A_270 : vector<16xf32>
      %get3A_272 = arith.index_cast %add3A_256 : i32 to index
      %get3A_273 = arith.constant 32 : index
      %get3A_274 = tpu.vector_load %arg12[%get3A_272, %get3A_273] {strides = array<i32>} : memref<128x128xf32, #tpu.memory_space<vmem>>, vector<16xf32>,
      %get3A_275 = arith.index_cast %add3A_256 : i32 to index
      %get3A_276 = arith.constant 32 : index
      %get3A_277 = tpu.vector_load %arg14[%get3A_275, %get3A_276] {strides = array<i32>} : memref<128x128xf32, #tpu.memory_space<vmem>>, vector<16xf32>,
      %mul3A_278 = arith.mulf %get3A_274, %get3A_277 : vector<16xf32>
      %add3A_279 = arith.addf %add3A_271, %mul3A_278 : vector<16xf32>
      %get3A_280 = arith.index_cast %add3A_256 : i32 to index
      %get3A_281 = arith.constant 48 : index
      %get3A_282 = tpu.vector_load %arg12[%get3A_280, %get3A_281] {strides = array<i32>} : memref<128x128xf32, #tpu.memory_space<vmem>>, vector<16xf32>,
      %get3A_283 = arith.index_cast %add3A_256 : i32 to index
      %get3A_284 = arith.constant 48 : index
      %get3A_285 = tpu.vector_load %arg14[%get3A_283, %get3A_284] {strides = array<i32>} : memref<128x128xf32, #tpu.memory_space<vmem>>, vector<16xf32>,
      %mul3A_286 = arith.mulf %get3A_282, %get3A_285 : vector<16xf32>
      %add3A_287 = arith.addf %add3A_279, %mul3A_286 : vector<16xf32>
      %swap3A_288 = arith.constant 4 : i32
      %swap3A_289 = arith.index_cast %swap3A_288 : i32 to index
      %swap3A_290 = arith.constant 0 : index
      %swap3A_291 = tpu.vector_load %arg11[%swap3A_289, %swap3A_290] {strides = array<i32>} : memref<16x16xf32, #tpu.memory_space<vmem>>, vector<16xf32>,
      tpu.vector_store %arg11[%swap3A_289, %swap3A_290], %add3A_287 {strides = array<i32>} : memref<16x16xf32, #tpu.memory_space<vmem>>, vector<16xf32>,
      %add3A_292 = arith.constant 5 : i32
      %add3A_293 = arith.addi %add3A_108, %add3A_292 : i32
      %get3A_294 = arith.index_cast %add3A_293 : i32 to index
      %get3A_295 = arith.constant 0 : index
      %get3A_296 = tpu.vector_load %arg12[%get3A_294, %get3A_295] {strides = array<i32>} : memref<128x128xf32, #tpu.memory_space<vmem>>, vector<16xf32>,
      %get3A_297 = arith.index_cast %add3A_293 : i32 to index
      %get3A_298 = arith.constant 0 : index
      %get3A_299 = tpu.vector_load %arg14[%get3A_297, %get3A_298] {strides = array<i32>} : memref<128x128xf32, #tpu.memory_space<vmem>>, vector<16xf32>,
      %mul3A_300 = arith.mulf %get3A_296, %get3A_299 : vector<16xf32>
      %get3A_301 = arith.index_cast %add3A_293 : i32 to index
      %get3A_302 = arith.constant 16 : index
      %get3A_303 = tpu.vector_load %arg12[%get3A_301, %get3A_302] {strides = array<i32>} : memref<128x128xf32, #tpu.memory_space<vmem>>, vector<16xf32>,
      %get3A_304 = arith.index_cast %add3A_293 : i32 to index
      %get3A_305 = arith.constant 16 : index
      %get3A_306 = tpu.vector_load %arg14[%get3A_304, %get3A_305] {strides = array<i32>} : memref<128x128xf32, #tpu.memory_space<vmem>>, vector<16xf32>,
      %mul3A_307 = arith.mulf %get3A_303, %get3A_306 : vector<16xf32>
      %add3A_308 = arith.addf %mul3A_300, %mul3A_307 : vector<16xf32>
      %get3A_309 = arith.index_cast %add3A_293 : i32 to index
      %get3A_310 = arith.constant 32 : index
      %get3A_311 = tpu.vector_load %arg12[%get3A_309, %get3A_310] {strides = array<i32>} : memref<128x128xf32, #tpu.memory_space<vmem>>, vector<16xf32>,
      %get3A_312 = arith.index_cast %add3A_293 : i32 to index
      %get3A_313 = arith.constant 32 : index
      %get3A_314 = tpu.vector_load %arg14[%get3A_312, %get3A_313] {strides = array<i32>} : memref<128x128xf32, #tpu.memory_space<vmem>>, vector<16xf32>,
      %mul3A_315 = arith.mulf %get3A_311, %get3A_314 : vector<16xf32>
      %add3A_316 = arith.addf %add3A_308, %mul3A_315 : vector<16xf32>
      %get3A_317 = arith.index_cast %add3A_293 : i32 to index
      %get3A_318 = arith.constant 48 : index
      %get3A_319 = tpu.vector_load %arg12[%get3A_317, %get3A_318] {strides = array<i32>} : memref<128x128xf32, #tpu.memory_space<vmem>>, vector<16xf32>,
      %get3A_320 = arith.index_cast %add3A_293 : i32 to index
      %get3A_321 = arith.constant 48 : index
      %get3A_322 = tpu.vector_load %arg14[%get3A_320, %get3A_321] {strides = array<i32>} : memref<128x128xf32, #tpu.memory_space<vmem>>, vector<16xf32>,
      %mul3A_323 = arith.mulf %get3A_319, %get3A_322 : vector<16xf32>
      %add3A_324 = arith.addf %add3A_316, %mul3A_323 : vector<16xf32>
      %swap3A_325 = arith.constant 5 : i32
      %swap3A_326 = arith.index_cast %swap3A_325 : i32 to index
      %swap3A_327 = arith.constant 0 : index
      %swap3A_328 = tpu.vector_load %arg11[%swap3A_326, %swap3A_327] {strides = array<i32>} : memref<16x16xf32, #tpu.memory_space<vmem>>, vector<16xf32>,
      tpu.vector_store %arg11[%swap3A_326, %swap3A_327], %add3A_324 {strides = array<i32>} : memref<16x16xf32, #tpu.memory_space<vmem>>, vector<16xf32>,
      %add3A_329 = arith.constant 6 : i32
      %add3A_330 = arith.addi %add3A_108, %add3A_329 : i32
      %get3A_331 = arith.index_cast %add3A_330 : i32 to index
      %get3A_332 = arith.constant 0 : index
      %get3A_333 = tpu.vector_load %arg12[%get3A_331, %get3A_332] {strides = array<i32>} : memref<128x128xf32, #tpu.memory_space<vmem>>, vector<16xf32>,
      %get3A_334 = arith.index_cast %add3A_330 : i32 to index
      %get3A_335 = arith.constant 0 : index
      %get3A_336 = tpu.vector_load %arg14[%get3A_334, %get3A_335] {strides = array<i32>} : memref<128x128xf32, #tpu.memory_space<vmem>>, vector<16xf32>,
      %mul3A_337 = arith.mulf %get3A_333, %get3A_336 : vector<16xf32>
      %get3A_338 = arith.index_cast %add3A_330 : i32 to index
      %get3A_339 = arith.constant 16 : index
      %get3A_340 = tpu.vector_load %arg12[%get3A_338, %get3A_339] {strides = array<i32>} : memref<128x128xf32, #tpu.memory_space<vmem>>, vector<16xf32>,
      %get3A_341 = arith.index_cast %add3A_330 : i32 to index
      %get3A_342 = arith.constant 16 : index
      %get3A_343 = tpu.vector_load %arg14[%get3A_341, %get3A_342] {strides = array<i32>} : memref<128x128xf32, #tpu.memory_space<vmem>>, vector<16xf32>,
      %mul3A_344 = arith.mulf %get3A_340, %get3A_343 : vector<16xf32>
      %add3A_345 = arith.addf %mul3A_337, %mul3A_344 : vector<16xf32>
      %get3A_346 = arith.index_cast %add3A_330 : i32 to index
      %get3A_347 = arith.constant 32 : index
      %get3A_348 = tpu.vector_load %arg12[%get3A_346, %get3A_347] {strides = array<i32>} : memref<128x128xf32, #tpu.memory_space<vmem>>, vector<16xf32>,
      %get3A_349 = arith.index_cast %add3A_330 : i32 to index
      %get3A_350 = arith.constant 32 : index
      %get3A_351 = tpu.vector_load %arg14[%get3A_349, %get3A_350] {strides = array<i32>} : memref<128x128xf32, #tpu.memory_space<vmem>>, vector<16xf32>,
      %mul3A_352 = arith.mulf %get3A_348, %get3A_351 : vector<16xf32>
      %add3A_353 = arith.addf %add3A_345, %mul3A_352 : vector<16xf32>
      %get3A_354 = arith.index_cast %add3A_330 : i32 to index
      %get3A_355 = arith.constant 48 : index
      %get3A_356 = tpu.vector_load %arg12[%get3A_354, %get3A_355] {strides = array<i32>} : memref<128x128xf32, #tpu.memory_space<vmem>>, vector<16xf32>,
      %get3A_357 = arith.index_cast %add3A_330 : i32 to index
      %get3A_358 = arith.constant 48 : index
      %get3A_359 = tpu.vector_load %arg14[%get3A_357, %get3A_358] {strides = array<i32>} : memref<128x128xf32, #tpu.memory_space<vmem>>, vector<16xf32>,
      %mul3A_360 = arith.mulf %get3A_356, %get3A_359 : vector<16xf32>
      %add3A_361 = arith.addf %add3A_353, %mul3A_360 : vector<16xf32>
      %swap3A_362 = arith.constant 6 : i32
      %swap3A_363 = arith.index_cast %swap3A_362 : i32 to index
      %swap3A_364 = arith.constant 0 : index
      %swap3A_365 = tpu.vector_load %arg11[%swap3A_363, %swap3A_364] {strides = array<i32>} : memref<16x16xf32, #tpu.memory_space<vmem>>, vector<16xf32>,
      tpu.vector_store %arg11[%swap3A_363, %swap3A_364], %add3A_361 {strides = array<i32>} : memref<16x16xf32, #tpu.memory_space<vmem>>, vector<16xf32>,
      %add3A_366 = arith.constant 7 : i32
      %add3A_367 = arith.addi %add3A_108, %add3A_366 : i32
      %get3A_368 = arith.index_cast %add3A_367 : i32 to index
      %get3A_369 = arith.constant 0 : index
      %get3A_370 = tpu.vector_load %arg12[%get3A_368, %get3A_369] {strides = array<i32>} : memref<128x128xf32, #tpu.memory_space<vmem>>, vector<16xf32>,
      %get3A_371 = arith.index_cast %add3A_367 : i32 to index
      %get3A_372 = arith.constant 0 : index
      %get3A_373 = tpu.vector_load %arg14[%get3A_371, %get3A_372] {strides = array<i32>} : memref<128x128xf32, #tpu.memory_space<vmem>>, vector<16xf32>,
      %mul3A_374 = arith.mulf %get3A_370, %get3A_373 : vector<16xf32>
      %get3A_375 = arith.index_cast %add3A_367 : i32 to index
      %get3A_376 = arith.constant 16 : index
      %get3A_377 = tpu.vector_load %arg12[%get3A_375, %get3A_376] {strides = array<i32>} : memref<128x128xf32, #tpu.memory_space<vmem>>, vector<16xf32>,
      %get3A_378 = arith.index_cast %add3A_367 : i32 to index
      %get3A_379 = arith.constant 16 : index
      %get3A_380 = tpu.vector_load %arg14[%get3A_378, %get3A_379] {strides = array<i32>} : memref<128x128xf32, #tpu.memory_space<vmem>>, vector<16xf32>,
      %mul3A_381 = arith.mulf %get3A_377, %get3A_380 : vector<16xf32>
      %add3A_382 = arith.addf %mul3A_374, %mul3A_381 : vector<16xf32>
      %get3A_383 = arith.index_cast %add3A_367 : i32 to index
      %get3A_384 = arith.constant 32 : index
      %get3A_385 = tpu.vector_load %arg12[%get3A_383, %get3A_384] {strides = array<i32>} : memref<128x128xf32, #tpu.memory_space<vmem>>, vector<16xf32>,
      %get3A_386 = arith.index_cast %add3A_367 : i32 to index
      %get3A_387 = arith.constant 32 : index
      %get3A_388 = tpu.vector_load %arg14[%get3A_386, %get3A_387] {strides = array<i32>} : memref<128x128xf32, #tpu.memory_space<vmem>>, vector<16xf32>,
      %mul3A_389 = arith.mulf %get3A_385, %get3A_388 : vector<16xf32>
      %add3A_390 = arith.addf %add3A_382, %mul3A_389 : vector<16xf32>
      %get3A_391 = arith.index_cast %add3A_367 : i32 to index
      %get3A_392 = arith.constant 48 : index
      %get3A_393 = tpu.vector_load %arg12[%get3A_391, %get3A_392] {strides = array<i32>} : memref<128x128xf32, #tpu.memory_space<vmem>>, vector<16xf32>,
      %get3A_394 = arith.index_cast %add3A_367 : i32 to index
      %get3A_395 = arith.constant 48 : index
      %get3A_396 = tpu.vector_load %arg14[%get3A_394, %get3A_395] {strides = array<i32>} : memref<128x128xf32, #tpu.memory_space<vmem>>, vector<16xf32>,
      %mul3A_397 = arith.mulf %get3A_393, %get3A_396 : vector<16xf32>
      %add3A_398 = arith.addf %add3A_390, %mul3A_397 : vector<16xf32>
      %swap3A_399 = arith.constant 7 : i32
      %swap3A_400 = arith.index_cast %swap3A_399 : i32 to index
      %swap3A_401 = arith.constant 0 : index
      %swap3A_402 = tpu.vector_load %arg11[%swap3A_400, %swap3A_401] {strides = array<i32>} : memref<16x16xf32, #tpu.memory_space<vmem>>, vector<16xf32>,
      tpu.vector_store %arg11[%swap3A_400, %swap3A_401], %add3A_398 {strides = array<i32>} : memref<16x16xf32, #tpu.memory_space<vmem>>, vector<16xf32>,
      %add3A_403 = arith.constant 8 : i32
      %add3A_404 = arith.addi %add3A_108, %add3A_403 : i32
      %get3A_405 = arith.index_cast %add3A_404 : i32 to index
      %get3A_406 = arith.constant 0 : index
      %get3A_407 = tpu.vector_load %arg12[%get3A_405, %get3A_406] {strides = array<i32>} : memref<128x128xf32, #tpu.memory_space<vmem>>, vector<16xf32>,
      %get3A_408 = arith.index_cast %add3A_404 : i32 to index
      %get3A_409 = arith.constant 0 : index
      %get3A_410 = tpu.vector_load %arg14[%get3A_408, %get3A_409] {strides = array<i32>} : memref<128x128xf32, #tpu.memory_space<vmem>>, vector<16xf32>,
      %mul3A_411 = arith.mulf %get3A_407, %get3A_410 : vector<16xf32>
      %get3A_412 = arith.index_cast %add3A_404 : i32 to index
      %get3A_413 = arith.constant 16 : index
      %get3A_414 = tpu.vector_load %arg12[%get3A_412, %get3A_413] {strides = array<i32>} : memref<128x128xf32, #tpu.memory_space<vmem>>, vector<16xf32>,
      %get3A_415 = arith.index_cast %add3A_404 : i32 to index
      %get3A_416 = arith.constant 16 : index
      %get3A_417 = tpu.vector_load %arg14[%get3A_415, %get3A_416] {strides = array<i32>} : memref<128x128xf32, #tpu.memory_space<vmem>>, vector<16xf32>,
      %mul3A_418 = arith.mulf %get3A_414, %get3A_417 : vector<16xf32>
      %add3A_419 = arith.addf %mul3A_411, %mul3A_418 : vector<16xf32>
      %get3A_420 = arith.index_cast %add3A_404 : i32 to index
      %get3A_421 = arith.constant 32 : index
      %get3A_422 = tpu.vector_load %arg12[%get3A_420, %get3A_421] {strides = array<i32>} : memref<128x128xf32, #tpu.memory_space<vmem>>, vector<16xf32>,
      %get3A_423 = arith.index_cast %add3A_404 : i32 to index
      %get3A_424 = arith.constant 32 : index
      %get3A_425 = tpu.vector_load %arg14[%get3A_423, %get3A_424] {strides = array<i32>} : memref<128x128xf32, #tpu.memory_space<vmem>>, vector<16xf32>,
      %mul3A_426 = arith.mulf %get3A_422, %get3A_425 : vector<16xf32>
      %add3A_427 = arith.addf %add3A_419, %mul3A_426 : vector<16xf32>
      %get3A_428 = arith.index_cast %add3A_404 : i32 to index
      %get3A_429 = arith.constant 48 : index
      %get3A_430 = tpu.vector_load %arg12[%get3A_428, %get3A_429] {strides = array<i32>} : memref<128x128xf32, #tpu.memory_space<vmem>>, vector<16xf32>,
      %get3A_431 = arith.index_cast %add3A_404 : i32 to index
      %get3A_432 = arith.constant 48 : index
      %get3A_433 = tpu.vector_load %arg14[%get3A_431, %get3A_432] {strides = array<i32>} : memref<128x128xf32, #tpu.memory_space<vmem>>, vector<16xf32>,
      %mul3A_434 = arith.mulf %get3A_430, %get3A_433 : vector<16xf32>
      %add3A_435 = arith.addf %add3A_427, %mul3A_434 : vector<16xf32>
      %swap3A_436 = arith.constant 8 : i32
      %swap3A_437 = arith.index_cast %swap3A_436 : i32 to index
      %swap3A_438 = arith.constant 0 : index
      %swap3A_439 = tpu.vector_load %arg11[%swap3A_437, %swap3A_438] {strides = array<i32>} : memref<16x16xf32, #tpu.memory_space<vmem>>, vector<16xf32>,
      tpu.vector_store %arg11[%swap3A_437, %swap3A_438], %add3A_435 {strides = array<i32>} : memref<16x16xf32, #tpu.memory_space<vmem>>, vector<16xf32>,
      %add3A_440 = arith.constant 9 : i32
      %add3A_441 = arith.addi %add3A_108, %add3A_440 : i32
      %get3A_442 = arith.index_cast %add3A_441 : i32 to index
      %get3A_443 = arith.constant 0 : index
      %get3A_444 = tpu.vector_load %arg12[%get3A_442, %get3A_443] {strides = array<i32>} : memref<128x128xf32, #tpu.memory_space<vmem>>, vector<16xf32>,
      %get3A_445 = arith.index_cast %add3A_441 : i32 to index
      %get3A_446 = arith.constant 0 : index
      %get3A_447 = tpu.vector_load %arg14[%get3A_445, %get3A_446] {strides = array<i32>} : memref<128x128xf32, #tpu.memory_space<vmem>>, vector<16xf32>,
      %mul3A_448 = arith.mulf %get3A_444, %get3A_447 : vector<16xf32>
      %get3A_449 = arith.index_cast %add3A_441 : i32 to index
      %get3A_450 = arith.constant 16 : index
      %get3A_451 = tpu.vector_load %arg12[%get3A_449, %get3A_450] {strides = array<i32>} : memref<128x128xf32, #tpu.memory_space<vmem>>, vector<16xf32>,
      %get3A_452 = arith.index_cast %add3A_441 : i32 to index
      %get3A_453 = arith.constant 16 : index
      %get3A_454 = tpu.vector_load %arg14[%get3A_452, %get3A_453] {strides = array<i32>} : memref<128x128xf32, #tpu.memory_space<vmem>>, vector<16xf32>,
      %mul3A_455 = arith.mulf %get3A_451, %get3A_454 : vector<16xf32>
      %add3A_456 = arith.addf %mul3A_448, %mul3A_455 : vector<16xf32>
      %get3A_457 = arith.index_cast %add3A_441 : i32 to index
      %get3A_458 = arith.constant 32 : index
      %get3A_459 = tpu.vector_load %arg12[%get3A_457, %get3A_458] {strides = array<i32>} : memref<128x128xf32, #tpu.memory_space<vmem>>, vector<16xf32>,
      %get3A_460 = arith.index_cast %add3A_441 : i32 to index
      %get3A_461 = arith.constant 32 : index
      %get3A_462 = tpu.vector_load %arg14[%get3A_460, %get3A_461] {strides = array<i32>} : memref<128x128xf32, #tpu.memory_space<vmem>>, vector<16xf32>,
      %mul3A_463 = arith.mulf %get3A_459, %get3A_462 : vector<16xf32>
      %add3A_464 = arith.addf %add3A_456, %mul3A_463 : vector<16xf32>
      %get3A_465 = arith.index_cast %add3A_441 : i32 to index
      %get3A_466 = arith.constant 48 : index
      %get3A_467 = tpu.vector_load %arg12[%get3A_465, %get3A_466] {strides = array<i32>} : memref<128x128xf32, #tpu.memory_space<vmem>>, vector<16xf32>,
      %get3A_468 = arith.index_cast %add3A_441 : i32 to index
      %get3A_469 = arith.constant 48 : index
      %get3A_470 = tpu.vector_load %arg14[%get3A_468, %get3A_469] {strides = array<i32>} : memref<128x128xf32, #tpu.memory_space<vmem>>, vector<16xf32>,
      %mul3A_471 = arith.mulf %get3A_467, %get3A_470 : vector<16xf32>
      %add3A_472 = arith.addf %add3A_464, %mul3A_471 : vector<16xf32>
      %swap3A_473 = arith.constant 9 : i32
      %swap3A_474 = arith.index_cast %swap3A_473 : i32 to index
      %swap3A_475 = arith.constant 0 : index
      %swap3A_476 = tpu.vector_load %arg11[%swap3A_474, %swap3A_475] {strides = array<i32>} : memref<16x16xf32, #tpu.memory_space<vmem>>, vector<16xf32>,
      tpu.vector_store %arg11[%swap3A_474, %swap3A_475], %add3A_472 {strides = array<i32>} : memref<16x16xf32, #tpu.memory_space<vmem>>, vector<16xf32>,
      %add3A_477 = arith.constant 10 : i32
      %add3A_478 = arith.addi %add3A_108, %add3A_477 : i32
      %get3A_479 = arith.index_cast %add3A_478 : i32 to index
      %get3A_480 = arith.constant 0 : index
      %get3A_481 = tpu.vector_load %arg12[%get3A_479, %get3A_480] {strides = array<i32>} : memref<128x128xf32, #tpu.memory_space<vmem>>, vector<16xf32>,
      %get3A_482 = arith.index_cast %add3A_478 : i32 to index
      %get3A_483 = arith.constant 0 : index
      %get3A_484 = tpu.vector_load %arg14[%get3A_482, %get3A_483] {strides = array<i32>} : memref<128x128xf32, #tpu.memory_space<vmem>>, vector<16xf32>,
      %mul3A_485 = arith.mulf %get3A_481, %get3A_484 : vector<16xf32>
      %get3A_486 = arith.index_cast %add3A_478 : i32 to index
      %get3A_487 = arith.constant 16 : index
      %get3A_488 = tpu.vector_load %arg12[%get3A_486, %get3A_487] {strides = array<i32>} : memref<128x128xf32, #tpu.memory_space<vmem>>, vector<16xf32>,
      %get3A_489 = arith.index_cast %add3A_478 : i32 to index
      %get3A_490 = arith.constant 16 : index
      %get3A_491 = tpu.vector_load %arg14[%get3A_489, %get3A_490] {strides = array<i32>} : memref<128x128xf32, #tpu.memory_space<vmem>>, vector<16xf32>,
      %mul3A_492 = arith.mulf %get3A_488, %get3A_491 : vector<16xf32>
      %add3A_493 = arith.addf %mul3A_485, %mul3A_492 : vector<16xf32>
      %get3A_494 = arith.index_cast %add3A_478 : i32 to index
      %get3A_495 = arith.constant 32 : index
      %get3A_496 = tpu.vector_load %arg12[%get3A_494, %get3A_495] {strides = array<i32>} : memref<128x128xf32, #tpu.memory_space<vmem>>, vector<16xf32>,
      %get3A_497 = arith.index_cast %add3A_478 : i32 to index
      %get3A_498 = arith.constant 32 : index
      %get3A_499 = tpu.vector_load %arg14[%get3A_497, %get3A_498] {strides = array<i32>} : memref<128x128xf32, #tpu.memory_space<vmem>>, vector<16xf32>,
      %mul3A_500 = arith.mulf %get3A_496, %get3A_499 : vector<16xf32>
      %add3A_501 = arith.addf %add3A_493, %mul3A_500 : vector<16xf32>
      %get3A_502 = arith.index_cast %add3A_478 : i32 to index
      %get3A_503 = arith.constant 48 : index
      %get3A_504 = tpu.vector_load %arg12[%get3A_502, %get3A_503] {strides = array<i32>} : memref<128x128xf32, #tpu.memory_space<vmem>>, vector<16xf32>,
      %get3A_505 = arith.index_cast %add3A_478 : i32 to index
      %get3A_506 = arith.constant 48 : index
      %get3A_507 = tpu.vector_load %arg14[%get3A_505, %get3A_506] {strides = array<i32>} : memref<128x128xf32, #tpu.memory_space<vmem>>, vector<16xf32>,
      %mul3A_508 = arith.mulf %get3A_504, %get3A_507 : vector<16xf32>
      %add3A_509 = arith.addf %add3A_501, %mul3A_508 : vector<16xf32>
      %swap3A_510 = arith.constant 10 : i32
      %swap3A_511 = arith.index_cast %swap3A_510 : i32 to index
      %swap3A_512 = arith.constant 0 : index
      %swap3A_513 = tpu.vector_load %arg11[%swap3A_511, %swap3A_512] {strides = array<i32>} : memref<16x16xf32, #tpu.memory_space<vmem>>, vector<16xf32>,
      tpu.vector_store %arg11[%swap3A_511, %swap3A_512], %add3A_509 {strides = array<i32>} : memref<16x16xf32, #tpu.memory_space<vmem>>, vector<16xf32>,
      %add3A_514 = arith.constant 11 : i32
      %add3A_515 = arith.addi %add3A_108, %add3A_514 : i32
      %get3A_516 = arith.index_cast %add3A_515 : i32 to index
      %get3A_517 = arith.constant 0 : index
      %get3A_518 = tpu.vector_load %arg12[%get3A_516, %get3A_517] {strides = array<i32>} : memref<128x128xf32, #tpu.memory_space<vmem>>, vector<16xf32>,
      %get3A_519 = arith.index_cast %add3A_515 : i32 to index
      %get3A_520 = arith.constant 0 : index
      %get3A_521 = tpu.vector_load %arg14[%get3A_519, %get3A_520] {strides = array<i32>} : memref<128x128xf32, #tpu.memory_space<vmem>>, vector<16xf32>,
      %mul3A_522 = arith.mulf %get3A_518, %get3A_521 : vector<16xf32>
      %get3A_523 = arith.index_cast %add3A_515 : i32 to index
      %get3A_524 = arith.constant 16 : index
      %get3A_525 = tpu.vector_load %arg12[%get3A_523, %get3A_524] {strides = array<i32>} : memref<128x128xf32, #tpu.memory_space<vmem>>, vector<16xf32>,
      %get3A_526 = arith.index_cast %add3A_515 : i32 to index
      %get3A_527 = arith.constant 16 : index
      %get3A_528 = tpu.vector_load %arg14[%get3A_526, %get3A_527] {strides = array<i32>} : memref<128x128xf32, #tpu.memory_space<vmem>>, vector<16xf32>,
      %mul3A_529 = arith.mulf %get3A_525, %get3A_528 : vector<16xf32>
      %add3A_530 = arith.addf %mul3A_522, %mul3A_529 : vector<16xf32>
      %get3A_531 = arith.index_cast %add3A_515 : i32 to index
      %get3A_532 = arith.constant 32 : index
      %get3A_533 = tpu.vector_load %arg12[%get3A_531, %get3A_532] {strides = array<i32>} : memref<128x128xf32, #tpu.memory_space<vmem>>, vector<16xf32>,
      %get3A_534 = arith.index_cast %add3A_515 : i32 to index
      %get3A_535 = arith.constant 32 : index
      %get3A_536 = tpu.vector_load %arg14[%get3A_534, %get3A_535] {strides = array<i32>} : memref<128x128xf32, #tpu.memory_space<vmem>>, vector<16xf32>,
      %mul3A_537 = arith.mulf %get3A_533, %get3A_536 : vector<16xf32>
      %add3A_538 = arith.addf %add3A_530, %mul3A_537 : vector<16xf32>
      %get3A_539 = arith.index_cast %add3A_515 : i32 to index
      %get3A_540 = arith.constant 48 : index
      %get3A_541 = tpu.vector_load %arg12[%get3A_539, %get3A_540] {strides = array<i32>} : memref<128x128xf32, #tpu.memory_space<vmem>>, vector<16xf32>,
      %get3A_542 = arith.index_cast %add3A_515 : i32 to index
      %get3A_543 = arith.constant 48 : index
      %get3A_544 = tpu.vector_load %arg14[%get3A_542, %get3A_543] {strides = array<i32>} : memref<128x128xf32, #tpu.memory_space<vmem>>, vector<16xf32>,
      %mul3A_545 = arith.mulf %get3A_541, %get3A_544 : vector<16xf32>
      %add3A_546 = arith.addf %add3A_538, %mul3A_545 : vector<16xf32>
      %swap3A_547 = arith.constant 11 : i32
      %swap3A_548 = arith.index_cast %swap3A_547 : i32 to index
      %swap3A_549 = arith.constant 0 : index
      %swap3A_550 = tpu.vector_load %arg11[%swap3A_548, %swap3A_549] {strides = array<i32>} : memref<16x16xf32, #tpu.memory_space<vmem>>, vector<16xf32>,
      tpu.vector_store %arg11[%swap3A_548, %swap3A_549], %add3A_546 {strides = array<i32>} : memref<16x16xf32, #tpu.memory_space<vmem>>, vector<16xf32>,
      %add3A_551 = arith.constant 12 : i32
      %add3A_552 = arith.addi %add3A_108, %add3A_551 : i32
      %get3A_553 = arith.index_cast %add3A_552 : i32 to index
      %get3A_554 = arith.constant 0 : index
      %get3A_555 = tpu.vector_load %arg12[%get3A_553, %get3A_554] {strides = array<i32>} : memref<128x128xf32, #tpu.memory_space<vmem>>, vector<16xf32>,
      %get3A_556 = arith.index_cast %add3A_552 : i32 to index
      %get3A_557 = arith.constant 0 : index
      %get3A_558 = tpu.vector_load %arg14[%get3A_556, %get3A_557] {strides = array<i32>} : memref<128x128xf32, #tpu.memory_space<vmem>>, vector<16xf32>,
      %mul3A_559 = arith.mulf %get3A_555, %get3A_558 : vector<16xf32>
      %get3A_560 = arith.index_cast %add3A_552 : i32 to index
      %get3A_561 = arith.constant 16 : index
      %get3A_562 = tpu.vector_load %arg12[%get3A_560, %get3A_561] {strides = array<i32>} : memref<128x128xf32, #tpu.memory_space<vmem>>, vector<16xf32>,
      %get3A_563 = arith.index_cast %add3A_552 : i32 to index
      %get3A_564 = arith.constant 16 : index
      %get3A_565 = tpu.vector_load %arg14[%get3A_563, %get3A_564] {strides = array<i32>} : memref<128x128xf32, #tpu.memory_space<vmem>>, vector<16xf32>,
      %mul3A_566 = arith.mulf %get3A_562, %get3A_565 : vector<16xf32>
      %add3A_567 = arith.addf %mul3A_559, %mul3A_566 : vector<16xf32>
      %get3A_568 = arith.index_cast %add3A_552 : i32 to index
      %get3A_569 = arith.constant 32 : index
      %get3A_570 = tpu.vector_load %arg12[%get3A_568, %get3A_569] {strides = array<i32>} : memref<128x128xf32, #tpu.memory_space<vmem>>, vector<16xf32>,
      %get3A_571 = arith.index_cast %add3A_552 : i32 to index
      %get3A_572 = arith.constant 32 : index
      %get3A_573 = tpu.vector_load %arg14[%get3A_571, %get3A_572] {strides = array<i32>} : memref<128x128xf32, #tpu.memory_space<vmem>>, vector<16xf32>,
      %mul3A_574 = arith.mulf %get3A_570, %get3A_573 : vector<16xf32>
      %add3A_575 = arith.addf %add3A_567, %mul3A_574 : vector<16xf32>
      %get3A_576 = arith.index_cast %add3A_552 : i32 to index
      %get3A_577 = arith.constant 48 : index
      %get3A_578 = tpu.vector_load %arg12[%get3A_576, %get3A_577] {strides = array<i32>} : memref<128x128xf32, #tpu.memory_space<vmem>>, vector<16xf32>,
      %get3A_579 = arith.index_cast %add3A_552 : i32 to index
      %get3A_580 = arith.constant 48 : index
      %get3A_581 = tpu.vector_load %arg14[%get3A_579, %get3A_580] {strides = array<i32>} : memref<128x128xf32, #tpu.memory_space<vmem>>, vector<16xf32>,
      %mul3A_582 = arith.mulf %get3A_578, %get3A_581 : vector<16xf32>
      %add3A_583 = arith.addf %add3A_575, %mul3A_582 : vector<16xf32>
      %swap3A_584 = arith.constant 12 : i32
      %swap3A_585 = arith.index_cast %swap3A_584 : i32 to index
      %swap3A_586 = arith.constant 0 : index
      %swap3A_587 = tpu.vector_load %arg11[%swap3A_585, %swap3A_586] {strides = array<i32>} : memref<16x16xf32, #tpu.memory_space<vmem>>, vector<16xf32>,
      tpu.vector_store %arg11[%swap3A_585, %swap3A_586], %add3A_583 {strides = array<i32>} : memref<16x16xf32, #tpu.memory_space<vmem>>, vector<16xf32>,
      %add3A_588 = arith.constant 13 : i32
      %add3A_589 = arith.addi %add3A_108, %add3A_588 : i32
      %get3A_590 = arith.index_cast %add3A_589 : i32 to index
      %get3A_591 = arith.constant 0 : index
      %get3A_592 = tpu.vector_load %arg12[%get3A_590, %get3A_591] {strides = array<i32>} : memref<128x128xf32, #tpu.memory_space<vmem>>, vector<16xf32>,
      %get3A_593 = arith.index_cast %add3A_589 : i32 to index
      %get3A_594 = arith.constant 0 : index
      %get3A_595 = tpu.vector_load %arg14[%get3A_593, %get3A_594] {strides = array<i32>} : memref<128x128xf32, #tpu.memory_space<vmem>>, vector<16xf32>,
      %mul3A_596 = arith.mulf %get3A_592, %get3A_595 : vector<16xf32>
      %get3A_597 = arith.index_cast %add3A_589 : i32 to index
      %get3A_598 = arith.constant 16 : index
      %get3A_599 = tpu.vector_load %arg12[%get3A_597, %get3A_598] {strides = array<i32>} : memref<128x128xf32, #tpu.memory_space<vmem>>, vector<16xf32>,
      %get3A_600 = arith.index_cast %add3A_589 : i32 to index
      %get3A_601 = arith.constant 16 : index
      %get3A_602 = tpu.vector_load %arg14[%get3A_600, %get3A_601] {strides = array<i32>} : memref<128x128xf32, #tpu.memory_space<vmem>>, vector<16xf32>,
      %mul3A_603 = arith.mulf %get3A_599, %get3A_602 : vector<16xf32>
      %add3A_604 = arith.addf %mul3A_596, %mul3A_603 : vector<16xf32>
      %get3A_605 = arith.index_cast %add3A_589 : i32 to index
      %get3A_606 = arith.constant 32 : index
      %get3A_607 = tpu.vector_load %arg12[%get3A_605, %get3A_606] {strides = array<i32>} : memref<128x128xf32, #tpu.memory_space<vmem>>, vector<16xf32>,
      %get3A_608 = arith.index_cast %add3A_589 : i32 to index
      %get3A_609 = arith.constant 32 : index
      %get3A_610 = tpu.vector_load %arg14[%get3A_608, %get3A_609] {strides = array<i32>} : memref<128x128xf32, #tpu.memory_space<vmem>>, vector<16xf32>,
      %mul3A_611 = arith.mulf %get3A_607, %get3A_610 : vector<16xf32>
      %add3A_612 = arith.addf %add3A_604, %mul3A_611 : vector<16xf32>
      %get3A_613 = arith.index_cast %add3A_589 : i32 to index
      %get3A_614 = arith.constant 48 : index
      %get3A_615 = tpu.vector_load %arg12[%get3A_613, %get3A_614] {strides = array<i32>} : memref<128x128xf32, #tpu.memory_space<vmem>>, vector<16xf32>,
      %get3A_616 = arith.index_cast %add3A_589 : i32 to index
      %get3A_617 = arith.constant 48 : index
      %get3A_618 = tpu.vector_load %arg14[%get3A_616, %get3A_617] {strides = array<i32>} : memref<128x128xf32, #tpu.memory_space<vmem>>, vector<16xf32>,
      %mul3A_619 = arith.mulf %get3A_615, %get3A_618 : vector<16xf32>
      %add3A_620 = arith.addf %add3A_612, %mul3A_619 : vector<16xf32>
      %swap3A_621 = arith.constant 13 : i32
      %swap3A_622 = arith.index_cast %swap3A_621 : i32 to index
      %swap3A_623 = arith.constant 0 : index
      %swap3A_624 = tpu.vector_load %arg11[%swap3A_622, %swap3A_623] {strides = array<i32>} : memref<16x16xf32, #tpu.memory_space<vmem>>, vector<16xf32>,
      tpu.vector_store %arg11[%swap3A_622, %swap3A_623], %add3A_620 {strides = array<i32>} : memref<16x16xf32, #tpu.memory_space<vmem>>, vector<16xf32>,
      %add3A_625 = arith.constant 14 : i32
      %add3A_626 = arith.addi %add3A_108, %add3A_625 : i32
      %get3A_627 = arith.index_cast %add3A_626 : i32 to index
      %get3A_628 = arith.constant 0 : index
      %get3A_629 = tpu.vector_load %arg12[%get3A_627, %get3A_628] {strides = array<i32>} : memref<128x128xf32, #tpu.memory_space<vmem>>, vector<16xf32>,
      %get3A_630 = arith.index_cast %add3A_626 : i32 to index
      %get3A_631 = arith.constant 0 : index
      %get3A_632 = tpu.vector_load %arg14[%get3A_630, %get3A_631] {strides = array<i32>} : memref<128x128xf32, #tpu.memory_space<vmem>>, vector<16xf32>,
      %mul3A_633 = arith.mulf %get3A_629, %get3A_632 : vector<16xf32>
      %get3A_634 = arith.index_cast %add3A_626 : i32 to index
      %get3A_635 = arith.constant 16 : index
      %get3A_636 = tpu.vector_load %arg12[%get3A_634, %get3A_635] {strides = array<i32>} : memref<128x128xf32, #tpu.memory_space<vmem>>, vector<16xf32>,
      %get3A_637 = arith.index_cast %add3A_626 : i32 to index
      %get3A_638 = arith.constant 16 : index
      %get3A_639 = tpu.vector_load %arg14[%get3A_637, %get3A_638] {strides = array<i32>} : memref<128x128xf32, #tpu.memory_space<vmem>>, vector<16xf32>,
      %mul3A_640 = arith.mulf %get3A_636, %get3A_639 : vector<16xf32>
      %add3A_641 = arith.addf %mul3A_633, %mul3A_640 : vector<16xf32>
      %get3A_642 = arith.index_cast %add3A_626 : i32 to index
      %get3A_643 = arith.constant 32 : index
      %get3A_644 = tpu.vector_load %arg12[%get3A_642, %get3A_643] {strides = array<i32>} : memref<128x128xf32, #tpu.memory_space<vmem>>, vector<16xf32>,
      %get3A_645 = arith.index_cast %add3A_626 : i32 to index
      %get3A_646 = arith.constant 32 : index
      %get3A_647 = tpu.vector_load %arg14[%get3A_645, %get3A_646] {strides = array<i32>} : memref<128x128xf32, #tpu.memory_space<vmem>>, vector<16xf32>,
      %mul3A_648 = arith.mulf %get3A_644, %get3A_647 : vector<16xf32>
      %add3A_649 = arith.addf %add3A_641, %mul3A_648 : vector<16xf32>
      %get3A_650 = arith.index_cast %add3A_626 : i32 to index
      %get3A_651 = arith.constant 48 : index
      %get3A_652 = tpu.vector_load %arg12[%get3A_650, %get3A_651] {strides = array<i32>} : memref<128x128xf32, #tpu.memory_space<vmem>>, vector<16xf32>,
      %get3A_653 = arith.index_cast %add3A_626 : i32 to index
      %get3A_654 = arith.constant 48 : index
      %get3A_655 = tpu.vector_load %arg14[%get3A_653, %get3A_654] {strides = array<i32>} : memref<128x128xf32, #tpu.memory_space<vmem>>, vector<16xf32>,
      %mul3A_656 = arith.mulf %get3A_652, %get3A_655 : vector<16xf32>
      %add3A_657 = arith.addf %add3A_649, %mul3A_656 : vector<16xf32>
      %swap3A_658 = arith.constant 14 : i32
      %swap3A_659 = arith.index_cast %swap3A_658 : i32 to index
      %swap3A_660 = arith.constant 0 : index
      %swap3A_661 = tpu.vector_load %arg11[%swap3A_659, %swap3A_660] {strides = array<i32>} : memref<16x16xf32, #tpu.memory_space<vmem>>, vector<16xf32>,
      tpu.vector_store %arg11[%swap3A_659, %swap3A_660], %add3A_657 {strides = array<i32>} : memref<16x16xf32, #tpu.memory_space<vmem>>, vector<16xf32>,
      %add3A_662 = arith.constant 15 : i32
      %add3A_663 = arith.addi %add3A_108, %add3A_662 : i32
      %get3A_664 = arith.index_cast %add3A_663 : i32 to index
      %get3A_665 = arith.constant 0 : index
      %get3A_666 = tpu.vector_load %arg12[%get3A_664, %get3A_665] {strides = array<i32>} : memref<128x128xf32, #tpu.memory_space<vmem>>, vector<16xf32>,
      %get3A_667 = arith.index_cast %add3A_663 : i32 to index
      %get3A_668 = arith.constant 0 : index
      %get3A_669 = tpu.vector_load %arg14[%get3A_667, %get3A_668] {strides = array<i32>} : memref<128x128xf32, #tpu.memory_space<vmem>>, vector<16xf32>,
      %mul3A_670 = arith.mulf %get3A_666, %get3A_669 : vector<16xf32>
      %get3A_671 = arith.index_cast %add3A_663 : i32 to index
      %get3A_672 = arith.constant 16 : index
      %get3A_673 = tpu.vector_load %arg12[%get3A_671, %get3A_672] {strides = array<i32>} : memref<128x128xf32, #tpu.memory_space<vmem>>, vector<16xf32>,
      %get3A_674 = arith.index_cast %add3A_663 : i32 to index
      %get3A_675 = arith.constant 16 : index
      %get3A_676 = tpu.vector_load %arg14[%get3A_674, %get3A_675] {strides = array<i32>} : memref<128x128xf32, #tpu.memory_space<vmem>>, vector<16xf32>,
      %mul3A_677 = arith.mulf %get3A_673, %get3A_676 : vector<16xf32>
      %add3A_678 = arith.addf %mul3A_670, %mul3A_677 : vector<16xf32>
      %get3A_679 = arith.index_cast %add3A_663 : i32 to index
      %get3A_680 = arith.constant 32 : index
      %get3A_681 = tpu.vector_load %arg12[%get3A_679, %get3A_680] {strides = array<i32>} : memref<128x128xf32, #tpu.memory_space<vmem>>, vector<16xf32>,
      %get3A_682 = arith.index_cast %add3A_663 : i32 to index
      %get3A_683 = arith.constant 32 : index
      %get3A_684 = tpu.vector_load %arg14[%get3A_682, %get3A_683] {strides = array<i32>} : memref<128x128xf32, #tpu.memory_space<vmem>>, vector<16xf32>,
      %mul3A_685 = arith.mulf %get3A_681, %get3A_684 : vector<16xf32>
      %add3A_686 = arith.addf %add3A_678, %mul3A_685 : vector<16xf32>
      %get3A_687 = arith.index_cast %add3A_663 : i32 to index
      %get3A_688 = arith.constant 48 : index
      %get3A_689 = tpu.vector_load %arg12[%get3A_687, %get3A_688] {strides = array<i32>} : memref<128x128xf32, #tpu.memory_space<vmem>>, vector<16xf32>,
      %get3A_690 = arith.index_cast %add3A_663 : i32 to index
      %get3A_691 = arith.constant 48 : index
      %get3A_692 = tpu.vector_load %arg14[%get3A_690, %get3A_691] {strides = array<i32>} : memref<128x128xf32, #tpu.memory_space<vmem>>, vector<16xf32>,
      %mul3A_693 = arith.mulf %get3A_689, %get3A_692 : vector<16xf32>
      %add3A_694 = arith.addf %add3A_686, %mul3A_693 : vector<16xf32>
      %swap3A_695 = arith.constant 15 : i32
      %swap3A_696 = arith.index_cast %swap3A_695 : i32 to index
      %swap3A_697 = arith.constant 0 : index
      %swap3A_698 = tpu.vector_load %arg11[%swap3A_696, %swap3A_697] {strides = array<i32>} : memref<16x16xf32, #tpu.memory_space<vmem>>, vector<16xf32>,
      tpu.vector_store %arg11[%swap3A_696, %swap3A_697], %add3A_694 {strides = array<i32>} : memref<16x16xf32, #tpu.memory_space<vmem>>, vector<16xf32>,
      %gather3A = tpu.vector_load_idx %arg11[%iota3A, %broadcast_in_dim3A_6] : memref<16x16xf32, #tpu.memory_space<vmem>>[vector<16xi32>, vector<16xi32>], vector<16xf32>,
      %broadcast_in_dim3A_699 = arith.constant 1 : i32
      %broadcast_in_dim3A_700 = vector.broadcast %broadcast_in_dim3A_699 : i32 to vector<16xi32>
      %gather3A_701 = tpu.vector_load_idx %arg11[%iota3A, %broadcast_in_dim3A_700] : memref<16x16xf32, #tpu.memory_space<vmem>>[vector<16xi32>, vector<16xi32>], vector<16xf32>,
      %add3A_702 = arith.addf %gather3A, %gather3A_701 : vector<16xf32>
      %broadcast_in_dim3A_703 = arith.constant 2 : i32
      %broadcast_in_dim3A_704 = vector.broadcast %broadcast_in_dim3A_703 : i32 to vector<16xi32>
      %gather3A_705 = tpu.vector_load_idx %arg11[%iota3A, %broadcast_in_dim3A_704] : memref<16x16xf32, #tpu.memory_space<vmem>>[vector<16xi32>, vector<16xi32>], vector<16xf32>,
      %add3A_706 = arith.addf %add3A_702, %gather3A_705 : vector<16xf32>
      %broadcast_in_dim3A_707 = arith.constant 3 : i32
      %broadcast_in_dim3A_708 = vector.broadcast %broadcast_in_dim3A_707 : i32 to vector<16xi32>
      %gather3A_709 = tpu.vector_load_idx %arg11[%iota3A, %broadcast_in_dim3A_708] : memref<16x16xf32, #tpu.memory_space<vmem>>[vector<16xi32>, vector<16xi32>], vector<16xf32>,
      %add3A_710 = arith.addf %add3A_706, %gather3A_709 : vector<16xf32>
      %broadcast_in_dim3A_711 = arith.constant 4 : i32
      %broadcast_in_dim3A_712 = vector.broadcast %broadcast_in_dim3A_711 : i32 to vector<16xi32>
      %gather3A_713 = tpu.vector_load_idx %arg11[%iota3A, %broadcast_in_dim3A_712] : memref<16x16xf32, #tpu.memory_space<vmem>>[vector<16xi32>, vector<16xi32>], vector<16xf32>,
      %add3A_714 = arith.addf %add3A_710, %gather3A_713 : vector<16xf32>
      %broadcast_in_dim3A_715 = arith.constant 5 : i32
      %broadcast_in_dim3A_716 = vector.broadcast %broadcast_in_dim3A_715 : i32 to vector<16xi32>
      %gather3A_717 = tpu.vector_load_idx %arg11[%iota3A, %broadcast_in_dim3A_716] : memref<16x16xf32, #tpu.memory_space<vmem>>[vector<16xi32>, vector<16xi32>], vector<16xf32>,
      %add3A_718 = arith.addf %add3A_714, %gather3A_717 : vector<16xf32>
      %broadcast_in_dim3A_719 = arith.constant 6 : i32
      %broadcast_in_dim3A_720 = vector.broadcast %broadcast_in_dim3A_719 : i32 to vector<16xi32>
      %gather3A_721 = tpu.vector_load_idx %arg11[%iota3A, %broadcast_in_dim3A_720] : memref<16x16xf32, #tpu.memory_space<vmem>>[vector<16xi32>, vector<16xi32>], vector<16xf32>,
      %add3A_722 = arith.addf %add3A_718, %gather3A_721 : vector<16xf32>
      %broadcast_in_dim3A_723 = arith.constant 7 : i32
      %broadcast_in_dim3A_724 = vector.broadcast %broadcast_in_dim3A_723 : i32 to vector<16xi32>
      %gather3A_725 = tpu.vector_load_idx %arg11[%iota3A, %broadcast_in_dim3A_724] : memref<16x16xf32, #tpu.memory_space<vmem>>[vector<16xi32>, vector<16xi32>], vector<16xf32>,
      %add3A_726 = arith.addf %add3A_722, %gather3A_725 : vector<16xf32>
      %broadcast_in_dim3A_727 = arith.constant 8 : i32
      %broadcast_in_dim3A_728 = vector.broadcast %broadcast_in_dim3A_727 : i32 to vector<16xi32>
      %gather3A_729 = tpu.vector_load_idx %arg11[%iota3A, %broadcast_in_dim3A_728] : memref<16x16xf32, #tpu.memory_space<vmem>>[vector<16xi32>, vector<16xi32>], vector<16xf32>,
      %add3A_730 = arith.addf %add3A_726, %gather3A_729 : vector<16xf32>
      %broadcast_in_dim3A_731 = arith.constant 9 : i32
      %broadcast_in_dim3A_732 = vector.broadcast %broadcast_in_dim3A_731 : i32 to vector<16xi32>
      %gather3A_733 = tpu.vector_load_idx %arg11[%iota3A, %broadcast_in_dim3A_732] : memref<16x16xf32, #tpu.memory_space<vmem>>[vector<16xi32>, vector<16xi32>], vector<16xf32>,
      %add3A_734 = arith.addf %add3A_730, %gather3A_733 : vector<16xf32>
      %broadcast_in_dim3A_735 = arith.constant 10 : i32
      %broadcast_in_dim3A_736 = vector.broadcast %broadcast_in_dim3A_735 : i32 to vector<16xi32>
      %gather3A_737 = tpu.vector_load_idx %arg11[%iota3A, %broadcast_in_dim3A_736] : memref<16x16xf32, #tpu.memory_space<vmem>>[vector<16xi32>, vector<16xi32>], vector<16xf32>,
      %add3A_738 = arith.addf %add3A_734, %gather3A_737 : vector<16xf32>
      %broadcast_in_dim3A_739 = arith.constant 11 : i32
      %broadcast_in_dim3A_740 = vector.broadcast %broadcast_in_dim3A_739 : i32 to vector<16xi32>
      %gather3A_741 = tpu.vector_load_idx %arg11[%iota3A, %broadcast_in_dim3A_740] : memref<16x16xf32, #tpu.memory_space<vmem>>[vector<16xi32>, vector<16xi32>], vector<16xf32>,
      %add3A_742 = arith.addf %add3A_738, %gather3A_741 : vector<16xf32>
      %broadcast_in_dim3A_743 = arith.constant 12 : i32
      %broadcast_in_dim3A_744 = vector.broadcast %broadcast_in_dim3A_743 : i32 to vector<16xi32>
      %gather3A_745 = tpu.vector_load_idx %arg11[%iota3A, %broadcast_in_dim3A_744] : memref<16x16xf32, #tpu.memory_space<vmem>>[vector<16xi32>, vector<16xi32>], vector<16xf32>,
      %add3A_746 = arith.addf %add3A_742, %gather3A_745 : vector<16xf32>
      %broadcast_in_dim3A_747 = arith.constant 13 : i32
      %broadcast_in_dim3A_748 = vector.broadcast %broadcast_in_dim3A_747 : i32 to vector<16xi32>
      %gather3A_749 = tpu.vector_load_idx %arg11[%iota3A, %broadcast_in_dim3A_748] : memref<16x16xf32, #tpu.memory_space<vmem>>[vector<16xi32>, vector<16xi32>], vector<16xf32>,
      %add3A_750 = arith.addf %add3A_746, %gather3A_749 : vector<16xf32>
      %broadcast_in_dim3A_751 = arith.constant 14 : i32
      %broadcast_in_dim3A_752 = vector.broadcast %broadcast_in_dim3A_751 : i32 to vector<16xi32>
      %gather3A_753 = tpu.vector_load_idx %arg11[%iota3A, %broadcast_in_dim3A_752] : memref<16x16xf32, #tpu.memory_space<vmem>>[vector<16xi32>, vector<16xi32>], vector<16xf32>,
      %add3A_754 = arith.addf %add3A_750, %gather3A_753 : vector<16xf32>
      %broadcast_in_dim3A_755 = arith.constant 15 : i32
      %broadcast_in_dim3A_756 = vector.broadcast %broadcast_in_dim3A_755 : i32 to vector<16xi32>
      %gather3A_757 = tpu.vector_load_idx %arg11[%iota3A, %broadcast_in_dim3A_756] : memref<16x16xf32, #tpu.memory_space<vmem>>[vector<16xi32>, vector<16xi32>], vector<16xf32>,
      %add3A_758 = arith.addf %add3A_754, %gather3A_757 : vector<16xf32>
      %add3A_759 = arith.constant 0 : i32
      %add3A_760 = arith.addi %add3A_759, %add3A_108 : i32
      %get3A_761 = arith.index_cast %add3A_760 : i32 to index
      %get3A_762 = tpu.vector_load %arg8[%get3A_761] {strides = array<i32>} : memref<512xf32, #tpu.memory_space<vmem>>, vector<16xf32>,
      %mul3A_763 = arith.mulf %add3A_758, %get3A_762 : vector<16xf32>
      %get3A_764 = arith.index_cast %add3A_760 : i32 to index
      %get3A_765 = tpu.vector_load %arg9[%get3A_764] {strides = array<i32>} : memref<512xf32, #tpu.memory_space<vmem>>, vector<16xf32>,
      %mul3A_766 = arith.mulf %mul3A_763, %get3A_765 : vector<16xf32>
      %swap3A_767 = arith.index_cast %add3A_760 : i32 to index
      %swap3A_768 = tpu.vector_load %arg10[%swap3A_767] {strides = array<i32>} : memref<512xf32, #tpu.memory_space<vmem>>, vector<16xf32>,
      tpu.vector_store %arg10[%swap3A_767], %mul3A_766 {strides = array<i32>} : memref<512xf32, #tpu.memory_space<vmem>>, vector<16xf32>,
    }
    %scan3A_38 = arith.constant 8 : i32
    %dma_start3A_39 = arith.constant 256 : i32
    %dma_start3A_40 = tpu.memref_slice %arg6[%dma_start3A_39] : memref<512xi32, #tpu.memory_space<vmem>> -> memref<128xi32, #tpu.memory_space<vmem>>
    %dma_start3A_41 = arith.constant 0 : i32
    %dma_start3A_42 = arith.constant 0 : i32
    %dma_start3A_43 = tpu.memref_slice %arg4[%dma_start3A_41, %dma_start3A_42] : memref<100000x128xf32, #tpu.memory_space<hbm>> -> memref<100000x128xf32, #tpu.memory_space<hbm>>
    tpu.enqueue_indirect_dma source(%dma_start3A_43 : memref<100000x128xf32, #tpu.memory_space<hbm>>) target(%arg12 : memref<128x128xf32, #tpu.memory_space<vmem>>) offsets(%dma_start3A_40 : memref<128xi32, #tpu.memory_space<vmem>>) semaphore(%arg16 : memref<!tpu.dma_semaphore, #tpu.memory_space<semaphore_mem>>)
    %dma_start3A_44 = arith.constant 256 : i32
    %dma_start3A_45 = tpu.memref_slice %arg7[%dma_start3A_44] : memref<512xi32, #tpu.memory_space<vmem>> -> memref<128xi32, #tpu.memory_space<vmem>>
    %dma_start3A_46 = arith.constant 0 : i32
    %dma_start3A_47 = arith.constant 0 : i32
    %dma_start3A_48 = tpu.memref_slice %arg4[%dma_start3A_46, %dma_start3A_47] : memref<100000x128xf32, #tpu.memory_space<hbm>> -> memref<100000x128xf32, #tpu.memory_space<hbm>>
    tpu.enqueue_indirect_dma source(%dma_start3A_48 : memref<100000x128xf32, #tpu.memory_space<hbm>>) target(%arg14 : memref<128x128xf32, #tpu.memory_space<vmem>>) offsets(%dma_start3A_45 : memref<128xi32, #tpu.memory_space<vmem>>) semaphore(%arg18 : memref<!tpu.dma_semaphore, #tpu.memory_space<semaphore_mem>>)
    %dma_wait3A_49 = arith.constant 128 : i32
    %dma_wait3A_50 = tpu.memref_slice %arg6[%dma_wait3A_49] : memref<512xi32, #tpu.memory_space<vmem>> -> memref<128xi32, #tpu.memory_space<vmem>>
    %dma_wait3A_51 = arith.constant 0 : i32
    %dma_wait3A_52 = arith.constant 0 : i32
    %dma_wait3A_53 = tpu.memref_slice %arg4[%dma_wait3A_51, %dma_wait3A_52] : memref<100000x128xf32, #tpu.memory_space<hbm>> -> memref<100000x128xf32, #tpu.memory_space<hbm>>
    tpu.wait_indirect_dma semaphore(%arg17 : memref<!tpu.dma_semaphore, #tpu.memory_space<semaphore_mem>>) src(%dma_wait3A_53 : memref<100000x128xf32, #tpu.memory_space<hbm>>) dst(%arg13 : memref<128x128xf32, #tpu.memory_space<vmem>>)
    %dma_wait3A_54 = arith.constant 128 : i32
    %dma_wait3A_55 = tpu.memref_slice %arg7[%dma_wait3A_54] : memref<512xi32, #tpu.memory_space<vmem>> -> memref<128xi32, #tpu.memory_space<vmem>>
    %dma_wait3A_56 = arith.constant 0 : i32
    %dma_wait3A_57 = arith.constant 0 : i32
    %dma_wait3A_58 = tpu.memref_slice %arg4[%dma_wait3A_56, %dma_wait3A_57] : memref<100000x128xf32, #tpu.memory_space<hbm>> -> memref<100000x128xf32, #tpu.memory_space<hbm>>
    tpu.wait_indirect_dma semaphore(%arg19 : memref<!tpu.dma_semaphore, #tpu.memory_space<semaphore_mem>>) src(%dma_wait3A_58 : memref<100000x128xf32, #tpu.memory_space<hbm>>) dst(%arg15 : memref<128x128xf32, #tpu.memory_space<vmem>>)
    %scan3A_59 = arith.constant 0 : i32
    %scan3A_60 = arith.constant 8 : i32
    %scan3A_61 = arith.addi %scan3A_59, %scan3A_60 : i32
    %scan3A_62 = arith.constant 1 : i32
    scf.for %scan3A_104 = %scan3A_59 to %scan3A_61 step %scan3A_62  : i32 {
      %mul3A_105 = arith.constant 16 : i32
      %mul3A_106 = arith.muli %scan3A_104, %mul3A_105 : i32
      %add3A_107 = arith.constant 0 : i32
      %add3A_108 = arith.addi %add3A_107, %mul3A_106 : i32
      %add3A_109 = arith.constant 0 : i32
      %add3A_110 = arith.addi %add3A_108, %add3A_109 : i32
      %get3A = arith.index_cast %add3A_110 : i32 to index
      %get3A_111 = arith.constant 0 : index
      %get3A_112 = tpu.vector_load %arg13[%get3A, %get3A_111] {strides = array<i32>} : memref<128x128xf32, #tpu.memory_space<vmem>>, vector<16xf32>,
      %get3A_113 = arith.index_cast %add3A_110 : i32 to index
      %get3A_114 = arith.constant 0 : index
      %get3A_115 = tpu.vector_load %arg15[%get3A_113, %get3A_114] {strides = array<i32>} : memref<128x128xf32, #tpu.memory_space<vmem>>, vector<16xf32>,
      %mul3A_116 = arith.mulf %get3A_112, %get3A_115 : vector<16xf32>
      %get3A_117 = arith.index_cast %add3A_110 : i32 to index
      %get3A_118 = arith.constant 16 : index
      %get3A_119 = tpu.vector_load %arg13[%get3A_117, %get3A_118] {strides = array<i32>} : memref<128x128xf32, #tpu.memory_space<vmem>>, vector<16xf32>,
      %get3A_120 = arith.index_cast %add3A_110 : i32 to index
      %get3A_121 = arith.constant 16 : index
      %get3A_122 = tpu.vector_load %arg15[%get3A_120, %get3A_121] {strides = array<i32>} : memref<128x128xf32, #tpu.memory_space<vmem>>, vector<16xf32>,
      %mul3A_123 = arith.mulf %get3A_119, %get3A_122 : vector<16xf32>
      %add3A_124 = arith.addf %mul3A_116, %mul3A_123 : vector<16xf32>
      %get3A_125 = arith.index_cast %add3A_110 : i32 to index
      %get3A_126 = arith.constant 32 : index
      %get3A_127 = tpu.vector_load %arg13[%get3A_125, %get3A_126] {strides = array<i32>} : memref<128x128xf32, #tpu.memory_space<vmem>>, vector<16xf32>,
      %get3A_128 = arith.index_cast %add3A_110 : i32 to index
      %get3A_129 = arith.constant 32 : index
      %get3A_130 = tpu.vector_load %arg15[%get3A_128, %get3A_129] {strides = array<i32>} : memref<128x128xf32, #tpu.memory_space<vmem>>, vector<16xf32>,
      %mul3A_131 = arith.mulf %get3A_127, %get3A_130 : vector<16xf32>
      %add3A_132 = arith.addf %add3A_124, %mul3A_131 : vector<16xf32>
      %get3A_133 = arith.index_cast %add3A_110 : i32 to index
      %get3A_134 = arith.constant 48 : index
      %get3A_135 = tpu.vector_load %arg13[%get3A_133, %get3A_134] {strides = array<i32>} : memref<128x128xf32, #tpu.memory_space<vmem>>, vector<16xf32>,
      %get3A_136 = arith.index_cast %add3A_110 : i32 to index
      %get3A_137 = arith.constant 48 : index
      %get3A_138 = tpu.vector_load %arg15[%get3A_136, %get3A_137] {strides = array<i32>} : memref<128x128xf32, #tpu.memory_space<vmem>>, vector<16xf32>,
      %mul3A_139 = arith.mulf %get3A_135, %get3A_138 : vector<16xf32>
      %add3A_140 = arith.addf %add3A_132, %mul3A_139 : vector<16xf32>
      %swap3A = arith.constant 0 : i32
      %swap3A_141 = arith.index_cast %swap3A : i32 to index
      %swap3A_142 = arith.constant 0 : index
      %swap3A_143 = tpu.vector_load %arg11[%swap3A_141, %swap3A_142] {strides = array<i32>} : memref<16x16xf32, #tpu.memory_space<vmem>>, vector<16xf32>,
      tpu.vector_store %arg11[%swap3A_141, %swap3A_142], %add3A_140 {strides = array<i32>} : memref<16x16xf32, #tpu.memory_space<vmem>>, vector<16xf32>,
      %add3A_144 = arith.constant 1 : i32
      %add3A_145 = arith.addi %add3A_108, %add3A_144 : i32
      %get3A_146 = arith.index_cast %add3A_145 : i32 to index
      %get3A_147 = arith.constant 0 : index
      %get3A_148 = tpu.vector_load %arg13[%get3A_146, %get3A_147] {strides = array<i32>} : memref<128x128xf32, #tpu.memory_space<vmem>>, vector<16xf32>,
      %get3A_149 = arith.index_cast %add3A_145 : i32 to index
      %get3A_150 = arith.constant 0 : index
      %get3A_151 = tpu.vector_load %arg15[%get3A_149, %get3A_150] {strides = array<i32>} : memref<128x128xf32, #tpu.memory_space<vmem>>, vector<16xf32>,
      %mul3A_152 = arith.mulf %get3A_148, %get3A_151 : vector<16xf32>
      %get3A_153 = arith.index_cast %add3A_145 : i32 to index
      %get3A_154 = arith.constant 16 : index
      %get3A_155 = tpu.vector_load %arg13[%get3A_153, %get3A_154] {strides = array<i32>} : memref<128x128xf32, #tpu.memory_space<vmem>>, vector<16xf32>,
      %get3A_156 = arith.index_cast %add3A_145 : i32 to index
      %get3A_157 = arith.constant 16 : index
      %get3A_158 = tpu.vector_load %arg15[%get3A_156, %get3A_157] {strides = array<i32>} : memref<128x128xf32, #tpu.memory_space<vmem>>, vector<16xf32>,
      %mul3A_159 = arith.mulf %get3A_155, %get3A_158 : vector<16xf32>
      %add3A_160 = arith.addf %mul3A_152, %mul3A_159 : vector<16xf32>
      %get3A_161 = arith.index_cast %add3A_145 : i32 to index
      %get3A_162 = arith.constant 32 : index
      %get3A_163 = tpu.vector_load %arg13[%get3A_161, %get3A_162] {strides = array<i32>} : memref<128x128xf32, #tpu.memory_space<vmem>>, vector<16xf32>,
      %get3A_164 = arith.index_cast %add3A_145 : i32 to index
      %get3A_165 = arith.constant 32 : index
      %get3A_166 = tpu.vector_load %arg15[%get3A_164, %get3A_165] {strides = array<i32>} : memref<128x128xf32, #tpu.memory_space<vmem>>, vector<16xf32>,
      %mul3A_167 = arith.mulf %get3A_163, %get3A_166 : vector<16xf32>
      %add3A_168 = arith.addf %add3A_160, %mul3A_167 : vector<16xf32>
      %get3A_169 = arith.index_cast %add3A_145 : i32 to index
      %get3A_170 = arith.constant 48 : index
      %get3A_171 = tpu.vector_load %arg13[%get3A_169, %get3A_170] {strides = array<i32>} : memref<128x128xf32, #tpu.memory_space<vmem>>, vector<16xf32>,
      %get3A_172 = arith.index_cast %add3A_145 : i32 to index
      %get3A_173 = arith.constant 48 : index
      %get3A_174 = tpu.vector_load %arg15[%get3A_172, %get3A_173] {strides = array<i32>} : memref<128x128xf32, #tpu.memory_space<vmem>>, vector<16xf32>,
      %mul3A_175 = arith.mulf %get3A_171, %get3A_174 : vector<16xf32>
      %add3A_176 = arith.addf %add3A_168, %mul3A_175 : vector<16xf32>
      %swap3A_177 = arith.constant 1 : i32
      %swap3A_178 = arith.index_cast %swap3A_177 : i32 to index
      %swap3A_179 = arith.constant 0 : index
      %swap3A_180 = tpu.vector_load %arg11[%swap3A_178, %swap3A_179] {strides = array<i32>} : memref<16x16xf32, #tpu.memory_space<vmem>>, vector<16xf32>,
      tpu.vector_store %arg11[%swap3A_178, %swap3A_179], %add3A_176 {strides = array<i32>} : memref<16x16xf32, #tpu.memory_space<vmem>>, vector<16xf32>,
      %add3A_181 = arith.constant 2 : i32
      %add3A_182 = arith.addi %add3A_108, %add3A_181 : i32
      %get3A_183 = arith.index_cast %add3A_182 : i32 to index
      %get3A_184 = arith.constant 0 : index
      %get3A_185 = tpu.vector_load %arg13[%get3A_183, %get3A_184] {strides = array<i32>} : memref<128x128xf32, #tpu.memory_space<vmem>>, vector<16xf32>,
      %get3A_186 = arith.index_cast %add3A_182 : i32 to index
      %get3A_187 = arith.constant 0 : index
      %get3A_188 = tpu.vector_load %arg15[%get3A_186, %get3A_187] {strides = array<i32>} : memref<128x128xf32, #tpu.memory_space<vmem>>, vector<16xf32>,
      %mul3A_189 = arith.mulf %get3A_185, %get3A_188 : vector<16xf32>
      %get3A_190 = arith.index_cast %add3A_182 : i32 to index
      %get3A_191 = arith.constant 16 : index
      %get3A_192 = tpu.vector_load %arg13[%get3A_190, %get3A_191] {strides = array<i32>} : memref<128x128xf32, #tpu.memory_space<vmem>>, vector<16xf32>,
      %get3A_193 = arith.index_cast %add3A_182 : i32 to index
      %get3A_194 = arith.constant 16 : index
      %get3A_195 = tpu.vector_load %arg15[%get3A_193, %get3A_194] {strides = array<i32>} : memref<128x128xf32, #tpu.memory_space<vmem>>, vector<16xf32>,
      %mul3A_196 = arith.mulf %get3A_192, %get3A_195 : vector<16xf32>
      %add3A_197 = arith.addf %mul3A_189, %mul3A_196 : vector<16xf32>
      %get3A_198 = arith.index_cast %add3A_182 : i32 to index
      %get3A_199 = arith.constant 32 : index
      %get3A_200 = tpu.vector_load %arg13[%get3A_198, %get3A_199] {strides = array<i32>} : memref<128x128xf32, #tpu.memory_space<vmem>>, vector<16xf32>,
      %get3A_201 = arith.index_cast %add3A_182 : i32 to index
      %get3A_202 = arith.constant 32 : index
      %get3A_203 = tpu.vector_load %arg15[%get3A_201, %get3A_202] {strides = array<i32>} : memref<128x128xf32, #tpu.memory_space<vmem>>, vector<16xf32>,
      %mul3A_204 = arith.mulf %get3A_200, %get3A_203 : vector<16xf32>
      %add3A_205 = arith.addf %add3A_197, %mul3A_204 : vector<16xf32>
      %get3A_206 = arith.index_cast %add3A_182 : i32 to index
      %get3A_207 = arith.constant 48 : index
      %get3A_208 = tpu.vector_load %arg13[%get3A_206, %get3A_207] {strides = array<i32>} : memref<128x128xf32, #tpu.memory_space<vmem>>, vector<16xf32>,
      %get3A_209 = arith.index_cast %add3A_182 : i32 to index
      %get3A_210 = arith.constant 48 : index
      %get3A_211 = tpu.vector_load %arg15[%get3A_209, %get3A_210] {strides = array<i32>} : memref<128x128xf32, #tpu.memory_space<vmem>>, vector<16xf32>,
      %mul3A_212 = arith.mulf %get3A_208, %get3A_211 : vector<16xf32>
      %add3A_213 = arith.addf %add3A_205, %mul3A_212 : vector<16xf32>
      %swap3A_214 = arith.constant 2 : i32
      %swap3A_215 = arith.index_cast %swap3A_214 : i32 to index
      %swap3A_216 = arith.constant 0 : index
      %swap3A_217 = tpu.vector_load %arg11[%swap3A_215, %swap3A_216] {strides = array<i32>} : memref<16x16xf32, #tpu.memory_space<vmem>>, vector<16xf32>,
      tpu.vector_store %arg11[%swap3A_215, %swap3A_216], %add3A_213 {strides = array<i32>} : memref<16x16xf32, #tpu.memory_space<vmem>>, vector<16xf32>,
      %add3A_218 = arith.constant 3 : i32
      %add3A_219 = arith.addi %add3A_108, %add3A_218 : i32
      %get3A_220 = arith.index_cast %add3A_219 : i32 to index
      %get3A_221 = arith.constant 0 : index
      %get3A_222 = tpu.vector_load %arg13[%get3A_220, %get3A_221] {strides = array<i32>} : memref<128x128xf32, #tpu.memory_space<vmem>>, vector<16xf32>,
      %get3A_223 = arith.index_cast %add3A_219 : i32 to index
      %get3A_224 = arith.constant 0 : index
      %get3A_225 = tpu.vector_load %arg15[%get3A_223, %get3A_224] {strides = array<i32>} : memref<128x128xf32, #tpu.memory_space<vmem>>, vector<16xf32>,
      %mul3A_226 = arith.mulf %get3A_222, %get3A_225 : vector<16xf32>
      %get3A_227 = arith.index_cast %add3A_219 : i32 to index
      %get3A_228 = arith.constant 16 : index
      %get3A_229 = tpu.vector_load %arg13[%get3A_227, %get3A_228] {strides = array<i32>} : memref<128x128xf32, #tpu.memory_space<vmem>>, vector<16xf32>,
      %get3A_230 = arith.index_cast %add3A_219 : i32 to index
      %get3A_231 = arith.constant 16 : index
      %get3A_232 = tpu.vector_load %arg15[%get3A_230, %get3A_231] {strides = array<i32>} : memref<128x128xf32, #tpu.memory_space<vmem>>, vector<16xf32>,
      %mul3A_233 = arith.mulf %get3A_229, %get3A_232 : vector<16xf32>
      %add3A_234 = arith.addf %mul3A_226, %mul3A_233 : vector<16xf32>
      %get3A_235 = arith.index_cast %add3A_219 : i32 to index
      %get3A_236 = arith.constant 32 : index
      %get3A_237 = tpu.vector_load %arg13[%get3A_235, %get3A_236] {strides = array<i32>} : memref<128x128xf32, #tpu.memory_space<vmem>>, vector<16xf32>,
      %get3A_238 = arith.index_cast %add3A_219 : i32 to index
      %get3A_239 = arith.constant 32 : index
      %get3A_240 = tpu.vector_load %arg15[%get3A_238, %get3A_239] {strides = array<i32>} : memref<128x128xf32, #tpu.memory_space<vmem>>, vector<16xf32>,
      %mul3A_241 = arith.mulf %get3A_237, %get3A_240 : vector<16xf32>
      %add3A_242 = arith.addf %add3A_234, %mul3A_241 : vector<16xf32>
      %get3A_243 = arith.index_cast %add3A_219 : i32 to index
      %get3A_244 = arith.constant 48 : index
      %get3A_245 = tpu.vector_load %arg13[%get3A_243, %get3A_244] {strides = array<i32>} : memref<128x128xf32, #tpu.memory_space<vmem>>, vector<16xf32>,
      %get3A_246 = arith.index_cast %add3A_219 : i32 to index
      %get3A_247 = arith.constant 48 : index
      %get3A_248 = tpu.vector_load %arg15[%get3A_246, %get3A_247] {strides = array<i32>} : memref<128x128xf32, #tpu.memory_space<vmem>>, vector<16xf32>,
      %mul3A_249 = arith.mulf %get3A_245, %get3A_248 : vector<16xf32>
      %add3A_250 = arith.addf %add3A_242, %mul3A_249 : vector<16xf32>
      %swap3A_251 = arith.constant 3 : i32
      %swap3A_252 = arith.index_cast %swap3A_251 : i32 to index
      %swap3A_253 = arith.constant 0 : index
      %swap3A_254 = tpu.vector_load %arg11[%swap3A_252, %swap3A_253] {strides = array<i32>} : memref<16x16xf32, #tpu.memory_space<vmem>>, vector<16xf32>,
      tpu.vector_store %arg11[%swap3A_252, %swap3A_253], %add3A_250 {strides = array<i32>} : memref<16x16xf32, #tpu.memory_space<vmem>>, vector<16xf32>,
      %add3A_255 = arith.constant 4 : i32
      %add3A_256 = arith.addi %add3A_108, %add3A_255 : i32
      %get3A_257 = arith.index_cast %add3A_256 : i32 to index
      %get3A_258 = arith.constant 0 : index
      %get3A_259 = tpu.vector_load %arg13[%get3A_257, %get3A_258] {strides = array<i32>} : memref<128x128xf32, #tpu.memory_space<vmem>>, vector<16xf32>,
      %get3A_260 = arith.index_cast %add3A_256 : i32 to index
      %get3A_261 = arith.constant 0 : index
      %get3A_262 = tpu.vector_load %arg15[%get3A_260, %get3A_261] {strides = array<i32>} : memref<128x128xf32, #tpu.memory_space<vmem>>, vector<16xf32>,
      %mul3A_263 = arith.mulf %get3A_259, %get3A_262 : vector<16xf32>
      %get3A_264 = arith.index_cast %add3A_256 : i32 to index
      %get3A_265 = arith.constant 16 : index
      %get3A_266 = tpu.vector_load %arg13[%get3A_264, %get3A_265] {strides = array<i32>} : memref<128x128xf32, #tpu.memory_space<vmem>>, vector<16xf32>,
      %get3A_267 = arith.index_cast %add3A_256 : i32 to index
      %get3A_268 = arith.constant 16 : index
      %get3A_269 = tpu.vector_load %arg15[%get3A_267, %get3A_268] {strides = array<i32>} : memref<128x128xf32, #tpu.memory_space<vmem>>, vector<16xf32>,
      %mul3A_270 = arith.mulf %get3A_266, %get3A_269 : vector<16xf32>
      %add3A_271 = arith.addf %mul3A_263, %mul3A_270 : vector<16xf32>
      %get3A_272 = arith.index_cast %add3A_256 : i32 to index
      %get3A_273 = arith.constant 32 : index
      %get3A_274 = tpu.vector_load %arg13[%get3A_272, %get3A_273] {strides = array<i32>} : memref<128x128xf32, #tpu.memory_space<vmem>>, vector<16xf32>,
      %get3A_275 = arith.index_cast %add3A_256 : i32 to index
      %get3A_276 = arith.constant 32 : index
      %get3A_277 = tpu.vector_load %arg15[%get3A_275, %get3A_276] {strides = array<i32>} : memref<128x128xf32, #tpu.memory_space<vmem>>, vector<16xf32>,
      %mul3A_278 = arith.mulf %get3A_274, %get3A_277 : vector<16xf32>
      %add3A_279 = arith.addf %add3A_271, %mul3A_278 : vector<16xf32>
      %get3A_280 = arith.index_cast %add3A_256 : i32 to index
      %get3A_281 = arith.constant 48 : index
      %get3A_282 = tpu.vector_load %arg13[%get3A_280, %get3A_281] {strides = array<i32>} : memref<128x128xf32, #tpu.memory_space<vmem>>, vector<16xf32>,
      %get3A_283 = arith.index_cast %add3A_256 : i32 to index
      %get3A_284 = arith.constant 48 : index
      %get3A_285 = tpu.vector_load %arg15[%get3A_283, %get3A_284] {strides = array<i32>} : memref<128x128xf32, #tpu.memory_space<vmem>>, vector<16xf32>,
      %mul3A_286 = arith.mulf %get3A_282, %get3A_285 : vector<16xf32>
      %add3A_287 = arith.addf %add3A_279, %mul3A_286 : vector<16xf32>
      %swap3A_288 = arith.constant 4 : i32
      %swap3A_289 = arith.index_cast %swap3A_288 : i32 to index
      %swap3A_290 = arith.constant 0 : index
      %swap3A_291 = tpu.vector_load %arg11[%swap3A_289, %swap3A_290] {strides = array<i32>} : memref<16x16xf32, #tpu.memory_space<vmem>>, vector<16xf32>,
      tpu.vector_store %arg11[%swap3A_289, %swap3A_290], %add3A_287 {strides = array<i32>} : memref<16x16xf32, #tpu.memory_space<vmem>>, vector<16xf32>,
      %add3A_292 = arith.constant 5 : i32
      %add3A_293 = arith.addi %add3A_108, %add3A_292 : i32
      %get3A_294 = arith.index_cast %add3A_293 : i32 to index
      %get3A_295 = arith.constant 0 : index
      %get3A_296 = tpu.vector_load %arg13[%get3A_294, %get3A_295] {strides = array<i32>} : memref<128x128xf32, #tpu.memory_space<vmem>>, vector<16xf32>,
      %get3A_297 = arith.index_cast %add3A_293 : i32 to index
      %get3A_298 = arith.constant 0 : index
      %get3A_299 = tpu.vector_load %arg15[%get3A_297, %get3A_298] {strides = array<i32>} : memref<128x128xf32, #tpu.memory_space<vmem>>, vector<16xf32>,
      %mul3A_300 = arith.mulf %get3A_296, %get3A_299 : vector<16xf32>
      %get3A_301 = arith.index_cast %add3A_293 : i32 to index
      %get3A_302 = arith.constant 16 : index
      %get3A_303 = tpu.vector_load %arg13[%get3A_301, %get3A_302] {strides = array<i32>} : memref<128x128xf32, #tpu.memory_space<vmem>>, vector<16xf32>,
      %get3A_304 = arith.index_cast %add3A_293 : i32 to index
      %get3A_305 = arith.constant 16 : index
      %get3A_306 = tpu.vector_load %arg15[%get3A_304, %get3A_305] {strides = array<i32>} : memref<128x128xf32, #tpu.memory_space<vmem>>, vector<16xf32>,
      %mul3A_307 = arith.mulf %get3A_303, %get3A_306 : vector<16xf32>
      %add3A_308 = arith.addf %mul3A_300, %mul3A_307 : vector<16xf32>
      %get3A_309 = arith.index_cast %add3A_293 : i32 to index
      %get3A_310 = arith.constant 32 : index
      %get3A_311 = tpu.vector_load %arg13[%get3A_309, %get3A_310] {strides = array<i32>} : memref<128x128xf32, #tpu.memory_space<vmem>>, vector<16xf32>,
      %get3A_312 = arith.index_cast %add3A_293 : i32 to index
      %get3A_313 = arith.constant 32 : index
      %get3A_314 = tpu.vector_load %arg15[%get3A_312, %get3A_313] {strides = array<i32>} : memref<128x128xf32, #tpu.memory_space<vmem>>, vector<16xf32>,
      %mul3A_315 = arith.mulf %get3A_311, %get3A_314 : vector<16xf32>
      %add3A_316 = arith.addf %add3A_308, %mul3A_315 : vector<16xf32>
      %get3A_317 = arith.index_cast %add3A_293 : i32 to index
      %get3A_318 = arith.constant 48 : index
      %get3A_319 = tpu.vector_load %arg13[%get3A_317, %get3A_318] {strides = array<i32>} : memref<128x128xf32, #tpu.memory_space<vmem>>, vector<16xf32>,
      %get3A_320 = arith.index_cast %add3A_293 : i32 to index
      %get3A_321 = arith.constant 48 : index
      %get3A_322 = tpu.vector_load %arg15[%get3A_320, %get3A_321] {strides = array<i32>} : memref<128x128xf32, #tpu.memory_space<vmem>>, vector<16xf32>,
      %mul3A_323 = arith.mulf %get3A_319, %get3A_322 : vector<16xf32>
      %add3A_324 = arith.addf %add3A_316, %mul3A_323 : vector<16xf32>
      %swap3A_325 = arith.constant 5 : i32
      %swap3A_326 = arith.index_cast %swap3A_325 : i32 to index
      %swap3A_327 = arith.constant 0 : index
      %swap3A_328 = tpu.vector_load %arg11[%swap3A_326, %swap3A_327] {strides = array<i32>} : memref<16x16xf32, #tpu.memory_space<vmem>>, vector<16xf32>,
      tpu.vector_store %arg11[%swap3A_326, %swap3A_327], %add3A_324 {strides = array<i32>} : memref<16x16xf32, #tpu.memory_space<vmem>>, vector<16xf32>,
      %add3A_329 = arith.constant 6 : i32
      %add3A_330 = arith.addi %add3A_108, %add3A_329 : i32
      %get3A_331 = arith.index_cast %add3A_330 : i32 to index
      %get3A_332 = arith.constant 0 : index
      %get3A_333 = tpu.vector_load %arg13[%get3A_331, %get3A_332] {strides = array<i32>} : memref<128x128xf32, #tpu.memory_space<vmem>>, vector<16xf32>,
      %get3A_334 = arith.index_cast %add3A_330 : i32 to index
      %get3A_335 = arith.constant 0 : index
      %get3A_336 = tpu.vector_load %arg15[%get3A_334, %get3A_335] {strides = array<i32>} : memref<128x128xf32, #tpu.memory_space<vmem>>, vector<16xf32>,
      %mul3A_337 = arith.mulf %get3A_333, %get3A_336 : vector<16xf32>
      %get3A_338 = arith.index_cast %add3A_330 : i32 to index
      %get3A_339 = arith.constant 16 : index
      %get3A_340 = tpu.vector_load %arg13[%get3A_338, %get3A_339] {strides = array<i32>} : memref<128x128xf32, #tpu.memory_space<vmem>>, vector<16xf32>,
      %get3A_341 = arith.index_cast %add3A_330 : i32 to index
      %get3A_342 = arith.constant 16 : index
      %get3A_343 = tpu.vector_load %arg15[%get3A_341, %get3A_342] {strides = array<i32>} : memref<128x128xf32, #tpu.memory_space<vmem>>, vector<16xf32>,
      %mul3A_344 = arith.mulf %get3A_340, %get3A_343 : vector<16xf32>
      %add3A_345 = arith.addf %mul3A_337, %mul3A_344 : vector<16xf32>
      %get3A_346 = arith.index_cast %add3A_330 : i32 to index
      %get3A_347 = arith.constant 32 : index
      %get3A_348 = tpu.vector_load %arg13[%get3A_346, %get3A_347] {strides = array<i32>} : memref<128x128xf32, #tpu.memory_space<vmem>>, vector<16xf32>,
      %get3A_349 = arith.index_cast %add3A_330 : i32 to index
      %get3A_350 = arith.constant 32 : index
      %get3A_351 = tpu.vector_load %arg15[%get3A_349, %get3A_350] {strides = array<i32>} : memref<128x128xf32, #tpu.memory_space<vmem>>, vector<16xf32>,
      %mul3A_352 = arith.mulf %get3A_348, %get3A_351 : vector<16xf32>
      %add3A_353 = arith.addf %add3A_345, %mul3A_352 : vector<16xf32>
      %get3A_354 = arith.index_cast %add3A_330 : i32 to index
      %get3A_355 = arith.constant 48 : index
      %get3A_356 = tpu.vector_load %arg13[%get3A_354, %get3A_355] {strides = array<i32>} : memref<128x128xf32, #tpu.memory_space<vmem>>, vector<16xf32>,
      %get3A_357 = arith.index_cast %add3A_330 : i32 to index
      %get3A_358 = arith.constant 48 : index
      %get3A_359 = tpu.vector_load %arg15[%get3A_357, %get3A_358] {strides = array<i32>} : memref<128x128xf32, #tpu.memory_space<vmem>>, vector<16xf32>,
      %mul3A_360 = arith.mulf %get3A_356, %get3A_359 : vector<16xf32>
      %add3A_361 = arith.addf %add3A_353, %mul3A_360 : vector<16xf32>
      %swap3A_362 = arith.constant 6 : i32
      %swap3A_363 = arith.index_cast %swap3A_362 : i32 to index
      %swap3A_364 = arith.constant 0 : index
      %swap3A_365 = tpu.vector_load %arg11[%swap3A_363, %swap3A_364] {strides = array<i32>} : memref<16x16xf32, #tpu.memory_space<vmem>>, vector<16xf32>,
      tpu.vector_store %arg11[%swap3A_363, %swap3A_364], %add3A_361 {strides = array<i32>} : memref<16x16xf32, #tpu.memory_space<vmem>>, vector<16xf32>,
      %add3A_366 = arith.constant 7 : i32
      %add3A_367 = arith.addi %add3A_108, %add3A_366 : i32
      %get3A_368 = arith.index_cast %add3A_367 : i32 to index
      %get3A_369 = arith.constant 0 : index
      %get3A_370 = tpu.vector_load %arg13[%get3A_368, %get3A_369] {strides = array<i32>} : memref<128x128xf32, #tpu.memory_space<vmem>>, vector<16xf32>,
      %get3A_371 = arith.index_cast %add3A_367 : i32 to index
      %get3A_372 = arith.constant 0 : index
      %get3A_373 = tpu.vector_load %arg15[%get3A_371, %get3A_372] {strides = array<i32>} : memref<128x128xf32, #tpu.memory_space<vmem>>, vector<16xf32>,
      %mul3A_374 = arith.mulf %get3A_370, %get3A_373 : vector<16xf32>
      %get3A_375 = arith.index_cast %add3A_367 : i32 to index
      %get3A_376 = arith.constant 16 : index
      %get3A_377 = tpu.vector_load %arg13[%get3A_375, %get3A_376] {strides = array<i32>} : memref<128x128xf32, #tpu.memory_space<vmem>>, vector<16xf32>,
      %get3A_378 = arith.index_cast %add3A_367 : i32 to index
      %get3A_379 = arith.constant 16 : index
      %get3A_380 = tpu.vector_load %arg15[%get3A_378, %get3A_379] {strides = array<i32>} : memref<128x128xf32, #tpu.memory_space<vmem>>, vector<16xf32>,
      %mul3A_381 = arith.mulf %get3A_377, %get3A_380 : vector<16xf32>
      %add3A_382 = arith.addf %mul3A_374, %mul3A_381 : vector<16xf32>
      %get3A_383 = arith.index_cast %add3A_367 : i32 to index
      %get3A_384 = arith.constant 32 : index
      %get3A_385 = tpu.vector_load %arg13[%get3A_383, %get3A_384] {strides = array<i32>} : memref<128x128xf32, #tpu.memory_space<vmem>>, vector<16xf32>,
      %get3A_386 = arith.index_cast %add3A_367 : i32 to index
      %get3A_387 = arith.constant 32 : index
      %get3A_388 = tpu.vector_load %arg15[%get3A_386, %get3A_387] {strides = array<i32>} : memref<128x128xf32, #tpu.memory_space<vmem>>, vector<16xf32>,
      %mul3A_389 = arith.mulf %get3A_385, %get3A_388 : vector<16xf32>
      %add3A_390 = arith.addf %add3A_382, %mul3A_389 : vector<16xf32>
      %get3A_391 = arith.index_cast %add3A_367 : i32 to index
      %get3A_392 = arith.constant 48 : index
      %get3A_393 = tpu.vector_load %arg13[%get3A_391, %get3A_392] {strides = array<i32>} : memref<128x128xf32, #tpu.memory_space<vmem>>, vector<16xf32>,
      %get3A_394 = arith.index_cast %add3A_367 : i32 to index
      %get3A_395 = arith.constant 48 : index
      %get3A_396 = tpu.vector_load %arg15[%get3A_394, %get3A_395] {strides = array<i32>} : memref<128x128xf32, #tpu.memory_space<vmem>>, vector<16xf32>,
      %mul3A_397 = arith.mulf %get3A_393, %get3A_396 : vector<16xf32>
      %add3A_398 = arith.addf %add3A_390, %mul3A_397 : vector<16xf32>
      %swap3A_399 = arith.constant 7 : i32
      %swap3A_400 = arith.index_cast %swap3A_399 : i32 to index
      %swap3A_401 = arith.constant 0 : index
      %swap3A_402 = tpu.vector_load %arg11[%swap3A_400, %swap3A_401] {strides = array<i32>} : memref<16x16xf32, #tpu.memory_space<vmem>>, vector<16xf32>,
      tpu.vector_store %arg11[%swap3A_400, %swap3A_401], %add3A_398 {strides = array<i32>} : memref<16x16xf32, #tpu.memory_space<vmem>>, vector<16xf32>,
      %add3A_403 = arith.constant 8 : i32
      %add3A_404 = arith.addi %add3A_108, %add3A_403 : i32
      %get3A_405 = arith.index_cast %add3A_404 : i32 to index
      %get3A_406 = arith.constant 0 : index
      %get3A_407 = tpu.vector_load %arg13[%get3A_405, %get3A_406] {strides = array<i32>} : memref<128x128xf32, #tpu.memory_space<vmem>>, vector<16xf32>,
      %get3A_408 = arith.index_cast %add3A_404 : i32 to index
      %get3A_409 = arith.constant 0 : index
      %get3A_410 = tpu.vector_load %arg15[%get3A_408, %get3A_409] {strides = array<i32>} : memref<128x128xf32, #tpu.memory_space<vmem>>, vector<16xf32>,
      %mul3A_411 = arith.mulf %get3A_407, %get3A_410 : vector<16xf32>
      %get3A_412 = arith.index_cast %add3A_404 : i32 to index
      %get3A_413 = arith.constant 16 : index
      %get3A_414 = tpu.vector_load %arg13[%get3A_412, %get3A_413] {strides = array<i32>} : memref<128x128xf32, #tpu.memory_space<vmem>>, vector<16xf32>,
      %get3A_415 = arith.index_cast %add3A_404 : i32 to index
      %get3A_416 = arith.constant 16 : index
      %get3A_417 = tpu.vector_load %arg15[%get3A_415, %get3A_416] {strides = array<i32>} : memref<128x128xf32, #tpu.memory_space<vmem>>, vector<16xf32>,
      %mul3A_418 = arith.mulf %get3A_414, %get3A_417 : vector<16xf32>
      %add3A_419 = arith.addf %mul3A_411, %mul3A_418 : vector<16xf32>
      %get3A_420 = arith.index_cast %add3A_404 : i32 to index
      %get3A_421 = arith.constant 32 : index
      %get3A_422 = tpu.vector_load %arg13[%get3A_420, %get3A_421] {strides = array<i32>} : memref<128x128xf32, #tpu.memory_space<vmem>>, vector<16xf32>,
      %get3A_423 = arith.index_cast %add3A_404 : i32 to index
      %get3A_424 = arith.constant 32 : index
      %get3A_425 = tpu.vector_load %arg15[%get3A_423, %get3A_424] {strides = array<i32>} : memref<128x128xf32, #tpu.memory_space<vmem>>, vector<16xf32>,
      %mul3A_426 = arith.mulf %get3A_422, %get3A_425 : vector<16xf32>
      %add3A_427 = arith.addf %add3A_419, %mul3A_426 : vector<16xf32>
      %get3A_428 = arith.index_cast %add3A_404 : i32 to index
      %get3A_429 = arith.constant 48 : index
      %get3A_430 = tpu.vector_load %arg13[%get3A_428, %get3A_429] {strides = array<i32>} : memref<128x128xf32, #tpu.memory_space<vmem>>, vector<16xf32>,
      %get3A_431 = arith.index_cast %add3A_404 : i32 to index
      %get3A_432 = arith.constant 48 : index
      %get3A_433 = tpu.vector_load %arg15[%get3A_431, %get3A_432] {strides = array<i32>} : memref<128x128xf32, #tpu.memory_space<vmem>>, vector<16xf32>,
      %mul3A_434 = arith.mulf %get3A_430, %get3A_433 : vector<16xf32>
      %add3A_435 = arith.addf %add3A_427, %mul3A_434 : vector<16xf32>
      %swap3A_436 = arith.constant 8 : i32
      %swap3A_437 = arith.index_cast %swap3A_436 : i32 to index
      %swap3A_438 = arith.constant 0 : index
      %swap3A_439 = tpu.vector_load %arg11[%swap3A_437, %swap3A_438] {strides = array<i32>} : memref<16x16xf32, #tpu.memory_space<vmem>>, vector<16xf32>,
      tpu.vector_store %arg11[%swap3A_437, %swap3A_438], %add3A_435 {strides = array<i32>} : memref<16x16xf32, #tpu.memory_space<vmem>>, vector<16xf32>,
      %add3A_440 = arith.constant 9 : i32
      %add3A_441 = arith.addi %add3A_108, %add3A_440 : i32
      %get3A_442 = arith.index_cast %add3A_441 : i32 to index
      %get3A_443 = arith.constant 0 : index
      %get3A_444 = tpu.vector_load %arg13[%get3A_442, %get3A_443] {strides = array<i32>} : memref<128x128xf32, #tpu.memory_space<vmem>>, vector<16xf32>,
      %get3A_445 = arith.index_cast %add3A_441 : i32 to index
      %get3A_446 = arith.constant 0 : index
      %get3A_447 = tpu.vector_load %arg15[%get3A_445, %get3A_446] {strides = array<i32>} : memref<128x128xf32, #tpu.memory_space<vmem>>, vector<16xf32>,
      %mul3A_448 = arith.mulf %get3A_444, %get3A_447 : vector<16xf32>
      %get3A_449 = arith.index_cast %add3A_441 : i32 to index
      %get3A_450 = arith.constant 16 : index
      %get3A_451 = tpu.vector_load %arg13[%get3A_449, %get3A_450] {strides = array<i32>} : memref<128x128xf32, #tpu.memory_space<vmem>>, vector<16xf32>,
      %get3A_452 = arith.index_cast %add3A_441 : i32 to index
      %get3A_453 = arith.constant 16 : index
      %get3A_454 = tpu.vector_load %arg15[%get3A_452, %get3A_453] {strides = array<i32>} : memref<128x128xf32, #tpu.memory_space<vmem>>, vector<16xf32>,
      %mul3A_455 = arith.mulf %get3A_451, %get3A_454 : vector<16xf32>
      %add3A_456 = arith.addf %mul3A_448, %mul3A_455 : vector<16xf32>
      %get3A_457 = arith.index_cast %add3A_441 : i32 to index
      %get3A_458 = arith.constant 32 : index
      %get3A_459 = tpu.vector_load %arg13[%get3A_457, %get3A_458] {strides = array<i32>} : memref<128x128xf32, #tpu.memory_space<vmem>>, vector<16xf32>,
      %get3A_460 = arith.index_cast %add3A_441 : i32 to index
      %get3A_461 = arith.constant 32 : index
      %get3A_462 = tpu.vector_load %arg15[%get3A_460, %get3A_461] {strides = array<i32>} : memref<128x128xf32, #tpu.memory_space<vmem>>, vector<16xf32>,
      %mul3A_463 = arith.mulf %get3A_459, %get3A_462 : vector<16xf32>
      %add3A_464 = arith.addf %add3A_456, %mul3A_463 : vector<16xf32>
      %get3A_465 = arith.index_cast %add3A_441 : i32 to index
      %get3A_466 = arith.constant 48 : index
      %get3A_467 = tpu.vector_load %arg13[%get3A_465, %get3A_466] {strides = array<i32>} : memref<128x128xf32, #tpu.memory_space<vmem>>, vector<16xf32>,
      %get3A_468 = arith.index_cast %add3A_441 : i32 to index
      %get3A_469 = arith.constant 48 : index
      %get3A_470 = tpu.vector_load %arg15[%get3A_468, %get3A_469] {strides = array<i32>} : memref<128x128xf32, #tpu.memory_space<vmem>>, vector<16xf32>,
      %mul3A_471 = arith.mulf %get3A_467, %get3A_470 : vector<16xf32>
      %add3A_472 = arith.addf %add3A_464, %mul3A_471 : vector<16xf32>
      %swap3A_473 = arith.constant 9 : i32
      %swap3A_474 = arith.index_cast %swap3A_473 : i32 to index
      %swap3A_475 = arith.constant 0 : index
      %swap3A_476 = tpu.vector_load %arg11[%swap3A_474, %swap3A_475] {strides = array<i32>} : memref<16x16xf32, #tpu.memory_space<vmem>>, vector<16xf32>,
      tpu.vector_store %arg11[%swap3A_474, %swap3A_475], %add3A_472 {strides = array<i32>} : memref<16x16xf32, #tpu.memory_space<vmem>>, vector<16xf32>,
      %add3A_477 = arith.constant 10 : i32
      %add3A_478 = arith.addi %add3A_108, %add3A_477 : i32
      %get3A_479 = arith.index_cast %add3A_478 : i32 to index
      %get3A_480 = arith.constant 0 : index
      %get3A_481 = tpu.vector_load %arg13[%get3A_479, %get3A_480] {strides = array<i32>} : memref<128x128xf32, #tpu.memory_space<vmem>>, vector<16xf32>,
      %get3A_482 = arith.index_cast %add3A_478 : i32 to index
      %get3A_483 = arith.constant 0 : index
      %get3A_484 = tpu.vector_load %arg15[%get3A_482, %get3A_483] {strides = array<i32>} : memref<128x128xf32, #tpu.memory_space<vmem>>, vector<16xf32>,
      %mul3A_485 = arith.mulf %get3A_481, %get3A_484 : vector<16xf32>
      %get3A_486 = arith.index_cast %add3A_478 : i32 to index
      %get3A_487 = arith.constant 16 : index
      %get3A_488 = tpu.vector_load %arg13[%get3A_486, %get3A_487] {strides = array<i32>} : memref<128x128xf32, #tpu.memory_space<vmem>>, vector<16xf32>,
      %get3A_489 = arith.index_cast %add3A_478 : i32 to index
      %get3A_490 = arith.constant 16 : index
      %get3A_491 = tpu.vector_load %arg15[%get3A_489, %get3A_490] {strides = array<i32>} : memref<128x128xf32, #tpu.memory_space<vmem>>, vector<16xf32>,
      %mul3A_492 = arith.mulf %get3A_488, %get3A_491 : vector<16xf32>
      %add3A_493 = arith.addf %mul3A_485, %mul3A_492 : vector<16xf32>
      %get3A_494 = arith.index_cast %add3A_478 : i32 to index
      %get3A_495 = arith.constant 32 : index
      %get3A_496 = tpu.vector_load %arg13[%get3A_494, %get3A_495] {strides = array<i32>} : memref<128x128xf32, #tpu.memory_space<vmem>>, vector<16xf32>,
      %get3A_497 = arith.index_cast %add3A_478 : i32 to index
      %get3A_498 = arith.constant 32 : index
      %get3A_499 = tpu.vector_load %arg15[%get3A_497, %get3A_498] {strides = array<i32>} : memref<128x128xf32, #tpu.memory_space<vmem>>, vector<16xf32>,
      %mul3A_500 = arith.mulf %get3A_496, %get3A_499 : vector<16xf32>
      %add3A_501 = arith.addf %add3A_493, %mul3A_500 : vector<16xf32>
      %get3A_502 = arith.index_cast %add3A_478 : i32 to index
      %get3A_503 = arith.constant 48 : index
      %get3A_504 = tpu.vector_load %arg13[%get3A_502, %get3A_503] {strides = array<i32>} : memref<128x128xf32, #tpu.memory_space<vmem>>, vector<16xf32>,
      %get3A_505 = arith.index_cast %add3A_478 : i32 to index
      %get3A_506 = arith.constant 48 : index
      %get3A_507 = tpu.vector_load %arg15[%get3A_505, %get3A_506] {strides = array<i32>} : memref<128x128xf32, #tpu.memory_space<vmem>>, vector<16xf32>,
      %mul3A_508 = arith.mulf %get3A_504, %get3A_507 : vector<16xf32>
      %add3A_509 = arith.addf %add3A_501, %mul3A_508 : vector<16xf32>
      %swap3A_510 = arith.constant 10 : i32
      %swap3A_511 = arith.index_cast %swap3A_510 : i32 to index
      %swap3A_512 = arith.constant 0 : index
      %swap3A_513 = tpu.vector_load %arg11[%swap3A_511, %swap3A_512] {strides = array<i32>} : memref<16x16xf32, #tpu.memory_space<vmem>>, vector<16xf32>,
      tpu.vector_store %arg11[%swap3A_511, %swap3A_512], %add3A_509 {strides = array<i32>} : memref<16x16xf32, #tpu.memory_space<vmem>>, vector<16xf32>,
      %add3A_514 = arith.constant 11 : i32
      %add3A_515 = arith.addi %add3A_108, %add3A_514 : i32
      %get3A_516 = arith.index_cast %add3A_515 : i32 to index
      %get3A_517 = arith.constant 0 : index
      %get3A_518 = tpu.vector_load %arg13[%get3A_516, %get3A_517] {strides = array<i32>} : memref<128x128xf32, #tpu.memory_space<vmem>>, vector<16xf32>,
      %get3A_519 = arith.index_cast %add3A_515 : i32 to index
      %get3A_520 = arith.constant 0 : index
      %get3A_521 = tpu.vector_load %arg15[%get3A_519, %get3A_520] {strides = array<i32>} : memref<128x128xf32, #tpu.memory_space<vmem>>, vector<16xf32>,
      %mul3A_522 = arith.mulf %get3A_518, %get3A_521 : vector<16xf32>
      %get3A_523 = arith.index_cast %add3A_515 : i32 to index
      %get3A_524 = arith.constant 16 : index
      %get3A_525 = tpu.vector_load %arg13[%get3A_523, %get3A_524] {strides = array<i32>} : memref<128x128xf32, #tpu.memory_space<vmem>>, vector<16xf32>,
      %get3A_526 = arith.index_cast %add3A_515 : i32 to index
      %get3A_527 = arith.constant 16 : index
      %get3A_528 = tpu.vector_load %arg15[%get3A_526, %get3A_527] {strides = array<i32>} : memref<128x128xf32, #tpu.memory_space<vmem>>, vector<16xf32>,
      %mul3A_529 = arith.mulf %get3A_525, %get3A_528 : vector<16xf32>
      %add3A_530 = arith.addf %mul3A_522, %mul3A_529 : vector<16xf32>
      %get3A_531 = arith.index_cast %add3A_515 : i32 to index
      %get3A_532 = arith.constant 32 : index
      %get3A_533 = tpu.vector_load %arg13[%get3A_531, %get3A_532] {strides = array<i32>} : memref<128x128xf32, #tpu.memory_space<vmem>>, vector<16xf32>,
      %get3A_534 = arith.index_cast %add3A_515 : i32 to index
      %get3A_535 = arith.constant 32 : index
      %get3A_536 = tpu.vector_load %arg15[%get3A_534, %get3A_535] {strides = array<i32>} : memref<128x128xf32, #tpu.memory_space<vmem>>, vector<16xf32>,
      %mul3A_537 = arith.mulf %get3A_533, %get3A_536 : vector<16xf32>
      %add3A_538 = arith.addf %add3A_530, %mul3A_537 : vector<16xf32>
      %get3A_539 = arith.index_cast %add3A_515 : i32 to index
      %get3A_540 = arith.constant 48 : index
      %get3A_541 = tpu.vector_load %arg13[%get3A_539, %get3A_540] {strides = array<i32>} : memref<128x128xf32, #tpu.memory_space<vmem>>, vector<16xf32>,
      %get3A_542 = arith.index_cast %add3A_515 : i32 to index
      %get3A_543 = arith.constant 48 : index
      %get3A_544 = tpu.vector_load %arg15[%get3A_542, %get3A_543] {strides = array<i32>} : memref<128x128xf32, #tpu.memory_space<vmem>>, vector<16xf32>,
      %mul3A_545 = arith.mulf %get3A_541, %get3A_544 : vector<16xf32>
      %add3A_546 = arith.addf %add3A_538, %mul3A_545 : vector<16xf32>
      %swap3A_547 = arith.constant 11 : i32
      %swap3A_548 = arith.index_cast %swap3A_547 : i32 to index
      %swap3A_549 = arith.constant 0 : index
      %swap3A_550 = tpu.vector_load %arg11[%swap3A_548, %swap3A_549] {strides = array<i32>} : memref<16x16xf32, #tpu.memory_space<vmem>>, vector<16xf32>,
      tpu.vector_store %arg11[%swap3A_548, %swap3A_549], %add3A_546 {strides = array<i32>} : memref<16x16xf32, #tpu.memory_space<vmem>>, vector<16xf32>,
      %add3A_551 = arith.constant 12 : i32
      %add3A_552 = arith.addi %add3A_108, %add3A_551 : i32
      %get3A_553 = arith.index_cast %add3A_552 : i32 to index
      %get3A_554 = arith.constant 0 : index
      %get3A_555 = tpu.vector_load %arg13[%get3A_553, %get3A_554] {strides = array<i32>} : memref<128x128xf32, #tpu.memory_space<vmem>>, vector<16xf32>,
      %get3A_556 = arith.index_cast %add3A_552 : i32 to index
      %get3A_557 = arith.constant 0 : index
      %get3A_558 = tpu.vector_load %arg15[%get3A_556, %get3A_557] {strides = array<i32>} : memref<128x128xf32, #tpu.memory_space<vmem>>, vector<16xf32>,
      %mul3A_559 = arith.mulf %get3A_555, %get3A_558 : vector<16xf32>
      %get3A_560 = arith.index_cast %add3A_552 : i32 to index
      %get3A_561 = arith.constant 16 : index
      %get3A_562 = tpu.vector_load %arg13[%get3A_560, %get3A_561] {strides = array<i32>} : memref<128x128xf32, #tpu.memory_space<vmem>>, vector<16xf32>,
      %get3A_563 = arith.index_cast %add3A_552 : i32 to index
      %get3A_564 = arith.constant 16 : index
      %get3A_565 = tpu.vector_load %arg15[%get3A_563, %get3A_564] {strides = array<i32>} : memref<128x128xf32, #tpu.memory_space<vmem>>, vector<16xf32>,
      %mul3A_566 = arith.mulf %get3A_562, %get3A_565 : vector<16xf32>
      %add3A_567 = arith.addf %mul3A_559, %mul3A_566 : vector<16xf32>
      %get3A_568 = arith.index_cast %add3A_552 : i32 to index
      %get3A_569 = arith.constant 32 : index
      %get3A_570 = tpu.vector_load %arg13[%get3A_568, %get3A_569] {strides = array<i32>} : memref<128x128xf32, #tpu.memory_space<vmem>>, vector<16xf32>,
      %get3A_571 = arith.index_cast %add3A_552 : i32 to index
      %get3A_572 = arith.constant 32 : index
      %get3A_573 = tpu.vector_load %arg15[%get3A_571, %get3A_572] {strides = array<i32>} : memref<128x128xf32, #tpu.memory_space<vmem>>, vector<16xf32>,
      %mul3A_574 = arith.mulf %get3A_570, %get3A_573 : vector<16xf32>
      %add3A_575 = arith.addf %add3A_567, %mul3A_574 : vector<16xf32>
      %get3A_576 = arith.index_cast %add3A_552 : i32 to index
      %get3A_577 = arith.constant 48 : index
      %get3A_578 = tpu.vector_load %arg13[%get3A_576, %get3A_577] {strides = array<i32>} : memref<128x128xf32, #tpu.memory_space<vmem>>, vector<16xf32>,
      %get3A_579 = arith.index_cast %add3A_552 : i32 to index
      %get3A_580 = arith.constant 48 : index
      %get3A_581 = tpu.vector_load %arg15[%get3A_579, %get3A_580] {strides = array<i32>} : memref<128x128xf32, #tpu.memory_space<vmem>>, vector<16xf32>,
      %mul3A_582 = arith.mulf %get3A_578, %get3A_581 : vector<16xf32>
      %add3A_583 = arith.addf %add3A_575, %mul3A_582 : vector<16xf32>
      %swap3A_584 = arith.constant 12 : i32
      %swap3A_585 = arith.index_cast %swap3A_584 : i32 to index
      %swap3A_586 = arith.constant 0 : index
      %swap3A_587 = tpu.vector_load %arg11[%swap3A_585, %swap3A_586] {strides = array<i32>} : memref<16x16xf32, #tpu.memory_space<vmem>>, vector<16xf32>,
      tpu.vector_store %arg11[%swap3A_585, %swap3A_586], %add3A_583 {strides = array<i32>} : memref<16x16xf32, #tpu.memory_space<vmem>>, vector<16xf32>,
      %add3A_588 = arith.constant 13 : i32
      %add3A_589 = arith.addi %add3A_108, %add3A_588 : i32
      %get3A_590 = arith.index_cast %add3A_589 : i32 to index
      %get3A_591 = arith.constant 0 : index
      %get3A_592 = tpu.vector_load %arg13[%get3A_590, %get3A_591] {strides = array<i32>} : memref<128x128xf32, #tpu.memory_space<vmem>>, vector<16xf32>,
      %get3A_593 = arith.index_cast %add3A_589 : i32 to index
      %get3A_594 = arith.constant 0 : index
      %get3A_595 = tpu.vector_load %arg15[%get3A_593, %get3A_594] {strides = array<i32>} : memref<128x128xf32, #tpu.memory_space<vmem>>, vector<16xf32>,
      %mul3A_596 = arith.mulf %get3A_592, %get3A_595 : vector<16xf32>
      %get3A_597 = arith.index_cast %add3A_589 : i32 to index
      %get3A_598 = arith.constant 16 : index
      %get3A_599 = tpu.vector_load %arg13[%get3A_597, %get3A_598] {strides = array<i32>} : memref<128x128xf32, #tpu.memory_space<vmem>>, vector<16xf32>,
      %get3A_600 = arith.index_cast %add3A_589 : i32 to index
      %get3A_601 = arith.constant 16 : index
      %get3A_602 = tpu.vector_load %arg15[%get3A_600, %get3A_601] {strides = array<i32>} : memref<128x128xf32, #tpu.memory_space<vmem>>, vector<16xf32>,
      %mul3A_603 = arith.mulf %get3A_599, %get3A_602 : vector<16xf32>
      %add3A_604 = arith.addf %mul3A_596, %mul3A_603 : vector<16xf32>
      %get3A_605 = arith.index_cast %add3A_589 : i32 to index
      %get3A_606 = arith.constant 32 : index
      %get3A_607 = tpu.vector_load %arg13[%get3A_605, %get3A_606] {strides = array<i32>} : memref<128x128xf32, #tpu.memory_space<vmem>>, vector<16xf32>,
      %get3A_608 = arith.index_cast %add3A_589 : i32 to index
      %get3A_609 = arith.constant 32 : index
      %get3A_610 = tpu.vector_load %arg15[%get3A_608, %get3A_609] {strides = array<i32>} : memref<128x128xf32, #tpu.memory_space<vmem>>, vector<16xf32>,
      %mul3A_611 = arith.mulf %get3A_607, %get3A_610 : vector<16xf32>
      %add3A_612 = arith.addf %add3A_604, %mul3A_611 : vector<16xf32>
      %get3A_613 = arith.index_cast %add3A_589 : i32 to index
      %get3A_614 = arith.constant 48 : index
      %get3A_615 = tpu.vector_load %arg13[%get3A_613, %get3A_614] {strides = array<i32>} : memref<128x128xf32, #tpu.memory_space<vmem>>, vector<16xf32>,
      %get3A_616 = arith.index_cast %add3A_589 : i32 to index
      %get3A_617 = arith.constant 48 : index
      %get3A_618 = tpu.vector_load %arg15[%get3A_616, %get3A_617] {strides = array<i32>} : memref<128x128xf32, #tpu.memory_space<vmem>>, vector<16xf32>,
      %mul3A_619 = arith.mulf %get3A_615, %get3A_618 : vector<16xf32>
      %add3A_620 = arith.addf %add3A_612, %mul3A_619 : vector<16xf32>
      %swap3A_621 = arith.constant 13 : i32
      %swap3A_622 = arith.index_cast %swap3A_621 : i32 to index
      %swap3A_623 = arith.constant 0 : index
      %swap3A_624 = tpu.vector_load %arg11[%swap3A_622, %swap3A_623] {strides = array<i32>} : memref<16x16xf32, #tpu.memory_space<vmem>>, vector<16xf32>,
      tpu.vector_store %arg11[%swap3A_622, %swap3A_623], %add3A_620 {strides = array<i32>} : memref<16x16xf32, #tpu.memory_space<vmem>>, vector<16xf32>,
      %add3A_625 = arith.constant 14 : i32
      %add3A_626 = arith.addi %add3A_108, %add3A_625 : i32
      %get3A_627 = arith.index_cast %add3A_626 : i32 to index
      %get3A_628 = arith.constant 0 : index
      %get3A_629 = tpu.vector_load %arg13[%get3A_627, %get3A_628] {strides = array<i32>} : memref<128x128xf32, #tpu.memory_space<vmem>>, vector<16xf32>,
      %get3A_630 = arith.index_cast %add3A_626 : i32 to index
      %get3A_631 = arith.constant 0 : index
      %get3A_632 = tpu.vector_load %arg15[%get3A_630, %get3A_631] {strides = array<i32>} : memref<128x128xf32, #tpu.memory_space<vmem>>, vector<16xf32>,
      %mul3A_633 = arith.mulf %get3A_629, %get3A_632 : vector<16xf32>
      %get3A_634 = arith.index_cast %add3A_626 : i32 to index
      %get3A_635 = arith.constant 16 : index
      %get3A_636 = tpu.vector_load %arg13[%get3A_634, %get3A_635] {strides = array<i32>} : memref<128x128xf32, #tpu.memory_space<vmem>>, vector<16xf32>,
      %get3A_637 = arith.index_cast %add3A_626 : i32 to index
      %get3A_638 = arith.constant 16 : index
      %get3A_639 = tpu.vector_load %arg15[%get3A_637, %get3A_638] {strides = array<i32>} : memref<128x128xf32, #tpu.memory_space<vmem>>, vector<16xf32>,
      %mul3A_640 = arith.mulf %get3A_636, %get3A_639 : vector<16xf32>
      %add3A_641 = arith.addf %mul3A_633, %mul3A_640 : vector<16xf32>
      %get3A_642 = arith.index_cast %add3A_626 : i32 to index
      %get3A_643 = arith.constant 32 : index
      %get3A_644 = tpu.vector_load %arg13[%get3A_642, %get3A_643] {strides = array<i32>} : memref<128x128xf32, #tpu.memory_space<vmem>>, vector<16xf32>,
      %get3A_645 = arith.index_cast %add3A_626 : i32 to index
      %get3A_646 = arith.constant 32 : index
      %get3A_647 = tpu.vector_load %arg15[%get3A_645, %get3A_646] {strides = array<i32>} : memref<128x128xf32, #tpu.memory_space<vmem>>, vector<16xf32>,
      %mul3A_648 = arith.mulf %get3A_644, %get3A_647 : vector<16xf32>
      %add3A_649 = arith.addf %add3A_641, %mul3A_648 : vector<16xf32>
      %get3A_650 = arith.index_cast %add3A_626 : i32 to index
      %get3A_651 = arith.constant 48 : index
      %get3A_652 = tpu.vector_load %arg13[%get3A_650, %get3A_651] {strides = array<i32>} : memref<128x128xf32, #tpu.memory_space<vmem>>, vector<16xf32>,
      %get3A_653 = arith.index_cast %add3A_626 : i32 to index
      %get3A_654 = arith.constant 48 : index
      %get3A_655 = tpu.vector_load %arg15[%get3A_653, %get3A_654] {strides = array<i32>} : memref<128x128xf32, #tpu.memory_space<vmem>>, vector<16xf32>,
      %mul3A_656 = arith.mulf %get3A_652, %get3A_655 : vector<16xf32>
      %add3A_657 = arith.addf %add3A_649, %mul3A_656 : vector<16xf32>
      %swap3A_658 = arith.constant 14 : i32
      %swap3A_659 = arith.index_cast %swap3A_658 : i32 to index
      %swap3A_660 = arith.constant 0 : index
      %swap3A_661 = tpu.vector_load %arg11[%swap3A_659, %swap3A_660] {strides = array<i32>} : memref<16x16xf32, #tpu.memory_space<vmem>>, vector<16xf32>,
      tpu.vector_store %arg11[%swap3A_659, %swap3A_660], %add3A_657 {strides = array<i32>} : memref<16x16xf32, #tpu.memory_space<vmem>>, vector<16xf32>,
      %add3A_662 = arith.constant 15 : i32
      %add3A_663 = arith.addi %add3A_108, %add3A_662 : i32
      %get3A_664 = arith.index_cast %add3A_663 : i32 to index
      %get3A_665 = arith.constant 0 : index
      %get3A_666 = tpu.vector_load %arg13[%get3A_664, %get3A_665] {strides = array<i32>} : memref<128x128xf32, #tpu.memory_space<vmem>>, vector<16xf32>,
      %get3A_667 = arith.index_cast %add3A_663 : i32 to index
      %get3A_668 = arith.constant 0 : index
      %get3A_669 = tpu.vector_load %arg15[%get3A_667, %get3A_668] {strides = array<i32>} : memref<128x128xf32, #tpu.memory_space<vmem>>, vector<16xf32>,
      %mul3A_670 = arith.mulf %get3A_666, %get3A_669 : vector<16xf32>
      %get3A_671 = arith.index_cast %add3A_663 : i32 to index
      %get3A_672 = arith.constant 16 : index
      %get3A_673 = tpu.vector_load %arg13[%get3A_671, %get3A_672] {strides = array<i32>} : memref<128x128xf32, #tpu.memory_space<vmem>>, vector<16xf32>,
      %get3A_674 = arith.index_cast %add3A_663 : i32 to index
      %get3A_675 = arith.constant 16 : index
      %get3A_676 = tpu.vector_load %arg15[%get3A_674, %get3A_675] {strides = array<i32>} : memref<128x128xf32, #tpu.memory_space<vmem>>, vector<16xf32>,
      %mul3A_677 = arith.mulf %get3A_673, %get3A_676 : vector<16xf32>
      %add3A_678 = arith.addf %mul3A_670, %mul3A_677 : vector<16xf32>
      %get3A_679 = arith.index_cast %add3A_663 : i32 to index
      %get3A_680 = arith.constant 32 : index
      %get3A_681 = tpu.vector_load %arg13[%get3A_679, %get3A_680] {strides = array<i32>} : memref<128x128xf32, #tpu.memory_space<vmem>>, vector<16xf32>,
      %get3A_682 = arith.index_cast %add3A_663 : i32 to index
      %get3A_683 = arith.constant 32 : index
      %get3A_684 = tpu.vector_load %arg15[%get3A_682, %get3A_683] {strides = array<i32>} : memref<128x128xf32, #tpu.memory_space<vmem>>, vector<16xf32>,
      %mul3A_685 = arith.mulf %get3A_681, %get3A_684 : vector<16xf32>
      %add3A_686 = arith.addf %add3A_678, %mul3A_685 : vector<16xf32>
      %get3A_687 = arith.index_cast %add3A_663 : i32 to index
      %get3A_688 = arith.constant 48 : index
      %get3A_689 = tpu.vector_load %arg13[%get3A_687, %get3A_688] {strides = array<i32>} : memref<128x128xf32, #tpu.memory_space<vmem>>, vector<16xf32>,
      %get3A_690 = arith.index_cast %add3A_663 : i32 to index
      %get3A_691 = arith.constant 48 : index
      %get3A_692 = tpu.vector_load %arg15[%get3A_690, %get3A_691] {strides = array<i32>} : memref<128x128xf32, #tpu.memory_space<vmem>>, vector<16xf32>,
      %mul3A_693 = arith.mulf %get3A_689, %get3A_692 : vector<16xf32>
      %add3A_694 = arith.addf %add3A_686, %mul3A_693 : vector<16xf32>
      %swap3A_695 = arith.constant 15 : i32
      %swap3A_696 = arith.index_cast %swap3A_695 : i32 to index
      %swap3A_697 = arith.constant 0 : index
      %swap3A_698 = tpu.vector_load %arg11[%swap3A_696, %swap3A_697] {strides = array<i32>} : memref<16x16xf32, #tpu.memory_space<vmem>>, vector<16xf32>,
      tpu.vector_store %arg11[%swap3A_696, %swap3A_697], %add3A_694 {strides = array<i32>} : memref<16x16xf32, #tpu.memory_space<vmem>>, vector<16xf32>,
      %gather3A = tpu.vector_load_idx %arg11[%iota3A, %broadcast_in_dim3A_6] : memref<16x16xf32, #tpu.memory_space<vmem>>[vector<16xi32>, vector<16xi32>], vector<16xf32>,
      %broadcast_in_dim3A_699 = arith.constant 1 : i32
      %broadcast_in_dim3A_700 = vector.broadcast %broadcast_in_dim3A_699 : i32 to vector<16xi32>
      %gather3A_701 = tpu.vector_load_idx %arg11[%iota3A, %broadcast_in_dim3A_700] : memref<16x16xf32, #tpu.memory_space<vmem>>[vector<16xi32>, vector<16xi32>], vector<16xf32>,
      %add3A_702 = arith.addf %gather3A, %gather3A_701 : vector<16xf32>
      %broadcast_in_dim3A_703 = arith.constant 2 : i32
      %broadcast_in_dim3A_704 = vector.broadcast %broadcast_in_dim3A_703 : i32 to vector<16xi32>
      %gather3A_705 = tpu.vector_load_idx %arg11[%iota3A, %broadcast_in_dim3A_704] : memref<16x16xf32, #tpu.memory_space<vmem>>[vector<16xi32>, vector<16xi32>], vector<16xf32>,
      %add3A_706 = arith.addf %add3A_702, %gather3A_705 : vector<16xf32>
      %broadcast_in_dim3A_707 = arith.constant 3 : i32
      %broadcast_in_dim3A_708 = vector.broadcast %broadcast_in_dim3A_707 : i32 to vector<16xi32>
      %gather3A_709 = tpu.vector_load_idx %arg11[%iota3A, %broadcast_in_dim3A_708] : memref<16x16xf32, #tpu.memory_space<vmem>>[vector<16xi32>, vector<16xi32>], vector<16xf32>,
      %add3A_710 = arith.addf %add3A_706, %gather3A_709 : vector<16xf32>
      %broadcast_in_dim3A_711 = arith.constant 4 : i32
      %broadcast_in_dim3A_712 = vector.broadcast %broadcast_in_dim3A_711 : i32 to vector<16xi32>
      %gather3A_713 = tpu.vector_load_idx %arg11[%iota3A, %broadcast_in_dim3A_712] : memref<16x16xf32, #tpu.memory_space<vmem>>[vector<16xi32>, vector<16xi32>], vector<16xf32>,
      %add3A_714 = arith.addf %add3A_710, %gather3A_713 : vector<16xf32>
      %broadcast_in_dim3A_715 = arith.constant 5 : i32
      %broadcast_in_dim3A_716 = vector.broadcast %broadcast_in_dim3A_715 : i32 to vector<16xi32>
      %gather3A_717 = tpu.vector_load_idx %arg11[%iota3A, %broadcast_in_dim3A_716] : memref<16x16xf32, #tpu.memory_space<vmem>>[vector<16xi32>, vector<16xi32>], vector<16xf32>,
      %add3A_718 = arith.addf %add3A_714, %gather3A_717 : vector<16xf32>
      %broadcast_in_dim3A_719 = arith.constant 6 : i32
      %broadcast_in_dim3A_720 = vector.broadcast %broadcast_in_dim3A_719 : i32 to vector<16xi32>
      %gather3A_721 = tpu.vector_load_idx %arg11[%iota3A, %broadcast_in_dim3A_720] : memref<16x16xf32, #tpu.memory_space<vmem>>[vector<16xi32>, vector<16xi32>], vector<16xf32>,
      %add3A_722 = arith.addf %add3A_718, %gather3A_721 : vector<16xf32>
      %broadcast_in_dim3A_723 = arith.constant 7 : i32
      %broadcast_in_dim3A_724 = vector.broadcast %broadcast_in_dim3A_723 : i32 to vector<16xi32>
      %gather3A_725 = tpu.vector_load_idx %arg11[%iota3A, %broadcast_in_dim3A_724] : memref<16x16xf32, #tpu.memory_space<vmem>>[vector<16xi32>, vector<16xi32>], vector<16xf32>,
      %add3A_726 = arith.addf %add3A_722, %gather3A_725 : vector<16xf32>
      %broadcast_in_dim3A_727 = arith.constant 8 : i32
      %broadcast_in_dim3A_728 = vector.broadcast %broadcast_in_dim3A_727 : i32 to vector<16xi32>
      %gather3A_729 = tpu.vector_load_idx %arg11[%iota3A, %broadcast_in_dim3A_728] : memref<16x16xf32, #tpu.memory_space<vmem>>[vector<16xi32>, vector<16xi32>], vector<16xf32>,
      %add3A_730 = arith.addf %add3A_726, %gather3A_729 : vector<16xf32>
      %broadcast_in_dim3A_731 = arith.constant 9 : i32
      %broadcast_in_dim3A_732 = vector.broadcast %broadcast_in_dim3A_731 : i32 to vector<16xi32>
      %gather3A_733 = tpu.vector_load_idx %arg11[%iota3A, %broadcast_in_dim3A_732] : memref<16x16xf32, #tpu.memory_space<vmem>>[vector<16xi32>, vector<16xi32>], vector<16xf32>,
      %add3A_734 = arith.addf %add3A_730, %gather3A_733 : vector<16xf32>
      %broadcast_in_dim3A_735 = arith.constant 10 : i32
      %broadcast_in_dim3A_736 = vector.broadcast %broadcast_in_dim3A_735 : i32 to vector<16xi32>
      %gather3A_737 = tpu.vector_load_idx %arg11[%iota3A, %broadcast_in_dim3A_736] : memref<16x16xf32, #tpu.memory_space<vmem>>[vector<16xi32>, vector<16xi32>], vector<16xf32>,
      %add3A_738 = arith.addf %add3A_734, %gather3A_737 : vector<16xf32>
      %broadcast_in_dim3A_739 = arith.constant 11 : i32
      %broadcast_in_dim3A_740 = vector.broadcast %broadcast_in_dim3A_739 : i32 to vector<16xi32>
      %gather3A_741 = tpu.vector_load_idx %arg11[%iota3A, %broadcast_in_dim3A_740] : memref<16x16xf32, #tpu.memory_space<vmem>>[vector<16xi32>, vector<16xi32>], vector<16xf32>,
      %add3A_742 = arith.addf %add3A_738, %gather3A_741 : vector<16xf32>
      %broadcast_in_dim3A_743 = arith.constant 12 : i32
      %broadcast_in_dim3A_744 = vector.broadcast %broadcast_in_dim3A_743 : i32 to vector<16xi32>
      %gather3A_745 = tpu.vector_load_idx %arg11[%iota3A, %broadcast_in_dim3A_744] : memref<16x16xf32, #tpu.memory_space<vmem>>[vector<16xi32>, vector<16xi32>], vector<16xf32>,
      %add3A_746 = arith.addf %add3A_742, %gather3A_745 : vector<16xf32>
      %broadcast_in_dim3A_747 = arith.constant 13 : i32
      %broadcast_in_dim3A_748 = vector.broadcast %broadcast_in_dim3A_747 : i32 to vector<16xi32>
      %gather3A_749 = tpu.vector_load_idx %arg11[%iota3A, %broadcast_in_dim3A_748] : memref<16x16xf32, #tpu.memory_space<vmem>>[vector<16xi32>, vector<16xi32>], vector<16xf32>,
      %add3A_750 = arith.addf %add3A_746, %gather3A_749 : vector<16xf32>
      %broadcast_in_dim3A_751 = arith.constant 14 : i32
      %broadcast_in_dim3A_752 = vector.broadcast %broadcast_in_dim3A_751 : i32 to vector<16xi32>
      %gather3A_753 = tpu.vector_load_idx %arg11[%iota3A, %broadcast_in_dim3A_752] : memref<16x16xf32, #tpu.memory_space<vmem>>[vector<16xi32>, vector<16xi32>], vector<16xf32>,
      %add3A_754 = arith.addf %add3A_750, %gather3A_753 : vector<16xf32>
      %broadcast_in_dim3A_755 = arith.constant 15 : i32
      %broadcast_in_dim3A_756 = vector.broadcast %broadcast_in_dim3A_755 : i32 to vector<16xi32>
      %gather3A_757 = tpu.vector_load_idx %arg11[%iota3A, %broadcast_in_dim3A_756] : memref<16x16xf32, #tpu.memory_space<vmem>>[vector<16xi32>, vector<16xi32>], vector<16xf32>,
      %add3A_758 = arith.addf %add3A_754, %gather3A_757 : vector<16xf32>
      %add3A_759 = arith.constant 128 : i32
      %add3A_760 = arith.addi %add3A_759, %add3A_108 : i32
      %get3A_761 = arith.index_cast %add3A_760 : i32 to index
      %get3A_762 = tpu.vector_load %arg8[%get3A_761] {strides = array<i32>} : memref<512xf32, #tpu.memory_space<vmem>>, vector<16xf32>,
      %mul3A_763 = arith.mulf %add3A_758, %get3A_762 : vector<16xf32>
      %get3A_764 = arith.index_cast %add3A_760 : i32 to index
      %get3A_765 = tpu.vector_load %arg9[%get3A_764] {strides = array<i32>} : memref<512xf32, #tpu.memory_space<vmem>>, vector<16xf32>,
      %mul3A_766 = arith.mulf %mul3A_763, %get3A_765 : vector<16xf32>
      %swap3A_767 = arith.index_cast %add3A_760 : i32 to index
      %swap3A_768 = tpu.vector_load %arg10[%swap3A_767] {strides = array<i32>} : memref<512xf32, #tpu.memory_space<vmem>>, vector<16xf32>,
      tpu.vector_store %arg10[%swap3A_767], %mul3A_766 {strides = array<i32>} : memref<512xf32, #tpu.memory_space<vmem>>, vector<16xf32>,
    }
    %scan3A_63 = arith.constant 8 : i32
    %dma_start3A_64 = arith.constant 384 : i32
    %dma_start3A_65 = tpu.memref_slice %arg6[%dma_start3A_64] : memref<512xi32, #tpu.memory_space<vmem>> -> memref<128xi32, #tpu.memory_space<vmem>>
    %dma_start3A_66 = arith.constant 0 : i32
    %dma_start3A_67 = arith.constant 0 : i32
    %dma_start3A_68 = tpu.memref_slice %arg4[%dma_start3A_66, %dma_start3A_67] : memref<100000x128xf32, #tpu.memory_space<hbm>> -> memref<100000x128xf32, #tpu.memory_space<hbm>>
    tpu.enqueue_indirect_dma source(%dma_start3A_68 : memref<100000x128xf32, #tpu.memory_space<hbm>>) target(%arg13 : memref<128x128xf32, #tpu.memory_space<vmem>>) offsets(%dma_start3A_65 : memref<128xi32, #tpu.memory_space<vmem>>) semaphore(%arg17 : memref<!tpu.dma_semaphore, #tpu.memory_space<semaphore_mem>>)
    %dma_start3A_69 = arith.constant 384 : i32
    %dma_start3A_70 = tpu.memref_slice %arg7[%dma_start3A_69] : memref<512xi32, #tpu.memory_space<vmem>> -> memref<128xi32, #tpu.memory_space<vmem>>
    %dma_start3A_71 = arith.constant 0 : i32
    %dma_start3A_72 = arith.constant 0 : i32
    %dma_start3A_73 = tpu.memref_slice %arg4[%dma_start3A_71, %dma_start3A_72] : memref<100000x128xf32, #tpu.memory_space<hbm>> -> memref<100000x128xf32, #tpu.memory_space<hbm>>
    tpu.enqueue_indirect_dma source(%dma_start3A_73 : memref<100000x128xf32, #tpu.memory_space<hbm>>) target(%arg15 : memref<128x128xf32, #tpu.memory_space<vmem>>) offsets(%dma_start3A_70 : memref<128xi32, #tpu.memory_space<vmem>>) semaphore(%arg19 : memref<!tpu.dma_semaphore, #tpu.memory_space<semaphore_mem>>)
    %dma_wait3A_74 = arith.constant 256 : i32
    %dma_wait3A_75 = tpu.memref_slice %arg6[%dma_wait3A_74] : memref<512xi32, #tpu.memory_space<vmem>> -> memref<128xi32, #tpu.memory_space<vmem>>
    %dma_wait3A_76 = arith.constant 0 : i32
    %dma_wait3A_77 = arith.constant 0 : i32
    %dma_wait3A_78 = tpu.memref_slice %arg4[%dma_wait3A_76, %dma_wait3A_77] : memref<100000x128xf32, #tpu.memory_space<hbm>> -> memref<100000x128xf32, #tpu.memory_space<hbm>>
    tpu.wait_indirect_dma semaphore(%arg16 : memref<!tpu.dma_semaphore, #tpu.memory_space<semaphore_mem>>) src(%dma_wait3A_78 : memref<100000x128xf32, #tpu.memory_space<hbm>>) dst(%arg12 : memref<128x128xf32, #tpu.memory_space<vmem>>)
    %dma_wait3A_79 = arith.constant 256 : i32
    %dma_wait3A_80 = tpu.memref_slice %arg7[%dma_wait3A_79] : memref<512xi32, #tpu.memory_space<vmem>> -> memref<128xi32, #tpu.memory_space<vmem>>
    %dma_wait3A_81 = arith.constant 0 : i32
    %dma_wait3A_82 = arith.constant 0 : i32
    %dma_wait3A_83 = tpu.memref_slice %arg4[%dma_wait3A_81, %dma_wait3A_82] : memref<100000x128xf32, #tpu.memory_space<hbm>> -> memref<100000x128xf32, #tpu.memory_space<hbm>>
    tpu.wait_indirect_dma semaphore(%arg18 : memref<!tpu.dma_semaphore, #tpu.memory_space<semaphore_mem>>) src(%dma_wait3A_83 : memref<100000x128xf32, #tpu.memory_space<hbm>>) dst(%arg14 : memref<128x128xf32, #tpu.memory_space<vmem>>)
    %scan3A_84 = arith.constant 0 : i32
    %scan3A_85 = arith.constant 8 : i32
    %scan3A_86 = arith.addi %scan3A_84, %scan3A_85 : i32
    %scan3A_87 = arith.constant 1 : i32
    scf.for %scan3A_104 = %scan3A_84 to %scan3A_86 step %scan3A_87  : i32 {
      %mul3A_105 = arith.constant 16 : i32
      %mul3A_106 = arith.muli %scan3A_104, %mul3A_105 : i32
      %add3A_107 = arith.constant 0 : i32
      %add3A_108 = arith.addi %add3A_107, %mul3A_106 : i32
      %add3A_109 = arith.constant 0 : i32
      %add3A_110 = arith.addi %add3A_108, %add3A_109 : i32
      %get3A = arith.index_cast %add3A_110 : i32 to index
      %get3A_111 = arith.constant 0 : index
      %get3A_112 = tpu.vector_load %arg12[%get3A, %get3A_111] {strides = array<i32>} : memref<128x128xf32, #tpu.memory_space<vmem>>, vector<16xf32>,
      %get3A_113 = arith.index_cast %add3A_110 : i32 to index
      %get3A_114 = arith.constant 0 : index
      %get3A_115 = tpu.vector_load %arg14[%get3A_113, %get3A_114] {strides = array<i32>} : memref<128x128xf32, #tpu.memory_space<vmem>>, vector<16xf32>,
      %mul3A_116 = arith.mulf %get3A_112, %get3A_115 : vector<16xf32>
      %get3A_117 = arith.index_cast %add3A_110 : i32 to index
      %get3A_118 = arith.constant 16 : index
      %get3A_119 = tpu.vector_load %arg12[%get3A_117, %get3A_118] {strides = array<i32>} : memref<128x128xf32, #tpu.memory_space<vmem>>, vector<16xf32>,
      %get3A_120 = arith.index_cast %add3A_110 : i32 to index
      %get3A_121 = arith.constant 16 : index
      %get3A_122 = tpu.vector_load %arg14[%get3A_120, %get3A_121] {strides = array<i32>} : memref<128x128xf32, #tpu.memory_space<vmem>>, vector<16xf32>,
      %mul3A_123 = arith.mulf %get3A_119, %get3A_122 : vector<16xf32>
      %add3A_124 = arith.addf %mul3A_116, %mul3A_123 : vector<16xf32>
      %get3A_125 = arith.index_cast %add3A_110 : i32 to index
      %get3A_126 = arith.constant 32 : index
      %get3A_127 = tpu.vector_load %arg12[%get3A_125, %get3A_126] {strides = array<i32>} : memref<128x128xf32, #tpu.memory_space<vmem>>, vector<16xf32>,
      %get3A_128 = arith.index_cast %add3A_110 : i32 to index
      %get3A_129 = arith.constant 32 : index
      %get3A_130 = tpu.vector_load %arg14[%get3A_128, %get3A_129] {strides = array<i32>} : memref<128x128xf32, #tpu.memory_space<vmem>>, vector<16xf32>,
      %mul3A_131 = arith.mulf %get3A_127, %get3A_130 : vector<16xf32>
      %add3A_132 = arith.addf %add3A_124, %mul3A_131 : vector<16xf32>
      %get3A_133 = arith.index_cast %add3A_110 : i32 to index
      %get3A_134 = arith.constant 48 : index
      %get3A_135 = tpu.vector_load %arg12[%get3A_133, %get3A_134] {strides = array<i32>} : memref<128x128xf32, #tpu.memory_space<vmem>>, vector<16xf32>,
      %get3A_136 = arith.index_cast %add3A_110 : i32 to index
      %get3A_137 = arith.constant 48 : index
      %get3A_138 = tpu.vector_load %arg14[%get3A_136, %get3A_137] {strides = array<i32>} : memref<128x128xf32, #tpu.memory_space<vmem>>, vector<16xf32>,
      %mul3A_139 = arith.mulf %get3A_135, %get3A_138 : vector<16xf32>
      %add3A_140 = arith.addf %add3A_132, %mul3A_139 : vector<16xf32>
      %swap3A = arith.constant 0 : i32
      %swap3A_141 = arith.index_cast %swap3A : i32 to index
      %swap3A_142 = arith.constant 0 : index
      %swap3A_143 = tpu.vector_load %arg11[%swap3A_141, %swap3A_142] {strides = array<i32>} : memref<16x16xf32, #tpu.memory_space<vmem>>, vector<16xf32>,
      tpu.vector_store %arg11[%swap3A_141, %swap3A_142], %add3A_140 {strides = array<i32>} : memref<16x16xf32, #tpu.memory_space<vmem>>, vector<16xf32>,
      %add3A_144 = arith.constant 1 : i32
      %add3A_145 = arith.addi %add3A_108, %add3A_144 : i32
      %get3A_146 = arith.index_cast %add3A_145 : i32 to index
      %get3A_147 = arith.constant 0 : index
      %get3A_148 = tpu.vector_load %arg12[%get3A_146, %get3A_147] {strides = array<i32>} : memref<128x128xf32, #tpu.memory_space<vmem>>, vector<16xf32>,
      %get3A_149 = arith.index_cast %add3A_145 : i32 to index
      %get3A_150 = arith.constant 0 : index
      %get3A_151 = tpu.vector_load %arg14[%get3A_149, %get3A_150] {strides = array<i32>} : memref<128x128xf32, #tpu.memory_space<vmem>>, vector<16xf32>,
      %mul3A_152 = arith.mulf %get3A_148, %get3A_151 : vector<16xf32>
      %get3A_153 = arith.index_cast %add3A_145 : i32 to index
      %get3A_154 = arith.constant 16 : index
      %get3A_155 = tpu.vector_load %arg12[%get3A_153, %get3A_154] {strides = array<i32>} : memref<128x128xf32, #tpu.memory_space<vmem>>, vector<16xf32>,
      %get3A_156 = arith.index_cast %add3A_145 : i32 to index
      %get3A_157 = arith.constant 16 : index
      %get3A_158 = tpu.vector_load %arg14[%get3A_156, %get3A_157] {strides = array<i32>} : memref<128x128xf32, #tpu.memory_space<vmem>>, vector<16xf32>,
      %mul3A_159 = arith.mulf %get3A_155, %get3A_158 : vector<16xf32>
      %add3A_160 = arith.addf %mul3A_152, %mul3A_159 : vector<16xf32>
      %get3A_161 = arith.index_cast %add3A_145 : i32 to index
      %get3A_162 = arith.constant 32 : index
      %get3A_163 = tpu.vector_load %arg12[%get3A_161, %get3A_162] {strides = array<i32>} : memref<128x128xf32, #tpu.memory_space<vmem>>, vector<16xf32>,
      %get3A_164 = arith.index_cast %add3A_145 : i32 to index
      %get3A_165 = arith.constant 32 : index
      %get3A_166 = tpu.vector_load %arg14[%get3A_164, %get3A_165] {strides = array<i32>} : memref<128x128xf32, #tpu.memory_space<vmem>>, vector<16xf32>,
      %mul3A_167 = arith.mulf %get3A_163, %get3A_166 : vector<16xf32>
      %add3A_168 = arith.addf %add3A_160, %mul3A_167 : vector<16xf32>
      %get3A_169 = arith.index_cast %add3A_145 : i32 to index
      %get3A_170 = arith.constant 48 : index
      %get3A_171 = tpu.vector_load %arg12[%get3A_169, %get3A_170] {strides = array<i32>} : memref<128x128xf32, #tpu.memory_space<vmem>>, vector<16xf32>,
      %get3A_172 = arith.index_cast %add3A_145 : i32 to index
      %get3A_173 = arith.constant 48 : index
      %get3A_174 = tpu.vector_load %arg14[%get3A_172, %get3A_173] {strides = array<i32>} : memref<128x128xf32, #tpu.memory_space<vmem>>, vector<16xf32>,
      %mul3A_175 = arith.mulf %get3A_171, %get3A_174 : vector<16xf32>
      %add3A_176 = arith.addf %add3A_168, %mul3A_175 : vector<16xf32>
      %swap3A_177 = arith.constant 1 : i32
      %swap3A_178 = arith.index_cast %swap3A_177 : i32 to index
      %swap3A_179 = arith.constant 0 : index
      %swap3A_180 = tpu.vector_load %arg11[%swap3A_178, %swap3A_179] {strides = array<i32>} : memref<16x16xf32, #tpu.memory_space<vmem>>, vector<16xf32>,
      tpu.vector_store %arg11[%swap3A_178, %swap3A_179], %add3A_176 {strides = array<i32>} : memref<16x16xf32, #tpu.memory_space<vmem>>, vector<16xf32>,
      %add3A_181 = arith.constant 2 : i32
      %add3A_182 = arith.addi %add3A_108, %add3A_181 : i32
      %get3A_183 = arith.index_cast %add3A_182 : i32 to index
      %get3A_184 = arith.constant 0 : index
      %get3A_185 = tpu.vector_load %arg12[%get3A_183, %get3A_184] {strides = array<i32>} : memref<128x128xf32, #tpu.memory_space<vmem>>, vector<16xf32>,
      %get3A_186 = arith.index_cast %add3A_182 : i32 to index
      %get3A_187 = arith.constant 0 : index
      %get3A_188 = tpu.vector_load %arg14[%get3A_186, %get3A_187] {strides = array<i32>} : memref<128x128xf32, #tpu.memory_space<vmem>>, vector<16xf32>,
      %mul3A_189 = arith.mulf %get3A_185, %get3A_188 : vector<16xf32>
      %get3A_190 = arith.index_cast %add3A_182 : i32 to index
      %get3A_191 = arith.constant 16 : index
      %get3A_192 = tpu.vector_load %arg12[%get3A_190, %get3A_191] {strides = array<i32>} : memref<128x128xf32, #tpu.memory_space<vmem>>, vector<16xf32>,
      %get3A_193 = arith.index_cast %add3A_182 : i32 to index
      %get3A_194 = arith.constant 16 : index
      %get3A_195 = tpu.vector_load %arg14[%get3A_193, %get3A_194] {strides = array<i32>} : memref<128x128xf32, #tpu.memory_space<vmem>>, vector<16xf32>,
      %mul3A_196 = arith.mulf %get3A_192, %get3A_195 : vector<16xf32>
      %add3A_197 = arith.addf %mul3A_189, %mul3A_196 : vector<16xf32>
      %get3A_198 = arith.index_cast %add3A_182 : i32 to index
      %get3A_199 = arith.constant 32 : index
      %get3A_200 = tpu.vector_load %arg12[%get3A_198, %get3A_199] {strides = array<i32>} : memref<128x128xf32, #tpu.memory_space<vmem>>, vector<16xf32>,
      %get3A_201 = arith.index_cast %add3A_182 : i32 to index
      %get3A_202 = arith.constant 32 : index
      %get3A_203 = tpu.vector_load %arg14[%get3A_201, %get3A_202] {strides = array<i32>} : memref<128x128xf32, #tpu.memory_space<vmem>>, vector<16xf32>,
      %mul3A_204 = arith.mulf %get3A_200, %get3A_203 : vector<16xf32>
      %add3A_205 = arith.addf %add3A_197, %mul3A_204 : vector<16xf32>
      %get3A_206 = arith.index_cast %add3A_182 : i32 to index
      %get3A_207 = arith.constant 48 : index
      %get3A_208 = tpu.vector_load %arg12[%get3A_206, %get3A_207] {strides = array<i32>} : memref<128x128xf32, #tpu.memory_space<vmem>>, vector<16xf32>,
      %get3A_209 = arith.index_cast %add3A_182 : i32 to index
      %get3A_210 = arith.constant 48 : index
      %get3A_211 = tpu.vector_load %arg14[%get3A_209, %get3A_210] {strides = array<i32>} : memref<128x128xf32, #tpu.memory_space<vmem>>, vector<16xf32>,
      %mul3A_212 = arith.mulf %get3A_208, %get3A_211 : vector<16xf32>
      %add3A_213 = arith.addf %add3A_205, %mul3A_212 : vector<16xf32>
      %swap3A_214 = arith.constant 2 : i32
      %swap3A_215 = arith.index_cast %swap3A_214 : i32 to index
      %swap3A_216 = arith.constant 0 : index
      %swap3A_217 = tpu.vector_load %arg11[%swap3A_215, %swap3A_216] {strides = array<i32>} : memref<16x16xf32, #tpu.memory_space<vmem>>, vector<16xf32>,
      tpu.vector_store %arg11[%swap3A_215, %swap3A_216], %add3A_213 {strides = array<i32>} : memref<16x16xf32, #tpu.memory_space<vmem>>, vector<16xf32>,
      %add3A_218 = arith.constant 3 : i32
      %add3A_219 = arith.addi %add3A_108, %add3A_218 : i32
      %get3A_220 = arith.index_cast %add3A_219 : i32 to index
      %get3A_221 = arith.constant 0 : index
      %get3A_222 = tpu.vector_load %arg12[%get3A_220, %get3A_221] {strides = array<i32>} : memref<128x128xf32, #tpu.memory_space<vmem>>, vector<16xf32>,
      %get3A_223 = arith.index_cast %add3A_219 : i32 to index
      %get3A_224 = arith.constant 0 : index
      %get3A_225 = tpu.vector_load %arg14[%get3A_223, %get3A_224] {strides = array<i32>} : memref<128x128xf32, #tpu.memory_space<vmem>>, vector<16xf32>,
      %mul3A_226 = arith.mulf %get3A_222, %get3A_225 : vector<16xf32>
      %get3A_227 = arith.index_cast %add3A_219 : i32 to index
      %get3A_228 = arith.constant 16 : index
      %get3A_229 = tpu.vector_load %arg12[%get3A_227, %get3A_228] {strides = array<i32>} : memref<128x128xf32, #tpu.memory_space<vmem>>, vector<16xf32>,
      %get3A_230 = arith.index_cast %add3A_219 : i32 to index
      %get3A_231 = arith.constant 16 : index
      %get3A_232 = tpu.vector_load %arg14[%get3A_230, %get3A_231] {strides = array<i32>} : memref<128x128xf32, #tpu.memory_space<vmem>>, vector<16xf32>,
      %mul3A_233 = arith.mulf %get3A_229, %get3A_232 : vector<16xf32>
      %add3A_234 = arith.addf %mul3A_226, %mul3A_233 : vector<16xf32>
      %get3A_235 = arith.index_cast %add3A_219 : i32 to index
      %get3A_236 = arith.constant 32 : index
      %get3A_237 = tpu.vector_load %arg12[%get3A_235, %get3A_236] {strides = array<i32>} : memref<128x128xf32, #tpu.memory_space<vmem>>, vector<16xf32>,
      %get3A_238 = arith.index_cast %add3A_219 : i32 to index
      %get3A_239 = arith.constant 32 : index
      %get3A_240 = tpu.vector_load %arg14[%get3A_238, %get3A_239] {strides = array<i32>} : memref<128x128xf32, #tpu.memory_space<vmem>>, vector<16xf32>,
      %mul3A_241 = arith.mulf %get3A_237, %get3A_240 : vector<16xf32>
      %add3A_242 = arith.addf %add3A_234, %mul3A_241 : vector<16xf32>
      %get3A_243 = arith.index_cast %add3A_219 : i32 to index
      %get3A_244 = arith.constant 48 : index
      %get3A_245 = tpu.vector_load %arg12[%get3A_243, %get3A_244] {strides = array<i32>} : memref<128x128xf32, #tpu.memory_space<vmem>>, vector<16xf32>,
      %get3A_246 = arith.index_cast %add3A_219 : i32 to index
      %get3A_247 = arith.constant 48 : index
      %get3A_248 = tpu.vector_load %arg14[%get3A_246, %get3A_247] {strides = array<i32>} : memref<128x128xf32, #tpu.memory_space<vmem>>, vector<16xf32>,
      %mul3A_249 = arith.mulf %get3A_245, %get3A_248 : vector<16xf32>
      %add3A_250 = arith.addf %add3A_242, %mul3A_249 : vector<16xf32>
      %swap3A_251 = arith.constant 3 : i32
      %swap3A_252 = arith.index_cast %swap3A_251 : i32 to index
      %swap3A_253 = arith.constant 0 : index
      %swap3A_254 = tpu.vector_load %arg11[%swap3A_252, %swap3A_253] {strides = array<i32>} : memref<16x16xf32, #tpu.memory_space<vmem>>, vector<16xf32>,
      tpu.vector_store %arg11[%swap3A_252, %swap3A_253], %add3A_250 {strides = array<i32>} : memref<16x16xf32, #tpu.memory_space<vmem>>, vector<16xf32>,
      %add3A_255 = arith.constant 4 : i32
      %add3A_256 = arith.addi %add3A_108, %add3A_255 : i32
      %get3A_257 = arith.index_cast %add3A_256 : i32 to index
      %get3A_258 = arith.constant 0 : index
      %get3A_259 = tpu.vector_load %arg12[%get3A_257, %get3A_258] {strides = array<i32>} : memref<128x128xf32, #tpu.memory_space<vmem>>, vector<16xf32>,
      %get3A_260 = arith.index_cast %add3A_256 : i32 to index
      %get3A_261 = arith.constant 0 : index
      %get3A_262 = tpu.vector_load %arg14[%get3A_260, %get3A_261] {strides = array<i32>} : memref<128x128xf32, #tpu.memory_space<vmem>>, vector<16xf32>,
      %mul3A_263 = arith.mulf %get3A_259, %get3A_262 : vector<16xf32>
      %get3A_264 = arith.index_cast %add3A_256 : i32 to index
      %get3A_265 = arith.constant 16 : index
      %get3A_266 = tpu.vector_load %arg12[%get3A_264, %get3A_265] {strides = array<i32>} : memref<128x128xf32, #tpu.memory_space<vmem>>, vector<16xf32>,
      %get3A_267 = arith.index_cast %add3A_256 : i32 to index
      %get3A_268 = arith.constant 16 : index
      %get3A_269 = tpu.vector_load %arg14[%get3A_267, %get3A_268] {strides = array<i32>} : memref<128x128xf32, #tpu.memory_space<vmem>>, vector<16xf32>,
      %mul3A_270 = arith.mulf %get3A_266, %get3A_269 : vector<16xf32>
      %add3A_271 = arith.addf %mul3A_263, %mul3A_270 : vector<16xf32>
      %get3A_272 = arith.index_cast %add3A_256 : i32 to index
      %get3A_273 = arith.constant 32 : index
      %get3A_274 = tpu.vector_load %arg12[%get3A_272, %get3A_273] {strides = array<i32>} : memref<128x128xf32, #tpu.memory_space<vmem>>, vector<16xf32>,
      %get3A_275 = arith.index_cast %add3A_256 : i32 to index
      %get3A_276 = arith.constant 32 : index
      %get3A_277 = tpu.vector_load %arg14[%get3A_275, %get3A_276] {strides = array<i32>} : memref<128x128xf32, #tpu.memory_space<vmem>>, vector<16xf32>,
      %mul3A_278 = arith.mulf %get3A_274, %get3A_277 : vector<16xf32>
      %add3A_279 = arith.addf %add3A_271, %mul3A_278 : vector<16xf32>
      %get3A_280 = arith.index_cast %add3A_256 : i32 to index
      %get3A_281 = arith.constant 48 : index
      %get3A_282 = tpu.vector_load %arg12[%get3A_280, %get3A_281] {strides = array<i32>} : memref<128x128xf32, #tpu.memory_space<vmem>>, vector<16xf32>,
      %get3A_283 = arith.index_cast %add3A_256 : i32 to index
      %get3A_284 = arith.constant 48 : index
      %get3A_285 = tpu.vector_load %arg14[%get3A_283, %get3A_284] {strides = array<i32>} : memref<128x128xf32, #tpu.memory_space<vmem>>, vector<16xf32>,
      %mul3A_286 = arith.mulf %get3A_282, %get3A_285 : vector<16xf32>
      %add3A_287 = arith.addf %add3A_279, %mul3A_286 : vector<16xf32>
      %swap3A_288 = arith.constant 4 : i32
      %swap3A_289 = arith.index_cast %swap3A_288 : i32 to index
      %swap3A_290 = arith.constant 0 : index
      %swap3A_291 = tpu.vector_load %arg11[%swap3A_289, %swap3A_290] {strides = array<i32>} : memref<16x16xf32, #tpu.memory_space<vmem>>, vector<16xf32>,
      tpu.vector_store %arg11[%swap3A_289, %swap3A_290], %add3A_287 {strides = array<i32>} : memref<16x16xf32, #tpu.memory_space<vmem>>, vector<16xf32>,
      %add3A_292 = arith.constant 5 : i32
      %add3A_293 = arith.addi %add3A_108, %add3A_292 : i32
      %get3A_294 = arith.index_cast %add3A_293 : i32 to index
      %get3A_295 = arith.constant 0 : index
      %get3A_296 = tpu.vector_load %arg12[%get3A_294, %get3A_295] {strides = array<i32>} : memref<128x128xf32, #tpu.memory_space<vmem>>, vector<16xf32>,
      %get3A_297 = arith.index_cast %add3A_293 : i32 to index
      %get3A_298 = arith.constant 0 : index
      %get3A_299 = tpu.vector_load %arg14[%get3A_297, %get3A_298] {strides = array<i32>} : memref<128x128xf32, #tpu.memory_space<vmem>>, vector<16xf32>,
      %mul3A_300 = arith.mulf %get3A_296, %get3A_299 : vector<16xf32>
      %get3A_301 = arith.index_cast %add3A_293 : i32 to index
      %get3A_302 = arith.constant 16 : index
      %get3A_303 = tpu.vector_load %arg12[%get3A_301, %get3A_302] {strides = array<i32>} : memref<128x128xf32, #tpu.memory_space<vmem>>, vector<16xf32>,
      %get3A_304 = arith.index_cast %add3A_293 : i32 to index
      %get3A_305 = arith.constant 16 : index
      %get3A_306 = tpu.vector_load %arg14[%get3A_304, %get3A_305] {strides = array<i32>} : memref<128x128xf32, #tpu.memory_space<vmem>>, vector<16xf32>,
      %mul3A_307 = arith.mulf %get3A_303, %get3A_306 : vector<16xf32>
      %add3A_308 = arith.addf %mul3A_300, %mul3A_307 : vector<16xf32>
      %get3A_309 = arith.index_cast %add3A_293 : i32 to index
      %get3A_310 = arith.constant 32 : index
      %get3A_311 = tpu.vector_load %arg12[%get3A_309, %get3A_310] {strides = array<i32>} : memref<128x128xf32, #tpu.memory_space<vmem>>, vector<16xf32>,
      %get3A_312 = arith.index_cast %add3A_293 : i32 to index
      %get3A_313 = arith.constant 32 : index
      %get3A_314 = tpu.vector_load %arg14[%get3A_312, %get3A_313] {strides = array<i32>} : memref<128x128xf32, #tpu.memory_space<vmem>>, vector<16xf32>,
      %mul3A_315 = arith.mulf %get3A_311, %get3A_314 : vector<16xf32>
      %add3A_316 = arith.addf %add3A_308, %mul3A_315 : vector<16xf32>
      %get3A_317 = arith.index_cast %add3A_293 : i32 to index
      %get3A_318 = arith.constant 48 : index
      %get3A_319 = tpu.vector_load %arg12[%get3A_317, %get3A_318] {strides = array<i32>} : memref<128x128xf32, #tpu.memory_space<vmem>>, vector<16xf32>,
      %get3A_320 = arith.index_cast %add3A_293 : i32 to index
      %get3A_321 = arith.constant 48 : index
      %get3A_322 = tpu.vector_load %arg14[%get3A_320, %get3A_321] {strides = array<i32>} : memref<128x128xf32, #tpu.memory_space<vmem>>, vector<16xf32>,
      %mul3A_323 = arith.mulf %get3A_319, %get3A_322 : vector<16xf32>
      %add3A_324 = arith.addf %add3A_316, %mul3A_323 : vector<16xf32>
      %swap3A_325 = arith.constant 5 : i32
      %swap3A_326 = arith.index_cast %swap3A_325 : i32 to index
      %swap3A_327 = arith.constant 0 : index
      %swap3A_328 = tpu.vector_load %arg11[%swap3A_326, %swap3A_327] {strides = array<i32>} : memref<16x16xf32, #tpu.memory_space<vmem>>, vector<16xf32>,
      tpu.vector_store %arg11[%swap3A_326, %swap3A_327], %add3A_324 {strides = array<i32>} : memref<16x16xf32, #tpu.memory_space<vmem>>, vector<16xf32>,
      %add3A_329 = arith.constant 6 : i32
      %add3A_330 = arith.addi %add3A_108, %add3A_329 : i32
      %get3A_331 = arith.index_cast %add3A_330 : i32 to index
      %get3A_332 = arith.constant 0 : index
      %get3A_333 = tpu.vector_load %arg12[%get3A_331, %get3A_332] {strides = array<i32>} : memref<128x128xf32, #tpu.memory_space<vmem>>, vector<16xf32>,
      %get3A_334 = arith.index_cast %add3A_330 : i32 to index
      %get3A_335 = arith.constant 0 : index
      %get3A_336 = tpu.vector_load %arg14[%get3A_334, %get3A_335] {strides = array<i32>} : memref<128x128xf32, #tpu.memory_space<vmem>>, vector<16xf32>,
      %mul3A_337 = arith.mulf %get3A_333, %get3A_336 : vector<16xf32>
      %get3A_338 = arith.index_cast %add3A_330 : i32 to index
      %get3A_339 = arith.constant 16 : index
      %get3A_340 = tpu.vector_load %arg12[%get3A_338, %get3A_339] {strides = array<i32>} : memref<128x128xf32, #tpu.memory_space<vmem>>, vector<16xf32>,
      %get3A_341 = arith.index_cast %add3A_330 : i32 to index
      %get3A_342 = arith.constant 16 : index
      %get3A_343 = tpu.vector_load %arg14[%get3A_341, %get3A_342] {strides = array<i32>} : memref<128x128xf32, #tpu.memory_space<vmem>>, vector<16xf32>,
      %mul3A_344 = arith.mulf %get3A_340, %get3A_343 : vector<16xf32>
      %add3A_345 = arith.addf %mul3A_337, %mul3A_344 : vector<16xf32>
      %get3A_346 = arith.index_cast %add3A_330 : i32 to index
      %get3A_347 = arith.constant 32 : index
      %get3A_348 = tpu.vector_load %arg12[%get3A_346, %get3A_347] {strides = array<i32>} : memref<128x128xf32, #tpu.memory_space<vmem>>, vector<16xf32>,
      %get3A_349 = arith.index_cast %add3A_330 : i32 to index
      %get3A_350 = arith.constant 32 : index
      %get3A_351 = tpu.vector_load %arg14[%get3A_349, %get3A_350] {strides = array<i32>} : memref<128x128xf32, #tpu.memory_space<vmem>>, vector<16xf32>,
      %mul3A_352 = arith.mulf %get3A_348, %get3A_351 : vector<16xf32>
      %add3A_353 = arith.addf %add3A_345, %mul3A_352 : vector<16xf32>
      %get3A_354 = arith.index_cast %add3A_330 : i32 to index
      %get3A_355 = arith.constant 48 : index
      %get3A_356 = tpu.vector_load %arg12[%get3A_354, %get3A_355] {strides = array<i32>} : memref<128x128xf32, #tpu.memory_space<vmem>>, vector<16xf32>,
      %get3A_357 = arith.index_cast %add3A_330 : i32 to index
      %get3A_358 = arith.constant 48 : index
      %get3A_359 = tpu.vector_load %arg14[%get3A_357, %get3A_358] {strides = array<i32>} : memref<128x128xf32, #tpu.memory_space<vmem>>, vector<16xf32>,
      %mul3A_360 = arith.mulf %get3A_356, %get3A_359 : vector<16xf32>
      %add3A_361 = arith.addf %add3A_353, %mul3A_360 : vector<16xf32>
      %swap3A_362 = arith.constant 6 : i32
      %swap3A_363 = arith.index_cast %swap3A_362 : i32 to index
      %swap3A_364 = arith.constant 0 : index
      %swap3A_365 = tpu.vector_load %arg11[%swap3A_363, %swap3A_364] {strides = array<i32>} : memref<16x16xf32, #tpu.memory_space<vmem>>, vector<16xf32>,
      tpu.vector_store %arg11[%swap3A_363, %swap3A_364], %add3A_361 {strides = array<i32>} : memref<16x16xf32, #tpu.memory_space<vmem>>, vector<16xf32>,
      %add3A_366 = arith.constant 7 : i32
      %add3A_367 = arith.addi %add3A_108, %add3A_366 : i32
      %get3A_368 = arith.index_cast %add3A_367 : i32 to index
      %get3A_369 = arith.constant 0 : index
      %get3A_370 = tpu.vector_load %arg12[%get3A_368, %get3A_369] {strides = array<i32>} : memref<128x128xf32, #tpu.memory_space<vmem>>, vector<16xf32>,
      %get3A_371 = arith.index_cast %add3A_367 : i32 to index
      %get3A_372 = arith.constant 0 : index
      %get3A_373 = tpu.vector_load %arg14[%get3A_371, %get3A_372] {strides = array<i32>} : memref<128x128xf32, #tpu.memory_space<vmem>>, vector<16xf32>,
      %mul3A_374 = arith.mulf %get3A_370, %get3A_373 : vector<16xf32>
      %get3A_375 = arith.index_cast %add3A_367 : i32 to index
      %get3A_376 = arith.constant 16 : index
      %get3A_377 = tpu.vector_load %arg12[%get3A_375, %get3A_376] {strides = array<i32>} : memref<128x128xf32, #tpu.memory_space<vmem>>, vector<16xf32>,
      %get3A_378 = arith.index_cast %add3A_367 : i32 to index
      %get3A_379 = arith.constant 16 : index
      %get3A_380 = tpu.vector_load %arg14[%get3A_378, %get3A_379] {strides = array<i32>} : memref<128x128xf32, #tpu.memory_space<vmem>>, vector<16xf32>,
      %mul3A_381 = arith.mulf %get3A_377, %get3A_380 : vector<16xf32>
      %add3A_382 = arith.addf %mul3A_374, %mul3A_381 : vector<16xf32>
      %get3A_383 = arith.index_cast %add3A_367 : i32 to index
      %get3A_384 = arith.constant 32 : index
      %get3A_385 = tpu.vector_load %arg12[%get3A_383, %get3A_384] {strides = array<i32>} : memref<128x128xf32, #tpu.memory_space<vmem>>, vector<16xf32>,
      %get3A_386 = arith.index_cast %add3A_367 : i32 to index
      %get3A_387 = arith.constant 32 : index
      %get3A_388 = tpu.vector_load %arg14[%get3A_386, %get3A_387] {strides = array<i32>} : memref<128x128xf32, #tpu.memory_space<vmem>>, vector<16xf32>,
      %mul3A_389 = arith.mulf %get3A_385, %get3A_388 : vector<16xf32>
      %add3A_390 = arith.addf %add3A_382, %mul3A_389 : vector<16xf32>
      %get3A_391 = arith.index_cast %add3A_367 : i32 to index
      %get3A_392 = arith.constant 48 : index
      %get3A_393 = tpu.vector_load %arg12[%get3A_391, %get3A_392] {strides = array<i32>} : memref<128x128xf32, #tpu.memory_space<vmem>>, vector<16xf32>,
      %get3A_394 = arith.index_cast %add3A_367 : i32 to index
      %get3A_395 = arith.constant 48 : index
      %get3A_396 = tpu.vector_load %arg14[%get3A_394, %get3A_395] {strides = array<i32>} : memref<128x128xf32, #tpu.memory_space<vmem>>, vector<16xf32>,
      %mul3A_397 = arith.mulf %get3A_393, %get3A_396 : vector<16xf32>
      %add3A_398 = arith.addf %add3A_390, %mul3A_397 : vector<16xf32>
      %swap3A_399 = arith.constant 7 : i32
      %swap3A_400 = arith.index_cast %swap3A_399 : i32 to index
      %swap3A_401 = arith.constant 0 : index
      %swap3A_402 = tpu.vector_load %arg11[%swap3A_400, %swap3A_401] {strides = array<i32>} : memref<16x16xf32, #tpu.memory_space<vmem>>, vector<16xf32>,
      tpu.vector_store %arg11[%swap3A_400, %swap3A_401], %add3A_398 {strides = array<i32>} : memref<16x16xf32, #tpu.memory_space<vmem>>, vector<16xf32>,
      %add3A_403 = arith.constant 8 : i32
      %add3A_404 = arith.addi %add3A_108, %add3A_403 : i32
      %get3A_405 = arith.index_cast %add3A_404 : i32 to index
      %get3A_406 = arith.constant 0 : index
      %get3A_407 = tpu.vector_load %arg12[%get3A_405, %get3A_406] {strides = array<i32>} : memref<128x128xf32, #tpu.memory_space<vmem>>, vector<16xf32>,
      %get3A_408 = arith.index_cast %add3A_404 : i32 to index
      %get3A_409 = arith.constant 0 : index
      %get3A_410 = tpu.vector_load %arg14[%get3A_408, %get3A_409] {strides = array<i32>} : memref<128x128xf32, #tpu.memory_space<vmem>>, vector<16xf32>,
      %mul3A_411 = arith.mulf %get3A_407, %get3A_410 : vector<16xf32>
      %get3A_412 = arith.index_cast %add3A_404 : i32 to index
      %get3A_413 = arith.constant 16 : index
      %get3A_414 = tpu.vector_load %arg12[%get3A_412, %get3A_413] {strides = array<i32>} : memref<128x128xf32, #tpu.memory_space<vmem>>, vector<16xf32>,
      %get3A_415 = arith.index_cast %add3A_404 : i32 to index
      %get3A_416 = arith.constant 16 : index
      %get3A_417 = tpu.vector_load %arg14[%get3A_415, %get3A_416] {strides = array<i32>} : memref<128x128xf32, #tpu.memory_space<vmem>>, vector<16xf32>,
      %mul3A_418 = arith.mulf %get3A_414, %get3A_417 : vector<16xf32>
      %add3A_419 = arith.addf %mul3A_411, %mul3A_418 : vector<16xf32>
      %get3A_420 = arith.index_cast %add3A_404 : i32 to index
      %get3A_421 = arith.constant 32 : index
      %get3A_422 = tpu.vector_load %arg12[%get3A_420, %get3A_421] {strides = array<i32>} : memref<128x128xf32, #tpu.memory_space<vmem>>, vector<16xf32>,
      %get3A_423 = arith.index_cast %add3A_404 : i32 to index
      %get3A_424 = arith.constant 32 : index
      %get3A_425 = tpu.vector_load %arg14[%get3A_423, %get3A_424] {strides = array<i32>} : memref<128x128xf32, #tpu.memory_space<vmem>>, vector<16xf32>,
      %mul3A_426 = arith.mulf %get3A_422, %get3A_425 : vector<16xf32>
      %add3A_427 = arith.addf %add3A_419, %mul3A_426 : vector<16xf32>
      %get3A_428 = arith.index_cast %add3A_404 : i32 to index
      %get3A_429 = arith.constant 48 : index
      %get3A_430 = tpu.vector_load %arg12[%get3A_428, %get3A_429] {strides = array<i32>} : memref<128x128xf32, #tpu.memory_space<vmem>>, vector<16xf32>,
      %get3A_431 = arith.index_cast %add3A_404 : i32 to index
      %get3A_432 = arith.constant 48 : index
      %get3A_433 = tpu.vector_load %arg14[%get3A_431, %get3A_432] {strides = array<i32>} : memref<128x128xf32, #tpu.memory_space<vmem>>, vector<16xf32>,
      %mul3A_434 = arith.mulf %get3A_430, %get3A_433 : vector<16xf32>
      %add3A_435 = arith.addf %add3A_427, %mul3A_434 : vector<16xf32>
      %swap3A_436 = arith.constant 8 : i32
      %swap3A_437 = arith.index_cast %swap3A_436 : i32 to index
      %swap3A_438 = arith.constant 0 : index
      %swap3A_439 = tpu.vector_load %arg11[%swap3A_437, %swap3A_438] {strides = array<i32>} : memref<16x16xf32, #tpu.memory_space<vmem>>, vector<16xf32>,
      tpu.vector_store %arg11[%swap3A_437, %swap3A_438], %add3A_435 {strides = array<i32>} : memref<16x16xf32, #tpu.memory_space<vmem>>, vector<16xf32>,
      %add3A_440 = arith.constant 9 : i32
      %add3A_441 = arith.addi %add3A_108, %add3A_440 : i32
      %get3A_442 = arith.index_cast %add3A_441 : i32 to index
      %get3A_443 = arith.constant 0 : index
      %get3A_444 = tpu.vector_load %arg12[%get3A_442, %get3A_443] {strides = array<i32>} : memref<128x128xf32, #tpu.memory_space<vmem>>, vector<16xf32>,
      %get3A_445 = arith.index_cast %add3A_441 : i32 to index
      %get3A_446 = arith.constant 0 : index
      %get3A_447 = tpu.vector_load %arg14[%get3A_445, %get3A_446] {strides = array<i32>} : memref<128x128xf32, #tpu.memory_space<vmem>>, vector<16xf32>,
      %mul3A_448 = arith.mulf %get3A_444, %get3A_447 : vector<16xf32>
      %get3A_449 = arith.index_cast %add3A_441 : i32 to index
      %get3A_450 = arith.constant 16 : index
      %get3A_451 = tpu.vector_load %arg12[%get3A_449, %get3A_450] {strides = array<i32>} : memref<128x128xf32, #tpu.memory_space<vmem>>, vector<16xf32>,
      %get3A_452 = arith.index_cast %add3A_441 : i32 to index
      %get3A_453 = arith.constant 16 : index
      %get3A_454 = tpu.vector_load %arg14[%get3A_452, %get3A_453] {strides = array<i32>} : memref<128x128xf32, #tpu.memory_space<vmem>>, vector<16xf32>,
      %mul3A_455 = arith.mulf %get3A_451, %get3A_454 : vector<16xf32>
      %add3A_456 = arith.addf %mul3A_448, %mul3A_455 : vector<16xf32>
      %get3A_457 = arith.index_cast %add3A_441 : i32 to index
      %get3A_458 = arith.constant 32 : index
      %get3A_459 = tpu.vector_load %arg12[%get3A_457, %get3A_458] {strides = array<i32>} : memref<128x128xf32, #tpu.memory_space<vmem>>, vector<16xf32>,
      %get3A_460 = arith.index_cast %add3A_441 : i32 to index
      %get3A_461 = arith.constant 32 : index
      %get3A_462 = tpu.vector_load %arg14[%get3A_460, %get3A_461] {strides = array<i32>} : memref<128x128xf32, #tpu.memory_space<vmem>>, vector<16xf32>,
      %mul3A_463 = arith.mulf %get3A_459, %get3A_462 : vector<16xf32>
      %add3A_464 = arith.addf %add3A_456, %mul3A_463 : vector<16xf32>
      %get3A_465 = arith.index_cast %add3A_441 : i32 to index
      %get3A_466 = arith.constant 48 : index
      %get3A_467 = tpu.vector_load %arg12[%get3A_465, %get3A_466] {strides = array<i32>} : memref<128x128xf32, #tpu.memory_space<vmem>>, vector<16xf32>,
      %get3A_468 = arith.index_cast %add3A_441 : i32 to index
      %get3A_469 = arith.constant 48 : index
      %get3A_470 = tpu.vector_load %arg14[%get3A_468, %get3A_469] {strides = array<i32>} : memref<128x128xf32, #tpu.memory_space<vmem>>, vector<16xf32>,
      %mul3A_471 = arith.mulf %get3A_467, %get3A_470 : vector<16xf32>
      %add3A_472 = arith.addf %add3A_464, %mul3A_471 : vector<16xf32>
      %swap3A_473 = arith.constant 9 : i32
      %swap3A_474 = arith.index_cast %swap3A_473 : i32 to index
      %swap3A_475 = arith.constant 0 : index
      %swap3A_476 = tpu.vector_load %arg11[%swap3A_474, %swap3A_475] {strides = array<i32>} : memref<16x16xf32, #tpu.memory_space<vmem>>, vector<16xf32>,
      tpu.vector_store %arg11[%swap3A_474, %swap3A_475], %add3A_472 {strides = array<i32>} : memref<16x16xf32, #tpu.memory_space<vmem>>, vector<16xf32>,
      %add3A_477 = arith.constant 10 : i32
      %add3A_478 = arith.addi %add3A_108, %add3A_477 : i32
      %get3A_479 = arith.index_cast %add3A_478 : i32 to index
      %get3A_480 = arith.constant 0 : index
      %get3A_481 = tpu.vector_load %arg12[%get3A_479, %get3A_480] {strides = array<i32>} : memref<128x128xf32, #tpu.memory_space<vmem>>, vector<16xf32>,
      %get3A_482 = arith.index_cast %add3A_478 : i32 to index
      %get3A_483 = arith.constant 0 : index
      %get3A_484 = tpu.vector_load %arg14[%get3A_482, %get3A_483] {strides = array<i32>} : memref<128x128xf32, #tpu.memory_space<vmem>>, vector<16xf32>,
      %mul3A_485 = arith.mulf %get3A_481, %get3A_484 : vector<16xf32>
      %get3A_486 = arith.index_cast %add3A_478 : i32 to index
      %get3A_487 = arith.constant 16 : index
      %get3A_488 = tpu.vector_load %arg12[%get3A_486, %get3A_487] {strides = array<i32>} : memref<128x128xf32, #tpu.memory_space<vmem>>, vector<16xf32>,
      %get3A_489 = arith.index_cast %add3A_478 : i32 to index
      %get3A_490 = arith.constant 16 : index
      %get3A_491 = tpu.vector_load %arg14[%get3A_489, %get3A_490] {strides = array<i32>} : memref<128x128xf32, #tpu.memory_space<vmem>>, vector<16xf32>,
      %mul3A_492 = arith.mulf %get3A_488, %get3A_491 : vector<16xf32>
      %add3A_493 = arith.addf %mul3A_485, %mul3A_492 : vector<16xf32>
      %get3A_494 = arith.index_cast %add3A_478 : i32 to index
      %get3A_495 = arith.constant 32 : index
      %get3A_496 = tpu.vector_load %arg12[%get3A_494, %get3A_495] {strides = array<i32>} : memref<128x128xf32, #tpu.memory_space<vmem>>, vector<16xf32>,
      %get3A_497 = arith.index_cast %add3A_478 : i32 to index
      %get3A_498 = arith.constant 32 : index
      %get3A_499 = tpu.vector_load %arg14[%get3A_497, %get3A_498] {strides = array<i32>} : memref<128x128xf32, #tpu.memory_space<vmem>>, vector<16xf32>,
      %mul3A_500 = arith.mulf %get3A_496, %get3A_499 : vector<16xf32>
      %add3A_501 = arith.addf %add3A_493, %mul3A_500 : vector<16xf32>
      %get3A_502 = arith.index_cast %add3A_478 : i32 to index
      %get3A_503 = arith.constant 48 : index
      %get3A_504 = tpu.vector_load %arg12[%get3A_502, %get3A_503] {strides = array<i32>} : memref<128x128xf32, #tpu.memory_space<vmem>>, vector<16xf32>,
      %get3A_505 = arith.index_cast %add3A_478 : i32 to index
      %get3A_506 = arith.constant 48 : index
      %get3A_507 = tpu.vector_load %arg14[%get3A_505, %get3A_506] {strides = array<i32>} : memref<128x128xf32, #tpu.memory_space<vmem>>, vector<16xf32>,
      %mul3A_508 = arith.mulf %get3A_504, %get3A_507 : vector<16xf32>
      %add3A_509 = arith.addf %add3A_501, %mul3A_508 : vector<16xf32>
      %swap3A_510 = arith.constant 10 : i32
      %swap3A_511 = arith.index_cast %swap3A_510 : i32 to index
      %swap3A_512 = arith.constant 0 : index
      %swap3A_513 = tpu.vector_load %arg11[%swap3A_511, %swap3A_512] {strides = array<i32>} : memref<16x16xf32, #tpu.memory_space<vmem>>, vector<16xf32>,
      tpu.vector_store %arg11[%swap3A_511, %swap3A_512], %add3A_509 {strides = array<i32>} : memref<16x16xf32, #tpu.memory_space<vmem>>, vector<16xf32>,
      %add3A_514 = arith.constant 11 : i32
      %add3A_515 = arith.addi %add3A_108, %add3A_514 : i32
      %get3A_516 = arith.index_cast %add3A_515 : i32 to index
      %get3A_517 = arith.constant 0 : index
      %get3A_518 = tpu.vector_load %arg12[%get3A_516, %get3A_517] {strides = array<i32>} : memref<128x128xf32, #tpu.memory_space<vmem>>, vector<16xf32>,
      %get3A_519 = arith.index_cast %add3A_515 : i32 to index
      %get3A_520 = arith.constant 0 : index
      %get3A_521 = tpu.vector_load %arg14[%get3A_519, %get3A_520] {strides = array<i32>} : memref<128x128xf32, #tpu.memory_space<vmem>>, vector<16xf32>,
      %mul3A_522 = arith.mulf %get3A_518, %get3A_521 : vector<16xf32>
      %get3A_523 = arith.index_cast %add3A_515 : i32 to index
      %get3A_524 = arith.constant 16 : index
      %get3A_525 = tpu.vector_load %arg12[%get3A_523, %get3A_524] {strides = array<i32>} : memref<128x128xf32, #tpu.memory_space<vmem>>, vector<16xf32>,
      %get3A_526 = arith.index_cast %add3A_515 : i32 to index
      %get3A_527 = arith.constant 16 : index
      %get3A_528 = tpu.vector_load %arg14[%get3A_526, %get3A_527] {strides = array<i32>} : memref<128x128xf32, #tpu.memory_space<vmem>>, vector<16xf32>,
      %mul3A_529 = arith.mulf %get3A_525, %get3A_528 : vector<16xf32>
      %add3A_530 = arith.addf %mul3A_522, %mul3A_529 : vector<16xf32>
      %get3A_531 = arith.index_cast %add3A_515 : i32 to index
      %get3A_532 = arith.constant 32 : index
      %get3A_533 = tpu.vector_load %arg12[%get3A_531, %get3A_532] {strides = array<i32>} : memref<128x128xf32, #tpu.memory_space<vmem>>, vector<16xf32>,
      %get3A_534 = arith.index_cast %add3A_515 : i32 to index
      %get3A_535 = arith.constant 32 : index
      %get3A_536 = tpu.vector_load %arg14[%get3A_534, %get3A_535] {strides = array<i32>} : memref<128x128xf32, #tpu.memory_space<vmem>>, vector<16xf32>,
      %mul3A_537 = arith.mulf %get3A_533, %get3A_536 : vector<16xf32>
      %add3A_538 = arith.addf %add3A_530, %mul3A_537 : vector<16xf32>
      %get3A_539 = arith.index_cast %add3A_515 : i32 to index
      %get3A_540 = arith.constant 48 : index
      %get3A_541 = tpu.vector_load %arg12[%get3A_539, %get3A_540] {strides = array<i32>} : memref<128x128xf32, #tpu.memory_space<vmem>>, vector<16xf32>,
      %get3A_542 = arith.index_cast %add3A_515 : i32 to index
      %get3A_543 = arith.constant 48 : index
      %get3A_544 = tpu.vector_load %arg14[%get3A_542, %get3A_543] {strides = array<i32>} : memref<128x128xf32, #tpu.memory_space<vmem>>, vector<16xf32>,
      %mul3A_545 = arith.mulf %get3A_541, %get3A_544 : vector<16xf32>
      %add3A_546 = arith.addf %add3A_538, %mul3A_545 : vector<16xf32>
      %swap3A_547 = arith.constant 11 : i32
      %swap3A_548 = arith.index_cast %swap3A_547 : i32 to index
      %swap3A_549 = arith.constant 0 : index
      %swap3A_550 = tpu.vector_load %arg11[%swap3A_548, %swap3A_549] {strides = array<i32>} : memref<16x16xf32, #tpu.memory_space<vmem>>, vector<16xf32>,
      tpu.vector_store %arg11[%swap3A_548, %swap3A_549], %add3A_546 {strides = array<i32>} : memref<16x16xf32, #tpu.memory_space<vmem>>, vector<16xf32>,
      %add3A_551 = arith.constant 12 : i32
      %add3A_552 = arith.addi %add3A_108, %add3A_551 : i32
      %get3A_553 = arith.index_cast %add3A_552 : i32 to index
      %get3A_554 = arith.constant 0 : index
      %get3A_555 = tpu.vector_load %arg12[%get3A_553, %get3A_554] {strides = array<i32>} : memref<128x128xf32, #tpu.memory_space<vmem>>, vector<16xf32>,
      %get3A_556 = arith.index_cast %add3A_552 : i32 to index
      %get3A_557 = arith.constant 0 : index
      %get3A_558 = tpu.vector_load %arg14[%get3A_556, %get3A_557] {strides = array<i32>} : memref<128x128xf32, #tpu.memory_space<vmem>>, vector<16xf32>,
      %mul3A_559 = arith.mulf %get3A_555, %get3A_558 : vector<16xf32>
      %get3A_560 = arith.index_cast %add3A_552 : i32 to index
      %get3A_561 = arith.constant 16 : index
      %get3A_562 = tpu.vector_load %arg12[%get3A_560, %get3A_561] {strides = array<i32>} : memref<128x128xf32, #tpu.memory_space<vmem>>, vector<16xf32>,
      %get3A_563 = arith.index_cast %add3A_552 : i32 to index
      %get3A_564 = arith.constant 16 : index
      %get3A_565 = tpu.vector_load %arg14[%get3A_563, %get3A_564] {strides = array<i32>} : memref<128x128xf32, #tpu.memory_space<vmem>>, vector<16xf32>,
      %mul3A_566 = arith.mulf %get3A_562, %get3A_565 : vector<16xf32>
      %add3A_567 = arith.addf %mul3A_559, %mul3A_566 : vector<16xf32>
      %get3A_568 = arith.index_cast %add3A_552 : i32 to index
      %get3A_569 = arith.constant 32 : index
      %get3A_570 = tpu.vector_load %arg12[%get3A_568, %get3A_569] {strides = array<i32>} : memref<128x128xf32, #tpu.memory_space<vmem>>, vector<16xf32>,
      %get3A_571 = arith.index_cast %add3A_552 : i32 to index
      %get3A_572 = arith.constant 32 : index
      %get3A_573 = tpu.vector_load %arg14[%get3A_571, %get3A_572] {strides = array<i32>} : memref<128x128xf32, #tpu.memory_space<vmem>>, vector<16xf32>,
      %mul3A_574 = arith.mulf %get3A_570, %get3A_573 : vector<16xf32>
      %add3A_575 = arith.addf %add3A_567, %mul3A_574 : vector<16xf32>
      %get3A_576 = arith.index_cast %add3A_552 : i32 to index
      %get3A_577 = arith.constant 48 : index
      %get3A_578 = tpu.vector_load %arg12[%get3A_576, %get3A_577] {strides = array<i32>} : memref<128x128xf32, #tpu.memory_space<vmem>>, vector<16xf32>,
      %get3A_579 = arith.index_cast %add3A_552 : i32 to index
      %get3A_580 = arith.constant 48 : index
      %get3A_581 = tpu.vector_load %arg14[%get3A_579, %get3A_580] {strides = array<i32>} : memref<128x128xf32, #tpu.memory_space<vmem>>, vector<16xf32>,
      %mul3A_582 = arith.mulf %get3A_578, %get3A_581 : vector<16xf32>
      %add3A_583 = arith.addf %add3A_575, %mul3A_582 : vector<16xf32>
      %swap3A_584 = arith.constant 12 : i32
      %swap3A_585 = arith.index_cast %swap3A_584 : i32 to index
      %swap3A_586 = arith.constant 0 : index
      %swap3A_587 = tpu.vector_load %arg11[%swap3A_585, %swap3A_586] {strides = array<i32>} : memref<16x16xf32, #tpu.memory_space<vmem>>, vector<16xf32>,
      tpu.vector_store %arg11[%swap3A_585, %swap3A_586], %add3A_583 {strides = array<i32>} : memref<16x16xf32, #tpu.memory_space<vmem>>, vector<16xf32>,
      %add3A_588 = arith.constant 13 : i32
      %add3A_589 = arith.addi %add3A_108, %add3A_588 : i32
      %get3A_590 = arith.index_cast %add3A_589 : i32 to index
      %get3A_591 = arith.constant 0 : index
      %get3A_592 = tpu.vector_load %arg12[%get3A_590, %get3A_591] {strides = array<i32>} : memref<128x128xf32, #tpu.memory_space<vmem>>, vector<16xf32>,
      %get3A_593 = arith.index_cast %add3A_589 : i32 to index
      %get3A_594 = arith.constant 0 : index
      %get3A_595 = tpu.vector_load %arg14[%get3A_593, %get3A_594] {strides = array<i32>} : memref<128x128xf32, #tpu.memory_space<vmem>>, vector<16xf32>,
      %mul3A_596 = arith.mulf %get3A_592, %get3A_595 : vector<16xf32>
      %get3A_597 = arith.index_cast %add3A_589 : i32 to index
      %get3A_598 = arith.constant 16 : index
      %get3A_599 = tpu.vector_load %arg12[%get3A_597, %get3A_598] {strides = array<i32>} : memref<128x128xf32, #tpu.memory_space<vmem>>, vector<16xf32>,
      %get3A_600 = arith.index_cast %add3A_589 : i32 to index
      %get3A_601 = arith.constant 16 : index
      %get3A_602 = tpu.vector_load %arg14[%get3A_600, %get3A_601] {strides = array<i32>} : memref<128x128xf32, #tpu.memory_space<vmem>>, vector<16xf32>,
      %mul3A_603 = arith.mulf %get3A_599, %get3A_602 : vector<16xf32>
      %add3A_604 = arith.addf %mul3A_596, %mul3A_603 : vector<16xf32>
      %get3A_605 = arith.index_cast %add3A_589 : i32 to index
      %get3A_606 = arith.constant 32 : index
      %get3A_607 = tpu.vector_load %arg12[%get3A_605, %get3A_606] {strides = array<i32>} : memref<128x128xf32, #tpu.memory_space<vmem>>, vector<16xf32>,
      %get3A_608 = arith.index_cast %add3A_589 : i32 to index
      %get3A_609 = arith.constant 32 : index
      %get3A_610 = tpu.vector_load %arg14[%get3A_608, %get3A_609] {strides = array<i32>} : memref<128x128xf32, #tpu.memory_space<vmem>>, vector<16xf32>,
      %mul3A_611 = arith.mulf %get3A_607, %get3A_610 : vector<16xf32>
      %add3A_612 = arith.addf %add3A_604, %mul3A_611 : vector<16xf32>
      %get3A_613 = arith.index_cast %add3A_589 : i32 to index
      %get3A_614 = arith.constant 48 : index
      %get3A_615 = tpu.vector_load %arg12[%get3A_613, %get3A_614] {strides = array<i32>} : memref<128x128xf32, #tpu.memory_space<vmem>>, vector<16xf32>,
      %get3A_616 = arith.index_cast %add3A_589 : i32 to index
      %get3A_617 = arith.constant 48 : index
      %get3A_618 = tpu.vector_load %arg14[%get3A_616, %get3A_617] {strides = array<i32>} : memref<128x128xf32, #tpu.memory_space<vmem>>, vector<16xf32>,
      %mul3A_619 = arith.mulf %get3A_615, %get3A_618 : vector<16xf32>
      %add3A_620 = arith.addf %add3A_612, %mul3A_619 : vector<16xf32>
      %swap3A_621 = arith.constant 13 : i32
      %swap3A_622 = arith.index_cast %swap3A_621 : i32 to index
      %swap3A_623 = arith.constant 0 : index
      %swap3A_624 = tpu.vector_load %arg11[%swap3A_622, %swap3A_623] {strides = array<i32>} : memref<16x16xf32, #tpu.memory_space<vmem>>, vector<16xf32>,
      tpu.vector_store %arg11[%swap3A_622, %swap3A_623], %add3A_620 {strides = array<i32>} : memref<16x16xf32, #tpu.memory_space<vmem>>, vector<16xf32>,
      %add3A_625 = arith.constant 14 : i32
      %add3A_626 = arith.addi %add3A_108, %add3A_625 : i32
      %get3A_627 = arith.index_cast %add3A_626 : i32 to index
      %get3A_628 = arith.constant 0 : index
      %get3A_629 = tpu.vector_load %arg12[%get3A_627, %get3A_628] {strides = array<i32>} : memref<128x128xf32, #tpu.memory_space<vmem>>, vector<16xf32>,
      %get3A_630 = arith.index_cast %add3A_626 : i32 to index
      %get3A_631 = arith.constant 0 : index
      %get3A_632 = tpu.vector_load %arg14[%get3A_630, %get3A_631] {strides = array<i32>} : memref<128x128xf32, #tpu.memory_space<vmem>>, vector<16xf32>,
      %mul3A_633 = arith.mulf %get3A_629, %get3A_632 : vector<16xf32>
      %get3A_634 = arith.index_cast %add3A_626 : i32 to index
      %get3A_635 = arith.constant 16 : index
      %get3A_636 = tpu.vector_load %arg12[%get3A_634, %get3A_635] {strides = array<i32>} : memref<128x128xf32, #tpu.memory_space<vmem>>, vector<16xf32>,
      %get3A_637 = arith.index_cast %add3A_626 : i32 to index
      %get3A_638 = arith.constant 16 : index
      %get3A_639 = tpu.vector_load %arg14[%get3A_637, %get3A_638] {strides = array<i32>} : memref<128x128xf32, #tpu.memory_space<vmem>>, vector<16xf32>,
      %mul3A_640 = arith.mulf %get3A_636, %get3A_639 : vector<16xf32>
      %add3A_641 = arith.addf %mul3A_633, %mul3A_640 : vector<16xf32>
      %get3A_642 = arith.index_cast %add3A_626 : i32 to index
      %get3A_643 = arith.constant 32 : index
      %get3A_644 = tpu.vector_load %arg12[%get3A_642, %get3A_643] {strides = array<i32>} : memref<128x128xf32, #tpu.memory_space<vmem>>, vector<16xf32>,
      %get3A_645 = arith.index_cast %add3A_626 : i32 to index
      %get3A_646 = arith.constant 32 : index
      %get3A_647 = tpu.vector_load %arg14[%get3A_645, %get3A_646] {strides = array<i32>} : memref<128x128xf32, #tpu.memory_space<vmem>>, vector<16xf32>,
      %mul3A_648 = arith.mulf %get3A_644, %get3A_647 : vector<16xf32>
      %add3A_649 = arith.addf %add3A_641, %mul3A_648 : vector<16xf32>
      %get3A_650 = arith.index_cast %add3A_626 : i32 to index
      %get3A_651 = arith.constant 48 : index
      %get3A_652 = tpu.vector_load %arg12[%get3A_650, %get3A_651] {strides = array<i32>} : memref<128x128xf32, #tpu.memory_space<vmem>>, vector<16xf32>,
      %get3A_653 = arith.index_cast %add3A_626 : i32 to index
      %get3A_654 = arith.constant 48 : index
      %get3A_655 = tpu.vector_load %arg14[%get3A_653, %get3A_654] {strides = array<i32>} : memref<128x128xf32, #tpu.memory_space<vmem>>, vector<16xf32>,
      %mul3A_656 = arith.mulf %get3A_652, %get3A_655 : vector<16xf32>
      %add3A_657 = arith.addf %add3A_649, %mul3A_656 : vector<16xf32>
      %swap3A_658 = arith.constant 14 : i32
      %swap3A_659 = arith.index_cast %swap3A_658 : i32 to index
      %swap3A_660 = arith.constant 0 : index
      %swap3A_661 = tpu.vector_load %arg11[%swap3A_659, %swap3A_660] {strides = array<i32>} : memref<16x16xf32, #tpu.memory_space<vmem>>, vector<16xf32>,
      tpu.vector_store %arg11[%swap3A_659, %swap3A_660], %add3A_657 {strides = array<i32>} : memref<16x16xf32, #tpu.memory_space<vmem>>, vector<16xf32>,
      %add3A_662 = arith.constant 15 : i32
      %add3A_663 = arith.addi %add3A_108, %add3A_662 : i32
      %get3A_664 = arith.index_cast %add3A_663 : i32 to index
      %get3A_665 = arith.constant 0 : index
      %get3A_666 = tpu.vector_load %arg12[%get3A_664, %get3A_665] {strides = array<i32>} : memref<128x128xf32, #tpu.memory_space<vmem>>, vector<16xf32>,
      %get3A_667 = arith.index_cast %add3A_663 : i32 to index
      %get3A_668 = arith.constant 0 : index
      %get3A_669 = tpu.vector_load %arg14[%get3A_667, %get3A_668] {strides = array<i32>} : memref<128x128xf32, #tpu.memory_space<vmem>>, vector<16xf32>,
      %mul3A_670 = arith.mulf %get3A_666, %get3A_669 : vector<16xf32>
      %get3A_671 = arith.index_cast %add3A_663 : i32 to index
      %get3A_672 = arith.constant 16 : index
      %get3A_673 = tpu.vector_load %arg12[%get3A_671, %get3A_672] {strides = array<i32>} : memref<128x128xf32, #tpu.memory_space<vmem>>, vector<16xf32>,
      %get3A_674 = arith.index_cast %add3A_663 : i32 to index
      %get3A_675 = arith.constant 16 : index
      %get3A_676 = tpu.vector_load %arg14[%get3A_674, %get3A_675] {strides = array<i32>} : memref<128x128xf32, #tpu.memory_space<vmem>>, vector<16xf32>,
      %mul3A_677 = arith.mulf %get3A_673, %get3A_676 : vector<16xf32>
      %add3A_678 = arith.addf %mul3A_670, %mul3A_677 : vector<16xf32>
      %get3A_679 = arith.index_cast %add3A_663 : i32 to index
      %get3A_680 = arith.constant 32 : index
      %get3A_681 = tpu.vector_load %arg12[%get3A_679, %get3A_680] {strides = array<i32>} : memref<128x128xf32, #tpu.memory_space<vmem>>, vector<16xf32>,
      %get3A_682 = arith.index_cast %add3A_663 : i32 to index
      %get3A_683 = arith.constant 32 : index
      %get3A_684 = tpu.vector_load %arg14[%get3A_682, %get3A_683] {strides = array<i32>} : memref<128x128xf32, #tpu.memory_space<vmem>>, vector<16xf32>,
      %mul3A_685 = arith.mulf %get3A_681, %get3A_684 : vector<16xf32>
      %add3A_686 = arith.addf %add3A_678, %mul3A_685 : vector<16xf32>
      %get3A_687 = arith.index_cast %add3A_663 : i32 to index
      %get3A_688 = arith.constant 48 : index
      %get3A_689 = tpu.vector_load %arg12[%get3A_687, %get3A_688] {strides = array<i32>} : memref<128x128xf32, #tpu.memory_space<vmem>>, vector<16xf32>,
      %get3A_690 = arith.index_cast %add3A_663 : i32 to index
      %get3A_691 = arith.constant 48 : index
      %get3A_692 = tpu.vector_load %arg14[%get3A_690, %get3A_691] {strides = array<i32>} : memref<128x128xf32, #tpu.memory_space<vmem>>, vector<16xf32>,
      %mul3A_693 = arith.mulf %get3A_689, %get3A_692 : vector<16xf32>
      %add3A_694 = arith.addf %add3A_686, %mul3A_693 : vector<16xf32>
      %swap3A_695 = arith.constant 15 : i32
      %swap3A_696 = arith.index_cast %swap3A_695 : i32 to index
      %swap3A_697 = arith.constant 0 : index
      %swap3A_698 = tpu.vector_load %arg11[%swap3A_696, %swap3A_697] {strides = array<i32>} : memref<16x16xf32, #tpu.memory_space<vmem>>, vector<16xf32>,
      tpu.vector_store %arg11[%swap3A_696, %swap3A_697], %add3A_694 {strides = array<i32>} : memref<16x16xf32, #tpu.memory_space<vmem>>, vector<16xf32>,
      %gather3A = tpu.vector_load_idx %arg11[%iota3A, %broadcast_in_dim3A_6] : memref<16x16xf32, #tpu.memory_space<vmem>>[vector<16xi32>, vector<16xi32>], vector<16xf32>,
      %broadcast_in_dim3A_699 = arith.constant 1 : i32
      %broadcast_in_dim3A_700 = vector.broadcast %broadcast_in_dim3A_699 : i32 to vector<16xi32>
      %gather3A_701 = tpu.vector_load_idx %arg11[%iota3A, %broadcast_in_dim3A_700] : memref<16x16xf32, #tpu.memory_space<vmem>>[vector<16xi32>, vector<16xi32>], vector<16xf32>,
      %add3A_702 = arith.addf %gather3A, %gather3A_701 : vector<16xf32>
      %broadcast_in_dim3A_703 = arith.constant 2 : i32
      %broadcast_in_dim3A_704 = vector.broadcast %broadcast_in_dim3A_703 : i32 to vector<16xi32>
      %gather3A_705 = tpu.vector_load_idx %arg11[%iota3A, %broadcast_in_dim3A_704] : memref<16x16xf32, #tpu.memory_space<vmem>>[vector<16xi32>, vector<16xi32>], vector<16xf32>,
      %add3A_706 = arith.addf %add3A_702, %gather3A_705 : vector<16xf32>
      %broadcast_in_dim3A_707 = arith.constant 3 : i32
      %broadcast_in_dim3A_708 = vector.broadcast %broadcast_in_dim3A_707 : i32 to vector<16xi32>
      %gather3A_709 = tpu.vector_load_idx %arg11[%iota3A, %broadcast_in_dim3A_708] : memref<16x16xf32, #tpu.memory_space<vmem>>[vector<16xi32>, vector<16xi32>], vector<16xf32>,
      %add3A_710 = arith.addf %add3A_706, %gather3A_709 : vector<16xf32>
      %broadcast_in_dim3A_711 = arith.constant 4 : i32
      %broadcast_in_dim3A_712 = vector.broadcast %broadcast_in_dim3A_711 : i32 to vector<16xi32>
      %gather3A_713 = tpu.vector_load_idx %arg11[%iota3A, %broadcast_in_dim3A_712] : memref<16x16xf32, #tpu.memory_space<vmem>>[vector<16xi32>, vector<16xi32>], vector<16xf32>,
      %add3A_714 = arith.addf %add3A_710, %gather3A_713 : vector<16xf32>
      %broadcast_in_dim3A_715 = arith.constant 5 : i32
      %broadcast_in_dim3A_716 = vector.broadcast %broadcast_in_dim3A_715 : i32 to vector<16xi32>
      %gather3A_717 = tpu.vector_load_idx %arg11[%iota3A, %broadcast_in_dim3A_716] : memref<16x16xf32, #tpu.memory_space<vmem>>[vector<16xi32>, vector<16xi32>], vector<16xf32>,
      %add3A_718 = arith.addf %add3A_714, %gather3A_717 : vector<16xf32>
      %broadcast_in_dim3A_719 = arith.constant 6 : i32
      %broadcast_in_dim3A_720 = vector.broadcast %broadcast_in_dim3A_719 : i32 to vector<16xi32>
      %gather3A_721 = tpu.vector_load_idx %arg11[%iota3A, %broadcast_in_dim3A_720] : memref<16x16xf32, #tpu.memory_space<vmem>>[vector<16xi32>, vector<16xi32>], vector<16xf32>,
      %add3A_722 = arith.addf %add3A_718, %gather3A_721 : vector<16xf32>
      %broadcast_in_dim3A_723 = arith.constant 7 : i32
      %broadcast_in_dim3A_724 = vector.broadcast %broadcast_in_dim3A_723 : i32 to vector<16xi32>
      %gather3A_725 = tpu.vector_load_idx %arg11[%iota3A, %broadcast_in_dim3A_724] : memref<16x16xf32, #tpu.memory_space<vmem>>[vector<16xi32>, vector<16xi32>], vector<16xf32>,
      %add3A_726 = arith.addf %add3A_722, %gather3A_725 : vector<16xf32>
      %broadcast_in_dim3A_727 = arith.constant 8 : i32
      %broadcast_in_dim3A_728 = vector.broadcast %broadcast_in_dim3A_727 : i32 to vector<16xi32>
      %gather3A_729 = tpu.vector_load_idx %arg11[%iota3A, %broadcast_in_dim3A_728] : memref<16x16xf32, #tpu.memory_space<vmem>>[vector<16xi32>, vector<16xi32>], vector<16xf32>,
      %add3A_730 = arith.addf %add3A_726, %gather3A_729 : vector<16xf32>
      %broadcast_in_dim3A_731 = arith.constant 9 : i32
      %broadcast_in_dim3A_732 = vector.broadcast %broadcast_in_dim3A_731 : i32 to vector<16xi32>
      %gather3A_733 = tpu.vector_load_idx %arg11[%iota3A, %broadcast_in_dim3A_732] : memref<16x16xf32, #tpu.memory_space<vmem>>[vector<16xi32>, vector<16xi32>], vector<16xf32>,
      %add3A_734 = arith.addf %add3A_730, %gather3A_733 : vector<16xf32>
      %broadcast_in_dim3A_735 = arith.constant 10 : i32
      %broadcast_in_dim3A_736 = vector.broadcast %broadcast_in_dim3A_735 : i32 to vector<16xi32>
      %gather3A_737 = tpu.vector_load_idx %arg11[%iota3A, %broadcast_in_dim3A_736] : memref<16x16xf32, #tpu.memory_space<vmem>>[vector<16xi32>, vector<16xi32>], vector<16xf32>,
      %add3A_738 = arith.addf %add3A_734, %gather3A_737 : vector<16xf32>
      %broadcast_in_dim3A_739 = arith.constant 11 : i32
      %broadcast_in_dim3A_740 = vector.broadcast %broadcast_in_dim3A_739 : i32 to vector<16xi32>
      %gather3A_741 = tpu.vector_load_idx %arg11[%iota3A, %broadcast_in_dim3A_740] : memref<16x16xf32, #tpu.memory_space<vmem>>[vector<16xi32>, vector<16xi32>], vector<16xf32>,
      %add3A_742 = arith.addf %add3A_738, %gather3A_741 : vector<16xf32>
      %broadcast_in_dim3A_743 = arith.constant 12 : i32
      %broadcast_in_dim3A_744 = vector.broadcast %broadcast_in_dim3A_743 : i32 to vector<16xi32>
      %gather3A_745 = tpu.vector_load_idx %arg11[%iota3A, %broadcast_in_dim3A_744] : memref<16x16xf32, #tpu.memory_space<vmem>>[vector<16xi32>, vector<16xi32>], vector<16xf32>,
      %add3A_746 = arith.addf %add3A_742, %gather3A_745 : vector<16xf32>
      %broadcast_in_dim3A_747 = arith.constant 13 : i32
      %broadcast_in_dim3A_748 = vector.broadcast %broadcast_in_dim3A_747 : i32 to vector<16xi32>
      %gather3A_749 = tpu.vector_load_idx %arg11[%iota3A, %broadcast_in_dim3A_748] : memref<16x16xf32, #tpu.memory_space<vmem>>[vector<16xi32>, vector<16xi32>], vector<16xf32>,
      %add3A_750 = arith.addf %add3A_746, %gather3A_749 : vector<16xf32>
      %broadcast_in_dim3A_751 = arith.constant 14 : i32
      %broadcast_in_dim3A_752 = vector.broadcast %broadcast_in_dim3A_751 : i32 to vector<16xi32>
      %gather3A_753 = tpu.vector_load_idx %arg11[%iota3A, %broadcast_in_dim3A_752] : memref<16x16xf32, #tpu.memory_space<vmem>>[vector<16xi32>, vector<16xi32>], vector<16xf32>,
      %add3A_754 = arith.addf %add3A_750, %gather3A_753 : vector<16xf32>
      %broadcast_in_dim3A_755 = arith.constant 15 : i32
      %broadcast_in_dim3A_756 = vector.broadcast %broadcast_in_dim3A_755 : i32 to vector<16xi32>
      %gather3A_757 = tpu.vector_load_idx %arg11[%iota3A, %broadcast_in_dim3A_756] : memref<16x16xf32, #tpu.memory_space<vmem>>[vector<16xi32>, vector<16xi32>], vector<16xf32>,
      %add3A_758 = arith.addf %add3A_754, %gather3A_757 : vector<16xf32>
      %add3A_759 = arith.constant 256 : i32
      %add3A_760 = arith.addi %add3A_759, %add3A_108 : i32
      %get3A_761 = arith.index_cast %add3A_760 : i32 to index
      %get3A_762 = tpu.vector_load %arg8[%get3A_761] {strides = array<i32>} : memref<512xf32, #tpu.memory_space<vmem>>, vector<16xf32>,
      %mul3A_763 = arith.mulf %add3A_758, %get3A_762 : vector<16xf32>
      %get3A_764 = arith.index_cast %add3A_760 : i32 to index
      %get3A_765 = tpu.vector_load %arg9[%get3A_764] {strides = array<i32>} : memref<512xf32, #tpu.memory_space<vmem>>, vector<16xf32>,
      %mul3A_766 = arith.mulf %mul3A_763, %get3A_765 : vector<16xf32>
      %swap3A_767 = arith.index_cast %add3A_760 : i32 to index
      %swap3A_768 = tpu.vector_load %arg10[%swap3A_767] {strides = array<i32>} : memref<512xf32, #tpu.memory_space<vmem>>, vector<16xf32>,
      tpu.vector_store %arg10[%swap3A_767], %mul3A_766 {strides = array<i32>} : memref<512xf32, #tpu.memory_space<vmem>>, vector<16xf32>,
    }
    %scan3A_88 = arith.constant 8 : i32
    %dma_wait3A_89 = arith.constant 384 : i32
    %dma_wait3A_90 = tpu.memref_slice %arg6[%dma_wait3A_89] : memref<512xi32, #tpu.memory_space<vmem>> -> memref<128xi32, #tpu.memory_space<vmem>>
    %dma_wait3A_91 = arith.constant 0 : i32
    %dma_wait3A_92 = arith.constant 0 : i32
    %dma_wait3A_93 = tpu.memref_slice %arg4[%dma_wait3A_91, %dma_wait3A_92] : memref<100000x128xf32, #tpu.memory_space<hbm>> -> memref<100000x128xf32, #tpu.memory_space<hbm>>
    tpu.wait_indirect_dma semaphore(%arg17 : memref<!tpu.dma_semaphore, #tpu.memory_space<semaphore_mem>>) src(%dma_wait3A_93 : memref<100000x128xf32, #tpu.memory_space<hbm>>) dst(%arg13 : memref<128x128xf32, #tpu.memory_space<vmem>>)
    %dma_wait3A_94 = arith.constant 384 : i32
    %dma_wait3A_95 = tpu.memref_slice %arg7[%dma_wait3A_94] : memref<512xi32, #tpu.memory_space<vmem>> -> memref<128xi32, #tpu.memory_space<vmem>>
    %dma_wait3A_96 = arith.constant 0 : i32
    %dma_wait3A_97 = arith.constant 0 : i32
    %dma_wait3A_98 = tpu.memref_slice %arg4[%dma_wait3A_96, %dma_wait3A_97] : memref<100000x128xf32, #tpu.memory_space<hbm>> -> memref<100000x128xf32, #tpu.memory_space<hbm>>
    tpu.wait_indirect_dma semaphore(%arg19 : memref<!tpu.dma_semaphore, #tpu.memory_space<semaphore_mem>>) src(%dma_wait3A_98 : memref<100000x128xf32, #tpu.memory_space<hbm>>) dst(%arg15 : memref<128x128xf32, #tpu.memory_space<vmem>>)
    %scan3A_99 = arith.constant 0 : i32
    %scan3A_100 = arith.constant 8 : i32
    %scan3A_101 = arith.addi %scan3A_99, %scan3A_100 : i32
    %scan3A_102 = arith.constant 1 : i32
    scf.for %scan3A_104 = %scan3A_99 to %scan3A_101 step %scan3A_102  : i32 {
      %mul3A_105 = arith.constant 16 : i32
      %mul3A_106 = arith.muli %scan3A_104, %mul3A_105 : i32
      %add3A_107 = arith.constant 0 : i32
      %add3A_108 = arith.addi %add3A_107, %mul3A_106 : i32
      %add3A_109 = arith.constant 0 : i32
      %add3A_110 = arith.addi %add3A_108, %add3A_109 : i32
      %get3A = arith.index_cast %add3A_110 : i32 to index
      %get3A_111 = arith.constant 0 : index
      %get3A_112 = tpu.vector_load %arg13[%get3A, %get3A_111] {strides = array<i32>} : memref<128x128xf32, #tpu.memory_space<vmem>>, vector<16xf32>,
      %get3A_113 = arith.index_cast %add3A_110 : i32 to index
      %get3A_114 = arith.constant 0 : index
      %get3A_115 = tpu.vector_load %arg15[%get3A_113, %get3A_114] {strides = array<i32>} : memref<128x128xf32, #tpu.memory_space<vmem>>, vector<16xf32>,
      %mul3A_116 = arith.mulf %get3A_112, %get3A_115 : vector<16xf32>
      %get3A_117 = arith.index_cast %add3A_110 : i32 to index
      %get3A_118 = arith.constant 16 : index
      %get3A_119 = tpu.vector_load %arg13[%get3A_117, %get3A_118] {strides = array<i32>} : memref<128x128xf32, #tpu.memory_space<vmem>>, vector<16xf32>,
      %get3A_120 = arith.index_cast %add3A_110 : i32 to index
      %get3A_121 = arith.constant 16 : index
      %get3A_122 = tpu.vector_load %arg15[%get3A_120, %get3A_121] {strides = array<i32>} : memref<128x128xf32, #tpu.memory_space<vmem>>, vector<16xf32>,
      %mul3A_123 = arith.mulf %get3A_119, %get3A_122 : vector<16xf32>
      %add3A_124 = arith.addf %mul3A_116, %mul3A_123 : vector<16xf32>
      %get3A_125 = arith.index_cast %add3A_110 : i32 to index
      %get3A_126 = arith.constant 32 : index
      %get3A_127 = tpu.vector_load %arg13[%get3A_125, %get3A_126] {strides = array<i32>} : memref<128x128xf32, #tpu.memory_space<vmem>>, vector<16xf32>,
      %get3A_128 = arith.index_cast %add3A_110 : i32 to index
      %get3A_129 = arith.constant 32 : index
      %get3A_130 = tpu.vector_load %arg15[%get3A_128, %get3A_129] {strides = array<i32>} : memref<128x128xf32, #tpu.memory_space<vmem>>, vector<16xf32>,
      %mul3A_131 = arith.mulf %get3A_127, %get3A_130 : vector<16xf32>
      %add3A_132 = arith.addf %add3A_124, %mul3A_131 : vector<16xf32>
      %get3A_133 = arith.index_cast %add3A_110 : i32 to index
      %get3A_134 = arith.constant 48 : index
      %get3A_135 = tpu.vector_load %arg13[%get3A_133, %get3A_134] {strides = array<i32>} : memref<128x128xf32, #tpu.memory_space<vmem>>, vector<16xf32>,
      %get3A_136 = arith.index_cast %add3A_110 : i32 to index
      %get3A_137 = arith.constant 48 : index
      %get3A_138 = tpu.vector_load %arg15[%get3A_136, %get3A_137] {strides = array<i32>} : memref<128x128xf32, #tpu.memory_space<vmem>>, vector<16xf32>,
      %mul3A_139 = arith.mulf %get3A_135, %get3A_138 : vector<16xf32>
      %add3A_140 = arith.addf %add3A_132, %mul3A_139 : vector<16xf32>
      %swap3A = arith.constant 0 : i32
      %swap3A_141 = arith.index_cast %swap3A : i32 to index
      %swap3A_142 = arith.constant 0 : index
      %swap3A_143 = tpu.vector_load %arg11[%swap3A_141, %swap3A_142] {strides = array<i32>} : memref<16x16xf32, #tpu.memory_space<vmem>>, vector<16xf32>,
      tpu.vector_store %arg11[%swap3A_141, %swap3A_142], %add3A_140 {strides = array<i32>} : memref<16x16xf32, #tpu.memory_space<vmem>>, vector<16xf32>,
      %add3A_144 = arith.constant 1 : i32
      %add3A_145 = arith.addi %add3A_108, %add3A_144 : i32
      %get3A_146 = arith.index_cast %add3A_145 : i32 to index
      %get3A_147 = arith.constant 0 : index
      %get3A_148 = tpu.vector_load %arg13[%get3A_146, %get3A_147] {strides = array<i32>} : memref<128x128xf32, #tpu.memory_space<vmem>>, vector<16xf32>,
      %get3A_149 = arith.index_cast %add3A_145 : i32 to index
      %get3A_150 = arith.constant 0 : index
      %get3A_151 = tpu.vector_load %arg15[%get3A_149, %get3A_150] {strides = array<i32>} : memref<128x128xf32, #tpu.memory_space<vmem>>, vector<16xf32>,
      %mul3A_152 = arith.mulf %get3A_148, %get3A_151 : vector<16xf32>
      %get3A_153 = arith.index_cast %add3A_145 : i32 to index
      %get3A_154 = arith.constant 16 : index
      %get3A_155 = tpu.vector_load %arg13[%get3A_153, %get3A_154] {strides = array<i32>} : memref<128x128xf32, #tpu.memory_space<vmem>>, vector<16xf32>,
      %get3A_156 = arith.index_cast %add3A_145 : i32 to index
      %get3A_157 = arith.constant 16 : index
      %get3A_158 = tpu.vector_load %arg15[%get3A_156, %get3A_157] {strides = array<i32>} : memref<128x128xf32, #tpu.memory_space<vmem>>, vector<16xf32>,
      %mul3A_159 = arith.mulf %get3A_155, %get3A_158 : vector<16xf32>
      %add3A_160 = arith.addf %mul3A_152, %mul3A_159 : vector<16xf32>
      %get3A_161 = arith.index_cast %add3A_145 : i32 to index
      %get3A_162 = arith.constant 32 : index
      %get3A_163 = tpu.vector_load %arg13[%get3A_161, %get3A_162] {strides = array<i32>} : memref<128x128xf32, #tpu.memory_space<vmem>>, vector<16xf32>,
      %get3A_164 = arith.index_cast %add3A_145 : i32 to index
      %get3A_165 = arith.constant 32 : index
      %get3A_166 = tpu.vector_load %arg15[%get3A_164, %get3A_165] {strides = array<i32>} : memref<128x128xf32, #tpu.memory_space<vmem>>, vector<16xf32>,
      %mul3A_167 = arith.mulf %get3A_163, %get3A_166 : vector<16xf32>
      %add3A_168 = arith.addf %add3A_160, %mul3A_167 : vector<16xf32>
      %get3A_169 = arith.index_cast %add3A_145 : i32 to index
      %get3A_170 = arith.constant 48 : index
      %get3A_171 = tpu.vector_load %arg13[%get3A_169, %get3A_170] {strides = array<i32>} : memref<128x128xf32, #tpu.memory_space<vmem>>, vector<16xf32>,
      %get3A_172 = arith.index_cast %add3A_145 : i32 to index
      %get3A_173 = arith.constant 48 : index
      %get3A_174 = tpu.vector_load %arg15[%get3A_172, %get3A_173] {strides = array<i32>} : memref<128x128xf32, #tpu.memory_space<vmem>>, vector<16xf32>,
      %mul3A_175 = arith.mulf %get3A_171, %get3A_174 : vector<16xf32>
      %add3A_176 = arith.addf %add3A_168, %mul3A_175 : vector<16xf32>
      %swap3A_177 = arith.constant 1 : i32
      %swap3A_178 = arith.index_cast %swap3A_177 : i32 to index
      %swap3A_179 = arith.constant 0 : index
      %swap3A_180 = tpu.vector_load %arg11[%swap3A_178, %swap3A_179] {strides = array<i32>} : memref<16x16xf32, #tpu.memory_space<vmem>>, vector<16xf32>,
      tpu.vector_store %arg11[%swap3A_178, %swap3A_179], %add3A_176 {strides = array<i32>} : memref<16x16xf32, #tpu.memory_space<vmem>>, vector<16xf32>,
      %add3A_181 = arith.constant 2 : i32
      %add3A_182 = arith.addi %add3A_108, %add3A_181 : i32
      %get3A_183 = arith.index_cast %add3A_182 : i32 to index
      %get3A_184 = arith.constant 0 : index
      %get3A_185 = tpu.vector_load %arg13[%get3A_183, %get3A_184] {strides = array<i32>} : memref<128x128xf32, #tpu.memory_space<vmem>>, vector<16xf32>,
      %get3A_186 = arith.index_cast %add3A_182 : i32 to index
      %get3A_187 = arith.constant 0 : index
      %get3A_188 = tpu.vector_load %arg15[%get3A_186, %get3A_187] {strides = array<i32>} : memref<128x128xf32, #tpu.memory_space<vmem>>, vector<16xf32>,
      %mul3A_189 = arith.mulf %get3A_185, %get3A_188 : vector<16xf32>
      %get3A_190 = arith.index_cast %add3A_182 : i32 to index
      %get3A_191 = arith.constant 16 : index
      %get3A_192 = tpu.vector_load %arg13[%get3A_190, %get3A_191] {strides = array<i32>} : memref<128x128xf32, #tpu.memory_space<vmem>>, vector<16xf32>,
      %get3A_193 = arith.index_cast %add3A_182 : i32 to index
      %get3A_194 = arith.constant 16 : index
      %get3A_195 = tpu.vector_load %arg15[%get3A_193, %get3A_194] {strides = array<i32>} : memref<128x128xf32, #tpu.memory_space<vmem>>, vector<16xf32>,
      %mul3A_196 = arith.mulf %get3A_192, %get3A_195 : vector<16xf32>
      %add3A_197 = arith.addf %mul3A_189, %mul3A_196 : vector<16xf32>
      %get3A_198 = arith.index_cast %add3A_182 : i32 to index
      %get3A_199 = arith.constant 32 : index
      %get3A_200 = tpu.vector_load %arg13[%get3A_198, %get3A_199] {strides = array<i32>} : memref<128x128xf32, #tpu.memory_space<vmem>>, vector<16xf32>,
      %get3A_201 = arith.index_cast %add3A_182 : i32 to index
      %get3A_202 = arith.constant 32 : index
      %get3A_203 = tpu.vector_load %arg15[%get3A_201, %get3A_202] {strides = array<i32>} : memref<128x128xf32, #tpu.memory_space<vmem>>, vector<16xf32>,
      %mul3A_204 = arith.mulf %get3A_200, %get3A_203 : vector<16xf32>
      %add3A_205 = arith.addf %add3A_197, %mul3A_204 : vector<16xf32>
      %get3A_206 = arith.index_cast %add3A_182 : i32 to index
      %get3A_207 = arith.constant 48 : index
      %get3A_208 = tpu.vector_load %arg13[%get3A_206, %get3A_207] {strides = array<i32>} : memref<128x128xf32, #tpu.memory_space<vmem>>, vector<16xf32>,
      %get3A_209 = arith.index_cast %add3A_182 : i32 to index
      %get3A_210 = arith.constant 48 : index
      %get3A_211 = tpu.vector_load %arg15[%get3A_209, %get3A_210] {strides = array<i32>} : memref<128x128xf32, #tpu.memory_space<vmem>>, vector<16xf32>,
      %mul3A_212 = arith.mulf %get3A_208, %get3A_211 : vector<16xf32>
      %add3A_213 = arith.addf %add3A_205, %mul3A_212 : vector<16xf32>
      %swap3A_214 = arith.constant 2 : i32
      %swap3A_215 = arith.index_cast %swap3A_214 : i32 to index
      %swap3A_216 = arith.constant 0 : index
      %swap3A_217 = tpu.vector_load %arg11[%swap3A_215, %swap3A_216] {strides = array<i32>} : memref<16x16xf32, #tpu.memory_space<vmem>>, vector<16xf32>,
      tpu.vector_store %arg11[%swap3A_215, %swap3A_216], %add3A_213 {strides = array<i32>} : memref<16x16xf32, #tpu.memory_space<vmem>>, vector<16xf32>,
      %add3A_218 = arith.constant 3 : i32
      %add3A_219 = arith.addi %add3A_108, %add3A_218 : i32
      %get3A_220 = arith.index_cast %add3A_219 : i32 to index
      %get3A_221 = arith.constant 0 : index
      %get3A_222 = tpu.vector_load %arg13[%get3A_220, %get3A_221] {strides = array<i32>} : memref<128x128xf32, #tpu.memory_space<vmem>>, vector<16xf32>,
      %get3A_223 = arith.index_cast %add3A_219 : i32 to index
      %get3A_224 = arith.constant 0 : index
      %get3A_225 = tpu.vector_load %arg15[%get3A_223, %get3A_224] {strides = array<i32>} : memref<128x128xf32, #tpu.memory_space<vmem>>, vector<16xf32>,
      %mul3A_226 = arith.mulf %get3A_222, %get3A_225 : vector<16xf32>
      %get3A_227 = arith.index_cast %add3A_219 : i32 to index
      %get3A_228 = arith.constant 16 : index
      %get3A_229 = tpu.vector_load %arg13[%get3A_227, %get3A_228] {strides = array<i32>} : memref<128x128xf32, #tpu.memory_space<vmem>>, vector<16xf32>,
      %get3A_230 = arith.index_cast %add3A_219 : i32 to index
      %get3A_231 = arith.constant 16 : index
      %get3A_232 = tpu.vector_load %arg15[%get3A_230, %get3A_231] {strides = array<i32>} : memref<128x128xf32, #tpu.memory_space<vmem>>, vector<16xf32>,
      %mul3A_233 = arith.mulf %get3A_229, %get3A_232 : vector<16xf32>
      %add3A_234 = arith.addf %mul3A_226, %mul3A_233 : vector<16xf32>
      %get3A_235 = arith.index_cast %add3A_219 : i32 to index
      %get3A_236 = arith.constant 32 : index
      %get3A_237 = tpu.vector_load %arg13[%get3A_235, %get3A_236] {strides = array<i32>} : memref<128x128xf32, #tpu.memory_space<vmem>>, vector<16xf32>,
      %get3A_238 = arith.index_cast %add3A_219 : i32 to index
      %get3A_239 = arith.constant 32 : index
      %get3A_240 = tpu.vector_load %arg15[%get3A_238, %get3A_239] {strides = array<i32>} : memref<128x128xf32, #tpu.memory_space<vmem>>, vector<16xf32>,
      %mul3A_241 = arith.mulf %get3A_237, %get3A_240 : vector<16xf32>
      %add3A_242 = arith.addf %add3A_234, %mul3A_241 : vector<16xf32>
      %get3A_243 = arith.index_cast %add3A_219 : i32 to index
      %get3A_244 = arith.constant 48 : index
      %get3A_245 = tpu.vector_load %arg13[%get3A_243, %get3A_244] {strides = array<i32>} : memref<128x128xf32, #tpu.memory_space<vmem>>, vector<16xf32>,
      %get3A_246 = arith.index_cast %add3A_219 : i32 to index
      %get3A_247 = arith.constant 48 : index
      %get3A_248 = tpu.vector_load %arg15[%get3A_246, %get3A_247] {strides = array<i32>} : memref<128x128xf32, #tpu.memory_space<vmem>>, vector<16xf32>,
      %mul3A_249 = arith.mulf %get3A_245, %get3A_248 : vector<16xf32>
      %add3A_250 = arith.addf %add3A_242, %mul3A_249 : vector<16xf32>
      %swap3A_251 = arith.constant 3 : i32
      %swap3A_252 = arith.index_cast %swap3A_251 : i32 to index
      %swap3A_253 = arith.constant 0 : index
      %swap3A_254 = tpu.vector_load %arg11[%swap3A_252, %swap3A_253] {strides = array<i32>} : memref<16x16xf32, #tpu.memory_space<vmem>>, vector<16xf32>,
      tpu.vector_store %arg11[%swap3A_252, %swap3A_253], %add3A_250 {strides = array<i32>} : memref<16x16xf32, #tpu.memory_space<vmem>>, vector<16xf32>,
      %add3A_255 = arith.constant 4 : i32
      %add3A_256 = arith.addi %add3A_108, %add3A_255 : i32
      %get3A_257 = arith.index_cast %add3A_256 : i32 to index
      %get3A_258 = arith.constant 0 : index
      %get3A_259 = tpu.vector_load %arg13[%get3A_257, %get3A_258] {strides = array<i32>} : memref<128x128xf32, #tpu.memory_space<vmem>>, vector<16xf32>,
      %get3A_260 = arith.index_cast %add3A_256 : i32 to index
      %get3A_261 = arith.constant 0 : index
      %get3A_262 = tpu.vector_load %arg15[%get3A_260, %get3A_261] {strides = array<i32>} : memref<128x128xf32, #tpu.memory_space<vmem>>, vector<16xf32>,
      %mul3A_263 = arith.mulf %get3A_259, %get3A_262 : vector<16xf32>
      %get3A_264 = arith.index_cast %add3A_256 : i32 to index
      %get3A_265 = arith.constant 16 : index
      %get3A_266 = tpu.vector_load %arg13[%get3A_264, %get3A_265] {strides = array<i32>} : memref<128x128xf32, #tpu.memory_space<vmem>>, vector<16xf32>,
      %get3A_267 = arith.index_cast %add3A_256 : i32 to index
      %get3A_268 = arith.constant 16 : index
      %get3A_269 = tpu.vector_load %arg15[%get3A_267, %get3A_268] {strides = array<i32>} : memref<128x128xf32, #tpu.memory_space<vmem>>, vector<16xf32>,
      %mul3A_270 = arith.mulf %get3A_266, %get3A_269 : vector<16xf32>
      %add3A_271 = arith.addf %mul3A_263, %mul3A_270 : vector<16xf32>
      %get3A_272 = arith.index_cast %add3A_256 : i32 to index
      %get3A_273 = arith.constant 32 : index
      %get3A_274 = tpu.vector_load %arg13[%get3A_272, %get3A_273] {strides = array<i32>} : memref<128x128xf32, #tpu.memory_space<vmem>>, vector<16xf32>,
      %get3A_275 = arith.index_cast %add3A_256 : i32 to index
      %get3A_276 = arith.constant 32 : index
      %get3A_277 = tpu.vector_load %arg15[%get3A_275, %get3A_276] {strides = array<i32>} : memref<128x128xf32, #tpu.memory_space<vmem>>, vector<16xf32>,
      %mul3A_278 = arith.mulf %get3A_274, %get3A_277 : vector<16xf32>
      %add3A_279 = arith.addf %add3A_271, %mul3A_278 : vector<16xf32>
      %get3A_280 = arith.index_cast %add3A_256 : i32 to index
      %get3A_281 = arith.constant 48 : index
      %get3A_282 = tpu.vector_load %arg13[%get3A_280, %get3A_281] {strides = array<i32>} : memref<128x128xf32, #tpu.memory_space<vmem>>, vector<16xf32>,
      %get3A_283 = arith.index_cast %add3A_256 : i32 to index
      %get3A_284 = arith.constant 48 : index
      %get3A_285 = tpu.vector_load %arg15[%get3A_283, %get3A_284] {strides = array<i32>} : memref<128x128xf32, #tpu.memory_space<vmem>>, vector<16xf32>,
      %mul3A_286 = arith.mulf %get3A_282, %get3A_285 : vector<16xf32>
      %add3A_287 = arith.addf %add3A_279, %mul3A_286 : vector<16xf32>
      %swap3A_288 = arith.constant 4 : i32
      %swap3A_289 = arith.index_cast %swap3A_288 : i32 to index
      %swap3A_290 = arith.constant 0 : index
      %swap3A_291 = tpu.vector_load %arg11[%swap3A_289, %swap3A_290] {strides = array<i32>} : memref<16x16xf32, #tpu.memory_space<vmem>>, vector<16xf32>,
      tpu.vector_store %arg11[%swap3A_289, %swap3A_290], %add3A_287 {strides = array<i32>} : memref<16x16xf32, #tpu.memory_space<vmem>>, vector<16xf32>,
      %add3A_292 = arith.constant 5 : i32
      %add3A_293 = arith.addi %add3A_108, %add3A_292 : i32
      %get3A_294 = arith.index_cast %add3A_293 : i32 to index
      %get3A_295 = arith.constant 0 : index
      %get3A_296 = tpu.vector_load %arg13[%get3A_294, %get3A_295] {strides = array<i32>} : memref<128x128xf32, #tpu.memory_space<vmem>>, vector<16xf32>,
      %get3A_297 = arith.index_cast %add3A_293 : i32 to index
      %get3A_298 = arith.constant 0 : index
      %get3A_299 = tpu.vector_load %arg15[%get3A_297, %get3A_298] {strides = array<i32>} : memref<128x128xf32, #tpu.memory_space<vmem>>, vector<16xf32>,
      %mul3A_300 = arith.mulf %get3A_296, %get3A_299 : vector<16xf32>
      %get3A_301 = arith.index_cast %add3A_293 : i32 to index
      %get3A_302 = arith.constant 16 : index
      %get3A_303 = tpu.vector_load %arg13[%get3A_301, %get3A_302] {strides = array<i32>} : memref<128x128xf32, #tpu.memory_space<vmem>>, vector<16xf32>,
      %get3A_304 = arith.index_cast %add3A_293 : i32 to index
      %get3A_305 = arith.constant 16 : index
      %get3A_306 = tpu.vector_load %arg15[%get3A_304, %get3A_305] {strides = array<i32>} : memref<128x128xf32, #tpu.memory_space<vmem>>, vector<16xf32>,
      %mul3A_307 = arith.mulf %get3A_303, %get3A_306 : vector<16xf32>
      %add3A_308 = arith.addf %mul3A_300, %mul3A_307 : vector<16xf32>
      %get3A_309 = arith.index_cast %add3A_293 : i32 to index
      %get3A_310 = arith.constant 32 : index
      %get3A_311 = tpu.vector_load %arg13[%get3A_309, %get3A_310] {strides = array<i32>} : memref<128x128xf32, #tpu.memory_space<vmem>>, vector<16xf32>,
      %get3A_312 = arith.index_cast %add3A_293 : i32 to index
      %get3A_313 = arith.constant 32 : index
      %get3A_314 = tpu.vector_load %arg15[%get3A_312, %get3A_313] {strides = array<i32>} : memref<128x128xf32, #tpu.memory_space<vmem>>, vector<16xf32>,
      %mul3A_315 = arith.mulf %get3A_311, %get3A_314 : vector<16xf32>
      %add3A_316 = arith.addf %add3A_308, %mul3A_315 : vector<16xf32>
      %get3A_317 = arith.index_cast %add3A_293 : i32 to index
      %get3A_318 = arith.constant 48 : index
      %get3A_319 = tpu.vector_load %arg13[%get3A_317, %get3A_318] {strides = array<i32>} : memref<128x128xf32, #tpu.memory_space<vmem>>, vector<16xf32>,
      %get3A_320 = arith.index_cast %add3A_293 : i32 to index
      %get3A_321 = arith.constant 48 : index
      %get3A_322 = tpu.vector_load %arg15[%get3A_320, %get3A_321] {strides = array<i32>} : memref<128x128xf32, #tpu.memory_space<vmem>>, vector<16xf32>,
      %mul3A_323 = arith.mulf %get3A_319, %get3A_322 : vector<16xf32>
      %add3A_324 = arith.addf %add3A_316, %mul3A_323 : vector<16xf32>
      %swap3A_325 = arith.constant 5 : i32
      %swap3A_326 = arith.index_cast %swap3A_325 : i32 to index
      %swap3A_327 = arith.constant 0 : index
      %swap3A_328 = tpu.vector_load %arg11[%swap3A_326, %swap3A_327] {strides = array<i32>} : memref<16x16xf32, #tpu.memory_space<vmem>>, vector<16xf32>,
      tpu.vector_store %arg11[%swap3A_326, %swap3A_327], %add3A_324 {strides = array<i32>} : memref<16x16xf32, #tpu.memory_space<vmem>>, vector<16xf32>,
      %add3A_329 = arith.constant 6 : i32
      %add3A_330 = arith.addi %add3A_108, %add3A_329 : i32
      %get3A_331 = arith.index_cast %add3A_330 : i32 to index
      %get3A_332 = arith.constant 0 : index
      %get3A_333 = tpu.vector_load %arg13[%get3A_331, %get3A_332] {strides = array<i32>} : memref<128x128xf32, #tpu.memory_space<vmem>>, vector<16xf32>,
      %get3A_334 = arith.index_cast %add3A_330 : i32 to index
      %get3A_335 = arith.constant 0 : index
      %get3A_336 = tpu.vector_load %arg15[%get3A_334, %get3A_335] {strides = array<i32>} : memref<128x128xf32, #tpu.memory_space<vmem>>, vector<16xf32>,
      %mul3A_337 = arith.mulf %get3A_333, %get3A_336 : vector<16xf32>
      %get3A_338 = arith.index_cast %add3A_330 : i32 to index
      %get3A_339 = arith.constant 16 : index
      %get3A_340 = tpu.vector_load %arg13[%get3A_338, %get3A_339] {strides = array<i32>} : memref<128x128xf32, #tpu.memory_space<vmem>>, vector<16xf32>,
      %get3A_341 = arith.index_cast %add3A_330 : i32 to index
      %get3A_342 = arith.constant 16 : index
      %get3A_343 = tpu.vector_load %arg15[%get3A_341, %get3A_342] {strides = array<i32>} : memref<128x128xf32, #tpu.memory_space<vmem>>, vector<16xf32>,
      %mul3A_344 = arith.mulf %get3A_340, %get3A_343 : vector<16xf32>
      %add3A_345 = arith.addf %mul3A_337, %mul3A_344 : vector<16xf32>
      %get3A_346 = arith.index_cast %add3A_330 : i32 to index
      %get3A_347 = arith.constant 32 : index
      %get3A_348 = tpu.vector_load %arg13[%get3A_346, %get3A_347] {strides = array<i32>} : memref<128x128xf32, #tpu.memory_space<vmem>>, vector<16xf32>,
      %get3A_349 = arith.index_cast %add3A_330 : i32 to index
      %get3A_350 = arith.constant 32 : index
      %get3A_351 = tpu.vector_load %arg15[%get3A_349, %get3A_350] {strides = array<i32>} : memref<128x128xf32, #tpu.memory_space<vmem>>, vector<16xf32>,
      %mul3A_352 = arith.mulf %get3A_348, %get3A_351 : vector<16xf32>
      %add3A_353 = arith.addf %add3A_345, %mul3A_352 : vector<16xf32>
      %get3A_354 = arith.index_cast %add3A_330 : i32 to index
      %get3A_355 = arith.constant 48 : index
      %get3A_356 = tpu.vector_load %arg13[%get3A_354, %get3A_355] {strides = array<i32>} : memref<128x128xf32, #tpu.memory_space<vmem>>, vector<16xf32>,
      %get3A_357 = arith.index_cast %add3A_330 : i32 to index
      %get3A_358 = arith.constant 48 : index
      %get3A_359 = tpu.vector_load %arg15[%get3A_357, %get3A_358] {strides = array<i32>} : memref<128x128xf32, #tpu.memory_space<vmem>>, vector<16xf32>,
      %mul3A_360 = arith.mulf %get3A_356, %get3A_359 : vector<16xf32>
      %add3A_361 = arith.addf %add3A_353, %mul3A_360 : vector<16xf32>
      %swap3A_362 = arith.constant 6 : i32
      %swap3A_363 = arith.index_cast %swap3A_362 : i32 to index
      %swap3A_364 = arith.constant 0 : index
      %swap3A_365 = tpu.vector_load %arg11[%swap3A_363, %swap3A_364] {strides = array<i32>} : memref<16x16xf32, #tpu.memory_space<vmem>>, vector<16xf32>,
      tpu.vector_store %arg11[%swap3A_363, %swap3A_364], %add3A_361 {strides = array<i32>} : memref<16x16xf32, #tpu.memory_space<vmem>>, vector<16xf32>,
      %add3A_366 = arith.constant 7 : i32
      %add3A_367 = arith.addi %add3A_108, %add3A_366 : i32
      %get3A_368 = arith.index_cast %add3A_367 : i32 to index
      %get3A_369 = arith.constant 0 : index
      %get3A_370 = tpu.vector_load %arg13[%get3A_368, %get3A_369] {strides = array<i32>} : memref<128x128xf32, #tpu.memory_space<vmem>>, vector<16xf32>,
      %get3A_371 = arith.index_cast %add3A_367 : i32 to index
      %get3A_372 = arith.constant 0 : index
      %get3A_373 = tpu.vector_load %arg15[%get3A_371, %get3A_372] {strides = array<i32>} : memref<128x128xf32, #tpu.memory_space<vmem>>, vector<16xf32>,
      %mul3A_374 = arith.mulf %get3A_370, %get3A_373 : vector<16xf32>
      %get3A_375 = arith.index_cast %add3A_367 : i32 to index
      %get3A_376 = arith.constant 16 : index
      %get3A_377 = tpu.vector_load %arg13[%get3A_375, %get3A_376] {strides = array<i32>} : memref<128x128xf32, #tpu.memory_space<vmem>>, vector<16xf32>,
      %get3A_378 = arith.index_cast %add3A_367 : i32 to index
      %get3A_379 = arith.constant 16 : index
      %get3A_380 = tpu.vector_load %arg15[%get3A_378, %get3A_379] {strides = array<i32>} : memref<128x128xf32, #tpu.memory_space<vmem>>, vector<16xf32>,
      %mul3A_381 = arith.mulf %get3A_377, %get3A_380 : vector<16xf32>
      %add3A_382 = arith.addf %mul3A_374, %mul3A_381 : vector<16xf32>
      %get3A_383 = arith.index_cast %add3A_367 : i32 to index
      %get3A_384 = arith.constant 32 : index
      %get3A_385 = tpu.vector_load %arg13[%get3A_383, %get3A_384] {strides = array<i32>} : memref<128x128xf32, #tpu.memory_space<vmem>>, vector<16xf32>,
      %get3A_386 = arith.index_cast %add3A_367 : i32 to index
      %get3A_387 = arith.constant 32 : index
      %get3A_388 = tpu.vector_load %arg15[%get3A_386, %get3A_387] {strides = array<i32>} : memref<128x128xf32, #tpu.memory_space<vmem>>, vector<16xf32>,
      %mul3A_389 = arith.mulf %get3A_385, %get3A_388 : vector<16xf32>
      %add3A_390 = arith.addf %add3A_382, %mul3A_389 : vector<16xf32>
      %get3A_391 = arith.index_cast %add3A_367 : i32 to index
      %get3A_392 = arith.constant 48 : index
      %get3A_393 = tpu.vector_load %arg13[%get3A_391, %get3A_392] {strides = array<i32>} : memref<128x128xf32, #tpu.memory_space<vmem>>, vector<16xf32>,
      %get3A_394 = arith.index_cast %add3A_367 : i32 to index
      %get3A_395 = arith.constant 48 : index
      %get3A_396 = tpu.vector_load %arg15[%get3A_394, %get3A_395] {strides = array<i32>} : memref<128x128xf32, #tpu.memory_space<vmem>>, vector<16xf32>,
      %mul3A_397 = arith.mulf %get3A_393, %get3A_396 : vector<16xf32>
      %add3A_398 = arith.addf %add3A_390, %mul3A_397 : vector<16xf32>
      %swap3A_399 = arith.constant 7 : i32
      %swap3A_400 = arith.index_cast %swap3A_399 : i32 to index
      %swap3A_401 = arith.constant 0 : index
      %swap3A_402 = tpu.vector_load %arg11[%swap3A_400, %swap3A_401] {strides = array<i32>} : memref<16x16xf32, #tpu.memory_space<vmem>>, vector<16xf32>,
      tpu.vector_store %arg11[%swap3A_400, %swap3A_401], %add3A_398 {strides = array<i32>} : memref<16x16xf32, #tpu.memory_space<vmem>>, vector<16xf32>,
      %add3A_403 = arith.constant 8 : i32
      %add3A_404 = arith.addi %add3A_108, %add3A_403 : i32
      %get3A_405 = arith.index_cast %add3A_404 : i32 to index
      %get3A_406 = arith.constant 0 : index
      %get3A_407 = tpu.vector_load %arg13[%get3A_405, %get3A_406] {strides = array<i32>} : memref<128x128xf32, #tpu.memory_space<vmem>>, vector<16xf32>,
      %get3A_408 = arith.index_cast %add3A_404 : i32 to index
      %get3A_409 = arith.constant 0 : index
      %get3A_410 = tpu.vector_load %arg15[%get3A_408, %get3A_409] {strides = array<i32>} : memref<128x128xf32, #tpu.memory_space<vmem>>, vector<16xf32>,
      %mul3A_411 = arith.mulf %get3A_407, %get3A_410 : vector<16xf32>
      %get3A_412 = arith.index_cast %add3A_404 : i32 to index
      %get3A_413 = arith.constant 16 : index
      %get3A_414 = tpu.vector_load %arg13[%get3A_412, %get3A_413] {strides = array<i32>} : memref<128x128xf32, #tpu.memory_space<vmem>>, vector<16xf32>,
      %get3A_415 = arith.index_cast %add3A_404 : i32 to index
      %get3A_416 = arith.constant 16 : index
      %get3A_417 = tpu.vector_load %arg15[%get3A_415, %get3A_416] {strides = array<i32>} : memref<128x128xf32, #tpu.memory_space<vmem>>, vector<16xf32>,
      %mul3A_418 = arith.mulf %get3A_414, %get3A_417 : vector<16xf32>
      %add3A_419 = arith.addf %mul3A_411, %mul3A_418 : vector<16xf32>
      %get3A_420 = arith.index_cast %add3A_404 : i32 to index
      %get3A_421 = arith.constant 32 : index
      %get3A_422 = tpu.vector_load %arg13[%get3A_420, %get3A_421] {strides = array<i32>} : memref<128x128xf32, #tpu.memory_space<vmem>>, vector<16xf32>,
      %get3A_423 = arith.index_cast %add3A_404 : i32 to index
      %get3A_424 = arith.constant 32 : index
      %get3A_425 = tpu.vector_load %arg15[%get3A_423, %get3A_424] {strides = array<i32>} : memref<128x128xf32, #tpu.memory_space<vmem>>, vector<16xf32>,
      %mul3A_426 = arith.mulf %get3A_422, %get3A_425 : vector<16xf32>
      %add3A_427 = arith.addf %add3A_419, %mul3A_426 : vector<16xf32>
      %get3A_428 = arith.index_cast %add3A_404 : i32 to index
      %get3A_429 = arith.constant 48 : index
      %get3A_430 = tpu.vector_load %arg13[%get3A_428, %get3A_429] {strides = array<i32>} : memref<128x128xf32, #tpu.memory_space<vmem>>, vector<16xf32>,
      %get3A_431 = arith.index_cast %add3A_404 : i32 to index
      %get3A_432 = arith.constant 48 : index
      %get3A_433 = tpu.vector_load %arg15[%get3A_431, %get3A_432] {strides = array<i32>} : memref<128x128xf32, #tpu.memory_space<vmem>>, vector<16xf32>,
      %mul3A_434 = arith.mulf %get3A_430, %get3A_433 : vector<16xf32>
      %add3A_435 = arith.addf %add3A_427, %mul3A_434 : vector<16xf32>
      %swap3A_436 = arith.constant 8 : i32
      %swap3A_437 = arith.index_cast %swap3A_436 : i32 to index
      %swap3A_438 = arith.constant 0 : index
      %swap3A_439 = tpu.vector_load %arg11[%swap3A_437, %swap3A_438] {strides = array<i32>} : memref<16x16xf32, #tpu.memory_space<vmem>>, vector<16xf32>,
      tpu.vector_store %arg11[%swap3A_437, %swap3A_438], %add3A_435 {strides = array<i32>} : memref<16x16xf32, #tpu.memory_space<vmem>>, vector<16xf32>,
      %add3A_440 = arith.constant 9 : i32
      %add3A_441 = arith.addi %add3A_108, %add3A_440 : i32
      %get3A_442 = arith.index_cast %add3A_441 : i32 to index
      %get3A_443 = arith.constant 0 : index
      %get3A_444 = tpu.vector_load %arg13[%get3A_442, %get3A_443] {strides = array<i32>} : memref<128x128xf32, #tpu.memory_space<vmem>>, vector<16xf32>,
      %get3A_445 = arith.index_cast %add3A_441 : i32 to index
      %get3A_446 = arith.constant 0 : index
      %get3A_447 = tpu.vector_load %arg15[%get3A_445, %get3A_446] {strides = array<i32>} : memref<128x128xf32, #tpu.memory_space<vmem>>, vector<16xf32>,
      %mul3A_448 = arith.mulf %get3A_444, %get3A_447 : vector<16xf32>
      %get3A_449 = arith.index_cast %add3A_441 : i32 to index
      %get3A_450 = arith.constant 16 : index
      %get3A_451 = tpu.vector_load %arg13[%get3A_449, %get3A_450] {strides = array<i32>} : memref<128x128xf32, #tpu.memory_space<vmem>>, vector<16xf32>,
      %get3A_452 = arith.index_cast %add3A_441 : i32 to index
      %get3A_453 = arith.constant 16 : index
      %get3A_454 = tpu.vector_load %arg15[%get3A_452, %get3A_453] {strides = array<i32>} : memref<128x128xf32, #tpu.memory_space<vmem>>, vector<16xf32>,
      %mul3A_455 = arith.mulf %get3A_451, %get3A_454 : vector<16xf32>
      %add3A_456 = arith.addf %mul3A_448, %mul3A_455 : vector<16xf32>
      %get3A_457 = arith.index_cast %add3A_441 : i32 to index
      %get3A_458 = arith.constant 32 : index
      %get3A_459 = tpu.vector_load %arg13[%get3A_457, %get3A_458] {strides = array<i32>} : memref<128x128xf32, #tpu.memory_space<vmem>>, vector<16xf32>,
      %get3A_460 = arith.index_cast %add3A_441 : i32 to index
      %get3A_461 = arith.constant 32 : index
      %get3A_462 = tpu.vector_load %arg15[%get3A_460, %get3A_461] {strides = array<i32>} : memref<128x128xf32, #tpu.memory_space<vmem>>, vector<16xf32>,
      %mul3A_463 = arith.mulf %get3A_459, %get3A_462 : vector<16xf32>
      %add3A_464 = arith.addf %add3A_456, %mul3A_463 : vector<16xf32>
      %get3A_465 = arith.index_cast %add3A_441 : i32 to index
      %get3A_466 = arith.constant 48 : index
      %get3A_467 = tpu.vector_load %arg13[%get3A_465, %get3A_466] {strides = array<i32>} : memref<128x128xf32, #tpu.memory_space<vmem>>, vector<16xf32>,
      %get3A_468 = arith.index_cast %add3A_441 : i32 to index
      %get3A_469 = arith.constant 48 : index
      %get3A_470 = tpu.vector_load %arg15[%get3A_468, %get3A_469] {strides = array<i32>} : memref<128x128xf32, #tpu.memory_space<vmem>>, vector<16xf32>,
      %mul3A_471 = arith.mulf %get3A_467, %get3A_470 : vector<16xf32>
      %add3A_472 = arith.addf %add3A_464, %mul3A_471 : vector<16xf32>
      %swap3A_473 = arith.constant 9 : i32
      %swap3A_474 = arith.index_cast %swap3A_473 : i32 to index
      %swap3A_475 = arith.constant 0 : index
      %swap3A_476 = tpu.vector_load %arg11[%swap3A_474, %swap3A_475] {strides = array<i32>} : memref<16x16xf32, #tpu.memory_space<vmem>>, vector<16xf32>,
      tpu.vector_store %arg11[%swap3A_474, %swap3A_475], %add3A_472 {strides = array<i32>} : memref<16x16xf32, #tpu.memory_space<vmem>>, vector<16xf32>,
      %add3A_477 = arith.constant 10 : i32
      %add3A_478 = arith.addi %add3A_108, %add3A_477 : i32
      %get3A_479 = arith.index_cast %add3A_478 : i32 to index
      %get3A_480 = arith.constant 0 : index
      %get3A_481 = tpu.vector_load %arg13[%get3A_479, %get3A_480] {strides = array<i32>} : memref<128x128xf32, #tpu.memory_space<vmem>>, vector<16xf32>,
      %get3A_482 = arith.index_cast %add3A_478 : i32 to index
      %get3A_483 = arith.constant 0 : index
      %get3A_484 = tpu.vector_load %arg15[%get3A_482, %get3A_483] {strides = array<i32>} : memref<128x128xf32, #tpu.memory_space<vmem>>, vector<16xf32>,
      %mul3A_485 = arith.mulf %get3A_481, %get3A_484 : vector<16xf32>
      %get3A_486 = arith.index_cast %add3A_478 : i32 to index
      %get3A_487 = arith.constant 16 : index
      %get3A_488 = tpu.vector_load %arg13[%get3A_486, %get3A_487] {strides = array<i32>} : memref<128x128xf32, #tpu.memory_space<vmem>>, vector<16xf32>,
      %get3A_489 = arith.index_cast %add3A_478 : i32 to index
      %get3A_490 = arith.constant 16 : index
      %get3A_491 = tpu.vector_load %arg15[%get3A_489, %get3A_490] {strides = array<i32>} : memref<128x128xf32, #tpu.memory_space<vmem>>, vector<16xf32>,
      %mul3A_492 = arith.mulf %get3A_488, %get3A_491 : vector<16xf32>
      %add3A_493 = arith.addf %mul3A_485, %mul3A_492 : vector<16xf32>
      %get3A_494 = arith.index_cast %add3A_478 : i32 to index
      %get3A_495 = arith.constant 32 : index
      %get3A_496 = tpu.vector_load %arg13[%get3A_494, %get3A_495] {strides = array<i32>} : memref<128x128xf32, #tpu.memory_space<vmem>>, vector<16xf32>,
      %get3A_497 = arith.index_cast %add3A_478 : i32 to index
      %get3A_498 = arith.constant 32 : index
      %get3A_499 = tpu.vector_load %arg15[%get3A_497, %get3A_498] {strides = array<i32>} : memref<128x128xf32, #tpu.memory_space<vmem>>, vector<16xf32>,
      %mul3A_500 = arith.mulf %get3A_496, %get3A_499 : vector<16xf32>
      %add3A_501 = arith.addf %add3A_493, %mul3A_500 : vector<16xf32>
      %get3A_502 = arith.index_cast %add3A_478 : i32 to index
      %get3A_503 = arith.constant 48 : index
      %get3A_504 = tpu.vector_load %arg13[%get3A_502, %get3A_503] {strides = array<i32>} : memref<128x128xf32, #tpu.memory_space<vmem>>, vector<16xf32>,
      %get3A_505 = arith.index_cast %add3A_478 : i32 to index
      %get3A_506 = arith.constant 48 : index
      %get3A_507 = tpu.vector_load %arg15[%get3A_505, %get3A_506] {strides = array<i32>} : memref<128x128xf32, #tpu.memory_space<vmem>>, vector<16xf32>,
      %mul3A_508 = arith.mulf %get3A_504, %get3A_507 : vector<16xf32>
      %add3A_509 = arith.addf %add3A_501, %mul3A_508 : vector<16xf32>
      %swap3A_510 = arith.constant 10 : i32
      %swap3A_511 = arith.index_cast %swap3A_510 : i32 to index
      %swap3A_512 = arith.constant 0 : index
      %swap3A_513 = tpu.vector_load %arg11[%swap3A_511, %swap3A_512] {strides = array<i32>} : memref<16x16xf32, #tpu.memory_space<vmem>>, vector<16xf32>,
      tpu.vector_store %arg11[%swap3A_511, %swap3A_512], %add3A_509 {strides = array<i32>} : memref<16x16xf32, #tpu.memory_space<vmem>>, vector<16xf32>,
      %add3A_514 = arith.constant 11 : i32
      %add3A_515 = arith.addi %add3A_108, %add3A_514 : i32
      %get3A_516 = arith.index_cast %add3A_515 : i32 to index
      %get3A_517 = arith.constant 0 : index
      %get3A_518 = tpu.vector_load %arg13[%get3A_516, %get3A_517] {strides = array<i32>} : memref<128x128xf32, #tpu.memory_space<vmem>>, vector<16xf32>,
      %get3A_519 = arith.index_cast %add3A_515 : i32 to index
      %get3A_520 = arith.constant 0 : index
      %get3A_521 = tpu.vector_load %arg15[%get3A_519, %get3A_520] {strides = array<i32>} : memref<128x128xf32, #tpu.memory_space<vmem>>, vector<16xf32>,
      %mul3A_522 = arith.mulf %get3A_518, %get3A_521 : vector<16xf32>
      %get3A_523 = arith.index_cast %add3A_515 : i32 to index
      %get3A_524 = arith.constant 16 : index
      %get3A_525 = tpu.vector_load %arg13[%get3A_523, %get3A_524] {strides = array<i32>} : memref<128x128xf32, #tpu.memory_space<vmem>>, vector<16xf32>,
      %get3A_526 = arith.index_cast %add3A_515 : i32 to index
      %get3A_527 = arith.constant 16 : index
      %get3A_528 = tpu.vector_load %arg15[%get3A_526, %get3A_527] {strides = array<i32>} : memref<128x128xf32, #tpu.memory_space<vmem>>, vector<16xf32>,
      %mul3A_529 = arith.mulf %get3A_525, %get3A_528 : vector<16xf32>
      %add3A_530 = arith.addf %mul3A_522, %mul3A_529 : vector<16xf32>
      %get3A_531 = arith.index_cast %add3A_515 : i32 to index
      %get3A_532 = arith.constant 32 : index
      %get3A_533 = tpu.vector_load %arg13[%get3A_531, %get3A_532] {strides = array<i32>} : memref<128x128xf32, #tpu.memory_space<vmem>>, vector<16xf32>,
      %get3A_534 = arith.index_cast %add3A_515 : i32 to index
      %get3A_535 = arith.constant 32 : index
      %get3A_536 = tpu.vector_load %arg15[%get3A_534, %get3A_535] {strides = array<i32>} : memref<128x128xf32, #tpu.memory_space<vmem>>, vector<16xf32>,
      %mul3A_537 = arith.mulf %get3A_533, %get3A_536 : vector<16xf32>
      %add3A_538 = arith.addf %add3A_530, %mul3A_537 : vector<16xf32>
      %get3A_539 = arith.index_cast %add3A_515 : i32 to index
      %get3A_540 = arith.constant 48 : index
      %get3A_541 = tpu.vector_load %arg13[%get3A_539, %get3A_540] {strides = array<i32>} : memref<128x128xf32, #tpu.memory_space<vmem>>, vector<16xf32>,
      %get3A_542 = arith.index_cast %add3A_515 : i32 to index
      %get3A_543 = arith.constant 48 : index
      %get3A_544 = tpu.vector_load %arg15[%get3A_542, %get3A_543] {strides = array<i32>} : memref<128x128xf32, #tpu.memory_space<vmem>>, vector<16xf32>,
      %mul3A_545 = arith.mulf %get3A_541, %get3A_544 : vector<16xf32>
      %add3A_546 = arith.addf %add3A_538, %mul3A_545 : vector<16xf32>
      %swap3A_547 = arith.constant 11 : i32
      %swap3A_548 = arith.index_cast %swap3A_547 : i32 to index
      %swap3A_549 = arith.constant 0 : index
      %swap3A_550 = tpu.vector_load %arg11[%swap3A_548, %swap3A_549] {strides = array<i32>} : memref<16x16xf32, #tpu.memory_space<vmem>>, vector<16xf32>,
      tpu.vector_store %arg11[%swap3A_548, %swap3A_549], %add3A_546 {strides = array<i32>} : memref<16x16xf32, #tpu.memory_space<vmem>>, vector<16xf32>,
      %add3A_551 = arith.constant 12 : i32
      %add3A_552 = arith.addi %add3A_108, %add3A_551 : i32
      %get3A_553 = arith.index_cast %add3A_552 : i32 to index
      %get3A_554 = arith.constant 0 : index
      %get3A_555 = tpu.vector_load %arg13[%get3A_553, %get3A_554] {strides = array<i32>} : memref<128x128xf32, #tpu.memory_space<vmem>>, vector<16xf32>,
      %get3A_556 = arith.index_cast %add3A_552 : i32 to index
      %get3A_557 = arith.constant 0 : index
      %get3A_558 = tpu.vector_load %arg15[%get3A_556, %get3A_557] {strides = array<i32>} : memref<128x128xf32, #tpu.memory_space<vmem>>, vector<16xf32>,
      %mul3A_559 = arith.mulf %get3A_555, %get3A_558 : vector<16xf32>
      %get3A_560 = arith.index_cast %add3A_552 : i32 to index
      %get3A_561 = arith.constant 16 : index
      %get3A_562 = tpu.vector_load %arg13[%get3A_560, %get3A_561] {strides = array<i32>} : memref<128x128xf32, #tpu.memory_space<vmem>>, vector<16xf32>,
      %get3A_563 = arith.index_cast %add3A_552 : i32 to index
      %get3A_564 = arith.constant 16 : index
      %get3A_565 = tpu.vector_load %arg15[%get3A_563, %get3A_564] {strides = array<i32>} : memref<128x128xf32, #tpu.memory_space<vmem>>, vector<16xf32>,
      %mul3A_566 = arith.mulf %get3A_562, %get3A_565 : vector<16xf32>
      %add3A_567 = arith.addf %mul3A_559, %mul3A_566 : vector<16xf32>
      %get3A_568 = arith.index_cast %add3A_552 : i32 to index
      %get3A_569 = arith.constant 32 : index
      %get3A_570 = tpu.vector_load %arg13[%get3A_568, %get3A_569] {strides = array<i32>} : memref<128x128xf32, #tpu.memory_space<vmem>>, vector<16xf32>,
      %get3A_571 = arith.index_cast %add3A_552 : i32 to index
      %get3A_572 = arith.constant 32 : index
      %get3A_573 = tpu.vector_load %arg15[%get3A_571, %get3A_572] {strides = array<i32>} : memref<128x128xf32, #tpu.memory_space<vmem>>, vector<16xf32>,
      %mul3A_574 = arith.mulf %get3A_570, %get3A_573 : vector<16xf32>
      %add3A_575 = arith.addf %add3A_567, %mul3A_574 : vector<16xf32>
      %get3A_576 = arith.index_cast %add3A_552 : i32 to index
      %get3A_577 = arith.constant 48 : index
      %get3A_578 = tpu.vector_load %arg13[%get3A_576, %get3A_577] {strides = array<i32>} : memref<128x128xf32, #tpu.memory_space<vmem>>, vector<16xf32>,
      %get3A_579 = arith.index_cast %add3A_552 : i32 to index
      %get3A_580 = arith.constant 48 : index
      %get3A_581 = tpu.vector_load %arg15[%get3A_579, %get3A_580] {strides = array<i32>} : memref<128x128xf32, #tpu.memory_space<vmem>>, vector<16xf32>,
      %mul3A_582 = arith.mulf %get3A_578, %get3A_581 : vector<16xf32>
      %add3A_583 = arith.addf %add3A_575, %mul3A_582 : vector<16xf32>
      %swap3A_584 = arith.constant 12 : i32
      %swap3A_585 = arith.index_cast %swap3A_584 : i32 to index
      %swap3A_586 = arith.constant 0 : index
      %swap3A_587 = tpu.vector_load %arg11[%swap3A_585, %swap3A_586] {strides = array<i32>} : memref<16x16xf32, #tpu.memory_space<vmem>>, vector<16xf32>,
      tpu.vector_store %arg11[%swap3A_585, %swap3A_586], %add3A_583 {strides = array<i32>} : memref<16x16xf32, #tpu.memory_space<vmem>>, vector<16xf32>,
      %add3A_588 = arith.constant 13 : i32
      %add3A_589 = arith.addi %add3A_108, %add3A_588 : i32
      %get3A_590 = arith.index_cast %add3A_589 : i32 to index
      %get3A_591 = arith.constant 0 : index
      %get3A_592 = tpu.vector_load %arg13[%get3A_590, %get3A_591] {strides = array<i32>} : memref<128x128xf32, #tpu.memory_space<vmem>>, vector<16xf32>,
      %get3A_593 = arith.index_cast %add3A_589 : i32 to index
      %get3A_594 = arith.constant 0 : index
      %get3A_595 = tpu.vector_load %arg15[%get3A_593, %get3A_594] {strides = array<i32>} : memref<128x128xf32, #tpu.memory_space<vmem>>, vector<16xf32>,
      %mul3A_596 = arith.mulf %get3A_592, %get3A_595 : vector<16xf32>
      %get3A_597 = arith.index_cast %add3A_589 : i32 to index
      %get3A_598 = arith.constant 16 : index
      %get3A_599 = tpu.vector_load %arg13[%get3A_597, %get3A_598] {strides = array<i32>} : memref<128x128xf32, #tpu.memory_space<vmem>>, vector<16xf32>,
      %get3A_600 = arith.index_cast %add3A_589 : i32 to index
      %get3A_601 = arith.constant 16 : index
      %get3A_602 = tpu.vector_load %arg15[%get3A_600, %get3A_601] {strides = array<i32>} : memref<128x128xf32, #tpu.memory_space<vmem>>, vector<16xf32>,
      %mul3A_603 = arith.mulf %get3A_599, %get3A_602 : vector<16xf32>
      %add3A_604 = arith.addf %mul3A_596, %mul3A_603 : vector<16xf32>
      %get3A_605 = arith.index_cast %add3A_589 : i32 to index
      %get3A_606 = arith.constant 32 : index
      %get3A_607 = tpu.vector_load %arg13[%get3A_605, %get3A_606] {strides = array<i32>} : memref<128x128xf32, #tpu.memory_space<vmem>>, vector<16xf32>,
      %get3A_608 = arith.index_cast %add3A_589 : i32 to index
      %get3A_609 = arith.constant 32 : index
      %get3A_610 = tpu.vector_load %arg15[%get3A_608, %get3A_609] {strides = array<i32>} : memref<128x128xf32, #tpu.memory_space<vmem>>, vector<16xf32>,
      %mul3A_611 = arith.mulf %get3A_607, %get3A_610 : vector<16xf32>
      %add3A_612 = arith.addf %add3A_604, %mul3A_611 : vector<16xf32>
      %get3A_613 = arith.index_cast %add3A_589 : i32 to index
      %get3A_614 = arith.constant 48 : index
      %get3A_615 = tpu.vector_load %arg13[%get3A_613, %get3A_614] {strides = array<i32>} : memref<128x128xf32, #tpu.memory_space<vmem>>, vector<16xf32>,
      %get3A_616 = arith.index_cast %add3A_589 : i32 to index
      %get3A_617 = arith.constant 48 : index
      %get3A_618 = tpu.vector_load %arg15[%get3A_616, %get3A_617] {strides = array<i32>} : memref<128x128xf32, #tpu.memory_space<vmem>>, vector<16xf32>,
      %mul3A_619 = arith.mulf %get3A_615, %get3A_618 : vector<16xf32>
      %add3A_620 = arith.addf %add3A_612, %mul3A_619 : vector<16xf32>
      %swap3A_621 = arith.constant 13 : i32
      %swap3A_622 = arith.index_cast %swap3A_621 : i32 to index
      %swap3A_623 = arith.constant 0 : index
      %swap3A_624 = tpu.vector_load %arg11[%swap3A_622, %swap3A_623] {strides = array<i32>} : memref<16x16xf32, #tpu.memory_space<vmem>>, vector<16xf32>,
      tpu.vector_store %arg11[%swap3A_622, %swap3A_623], %add3A_620 {strides = array<i32>} : memref<16x16xf32, #tpu.memory_space<vmem>>, vector<16xf32>,
      %add3A_625 = arith.constant 14 : i32
      %add3A_626 = arith.addi %add3A_108, %add3A_625 : i32
      %get3A_627 = arith.index_cast %add3A_626 : i32 to index
      %get3A_628 = arith.constant 0 : index
      %get3A_629 = tpu.vector_load %arg13[%get3A_627, %get3A_628] {strides = array<i32>} : memref<128x128xf32, #tpu.memory_space<vmem>>, vector<16xf32>,
      %get3A_630 = arith.index_cast %add3A_626 : i32 to index
      %get3A_631 = arith.constant 0 : index
      %get3A_632 = tpu.vector_load %arg15[%get3A_630, %get3A_631] {strides = array<i32>} : memref<128x128xf32, #tpu.memory_space<vmem>>, vector<16xf32>,
      %mul3A_633 = arith.mulf %get3A_629, %get3A_632 : vector<16xf32>
      %get3A_634 = arith.index_cast %add3A_626 : i32 to index
      %get3A_635 = arith.constant 16 : index
      %get3A_636 = tpu.vector_load %arg13[%get3A_634, %get3A_635] {strides = array<i32>} : memref<128x128xf32, #tpu.memory_space<vmem>>, vector<16xf32>,
      %get3A_637 = arith.index_cast %add3A_626 : i32 to index
      %get3A_638 = arith.constant 16 : index
      %get3A_639 = tpu.vector_load %arg15[%get3A_637, %get3A_638] {strides = array<i32>} : memref<128x128xf32, #tpu.memory_space<vmem>>, vector<16xf32>,
      %mul3A_640 = arith.mulf %get3A_636, %get3A_639 : vector<16xf32>
      %add3A_641 = arith.addf %mul3A_633, %mul3A_640 : vector<16xf32>
      %get3A_642 = arith.index_cast %add3A_626 : i32 to index
      %get3A_643 = arith.constant 32 : index
      %get3A_644 = tpu.vector_load %arg13[%get3A_642, %get3A_643] {strides = array<i32>} : memref<128x128xf32, #tpu.memory_space<vmem>>, vector<16xf32>,
      %get3A_645 = arith.index_cast %add3A_626 : i32 to index
      %get3A_646 = arith.constant 32 : index
      %get3A_647 = tpu.vector_load %arg15[%get3A_645, %get3A_646] {strides = array<i32>} : memref<128x128xf32, #tpu.memory_space<vmem>>, vector<16xf32>,
      %mul3A_648 = arith.mulf %get3A_644, %get3A_647 : vector<16xf32>
      %add3A_649 = arith.addf %add3A_641, %mul3A_648 : vector<16xf32>
      %get3A_650 = arith.index_cast %add3A_626 : i32 to index
      %get3A_651 = arith.constant 48 : index
      %get3A_652 = tpu.vector_load %arg13[%get3A_650, %get3A_651] {strides = array<i32>} : memref<128x128xf32, #tpu.memory_space<vmem>>, vector<16xf32>,
      %get3A_653 = arith.index_cast %add3A_626 : i32 to index
      %get3A_654 = arith.constant 48 : index
      %get3A_655 = tpu.vector_load %arg15[%get3A_653, %get3A_654] {strides = array<i32>} : memref<128x128xf32, #tpu.memory_space<vmem>>, vector<16xf32>,
      %mul3A_656 = arith.mulf %get3A_652, %get3A_655 : vector<16xf32>
      %add3A_657 = arith.addf %add3A_649, %mul3A_656 : vector<16xf32>
      %swap3A_658 = arith.constant 14 : i32
      %swap3A_659 = arith.index_cast %swap3A_658 : i32 to index
      %swap3A_660 = arith.constant 0 : index
      %swap3A_661 = tpu.vector_load %arg11[%swap3A_659, %swap3A_660] {strides = array<i32>} : memref<16x16xf32, #tpu.memory_space<vmem>>, vector<16xf32>,
      tpu.vector_store %arg11[%swap3A_659, %swap3A_660], %add3A_657 {strides = array<i32>} : memref<16x16xf32, #tpu.memory_space<vmem>>, vector<16xf32>,
      %add3A_662 = arith.constant 15 : i32
      %add3A_663 = arith.addi %add3A_108, %add3A_662 : i32
      %get3A_664 = arith.index_cast %add3A_663 : i32 to index
      %get3A_665 = arith.constant 0 : index
      %get3A_666 = tpu.vector_load %arg13[%get3A_664, %get3A_665] {strides = array<i32>} : memref<128x128xf32, #tpu.memory_space<vmem>>, vector<16xf32>,
      %get3A_667 = arith.index_cast %add3A_663 : i32 to index
      %get3A_668 = arith.constant 0 : index
      %get3A_669 = tpu.vector_load %arg15[%get3A_667, %get3A_668] {strides = array<i32>} : memref<128x128xf32, #tpu.memory_space<vmem>>, vector<16xf32>,
      %mul3A_670 = arith.mulf %get3A_666, %get3A_669 : vector<16xf32>
      %get3A_671 = arith.index_cast %add3A_663 : i32 to index
      %get3A_672 = arith.constant 16 : index
      %get3A_673 = tpu.vector_load %arg13[%get3A_671, %get3A_672] {strides = array<i32>} : memref<128x128xf32, #tpu.memory_space<vmem>>, vector<16xf32>,
      %get3A_674 = arith.index_cast %add3A_663 : i32 to index
      %get3A_675 = arith.constant 16 : index
      %get3A_676 = tpu.vector_load %arg15[%get3A_674, %get3A_675] {strides = array<i32>} : memref<128x128xf32, #tpu.memory_space<vmem>>, vector<16xf32>,
      %mul3A_677 = arith.mulf %get3A_673, %get3A_676 : vector<16xf32>
      %add3A_678 = arith.addf %mul3A_670, %mul3A_677 : vector<16xf32>
      %get3A_679 = arith.index_cast %add3A_663 : i32 to index
      %get3A_680 = arith.constant 32 : index
      %get3A_681 = tpu.vector_load %arg13[%get3A_679, %get3A_680] {strides = array<i32>} : memref<128x128xf32, #tpu.memory_space<vmem>>, vector<16xf32>,
      %get3A_682 = arith.index_cast %add3A_663 : i32 to index
      %get3A_683 = arith.constant 32 : index
      %get3A_684 = tpu.vector_load %arg15[%get3A_682, %get3A_683] {strides = array<i32>} : memref<128x128xf32, #tpu.memory_space<vmem>>, vector<16xf32>,
      %mul3A_685 = arith.mulf %get3A_681, %get3A_684 : vector<16xf32>
      %add3A_686 = arith.addf %add3A_678, %mul3A_685 : vector<16xf32>
      %get3A_687 = arith.index_cast %add3A_663 : i32 to index
      %get3A_688 = arith.constant 48 : index
      %get3A_689 = tpu.vector_load %arg13[%get3A_687, %get3A_688] {strides = array<i32>} : memref<128x128xf32, #tpu.memory_space<vmem>>, vector<16xf32>,
      %get3A_690 = arith.index_cast %add3A_663 : i32 to index
      %get3A_691 = arith.constant 48 : index
      %get3A_692 = tpu.vector_load %arg15[%get3A_690, %get3A_691] {strides = array<i32>} : memref<128x128xf32, #tpu.memory_space<vmem>>, vector<16xf32>,
      %mul3A_693 = arith.mulf %get3A_689, %get3A_692 : vector<16xf32>
      %add3A_694 = arith.addf %add3A_686, %mul3A_693 : vector<16xf32>
      %swap3A_695 = arith.constant 15 : i32
      %swap3A_696 = arith.index_cast %swap3A_695 : i32 to index
      %swap3A_697 = arith.constant 0 : index
      %swap3A_698 = tpu.vector_load %arg11[%swap3A_696, %swap3A_697] {strides = array<i32>} : memref<16x16xf32, #tpu.memory_space<vmem>>, vector<16xf32>,
      tpu.vector_store %arg11[%swap3A_696, %swap3A_697], %add3A_694 {strides = array<i32>} : memref<16x16xf32, #tpu.memory_space<vmem>>, vector<16xf32>,
      %gather3A = tpu.vector_load_idx %arg11[%iota3A, %broadcast_in_dim3A_6] : memref<16x16xf32, #tpu.memory_space<vmem>>[vector<16xi32>, vector<16xi32>], vector<16xf32>,
      %broadcast_in_dim3A_699 = arith.constant 1 : i32
      %broadcast_in_dim3A_700 = vector.broadcast %broadcast_in_dim3A_699 : i32 to vector<16xi32>
      %gather3A_701 = tpu.vector_load_idx %arg11[%iota3A, %broadcast_in_dim3A_700] : memref<16x16xf32, #tpu.memory_space<vmem>>[vector<16xi32>, vector<16xi32>], vector<16xf32>,
      %add3A_702 = arith.addf %gather3A, %gather3A_701 : vector<16xf32>
      %broadcast_in_dim3A_703 = arith.constant 2 : i32
      %broadcast_in_dim3A_704 = vector.broadcast %broadcast_in_dim3A_703 : i32 to vector<16xi32>
      %gather3A_705 = tpu.vector_load_idx %arg11[%iota3A, %broadcast_in_dim3A_704] : memref<16x16xf32, #tpu.memory_space<vmem>>[vector<16xi32>, vector<16xi32>], vector<16xf32>,
      %add3A_706 = arith.addf %add3A_702, %gather3A_705 : vector<16xf32>
      %broadcast_in_dim3A_707 = arith.constant 3 : i32
      %broadcast_in_dim3A_708 = vector.broadcast %broadcast_in_dim3A_707 : i32 to vector<16xi32>
      %gather3A_709 = tpu.vector_load_idx %arg11[%iota3A, %broadcast_in_dim3A_708] : memref<16x16xf32, #tpu.memory_space<vmem>>[vector<16xi32>, vector<16xi32>], vector<16xf32>,
      %add3A_710 = arith.addf %add3A_706, %gather3A_709 : vector<16xf32>
      %broadcast_in_dim3A_711 = arith.constant 4 : i32
      %broadcast_in_dim3A_712 = vector.broadcast %broadcast_in_dim3A_711 : i32 to vector<16xi32>
      %gather3A_713 = tpu.vector_load_idx %arg11[%iota3A, %broadcast_in_dim3A_712] : memref<16x16xf32, #tpu.memory_space<vmem>>[vector<16xi32>, vector<16xi32>], vector<16xf32>,
      %add3A_714 = arith.addf %add3A_710, %gather3A_713 : vector<16xf32>
      %broadcast_in_dim3A_715 = arith.constant 5 : i32
      %broadcast_in_dim3A_716 = vector.broadcast %broadcast_in_dim3A_715 : i32 to vector<16xi32>
      %gather3A_717 = tpu.vector_load_idx %arg11[%iota3A, %broadcast_in_dim3A_716] : memref<16x16xf32, #tpu.memory_space<vmem>>[vector<16xi32>, vector<16xi32>], vector<16xf32>,
      %add3A_718 = arith.addf %add3A_714, %gather3A_717 : vector<16xf32>
      %broadcast_in_dim3A_719 = arith.constant 6 : i32
      %broadcast_in_dim3A_720 = vector.broadcast %broadcast_in_dim3A_719 : i32 to vector<16xi32>
      %gather3A_721 = tpu.vector_load_idx %arg11[%iota3A, %broadcast_in_dim3A_720] : memref<16x16xf32, #tpu.memory_space<vmem>>[vector<16xi32>, vector<16xi32>], vector<16xf32>,
      %add3A_722 = arith.addf %add3A_718, %gather3A_721 : vector<16xf32>
      %broadcast_in_dim3A_723 = arith.constant 7 : i32
      %broadcast_in_dim3A_724 = vector.broadcast %broadcast_in_dim3A_723 : i32 to vector<16xi32>
      %gather3A_725 = tpu.vector_load_idx %arg11[%iota3A, %broadcast_in_dim3A_724] : memref<16x16xf32, #tpu.memory_space<vmem>>[vector<16xi32>, vector<16xi32>], vector<16xf32>,
      %add3A_726 = arith.addf %add3A_722, %gather3A_725 : vector<16xf32>
      %broadcast_in_dim3A_727 = arith.constant 8 : i32
      %broadcast_in_dim3A_728 = vector.broadcast %broadcast_in_dim3A_727 : i32 to vector<16xi32>
      %gather3A_729 = tpu.vector_load_idx %arg11[%iota3A, %broadcast_in_dim3A_728] : memref<16x16xf32, #tpu.memory_space<vmem>>[vector<16xi32>, vector<16xi32>], vector<16xf32>,
      %add3A_730 = arith.addf %add3A_726, %gather3A_729 : vector<16xf32>
      %broadcast_in_dim3A_731 = arith.constant 9 : i32
      %broadcast_in_dim3A_732 = vector.broadcast %broadcast_in_dim3A_731 : i32 to vector<16xi32>
      %gather3A_733 = tpu.vector_load_idx %arg11[%iota3A, %broadcast_in_dim3A_732] : memref<16x16xf32, #tpu.memory_space<vmem>>[vector<16xi32>, vector<16xi32>], vector<16xf32>,
      %add3A_734 = arith.addf %add3A_730, %gather3A_733 : vector<16xf32>
      %broadcast_in_dim3A_735 = arith.constant 10 : i32
      %broadcast_in_dim3A_736 = vector.broadcast %broadcast_in_dim3A_735 : i32 to vector<16xi32>
      %gather3A_737 = tpu.vector_load_idx %arg11[%iota3A, %broadcast_in_dim3A_736] : memref<16x16xf32, #tpu.memory_space<vmem>>[vector<16xi32>, vector<16xi32>], vector<16xf32>,
      %add3A_738 = arith.addf %add3A_734, %gather3A_737 : vector<16xf32>
      %broadcast_in_dim3A_739 = arith.constant 11 : i32
      %broadcast_in_dim3A_740 = vector.broadcast %broadcast_in_dim3A_739 : i32 to vector<16xi32>
      %gather3A_741 = tpu.vector_load_idx %arg11[%iota3A, %broadcast_in_dim3A_740] : memref<16x16xf32, #tpu.memory_space<vmem>>[vector<16xi32>, vector<16xi32>], vector<16xf32>,
      %add3A_742 = arith.addf %add3A_738, %gather3A_741 : vector<16xf32>
      %broadcast_in_dim3A_743 = arith.constant 12 : i32
      %broadcast_in_dim3A_744 = vector.broadcast %broadcast_in_dim3A_743 : i32 to vector<16xi32>
      %gather3A_745 = tpu.vector_load_idx %arg11[%iota3A, %broadcast_in_dim3A_744] : memref<16x16xf32, #tpu.memory_space<vmem>>[vector<16xi32>, vector<16xi32>], vector<16xf32>,
      %add3A_746 = arith.addf %add3A_742, %gather3A_745 : vector<16xf32>
      %broadcast_in_dim3A_747 = arith.constant 13 : i32
      %broadcast_in_dim3A_748 = vector.broadcast %broadcast_in_dim3A_747 : i32 to vector<16xi32>
      %gather3A_749 = tpu.vector_load_idx %arg11[%iota3A, %broadcast_in_dim3A_748] : memref<16x16xf32, #tpu.memory_space<vmem>>[vector<16xi32>, vector<16xi32>], vector<16xf32>,
      %add3A_750 = arith.addf %add3A_746, %gather3A_749 : vector<16xf32>
      %broadcast_in_dim3A_751 = arith.constant 14 : i32
      %broadcast_in_dim3A_752 = vector.broadcast %broadcast_in_dim3A_751 : i32 to vector<16xi32>
      %gather3A_753 = tpu.vector_load_idx %arg11[%iota3A, %broadcast_in_dim3A_752] : memref<16x16xf32, #tpu.memory_space<vmem>>[vector<16xi32>, vector<16xi32>], vector<16xf32>,
      %add3A_754 = arith.addf %add3A_750, %gather3A_753 : vector<16xf32>
      %broadcast_in_dim3A_755 = arith.constant 15 : i32
      %broadcast_in_dim3A_756 = vector.broadcast %broadcast_in_dim3A_755 : i32 to vector<16xi32>
      %gather3A_757 = tpu.vector_load_idx %arg11[%iota3A, %broadcast_in_dim3A_756] : memref<16x16xf32, #tpu.memory_space<vmem>>[vector<16xi32>, vector<16xi32>], vector<16xf32>,
      %add3A_758 = arith.addf %add3A_754, %gather3A_757 : vector<16xf32>
      %add3A_759 = arith.constant 384 : i32
      %add3A_760 = arith.addi %add3A_759, %add3A_108 : i32
      %get3A_761 = arith.index_cast %add3A_760 : i32 to index
      %get3A_762 = tpu.vector_load %arg8[%get3A_761] {strides = array<i32>} : memref<512xf32, #tpu.memory_space<vmem>>, vector<16xf32>,
      %mul3A_763 = arith.mulf %add3A_758, %get3A_762 : vector<16xf32>
      %get3A_764 = arith.index_cast %add3A_760 : i32 to index
      %get3A_765 = tpu.vector_load %arg9[%get3A_764] {strides = array<i32>} : memref<512xf32, #tpu.memory_space<vmem>>, vector<16xf32>,
      %mul3A_766 = arith.mulf %mul3A_763, %get3A_765 : vector<16xf32>
      %swap3A_767 = arith.index_cast %add3A_760 : i32 to index
      %swap3A_768 = tpu.vector_load %arg10[%swap3A_767] {strides = array<i32>} : memref<512xf32, #tpu.memory_space<vmem>>, vector<16xf32>,
      tpu.vector_store %arg10[%swap3A_767], %mul3A_766 {strides = array<i32>} : memref<512xf32, #tpu.memory_space<vmem>>, vector<16xf32>,
    }
    %scan3A_103 = arith.constant 8 : i32
    "tpu.region"() ({
      %run_scoped3A_104 = tpu.sem_alloc : memref<!tpu.dma_semaphore, #tpu.memory_space<semaphore_mem>>
      %dma_start3A_105 = tpu.memref_slice %arg5[%mul3A_2] : memref<16384xf32, #tpu.memory_space<hbm>> -> memref<512xf32, #tpu.memory_space<hbm>>
      %dma_start3A_106 = tpu.memref_slice %arg5[%mul3A_2] : memref<16384xf32, #tpu.memory_space<hbm>> -> memref<512xf32, #tpu.memory_space<hbm>>
      tpu.enqueue_dma source(%arg10 : memref<512xf32, #tpu.memory_space<vmem>>) target(%dma_start3A_106 : memref<512xf32, #tpu.memory_space<hbm>>) target_semaphore(%run_scoped3A_104 : memref<!tpu.dma_semaphore, #tpu.memory_space<semaphore_mem>>)
      %dma_wait3A_107 = tpu.memref_slice %arg5[%mul3A_2] : memref<16384xf32, #tpu.memory_space<hbm>> -> memref<512xf32, #tpu.memory_space<hbm>>
      %dma_wait3A_108 = tpu.memref_slice %arg5[%mul3A_2] : memref<16384xf32, #tpu.memory_space<hbm>> -> memref<512xf32, #tpu.memory_space<hbm>>
      tpu.wait_dma2 semaphore(%run_scoped3A_104 : memref<!tpu.dma_semaphore, #tpu.memory_space<semaphore_mem>>) src(%arg10 : memref<512xf32, #tpu.memory_space<vmem>>) dst(%dma_wait3A_108 : memref<512xf32, #tpu.memory_space<hbm>>)
      tpu.yield
    }) : () -> ()
    return
  }
}

</mosaic_0001>

<sc_bundles>
// kernel: kernel.3.cloned.1.call-start
scs
__scs_entry_jumppad:
0x0: {  	(pc) =	sbr.rel $0x88, $3  }
0x1: {  	(tag) =	ssettag $0x0;
	lr =	simm.s32 $0x1  }
0x2: {  	[smem:$0x3F9E] =	sst lr;
	_ =	strace $0xD0000000  }
0x3: {  	_ = 	snop  }
0x4: {  	_ = 	snop  }
0x5: {  	_ = 	snop  }
0x6: {  	_ = 	snop  }
0x7: {  	_ = 	snop  }
__scs_overlays_trampoline_lowered:
0x8: {  	[smem:$0x3FAD] =	sst s0  }
0x9: {  	[smem:$0x3FAE] =	sst s1  }
0xa: {  	[smem:$0x3FAF] =	sst s2  }
0xb: {  	[smem:$0x3FB0] =	sst s3  }
0xc: {  	[smem:$0x3FB1] =	sst s4  }
0xd: {  	[smem:$0x3FB2] =	sst s5  }
0xe: {  	[smem:$0x3FB3] =	sst s6  }
0xf: {  	[smem:$0x3FB4] =	sst s7  }
0x10: {  	[smem:$0x3FB5] =	sst s8  }
0x11: {  	[smem:$0x3FB6] =	sst s9;
	s0 =	simm.s32 @!p0 $0x0  }
0x12: {  	s1 =	sld [smem:$0x3F9C];
	s0 =	simm.s32 @p0 $0x1  }
0x13: {  	[smem:$0x3FB7] =	sst s0;
	s0 =	simm.s32 @!p1 $0x0  }
0x14: {  	s2 =	sld [smem:$0x3F9B];
	s0 =	simm.s32 @p1 $0x1  }
0x15: {  	[smem:$0x3FB8] =	sst s0;
	s0 =	simm.s32 @!p2 $0x0  }
0x16: {  	s3 =	sld [smem:$0x3FDB];
	s0 =	simm.s32 @p2 $0x1  }
0x17: {  	s4 =	simm.s32 $0x1BF5;
	[smem:$0x3FBA] =	sst s0  }
0x18: {  	s0 =	sld [smem:$0x3F9D];
	_ =	swait.ge [sflag:s4], $0x0  }
0x19: {  	s7 =	sld [smem:$0x3F9E]  }
0x1a: {  	s8 =	sadd.s32 $0xFFFFE003, lr  }
0x1b: {  	s9 =	sadd.s32 $0xFFFFFEF7, lr;
	s5 =	simm.s32 $0xFFFFFFFF;
	p2 =	slt.u32 s8, $0xFFFFF086  }
0x1c: {  	p1 =	slt.u32 s9, $0xF7A;
	s5 =	simm.s32 @!p2 $0x0  }
0x1d: {  	s5 =	simm.s32 @p1 $0x1;
	p0 =	seq.s32 s7, s2  }
0x1e: {  	s7 =	smul.u32 @!p0 $0xF7A, s2;
	p2 =	seq.s32 @!p0 s5, $0x0  }
0x1f: {  	s9 =	smul.u32 $0xF7A, s1;
	s8 =	simm.s32 @!p0 $0x1BF5;
	p2 =	por !p2, p0  }
0x20: {  	[sflag:s8] =	ssyncset.s32 @!p0 $0xFFFFF086;
	s6 =	sadd.s32 @!p0 s3, s7;
	s7 =	simm.s32 @!p0 $0x108  }
0x21: {  	s3 =	sadd.s32 s3, s9;
	s6 =	sadd.s32 @!p0 $0x88, s6;
	s7 =	simm.s32 @p2 $0x1082  }
0x22: {  	[simem:s7], [sflag:s8] =	dma.local @!p0 [hbm:s6], $0xF7A  }
0x23: {  	s9 =	sor.u32 $0xD0000000, s2;
	s6 =	simm.s32 $0x108;
	_ =	swait.ge @!p0 [sflag:s8], $0x0  }
0x24: {  	s3 =	sadd.s32 $0x88, s3;
	s6 =	simm.s32 @!p1 $0x1082;
	[sflag:s4] =	ssyncset.s32 $0xFFFFF086  }
0x25: {  	[simem:s6], [sflag:s4] =	dma.local [hbm:s3], $0xF7A  }
0x26: {  	[smem:$0x3F9E] =	sst s1;
	(tag) =	ssettag s2;
	_ =	strace s9  }
0x27: {  	s1 =	sld [smem:$0x3FAE]  }
0x28: {  	s2 =	sld [smem:$0x3FAF]  }
0x29: {  	s4 =	sld [smem:$0x3FB1]  }
0x2a: {  	p0 =	seq.s32 s5, $0x0;
	s5 =	sld [smem:$0x3FB2]  }
0x2b: {  	s6 =	sld [smem:$0x3FB3]  }
0x2c: {  	s7 =	sld [smem:$0x3FB4]  }
0x2d: {  	s3 =	simm.s32 $0x108;
	s8 =	sld [smem:$0x3FB5]  }
0x2e: {  	s3 =	simm.s32 @!p0 $0x1082;
	s9 =	sld [smem:$0x3FB6]  }
0x2f: {  	lr =	sadd.s32 s0, s3;
	s0 =	sld [smem:$0x3FAD]  }
0x30: {  	s3 =	sld [smem:$0x3FB0]  }
0x31: {  	[smem:$0x3FB9] =	sst s10  }
0x32: {  	s10 =	sld [smem:$0x3FB7];
	_ =	sdelay $0x3  }
0x33: {  	p0 =	seq.s32 s10, $0x1;
	s10 =	sld [smem:$0x3FB9];
	_ =	sdelay $0x3  }
0x34: {  	[smem:$0x3FB9] =	sst s10  }
0x35: {  	s10 =	sld [smem:$0x3FB8];
	_ =	sdelay $0x3  }
0x36: {  	p1 =	seq.s32 s10, $0x1;
	s10 =	sld [smem:$0x3FB9];
	_ =	sdelay $0x3  }
0x37: {  	[smem:$0x3FB9] =	sst s10  }
0x38: {  	s10 =	sld [smem:$0x3FBA]  }
0x39: {  	_ = 	snop;
	(pc) =	sbr.ind lr, $3  }
0x3a: {  	_ = 	snop  }
0x3b: {  	_ = 	snop  }
0x3c: {  	p2 =	seq.s32 s10, $0x1;
	s10 =	sld [smem:$0x3FB9]  }
0x3d: {  	_ =	shalt  }
0x3e: {  	_ =	shalt  }
0x3f: {  	_ =	shalt  }
0x40: {  	_ =	shalt  }
0x41: {  	_ =	shalt  }
0x42: {  	_ =	shalt  }
0x43: {  	_ =	shalt  }
0x44: {  	_ =	shalt  }
0x45: {  	_ =	shalt  }
0x46: {  	_ =	shalt  }
0x47: {  	_ =	shalt  }
0x48: {  	_ =	shalt  }
0x49: {  	_ =	shalt  }
0x4a: {  	_ =	shalt  }
0x4b: {  	_ =	shalt  }
0x4c: {  	_ =	shalt  }
0x4d: {  	_ =	shalt  }
0x4e: {  	_ =	shalt  }
0x4f: {  	_ =	shalt  }
0x50: {  	_ =	shalt  }
0x51: {  	_ =	shalt  }
0x52: {  	_ =	shalt  }
0x53: {  	_ =	shalt  }
0x54: {  	_ =	shalt  }
0x55: {  	_ =	shalt  }
0x56: {  	_ =	shalt  }
0x57: {  	_ =	shalt  }
0x58: {  	_ =	shalt  }
0x59: {  	_ =	shalt  }
0x5a: {  	_ =	shalt  }
0x5b: {  	_ =	shalt  }
0x5c: {  	_ =	shalt  }
0x5d: {  	_ =	shalt  }
0x5e: {  	_ =	shalt  }
0x5f: {  	_ =	shalt  }
0x60: {  	_ =	shalt  }
0x61: {  	_ =	shalt  }
0x62: {  	_ =	shalt  }
0x63: {  	_ =	shalt  }
0x64: {  	_ =	shalt  }
0x65: {  	_ =	shalt  }
0x66: {  	_ =	shalt  }
0x67: {  	_ =	shalt  }
0x68: {  	_ =	shalt  }
0x69: {  	_ =	shalt  }
0x6a: {  	_ =	shalt  }
0x6b: {  	_ =	shalt  }
0x6c: {  	_ =	shalt  }
0x6d: {  	_ =	shalt  }
0x6e: {  	_ =	shalt  }
0x6f: {  	_ =	shalt  }
0x70: {  	_ =	shalt  }
0x71: {  	_ =	shalt  }
0x72: {  	_ =	shalt  }
0x73: {  	_ =	shalt  }
0x74: {  	_ =	shalt  }
0x75: {  	_ =	shalt  }
0x76: {  	_ =	shalt  }
0x77: {  	_ =	shalt  }
0x78: {  	_ =	shalt  }
0x79: {  	_ =	shalt  }
0x7a: {  	_ =	shalt  }
0x7b: {  	_ =	shalt  }
0x7c: {  	_ =	shalt  }
0x7d: {  	_ =	shalt  }
0x7e: {  	_ =	shalt  }
0x7f: {  	_ =	shalt  }
0x80: {  	_ =	shalt  }
0x81: {  	_ =	shalt  }
0x82: {  	_ =	shalt  }
0x83: {  	_ =	shalt  }
0x84: {  	_ =	shalt  }
0x85: {  	_ =	shalt  }
0x86: {  	_ =	shalt  }
0x87: {  	_ =	shalt  }
.Lfunc_end0:
.L_simem_size_0:
called_computation_lowered:
.L_overlay_start_0:
0x88: {  	s2 =	sld [smem:$0x3FD9]  }
0x89: {  	s3 =	sld [smem:$0x3FFE];
	_ =	sdelay $0x1  }
0x8a: {  	s1 =	srdreg.scid  }
0x8b: {  	s0 =	sand.u32 $0x1, s1  }
0x8c: {  	s17 =	sshll.u32 s0, $0xA;
	s2 =	sadd.s32 s3, s2  }
0x8d: {  	s2 =	sadd.s32 s2, s17  }
0x8e: {  	[smem:$0x3FC5] =	sst s2  }
0x8f: {  	_ = 	snop  }
0x90: {  	s2 =	sld [smem:$0x3FD0];
	(tm) =	ssettm $0x1  }
0x91: {  	s18 =	sld [smem:$0x3FFB];
	_ =	sdelay $0x3  }
0x92: {  	_ =	strace s18  }
0x93: {  	s3 =	sld [smem:$0x3FFC];
	_ =	sdelay $0x3  }
0x94: {  	_ =	strace s3  }
0x95: {  	s3 =	sld [smem:$0x3FFD];
	_ =	sdelay $0x3  }
0x96: {  	_ =	strace s3  }
0x97: {  	_ =	strace $0x8FFFFFFF  }
0x98: {  	s19 =	sld [smem:$0x3FDB];
	_ =	sdelay $0x1  }
0x99: {  	s4 =	simm.s32 $_scs_section_size  }
0x9a: {  	s5 =	simm.s32 $_size__tile_overlayer_lowered;
	s6 =	simm.s32 $_tile_overlayer_lowered  }
0x9b: {  	s22 =	simm.s32 $0x1BFF;
	s21 =	sshll.u32 s6, $0x1;
	s3 =	sadd.s32 s4, s19  }
0x9c: {  	s7 =	simm.s32 $0x0;
	s20 =	sshll.u32 s5, $0x1;
	s5 =	sadd.s32 s21, s3  }
0x9d: {  	[timem:s7], [sflag:s22] =	dma.local [hbm:s5], s20  }
0x9e: {  	_ =	swait.ge [sflag:s22], s20  }
0x9f: {  	s4 =	ssub.s32 $0x0, s20;
	[sflag:s22] =	ssyncset.done $0x0  }
0xa0: {  	[sflag:s22] =	ssyncadd.s32 s4;
	_ =	sdelay $0x1  }
0xa1: {  	s23 =	simm.s32 $0x1B8B  }
0xa2: {  	_ =	swait.ge [sflag:s23], $0x1  }
0xa3: {  	[sflag:s23] =	ssyncset.done $0x0  }
0xa4: {  	s25 =	simm.s32 $0x1B8E;
	s24 =	sld [smem:$0x3FFE];
	[sflag:s23] =	ssyncadd.s32 $0xFFFFFFFF  }
0xa5: {  	s26 =	simm.s32 $execute0_lowered;
	[smem:$0x3FD2] =	sst s25  }
0xa6: {  	s5 =	sshll.u32 s26, $0x1;
	_ =	strace $0x80000046;
	[dreg:$0x1] =	wrdreg $0xFFFFFFFF  }
0xa7: {  	s28 =	simm.s32 $_size_execute0_lowered;
	s3 =	sadd.s32 s3, s5;
	[dreg:$0x0] =	wrdreg $0x0  }
0xa8: {  	s5 =	sshll.u32 s28, $0x1;
	[dreg:$0x2] =	wrdreg s3  }
0xa9: {  	[dreg:$0x3] =	wrdreg s5  }
0xaa: {  	[dreg:$0x4] =	wrdreg $0xC0  }
0xab: {  	_ =	task [dreg:s7], $0x5FFFF  }
0xac: {  	[dreg:$0x1] =	wrdreg $0xFFFFFFFF  }
0xad: {  	[dreg:$0x0] =	wrdreg $0x60  }
0xae: {  	[dreg:$0x2] =	wrdreg s24  }
0xaf: {  	[dreg:$0x3] =	wrdreg s2  }
0xb0: {  	[dreg:$0x4] =	wrdreg $0x9  }
0xb1: {  	_ =	task.clear_ibuf [dreg:s7], $0x5FFFF;
	_ =	strace $0x90000046  }
0xb2: {  	s29 =	simm.s32 $0x9;
	_ =	strace $0x80000048  }
0xb3: {  	_ =	swait.ge [sflag:s29], $0x1  }
0xb4: {  	[sflag:s29] =	ssyncadd.s32 $0xFFFFFFFF  }
0xb5: {  	_ =	strace $0x90000048  }
0xb6: {  	_ =	sfence  }
0xb7: {  	s30 =	sld [smem:$0x0];
	_ =	sdelay $0x2  }
0xb8: {  	s31 =	sshll.u32 s1, $0xD;
	s1 =	sshrl.u32 s1, $0x2  }
0xb9: {  	s3 =	sand.u32 $0x4000, s31;
	s1 =	sadd.s32 s1, s30  }
0xba: {  	s0 =	sor.u32 s3, s0;
	s1 =	sshll.u32 s1, $0x11  }
0xbb: {  	s0 =	sor.u32 s1, s0  }
0xbc: {  	s0 =	sadd.s32 $0x8F2B, s0  }
0xbd: {  	[sflag:s0] =	ssyncadd.remote.s32 $0x1  }
0xbe: {  	_ =	sfence.sel $0xFFFF  }
0xbf: {  	[dreg:$0x0] =	wrdreg $0xFFFFFFFF;
	(pc) =	sbr.abs _section_cstart, $3  }
0xc0: {  	[dreg:$0x1] =	wrdreg $0xFFFFFFFF  }
0xc1: {  	_ =	task.clear_ibuf [dreg:s7], $0x2FFFF;
	_ =	strace $0x9FFFFFFF  }
0xc2: {  	(tm) =	ssettm $0x7FFFFFFF  }
0xc3: {  	_ =	shalt  }
tec
execute0_lowered:
.L_overlay_start_1:
0x0: {  	(tag) =	ssettag $0x1  }
0x1: {  	s0 =	rddreg [dreg:$0x0]  }
0x2: {  	s2 =	rddreg [dreg:$0x1]  }
0x3: {  	s1 =	simm.s32 $0x0;
	s3 =	srdreg.scid;
	s6 =	stileid.u32  }
0x4: {  	s10 =	simm.s32 $0x5;
	s11 =	simm.s32 $0x200;
	s14 =	simm.s32 $0x80  }
0x5: {  	s15 =	simm.s32 $0xB00;
	s16 =	simm.s32 $0x8B00;
	s17 =	simm.s32 $0x4B00  }
0x6: {  	s19 =	simm.s32 $0xCB00;
	s20 =	simm.s32 $0x1;
	s21 =	simm.s32 $0x3  }
0x7: {  	s22 =	simm.s32 $0xA00;
	s24 =	simm.s32 $0x300;
	s28 =	simm.s32 $0x180  }
0x8: {  	v0 =	vlaneseq.u32;
	s29 =	simm.s32 $0x380;
	s30 =	simm.s32 $0x800;
	s31 =	simm.s32 $0x0  }
0x9: {  	[smem:$0x7FF] =	sst s1;
	s5 =	sadd.s32 $0x188200, s0;
	s3 =	sand.u32 $0x1, s3;
	v0 =	vmul.u32 $0x10, v0  }
0xa: {  	s6 =	sshll.u32 s6, $0x7;
	s7 =	sadd.s32 $0x187200, s0;
	s4 =	ssub.s32 $0x2, s3  }
0xb: {  	_ =	strace $0x80000047;
	s3 =	sshll.u32 s3, $0x6;
	s8 =	sshrl.u32 s4, $0x1;
	v1 =	vor.u32 $0x1, v0;
	v2 =	vor.u32 $0x2, v0;
	v3 =	vor.u32 $0x3, v0  }
0xc: {  	s9 =	sor.u32 s3, s6;
	s3 =	sadd.s32 $0x189200, s0;
	v4 =	vor.u32 $0x4, v0;
	v5 =	vor.u32 $0x5, v0;
	v6 =	vor.u32 $0x6, v0;
	s25 =	ssub.s32 s4, s8  }
0xd: {  	v7 =	vor.u32 $0x7, v0;
	v8 =	vor.u32 $0x8, v0;
	v9 =	vor.u32 $0x9, v0;
	s26 =	sor.u32 $0x800, s9;
	s4 =	sadd.s32 s5, s9;
	s6 =	sadd.s32 s7, s9  }
0xe: {  	v10 =	vor.u32 $0xA, v0;
	v11 =	vor.u32 $0xB, v0;
	v12 =	vor.u32 $0xC, v0;
	s8 =	sadd.s32 s2, s9;
	s5 =	sadd.s32 s5, s26;
	s7 =	sadd.s32 s7, s26  }
0xf: {  	v13 =	vor.u32 $0xD, v0;
	v14 =	vor.u32 $0xE, v0;
	v15 =	vor.u32 $0xF, v0;
	s9 =	smax.u32 s25, $0x1;
	s25 =	simm.s32 $0x2;
	s26 =	simm.s32 $0x4  }
.LBB2_1:
0x10: {  	[tilespmem:s1], [sflag:$0x5] =	stream.linear.gather [hbm4b:s4+s1], $0x200, $0x38;
	[tilespmem:$0x10B00] =	vst v63  }
0x11: {  	_ =	swait.ge [sflag:s10], $0x200  }
0x12: {  	[sflag:s10] =	ssyncset.done $0x0  }
0x13: {  	[sflag:s10] =	ssyncadd.s32 $0xFFFFFE00  }
0x14: {  	[tilespmem:s11], [sflag:$0x5] =	stream.linear.gather [hbm4b:s5+s1], $0x200, $0x38;
	[tilespmem:$0x10B00] =	vst v63  }
0x15: {  	_ =	swait.ge [sflag:s10], $0x200  }
0x16: {  	[sflag:s10] =	ssyncset.done $0x0  }
0x17: {  	s0 =	simm.s32 $0x400;
	[sflag:s10] =	ssyncadd.s32 $0xFFFFFE00  }
0x18: {  	[tilespmem:s0], [sflag:$0x5] =	stream.linear.gather [hbm4b:s6+s1], $0x200, $0x38;
	[tilespmem:$0x10B00] =	vst v63  }
0x19: {  	_ =	swait.ge [sflag:s10], $0x200  }
0x1a: {  	[sflag:s10] =	ssyncset.done $0x0  }
0x1b: {  	s18 =	simm.s32 $0x600;
	[sflag:s10] =	ssyncadd.s32 $0xFFFFFE00  }
0x1c: {  	[tilespmem:s18], [sflag:$0x5] =	stream.linear.gather [hbm4b:s7+s1], $0x200, $0x38;
	[tilespmem:$0x10B00] =	vst v63  }
0x1d: {  	_ =	swait.ge [sflag:s10], $0x200  }
0x1e: {  	[sflag:s10] =	ssyncset.done $0x0  }
0x1f: {  	[sflag:s10] =	ssyncadd.s32 $0xFFFFFE00  }
0x20: {  	[tilespmem:s15], [sflag:$0x1] =	stream.indirect.gather [hbm4b:s3+s14], $0x80, s1, s14, $0xb8;
	[tilespmem:$0x10B00] =	vst v63  }
0x21: {  	_ = 	snop  }
0x22: {  	[tilespmem:s16], [sflag:$0x3] =	stream.indirect.gather [hbm4b:s3+s14], $0x80, s11, s14, $0xb8;
	[tilespmem:$0x10B00] =	vst v63  }
0x23: {  	_ = 	snop  }
0x24: {  	[tilespmem:s17], [sflag:$0x2] =	stream.indirect.gather [hbm4b:s3+s14], $0x80, s14, s14, $0xb8;
	[tilespmem:$0x10B00] =	vst v63  }
0x25: {  	s23 =	simm.s32 $0x280  }
0x26: {  	[tilespmem:s19], [sflag:$0x4] =	stream.indirect.gather [hbm4b:s3+s14], $0x80, s23, s14, $0xb8;
	[tilespmem:$0x10B00] =	vst v63  }
0x27: {  	_ =	swait.ge [sflag:s20], $0x4000  }
0x28: {  	[sflag:s20] =	ssyncset.done $0x0  }
0x29: {  	[sflag:s20] =	ssyncadd.s32 $0xFFFFC000  }
0x2a: {  	_ =	swait.ge [sflag:s21], $0x4000  }
0x2b: {  	[sflag:s21] =	ssyncset.done $0x0  }
0x2c: {  	s0 =	simm.s32 $0xF00;
	[sflag:s21] =	ssyncadd.s32 $0xFFFFC000  }
0x2d: {  	s2 =	simm.s32 $0x8F00;
	v16 =	vld [tilespmem:s0+$0xFFFFFC00]  }
0x2e: {  	v17 =	vld [tilespmem:s2+$0xFFFFFC10]  }
0x2f: {  	v18 =	vld [tilespmem:s0+$0xFFFFFC10]  }
0x30: {  	v19 =	vld [tilespmem:s2+$0xFFFFFC00]  }
0x31: {  	v20 =	vld [tilespmem:s2+$0xFFFFFC20]  }
0x32: {  	v21 =	vld [tilespmem:s0+$0xFFFFFC20]  }
0x33: {  	v22 =	vld [tilespmem:s2+$0xFFFFFC30]  }
0x34: {  	v23 =	vld [tilespmem:s0+$0xFFFFFC30]  }
0x35: {  	v17 =	vmul.f32 v17, v18;
	v16 =	vmul.f32 v19, v16;
	_ =	sdelay $0x1  }
0x36: {  	v16 =	vadd.f32 v17, v16;
	v17 =	vmul.f32 v20, v21;
	_ =	sdelay $0x1  }
0x37: {  	v16 =	vadd.f32 v17, v16;
	v17 =	vmul.f32 v22, v23;
	_ =	sdelay $0x1  }
0x38: {  	v16 =	vadd.f32 v17, v16;
	_ =	sdelay $0x1  }
0x39: {  	[tilespmem:$0xA00] =	vst v16  }
0x3a: {  	v16 =	vld [tilespmem:s2+$0xFFFFFC90]  }
0x3b: {  	v17 =	vld [tilespmem:s0+$0xFFFFFC80]  }
0x3c: {  	v18 =	vld [tilespmem:s0+$0xFFFFFC90]  }
0x3d: {  	v19 =	vld [tilespmem:s2+$0xFFFFFC80]  }
0x3e: {  	v20 =	vld [tilespmem:s2+$0xFFFFFCA0]  }
0x3f: {  	v60 =	vld [tilespmem:s0+$0xFFFFFCA0]  }
0x40: {  	v61 =	vld [tilespmem:s2+$0xFFFFFCB0]  }
0x41: {  	v62 =	vld [tilespmem:s0+$0xFFFFFCB0]  }
0x42: {  	v16 =	vmul.f32 v16, v18;
	v17 =	vmul.f32 v19, v17;
	_ =	sdelay $0x1  }
0x43: {  	v16 =	vadd.f32 v16, v17;
	v17 =	vmul.f32 v20, v60;
	_ =	sdelay $0x1  }
0x44: {  	v16 =	vadd.f32 v17, v16;
	v17 =	vmul.f32 v61, v62;
	_ =	sdelay $0x1  }
0x45: {  	v16 =	vadd.f32 v17, v16;
	_ =	sdelay $0x1  }
0x46: {  	[tilespmem:$0xA10] =	vst v16  }
0x47: {  	v16 =	vld [tilespmem:s0+$0xFFFFFD00]  }
0x48: {  	v17 =	vld [tilespmem:s2+$0xFFFFFD00]  }
0x49: {  	v18 =	vld [tilespmem:s2+$0xFFFFFD10]  }
0x4a: {  	v19 =	vld [tilespmem:s0+$0xFFFFFD10]  }
0x4b: {  	v20 =	vld [tilespmem:s2+$0xFFFFFD20]  }
0x4c: {  	v63 =	vld [tilespmem:s0+$0xFFFFFD20]  }
0x4d: {  	v24 =	vld [tilespmem:s2+$0xFFFFFD30]  }
0x4e: {  	v25 =	vld [tilespmem:s0+$0xFFFFFD30]  }
0x4f: {  	v16 =	vmul.f32 v17, v16;
	v17 =	vmul.f32 v18, v19;
	_ =	sdelay $0x1  }
0x50: {  	v16 =	vadd.f32 v17, v16;
	v17 =	vmul.f32 v20, v63;
	_ =	sdelay $0x1  }
0x51: {  	v16 =	vadd.f32 v17, v16;
	v17 =	vmul.f32 v24, v25;
	_ =	sdelay $0x1  }
0x52: {  	v16 =	vadd.f32 v17, v16;
	_ =	sdelay $0x1  }
0x53: {  	[tilespmem:$0xA20] =	vst v16  }
0x54: {  	v16 =	vld [tilespmem:s2+$0xFFFFFD80]  }
0x55: {  	v17 =	vld [tilespmem:s0+$0xFFFFFD80]  }
0x56: {  	v18 =	vld [tilespmem:s0+$0xFFFFFD90]  }
0x57: {  	v19 =	vld [tilespmem:s2+$0xFFFFFD90]  }
0x58: {  	v20 =	vld [tilespmem:s2+$0xFFFFFDA0]  }
0x59: {  	v26 =	vld [tilespmem:s0+$0xFFFFFDA0]  }
0x5a: {  	v27 =	vld [tilespmem:s2+$0xFFFFFDB0]  }
0x5b: {  	v28 =	vld [tilespmem:s0+$0xFFFFFDB0]  }
0x5c: {  	v16 =	vmul.f32 v16, v17;
	v17 =	vmul.f32 v19, v18;
	_ =	sdelay $0x1  }
0x5d: {  	v16 =	vadd.f32 v17, v16;
	v17 =	vmul.f32 v20, v26;
	_ =	sdelay $0x1  }
0x5e: {  	v16 =	vadd.f32 v17, v16;
	v17 =	vmul.f32 v27, v28;
	_ =	sdelay $0x1  }
0x5f: {  	v16 =	vadd.f32 v17, v16;
	_ =	sdelay $0x1  }
0x60: {  	[tilespmem:$0xA30] =	vst v16  }
0x61: {  	v16 =	vld [tilespmem:s2+$0xFFFFFE10]  }
0x62: {  	v17 =	vld [tilespmem:s0+$0xFFFFFE00]  }
0x63: {  	v18 =	vld [tilespmem:s2+$0xFFFFFE00]  }
0x64: {  	v19 =	vld [tilespmem:s0+$0xFFFFFE10]  }
0x65: {  	v20 =	vld [tilespmem:s2+$0xFFFFFE20]  }
0x66: {  	v29 =	vld [tilespmem:s0+$0xFFFFFE20]  }
0x67: {  	v30 =	vld [tilespmem:s2+$0xFFFFFE30]  }
0x68: {  	v31 =	vld [tilespmem:s0+$0xFFFFFE30]  }
0x69: {  	v17 =	vmul.f32 v18, v17;
	v16 =	vmul.f32 v16, v19;
	_ =	sdelay $0x1  }
0x6a: {  	v16 =	vadd.f32 v16, v17;
	v17 =	vmul.f32 v20, v29;
	_ =	sdelay $0x1  }
0x6b: {  	v16 =	vadd.f32 v17, v16;
	v17 =	vmul.f32 v30, v31;
	_ =	sdelay $0x1  }
0x6c: {  	v16 =	vadd.f32 v17, v16;
	_ =	sdelay $0x1  }
0x6d: {  	[tilespmem:$0xA40] =	vst v16  }
0x6e: {  	v16 =	vld [tilespmem:s2+$0xFFFFFE90]  }
0x6f: {  	v17 =	vld [tilespmem:s0+$0xFFFFFE80]  }
0x70: {  	v18 =	vld [tilespmem:s2+$0xFFFFFE80]  }
0x71: {  	v19 =	vld [tilespmem:s0+$0xFFFFFE90]  }
0x72: {  	v20 =	vld [tilespmem:s2+$0xFFFFFEA0]  }
0x73: {  	v32 =	vld [tilespmem:s0+$0xFFFFFEA0]  }
0x74: {  	v33 =	vld [tilespmem:s2+$0xFFFFFEB0]  }
0x75: {  	v34 =	vld [tilespmem:s0+$0xFFFFFEB0]  }
0x76: {  	v17 =	vmul.f32 v18, v17;
	v16 =	vmul.f32 v16, v19;
	_ =	sdelay $0x1  }
0x77: {  	v16 =	vadd.f32 v16, v17;
	v17 =	vmul.f32 v20, v32;
	_ =	sdelay $0x1  }
0x78: {  	v16 =	vadd.f32 v17, v16;
	v17 =	vmul.f32 v33, v34;
	_ =	sdelay $0x1  }
0x79: {  	v16 =	vadd.f32 v17, v16;
	_ =	sdelay $0x1  }
0x7a: {  	[tilespmem:$0xA50] =	vst v16  }
0x7b: {  	v16 =	vld [tilespmem:s2+$0xFFFFFF00]  }
0x7c: {  	v17 =	vld [tilespmem:s2+$0xFFFFFF10]  }
0x7d: {  	v18 =	vld [tilespmem:s0+$0xFFFFFF10]  }
0x7e: {  	v19 =	vld [tilespmem:s0+$0xFFFFFF00]  }
0x7f: {  	v20 =	vld [tilespmem:s2+$0xFFFFFF20]  }
0x80: {  	v35 =	vld [tilespmem:s0+$0xFFFFFF20]  }
0x81: {  	v36 =	vld [tilespmem:s2+$0xFFFFFF30]  }
0x82: {  	v37 =	vld [tilespmem:s0+$0xFFFFFF30]  }
0x83: {  	v17 =	vmul.f32 v17, v18;
	v16 =	vmul.f32 v16, v19;
	_ =	sdelay $0x1  }
0x84: {  	v16 =	vadd.f32 v17, v16;
	v17 =	vmul.f32 v20, v35;
	_ =	sdelay $0x1  }
0x85: {  	v16 =	vadd.f32 v17, v16;
	v17 =	vmul.f32 v36, v37;
	_ =	sdelay $0x1  }
0x86: {  	v16 =	vadd.f32 v17, v16;
	_ =	sdelay $0x1  }
0x87: {  	[tilespmem:$0xA60] =	vst v16  }
0x88: {  	v16 =	vld [tilespmem:s2+$0xFFFFFF90]  }
0x89: {  	v17 =	vld [tilespmem:s2+$0xFFFFFF80]  }
0x8a: {  	v18 =	vld [tilespmem:s0+$0xFFFFFF80]  }
0x8b: {  	v19 =	vld [tilespmem:s0+$0xFFFFFF90]  }
0x8c: {  	v20 =	vld [tilespmem:s2+$0xFFFFFFA0]  }
0x8d: {  	v38 =	vld [tilespmem:s0+$0xFFFFFFA0]  }
0x8e: {  	v39 =	vld [tilespmem:s2+$0xFFFFFFB0]  }
0x8f: {  	v40 =	vld [tilespmem:s0+$0xFFFFFFB0]  }
0x90: {  	v17 =	vmul.f32 v17, v18;
	v16 =	vmul.f32 v16, v19;
	_ =	sdelay $0x1  }
0x91: {  	v16 =	vadd.f32 v16, v17;
	v17 =	vmul.f32 v20, v38;
	_ =	sdelay $0x1  }
0x92: {  	v16 =	vadd.f32 v17, v16;
	v17 =	vmul.f32 v39, v40;
	_ =	sdelay $0x1  }
0x93: {  	v16 =	vadd.f32 v17, v16;
	_ =	sdelay $0x1  }
0x94: {  	[tilespmem:$0xA70] =	vst v16  }
0x95: {  	v16 =	vld [tilespmem:s2+$0x0]  }
0x96: {  	v17 =	vld [tilespmem:s2+$0x10]  }
0x97: {  	v18 =	vld [tilespmem:s0+$0x0]  }
0x98: {  	v19 =	vld [tilespmem:s0+$0x10]  }
0x99: {  	v20 =	vld [tilespmem:s2+$0x20]  }
0x9a: {  	v41 =	vld [tilespmem:s0+$0x20]  }
0x9b: {  	v42 =	vld [tilespmem:s2+$0x30]  }
0x9c: {  	v43 =	vld [tilespmem:s0+$0x30]  }
0x9d: {  	v16 =	vmul.f32 v16, v18;
	v17 =	vmul.f32 v17, v19;
	_ =	sdelay $0x1  }
0x9e: {  	v16 =	vadd.f32 v17, v16;
	v17 =	vmul.f32 v20, v41;
	_ =	sdelay $0x1  }
0x9f: {  	v16 =	vadd.f32 v17, v16;
	v17 =	vmul.f32 v42, v43;
	_ =	sdelay $0x1  }
0xa0: {  	v16 =	vadd.f32 v17, v16;
	_ =	sdelay $0x1  }
0xa1: {  	[tilespmem:$0xA80] =	vst v16  }
0xa2: {  	v16 =	vld [tilespmem:s2+$0x80]  }
0xa3: {  	v17 =	vld [tilespmem:s2+$0x90]  }
0xa4: {  	v18 =	vld [tilespmem:s0+$0x80]  }
0xa5: {  	v19 =	vld [tilespmem:s0+$0x90]  }
0xa6: {  	v20 =	vld [tilespmem:s0+$0xA0]  }
0xa7: {  	v44 =	vld [tilespmem:s2+$0xA0]  }
0xa8: {  	v45 =	vld [tilespmem:s0+$0xB0]  }
0xa9: {  	v46 =	vld [tilespmem:s2+$0xB0]  }
0xaa: {  	v16 =	vmul.f32 v16, v18;
	v17 =	vmul.f32 v17, v19;
	_ =	sdelay $0x1  }
0xab: {  	v16 =	vadd.f32 v17, v16;
	v17 =	vmul.f32 v44, v20;
	_ =	sdelay $0x1  }
0xac: {  	v16 =	vadd.f32 v17, v16;
	v17 =	vmul.f32 v46, v45;
	_ =	sdelay $0x1  }
0xad: {  	v16 =	vadd.f32 v17, v16;
	_ =	sdelay $0x1  }
0xae: {  	[tilespmem:$0xA90] =	vst v16  }
0xaf: {  	v16 =	vld [tilespmem:s2+$0x100]  }
0xb0: {  	v17 =	vld [tilespmem:s2+$0x110]  }
0xb1: {  	v18 =	vld [tilespmem:s0+$0x100]  }
0xb2: {  	v19 =	vld [tilespmem:s0+$0x110]  }
0xb3: {  	v20 =	vld [tilespmem:s0+$0x120]  }
0xb4: {  	v47 =	vld [tilespmem:s2+$0x120]  }
0xb5: {  	v48 =	vld [tilespmem:s0+$0x130]  }
0xb6: {  	v49 =	vld [tilespmem:s2+$0x130]  }
0xb7: {  	v16 =	vmul.f32 v16, v18;
	v17 =	vmul.f32 v17, v19;
	_ =	sdelay $0x1  }
0xb8: {  	v16 =	vadd.f32 v17, v16;
	v17 =	vmul.f32 v47, v20;
	_ =	sdelay $0x1  }
0xb9: {  	v16 =	vadd.f32 v17, v16;
	v17 =	vmul.f32 v49, v48;
	_ =	sdelay $0x1  }
0xba: {  	v16 =	vadd.f32 v17, v16;
	_ =	sdelay $0x1  }
0xbb: {  	[tilespmem:$0xAA0] =	vst v16  }
0xbc: {  	v16 =	vld [tilespmem:s2+$0x180]  }
0xbd: {  	v17 =	vld [tilespmem:s2+$0x190]  }
0xbe: {  	v18 =	vld [tilespmem:s0+$0x180]  }
0xbf: {  	v19 =	vld [tilespmem:s0+$0x190]  }
0xc0: {  	v20 =	vld [tilespmem:s0+$0x1A0]  }
0xc1: {  	v50 =	vld [tilespmem:s2+$0x1A0]  }
0xc2: {  	v51 =	vld [tilespmem:s0+$0x1B0]  }
0xc3: {  	v52 =	vld [tilespmem:s2+$0x1B0]  }
0xc4: {  	v16 =	vmul.f32 v16, v18;
	v17 =	vmul.f32 v17, v19;
	_ =	sdelay $0x1  }
0xc5: {  	v16 =	vadd.f32 v17, v16;
	v17 =	vmul.f32 v50, v20;
	_ =	sdelay $0x1  }
0xc6: {  	v16 =	vadd.f32 v17, v16;
	v17 =	vmul.f32 v52, v51;
	_ =	sdelay $0x1  }
0xc7: {  	v16 =	vadd.f32 v17, v16;
	_ =	sdelay $0x1  }
0xc8: {  	[tilespmem:$0xAB0] =	vst v16  }
0xc9: {  	v16 =	vld [tilespmem:s2+$0x200]  }
0xca: {  	v17 =	vld [tilespmem:s2+$0x210]  }
0xcb: {  	v18 =	vld [tilespmem:s0+$0x200]  }
0xcc: {  	v19 =	vld [tilespmem:s0+$0x210]  }
0xcd: {  	v20 =	vld [tilespmem:s0+$0x220]  }
0xce: {  	v53 =	vld [tilespmem:s2+$0x220]  }
0xcf: {  	v54 =	vld [tilespmem:s0+$0x230]  }
0xd0: {  	v55 =	vld [tilespmem:s2+$0x230]  }
0xd1: {  	v16 =	vmul.f32 v16, v18;
	v17 =	vmul.f32 v17, v19;
	_ =	sdelay $0x1  }
0xd2: {  	v16 =	vadd.f32 v17, v16;
	v17 =	vmul.f32 v53, v20;
	_ =	sdelay $0x1  }
0xd3: {  	v16 =	vadd.f32 v17, v16;
	v17 =	vmul.f32 v55, v54;
	_ =	sdelay $0x1  }
0xd4: {  	v16 =	vadd.f32 v17, v16;
	_ =	sdelay $0x1  }
0xd5: {  	[tilespmem:$0xAC0] =	vst v16  }
0xd6: {  	v16 =	vld [tilespmem:s2+$0x280]  }
0xd7: {  	v17 =	vld [tilespmem:s2+$0x290]  }
0xd8: {  	v18 =	vld [tilespmem:s0+$0x280]  }
0xd9: {  	v19 =	vld [tilespmem:s0+$0x290]  }
0xda: {  	v20 =	vld [tilespmem:s0+$0x2A0]  }
0xdb: {  	v56 =	vld [tilespmem:s2+$0x2A0]  }
0xdc: {  	v57 =	vld [tilespmem:s0+$0x2B0]  }
0xdd: {  	v58 =	vld [tilespmem:s2+$0x2B0]  }
0xde: {  	v16 =	vmul.f32 v16, v18;
	v17 =	vmul.f32 v17, v19;
	_ =	sdelay $0x1  }
0xdf: {  	v16 =	vadd.f32 v17, v16;
	v17 =	vmul.f32 v56, v20;
	_ =	sdelay $0x1  }
0xe0: {  	v16 =	vadd.f32 v17, v16;
	v17 =	vmul.f32 v58, v57;
	_ =	sdelay $0x1  }
0xe1: {  	v16 =	vadd.f32 v17, v16;
	_ =	sdelay $0x1  }
0xe2: {  	[tilespmem:$0xAD0] =	vst v16  }
0xe3: {  	v16 =	vld [tilespmem:s2+$0x300]  }
0xe4: {  	v17 =	vld [tilespmem:s2+$0x310]  }
0xe5: {  	v18 =	vld [tilespmem:s0+$0x310]  }
0xe6: {  	v19 =	vld [tilespmem:s0+$0x300]  }
0xe7: {  	v20 =	vld [tilespmem:s0+$0x320]  }
0xe8: {  	v59 =	vld [tilespmem:s2+$0x320]  }
0xe9: {  	v60 =	vld [tilespmem:s0+$0x330]  }
0xea: {  	v61 =	vld [tilespmem:s2+$0x330]  }
0xeb: {  	v17 =	vmul.f32 v17, v18;
	v16 =	vmul.f32 v16, v19;
	_ =	sdelay $0x1  }
0xec: {  	v16 =	vadd.f32 v17, v16;
	v17 =	vmul.f32 v59, v20;
	_ =	sdelay $0x1  }
0xed: {  	v16 =	vadd.f32 v17, v16;
	v17 =	vmul.f32 v61, v60;
	_ =	sdelay $0x1  }
0xee: {  	v16 =	vadd.f32 v17, v16;
	_ =	sdelay $0x1  }
0xef: {  	[tilespmem:$0xAE0] =	vst v16  }
0xf0: {  	v16 =	vld [tilespmem:s0+$0x380]  }
0xf1: {  	v17 =	vld [tilespmem:s2+$0x380]  }
0xf2: {  	v18 =	vld [tilespmem:s2+$0x390]  }
0xf3: {  	v19 =	vld [tilespmem:s0+$0x390]  }
0xf4: {  	v20 =	vld [tilespmem:s0+$0x3A0]  }
0xf5: {  	v62 =	vld [tilespmem:s2+$0x3A0]  }
0xf6: {  	v63 =	vmul.f32 v17, v16;
	v16 =	vld [tilespmem:s0+$0x3B0]  }
0xf7: {  	v17 =	vld [tilespmem:s2+$0x3B0]  }
0xf8: {  	v18 =	vmul.f32 v18, v19;
	_ =	sdelay $0x1  }
0xf9: {  	s13 =	simm.s32 $0x40;
	s12 =	simm.s32 $0x0;
	v19 =	vmul.f32 v62, v20;
	v18 =	vadd.f32 v18, v63  }
.LBB2_2:
0xfa: {  	_ = 	snop  }
0xfb: {  	p0 =	sne.s32 s13, $0x1C0;
	s0 =	sadd.s32 $0x800, s0;
	s2 =	sadd.s32 $0x800, s2;
	v18 =	vadd.f32 v19, v18;
	v16 =	vmul.f32 v17, v16  }
0xfc: {  	s18 =	smov.u32 s13;
	s13 =	sadd.s32 $0x40, s13  }
0xfd: {  	v16 =	vadd.f32 v16, v18;
	_ =	sdelay $0x1  }
0xfe: {  	[tilespmem:$0xAF0] =	vst v16  }
0xff: {  	v16 =	vld.idx.msk [tilespmem:v0+s22+$0x0], $0xffff  }
0x100: {  	v17 =	vld.idx.msk [tilespmem:v1+s22+$0x0], $0xffff  }
0x101: {  	v18 =	vld.idx.msk [tilespmem:v2+s22+$0x0], $0xffff  }
0x102: {  	v19 =	vld.idx.msk [tilespmem:v3+s22+$0x0], $0xffff  }
0x103: {  	v20 =	vld.idx.msk [tilespmem:v4+s22+$0x0], $0xffff  }
0x104: {  	v21 =	vld.idx.msk [tilespmem:v5+s22+$0x0], $0xffff  }
0x105: {  	v22 =	vld.idx.msk [tilespmem:v6+s22+$0x0], $0xffff  }
0x106: {  	v16 =	vadd.f32 v17, v16;
	v17 =	vld.idx.msk [tilespmem:v7+s22+$0x0], $0xffff  }
0x107: {  	v23 =	vld.idx.msk [tilespmem:v8+s22+$0x0], $0xffff  }
0x108: {  	v16 =	vadd.f32 v18, v16;
	v18 =	vld.idx.msk [tilespmem:v9+s22+$0x0], $0xffff  }
0x109: {  	v24 =	vld.idx.msk [tilespmem:v10+s22+$0x0], $0xffff  }
0x10a: {  	v16 =	vadd.f32 v19, v16;
	v19 =	vld.idx.msk [tilespmem:v11+s22+$0x0], $0xffff  }
0x10b: {  	v25 =	vld.idx.msk [tilespmem:v12+s22+$0x0], $0xffff  }
0x10c: {  	v16 =	vadd.f32 v20, v16;
	v20 =	vld.idx.msk [tilespmem:v13+s22+$0x0], $0xffff  }
0x10d: {  	v26 =	vld.idx.msk [tilespmem:v14+s22+$0x0], $0xffff  }
0x10e: {  	s23 =	sshra.s32 s12, $0x2;
	s12 =	smov.u32 s18;
	v16 =	vadd.f32 v21, v16;
	v21 =	vld.idx.msk [tilespmem:v15+s22+$0x0], $0xffff  }
0x10f: {  	v27 =	vld [tilespmem:s23+$0x400]  }
0x110: {  	v16 =	vadd.f32 v22, v16;
	v22 =	vld [tilespmem:s23+$0x600];
	_ =	sdelay $0x1  }
0x111: {  	v16 =	vadd.f32 v17, v16;
	_ =	sdelay $0x1  }
0x112: {  	v16 =	vadd.f32 v23, v16;
	_ =	sdelay $0x1  }
0x113: {  	v16 =	vadd.f32 v18, v16;
	_ =	sdelay $0x1  }
0x114: {  	v16 =	vadd.f32 v24, v16;
	_ =	sdelay $0x1  }
0x115: {  	v16 =	vadd.f32 v19, v16;
	_ =	sdelay $0x1  }
0x116: {  	v16 =	vadd.f32 v25, v16;
	_ =	sdelay $0x1  }
0x117: {  	v16 =	vadd.f32 v20, v16;
	_ =	sdelay $0x1  }
0x118: {  	v16 =	vadd.f32 v26, v16;
	_ =	sdelay $0x1  }
0x119: {  	v16 =	vadd.f32 v21, v16;
	_ =	sdelay $0x1  }
0x11a: {  	v16 =	vmul.f32 v27, v16;
	_ =	sdelay $0x1  }
0x11b: {  	v16 =	vmul.f32 v22, v16;
	_ =	sdelay $0x1  }
0x11c: {  	[tilespmem:s23+$0x800] =	vst v16  }
0x11d: {  	v16 =	vld [tilespmem:s0+$0xFFFFFC00]  }
0x11e: {  	v17 =	vld [tilespmem:s2+$0xFFFFFC10]  }
0x11f: {  	v18 =	vld [tilespmem:s0+$0xFFFFFC10]  }
0x120: {  	v19 =	vld [tilespmem:s2+$0xFFFFFC00]  }
0x121: {  	v20 =	vld [tilespmem:s2+$0xFFFFFC20]  }
0x122: {  	v21 =	vld [tilespmem:s0+$0xFFFFFC20]  }
0x123: {  	v22 =	vld [tilespmem:s2+$0xFFFFFC30]  }
0x124: {  	v17 =	vmul.f32 v17, v18;
	v18 =	vld [tilespmem:s0+$0xFFFFFC30]  }
0x125: {  	v16 =	vmul.f32 v19, v16;
	_ =	sdelay $0x1  }
0x126: {  	v16 =	vadd.f32 v17, v16;
	v17 =	vmul.f32 v20, v21;
	_ =	sdelay $0x1  }
0x127: {  	v16 =	vadd.f32 v17, v16;
	v17 =	vmul.f32 v22, v18;
	_ =	sdelay $0x1  }
0x128: {  	v16 =	vadd.f32 v17, v16;
	_ =	sdelay $0x1  }
0x129: {  	[tilespmem:$0xA00] =	vst v16  }
0x12a: {  	v16 =	vld [tilespmem:s2+$0xFFFFFC90]  }
0x12b: {  	v17 =	vld [tilespmem:s0+$0xFFFFFC80]  }
0x12c: {  	v18 =	vld [tilespmem:s0+$0xFFFFFC90]  }
0x12d: {  	v19 =	vld [tilespmem:s2+$0xFFFFFC80]  }
0x12e: {  	v20 =	vld [tilespmem:s2+$0xFFFFFCA0]  }
0x12f: {  	v21 =	vld [tilespmem:s0+$0xFFFFFCA0]  }
0x130: {  	v22 =	vld [tilespmem:s2+$0xFFFFFCB0]  }
0x131: {  	v16 =	vmul.f32 v16, v18;
	v18 =	vld [tilespmem:s0+$0xFFFFFCB0]  }
0x132: {  	v17 =	vmul.f32 v19, v17;
	_ =	sdelay $0x1  }
0x133: {  	v16 =	vadd.f32 v16, v17;
	v17 =	vmul.f32 v20, v21;
	_ =	sdelay $0x1  }
0x134: {  	v16 =	vadd.f32 v17, v16;
	v17 =	vmul.f32 v22, v18;
	_ =	sdelay $0x1  }
0x135: {  	v16 =	vadd.f32 v17, v16;
	_ =	sdelay $0x1  }
0x136: {  	[tilespmem:$0xA10] =	vst v16  }
0x137: {  	v16 =	vld [tilespmem:s0+$0xFFFFFD00]  }
0x138: {  	v17 =	vld [tilespmem:s2+$0xFFFFFD00]  }
0x139: {  	v18 =	vld [tilespmem:s2+$0xFFFFFD10]  }
0x13a: {  	v19 =	vld [tilespmem:s0+$0xFFFFFD10]  }
0x13b: {  	v20 =	vld [tilespmem:s2+$0xFFFFFD20]  }
0x13c: {  	v21 =	vld [tilespmem:s0+$0xFFFFFD20]  }
0x13d: {  	v16 =	vmul.f32 v17, v16;
	v17 =	vld [tilespmem:s2+$0xFFFFFD30]  }
0x13e: {  	v22 =	vld [tilespmem:s0+$0xFFFFFD30]  }
0x13f: {  	v18 =	vmul.f32 v18, v19;
	_ =	sdelay $0x1  }
0x140: {  	v16 =	vadd.f32 v18, v16;
	v18 =	vmul.f32 v20, v21;
	_ =	sdelay $0x1  }
0x141: {  	v16 =	vadd.f32 v18, v16;
	v17 =	vmul.f32 v17, v22;
	_ =	sdelay $0x1  }
0x142: {  	v16 =	vadd.f32 v17, v16;
	_ =	sdelay $0x1  }
0x143: {  	[tilespmem:$0xA20] =	vst v16  }
0x144: {  	v16 =	vld [tilespmem:s2+$0xFFFFFD80]  }
0x145: {  	v17 =	vld [tilespmem:s0+$0xFFFFFD80]  }
0x146: {  	v18 =	vld [tilespmem:s0+$0xFFFFFD90]  }
0x147: {  	v19 =	vld [tilespmem:s2+$0xFFFFFD90]  }
0x148: {  	v20 =	vld [tilespmem:s2+$0xFFFFFDA0]  }
0x149: {  	v21 =	vld [tilespmem:s0+$0xFFFFFDA0]  }
0x14a: {  	v16 =	vmul.f32 v16, v17;
	v17 =	vld [tilespmem:s2+$0xFFFFFDB0]  }
0x14b: {  	v22 =	vld [tilespmem:s0+$0xFFFFFDB0]  }
0x14c: {  	v18 =	vmul.f32 v19, v18;
	_ =	sdelay $0x1  }
0x14d: {  	v16 =	vadd.f32 v18, v16;
	v18 =	vmul.f32 v20, v21;
	_ =	sdelay $0x1  }
0x14e: {  	v16 =	vadd.f32 v18, v16;
	v17 =	vmul.f32 v17, v22;
	_ =	sdelay $0x1  }
0x14f: {  	v16 =	vadd.f32 v17, v16;
	_ =	sdelay $0x1  }
0x150: {  	[tilespmem:$0xA30] =	vst v16  }
0x151: {  	v16 =	vld [tilespmem:s2+$0xFFFFFE10]  }
0x152: {  	v17 =	vld [tilespmem:s0+$0xFFFFFE00]  }
0x153: {  	v18 =	vld [tilespmem:s2+$0xFFFFFE00]  }
0x154: {  	v19 =	vld [tilespmem:s0+$0xFFFFFE10]  }
0x155: {  	v20 =	vld [tilespmem:s2+$0xFFFFFE20]  }
0x156: {  	v21 =	vld [tilespmem:s0+$0xFFFFFE20]  }
0x157: {  	v22 =	vld [tilespmem:s2+$0xFFFFFE30]  }
0x158: {  	v17 =	vmul.f32 v18, v17;
	v18 =	vld [tilespmem:s0+$0xFFFFFE30]  }
0x159: {  	v16 =	vmul.f32 v16, v19;
	_ =	sdelay $0x1  }
0x15a: {  	v16 =	vadd.f32 v16, v17;
	v17 =	vmul.f32 v20, v21;
	_ =	sdelay $0x1  }
0x15b: {  	v16 =	vadd.f32 v17, v16;
	v17 =	vmul.f32 v22, v18;
	_ =	sdelay $0x1  }
0x15c: {  	v16 =	vadd.f32 v17, v16;
	_ =	sdelay $0x1  }
0x15d: {  	[tilespmem:$0xA40] =	vst v16  }
0x15e: {  	v16 =	vld [tilespmem:s2+$0xFFFFFE90]  }
0x15f: {  	v17 =	vld [tilespmem:s0+$0xFFFFFE80]  }
0x160: {  	v18 =	vld [tilespmem:s2+$0xFFFFFE80]  }
0x161: {  	v19 =	vld [tilespmem:s0+$0xFFFFFE90]  }
0x162: {  	v20 =	vld [tilespmem:s2+$0xFFFFFEA0]  }
0x163: {  	v21 =	vld [tilespmem:s0+$0xFFFFFEA0]  }
0x164: {  	v22 =	vld [tilespmem:s2+$0xFFFFFEB0]  }
0x165: {  	v17 =	vmul.f32 v18, v17;
	v18 =	vld [tilespmem:s0+$0xFFFFFEB0]  }
0x166: {  	v16 =	vmul.f32 v16, v19;
	_ =	sdelay $0x1  }
0x167: {  	v16 =	vadd.f32 v16, v17;
	v17 =	vmul.f32 v20, v21;
	_ =	sdelay $0x1  }
0x168: {  	v16 =	vadd.f32 v17, v16;
	v17 =	vmul.f32 v22, v18;
	_ =	sdelay $0x1  }
0x169: {  	v16 =	vadd.f32 v17, v16;
	_ =	sdelay $0x1  }
0x16a: {  	[tilespmem:$0xA50] =	vst v16  }
0x16b: {  	v16 =	vld [tilespmem:s2+$0xFFFFFF00]  }
0x16c: {  	v17 =	vld [tilespmem:s2+$0xFFFFFF10]  }
0x16d: {  	v18 =	vld [tilespmem:s0+$0xFFFFFF10]  }
0x16e: {  	v19 =	vld [tilespmem:s0+$0xFFFFFF00]  }
0x16f: {  	v20 =	vld [tilespmem:s2+$0xFFFFFF20]  }
0x170: {  	v21 =	vld [tilespmem:s0+$0xFFFFFF20]  }
0x171: {  	v22 =	vld [tilespmem:s2+$0xFFFFFF30]  }
0x172: {  	v17 =	vmul.f32 v17, v18;
	v18 =	vld [tilespmem:s0+$0xFFFFFF30]  }
0x173: {  	v16 =	vmul.f32 v16, v19;
	_ =	sdelay $0x1  }
0x174: {  	v16 =	vadd.f32 v17, v16;
	v17 =	vmul.f32 v20, v21;
	_ =	sdelay $0x1  }
0x175: {  	v16 =	vadd.f32 v17, v16;
	v17 =	vmul.f32 v22, v18;
	_ =	sdelay $0x1  }
0x176: {  	v16 =	vadd.f32 v17, v16;
	_ =	sdelay $0x1  }
0x177: {  	[tilespmem:$0xA60] =	vst v16  }
0x178: {  	v16 =	vld [tilespmem:s2+$0xFFFFFF90]  }
0x179: {  	v17 =	vld [tilespmem:s2+$0xFFFFFF80]  }
0x17a: {  	v18 =	vld [tilespmem:s0+$0xFFFFFF80]  }
0x17b: {  	v19 =	vld [tilespmem:s0+$0xFFFFFF90]  }
0x17c: {  	v20 =	vld [tilespmem:s2+$0xFFFFFFA0]  }
0x17d: {  	v21 =	vld [tilespmem:s0+$0xFFFFFFA0]  }
0x17e: {  	v22 =	vld [tilespmem:s2+$0xFFFFFFB0]  }
0x17f: {  	v17 =	vmul.f32 v17, v18;
	v18 =	vld [tilespmem:s0+$0xFFFFFFB0]  }
0x180: {  	v16 =	vmul.f32 v16, v19;
	_ =	sdelay $0x1  }
0x181: {  	v16 =	vadd.f32 v16, v17;
	v17 =	vmul.f32 v20, v21;
	_ =	sdelay $0x1  }
0x182: {  	v16 =	vadd.f32 v17, v16;
	v17 =	vmul.f32 v22, v18;
	_ =	sdelay $0x1  }
0x183: {  	v16 =	vadd.f32 v17, v16;
	_ =	sdelay $0x1  }
0x184: {  	[tilespmem:$0xA70] =	vst v16  }
0x185: {  	v16 =	vld [tilespmem:s2+$0x0]  }
0x186: {  	v17 =	vld [tilespmem:s2+$0x10]  }
0x187: {  	v18 =	vld [tilespmem:s0+$0x0]  }
0x188: {  	v19 =	vld [tilespmem:s0+$0x10]  }
0x189: {  	v20 =	vld [tilespmem:s2+$0x20]  }
0x18a: {  	v21 =	vld [tilespmem:s0+$0x20]  }
0x18b: {  	v22 =	vld [tilespmem:s2+$0x30]  }
0x18c: {  	v16 =	vmul.f32 v16, v18;
	v18 =	vld [tilespmem:s0+$0x30]  }
0x18d: {  	v17 =	vmul.f32 v17, v19;
	_ =	sdelay $0x1  }
0x18e: {  	v16 =	vadd.f32 v17, v16;
	v17 =	vmul.f32 v20, v21;
	_ =	sdelay $0x1  }
0x18f: {  	v16 =	vadd.f32 v17, v16;
	v17 =	vmul.f32 v22, v18;
	_ =	sdelay $0x1  }
0x190: {  	v16 =	vadd.f32 v17, v16;
	_ =	sdelay $0x1  }
0x191: {  	[tilespmem:$0xA80] =	vst v16  }
0x192: {  	v16 =	vld [tilespmem:s2+$0x80]  }
0x193: {  	v17 =	vld [tilespmem:s2+$0x90]  }
0x194: {  	v18 =	vld [tilespmem:s0+$0x80]  }
0x195: {  	v19 =	vld [tilespmem:s0+$0x90]  }
0x196: {  	v20 =	vld [tilespmem:s0+$0xA0]  }
0x197: {  	v21 =	vld [tilespmem:s2+$0xA0]  }
0x198: {  	v22 =	vld [tilespmem:s0+$0xB0]  }
0x199: {  	v16 =	vmul.f32 v16, v18;
	v18 =	vld [tilespmem:s2+$0xB0]  }
0x19a: {  	v17 =	vmul.f32 v17, v19;
	_ =	sdelay $0x1  }
0x19b: {  	v16 =	vadd.f32 v17, v16;
	v17 =	vmul.f32 v21, v20;
	_ =	sdelay $0x1  }
0x19c: {  	v16 =	vadd.f32 v17, v16;
	v17 =	vmul.f32 v18, v22;
	_ =	sdelay $0x1  }
0x19d: {  	v16 =	vadd.f32 v17, v16;
	_ =	sdelay $0x1  }
0x19e: {  	[tilespmem:$0xA90] =	vst v16  }
0x19f: {  	v16 =	vld [tilespmem:s2+$0x100]  }
0x1a0: {  	v17 =	vld [tilespmem:s2+$0x110]  }
0x1a1: {  	v18 =	vld [tilespmem:s0+$0x100]  }
0x1a2: {  	v19 =	vld [tilespmem:s0+$0x110]  }
0x1a3: {  	v20 =	vld [tilespmem:s0+$0x120]  }
0x1a4: {  	v21 =	vld [tilespmem:s2+$0x120]  }
0x1a5: {  	v22 =	vld [tilespmem:s0+$0x130]  }
0x1a6: {  	v16 =	vmul.f32 v16, v18;
	v18 =	vld [tilespmem:s2+$0x130]  }
0x1a7: {  	v17 =	vmul.f32 v17, v19;
	_ =	sdelay $0x1  }
0x1a8: {  	v16 =	vadd.f32 v17, v16;
	v17 =	vmul.f32 v21, v20;
	_ =	sdelay $0x1  }
0x1a9: {  	v16 =	vadd.f32 v17, v16;
	v17 =	vmul.f32 v18, v22;
	_ =	sdelay $0x1  }
0x1aa: {  	v16 =	vadd.f32 v17, v16;
	_ =	sdelay $0x1  }
0x1ab: {  	[tilespmem:$0xAA0] =	vst v16  }
0x1ac: {  	v16 =	vld [tilespmem:s2+$0x180]  }
0x1ad: {  	v17 =	vld [tilespmem:s2+$0x190]  }
0x1ae: {  	v18 =	vld [tilespmem:s0+$0x180]  }
0x1af: {  	v19 =	vld [tilespmem:s0+$0x190]  }
0x1b0: {  	v20 =	vld [tilespmem:s0+$0x1A0]  }
0x1b1: {  	v21 =	vld [tilespmem:s2+$0x1A0]  }
0x1b2: {  	v22 =	vld [tilespmem:s0+$0x1B0]  }
0x1b3: {  	v16 =	vmul.f32 v16, v18;
	v18 =	vld [tilespmem:s2+$0x1B0]  }
0x1b4: {  	v17 =	vmul.f32 v17, v19;
	_ =	sdelay $0x1  }
0x1b5: {  	v16 =	vadd.f32 v17, v16;
	v17 =	vmul.f32 v21, v20;
	_ =	sdelay $0x1  }
0x1b6: {  	v16 =	vadd.f32 v17, v16;
	v17 =	vmul.f32 v18, v22;
	_ =	sdelay $0x1  }
0x1b7: {  	v16 =	vadd.f32 v17, v16;
	_ =	sdelay $0x1  }
0x1b8: {  	[tilespmem:$0xAB0] =	vst v16  }
0x1b9: {  	v16 =	vld [tilespmem:s2+$0x200]  }
0x1ba: {  	v17 =	vld [tilespmem:s2+$0x210]  }
0x1bb: {  	v18 =	vld [tilespmem:s0+$0x200]  }
0x1bc: {  	v19 =	vld [tilespmem:s0+$0x210]  }
0x1bd: {  	v20 =	vld [tilespmem:s0+$0x220]  }
0x1be: {  	v21 =	vld [tilespmem:s2+$0x220]  }
0x1bf: {  	v22 =	vld [tilespmem:s0+$0x230]  }
0x1c0: {  	v16 =	vmul.f32 v16, v18;
	v18 =	vld [tilespmem:s2+$0x230]  }
0x1c1: {  	v17 =	vmul.f32 v17, v19;
	_ =	sdelay $0x1  }
0x1c2: {  	v16 =	vadd.f32 v17, v16;
	v17 =	vmul.f32 v21, v20;
	_ =	sdelay $0x1  }
0x1c3: {  	v16 =	vadd.f32 v17, v16;
	v17 =	vmul.f32 v18, v22;
	_ =	sdelay $0x1  }
0x1c4: {  	v16 =	vadd.f32 v17, v16;
	_ =	sdelay $0x1  }
0x1c5: {  	[tilespmem:$0xAC0] =	vst v16  }
0x1c6: {  	v16 =	vld [tilespmem:s2+$0x280]  }
0x1c7: {  	v17 =	vld [tilespmem:s2+$0x290]  }
0x1c8: {  	v18 =	vld [tilespmem:s0+$0x280]  }
0x1c9: {  	v19 =	vld [tilespmem:s0+$0x290]  }
0x1ca: {  	v20 =	vld [tilespmem:s0+$0x2A0]  }
0x1cb: {  	v21 =	vld [tilespmem:s2+$0x2A0]  }
0x1cc: {  	v22 =	vld [tilespmem:s0+$0x2B0]  }
0x1cd: {  	v16 =	vmul.f32 v16, v18;
	v18 =	vld [tilespmem:s2+$0x2B0]  }
0x1ce: {  	v17 =	vmul.f32 v17, v19;
	_ =	sdelay $0x1  }
0x1cf: {  	v16 =	vadd.f32 v17, v16;
	v17 =	vmul.f32 v21, v20;
	_ =	sdelay $0x1  }
0x1d0: {  	v16 =	vadd.f32 v17, v16;
	v17 =	vmul.f32 v18, v22;
	_ =	sdelay $0x1  }
0x1d1: {  	v16 =	vadd.f32 v17, v16;
	_ =	sdelay $0x1  }
0x1d2: {  	[tilespmem:$0xAD0] =	vst v16  }
0x1d3: {  	v16 =	vld [tilespmem:s2+$0x300]  }
0x1d4: {  	v17 =	vld [tilespmem:s2+$0x310]  }
0x1d5: {  	v18 =	vld [tilespmem:s0+$0x310]  }
0x1d6: {  	v19 =	vld [tilespmem:s0+$0x300]  }
0x1d7: {  	v20 =	vld [tilespmem:s0+$0x320]  }
0x1d8: {  	v21 =	vld [tilespmem:s2+$0x320]  }
0x1d9: {  	v22 =	vld [tilespmem:s0+$0x330]  }
0x1da: {  	v17 =	vmul.f32 v17, v18;
	v18 =	vld [tilespmem:s2+$0x330]  }
0x1db: {  	v16 =	vmul.f32 v16, v19;
	_ =	sdelay $0x1  }
0x1dc: {  	v16 =	vadd.f32 v17, v16;
	v17 =	vmul.f32 v21, v20;
	_ =	sdelay $0x1  }
0x1dd: {  	v16 =	vadd.f32 v17, v16;
	v17 =	vmul.f32 v18, v22;
	_ =	sdelay $0x1  }
0x1de: {  	v16 =	vadd.f32 v17, v16;
	_ =	sdelay $0x1  }
0x1df: {  	[tilespmem:$0xAE0] =	vst v16  }
0x1e0: {  	v16 =	vld [tilespmem:s0+$0x380]  }
0x1e1: {  	v17 =	vld [tilespmem:s2+$0x380]  }
0x1e2: {  	v18 =	vld [tilespmem:s2+$0x390]  }
0x1e3: {  	v19 =	vld [tilespmem:s0+$0x390]  }
0x1e4: {  	v20 =	vld [tilespmem:s0+$0x3A0]  }
0x1e5: {  	v21 =	vld [tilespmem:s2+$0x3A0]  }
.Ltmp0:
0x1e6: {  	v22 =	vmul.f32 v17, v16;
	v16 =	vld [tilespmem:s0+$0x3B0];
	(pc) =	sbr.rel @p0 .LBB2_2-.Ltmp0, $3  }
0x1e7: {  	v17 =	vld [tilespmem:s2+$0x3B0]  }
0x1e8: {  	v18 =	vmul.f32 v18, v19;
	_ =	sdelay $0x1  }
0x1e9: {  	v18 =	vadd.f32 v18, v22;
	v19 =	vmul.f32 v21, v20  }
0x1ea: {  	_ = 	snop  }
0x1eb: {  	v18 =	vadd.f32 v19, v18;
	v16 =	vmul.f32 v17, v16;
	_ =	sdelay $0x1  }
0x1ec: {  	v16 =	vadd.f32 v16, v18;
	_ =	sdelay $0x1  }
0x1ed: {  	[tilespmem:$0xAF0] =	vst v16  }
0x1ee: {  	v16 =	vld.idx.msk [tilespmem:v0+s22+$0x0], $0xffff  }
0x1ef: {  	v17 =	vld.idx.msk [tilespmem:v1+s22+$0x0], $0xffff;
	_ =	sdelay $0x1  }
0x1f0: {  	v18 =	vld.idx.msk [tilespmem:v2+s22+$0x0], $0xffff;
	_ =	sdelay $0x1  }
0x1f1: {  	v19 =	vld.idx.msk [tilespmem:v3+s22+$0x0], $0xffff  }
0x1f2: {  	v16 =	vadd.f32 v17, v16  }
0x1f3: {  	v17 =	vld.idx.msk [tilespmem:v4+s22+$0x0], $0xffff  }
0x1f4: {  	v16 =	vadd.f32 v18, v16  }
0x1f5: {  	v18 =	vld.idx.msk [tilespmem:v5+s22+$0x0], $0xffff  }
0x1f6: {  	v16 =	vadd.f32 v19, v16  }
0x1f7: {  	v19 =	vld.idx.msk [tilespmem:v6+s22+$0x0], $0xffff  }
0x1f8: {  	v16 =	vadd.f32 v17, v16  }
0x1f9: {  	v17 =	vld.idx.msk [tilespmem:v7+s22+$0x0], $0xffff  }
0x1fa: {  	v16 =	vadd.f32 v18, v16  }
0x1fb: {  	v18 =	vld.idx.msk [tilespmem:v8+s22+$0x0], $0xffff  }
0x1fc: {  	v16 =	vadd.f32 v19, v16  }
0x1fd: {  	v19 =	vld.idx.msk [tilespmem:v9+s22+$0x0], $0xffff  }
0x1fe: {  	v16 =	vadd.f32 v17, v16  }
0x1ff: {  	v17 =	vld.idx.msk [tilespmem:v10+s22+$0x0], $0xffff  }
0x200: {  	v16 =	vadd.f32 v18, v16  }
0x201: {  	v18 =	vld.idx.msk [tilespmem:v11+s22+$0x0], $0xffff  }
0x202: {  	v16 =	vadd.f32 v19, v16  }
0x203: {  	v19 =	vld.idx.msk [tilespmem:v12+s22+$0x0], $0xffff  }
0x204: {  	v16 =	vadd.f32 v17, v16  }
0x205: {  	v17 =	vld.idx.msk [tilespmem:v13+s22+$0x0], $0xffff  }
0x206: {  	v16 =	vadd.f32 v18, v16  }
0x207: {  	v18 =	vld.idx.msk [tilespmem:v14+s22+$0x0], $0xffff  }
0x208: {  	v16 =	vadd.f32 v19, v16  }
0x209: {  	v19 =	vld.idx.msk [tilespmem:v15+s22+$0x0], $0xffff  }
0x20a: {  	s0 =	sshra.s32 s12, $0x2;
	v16 =	vadd.f32 v17, v16  }
0x20b: {  	v17 =	vld [tilespmem:s0+$0x400]  }
0x20c: {  	v16 =	vadd.f32 v18, v16  }
0x20d: {  	v18 =	vld [tilespmem:s0+$0x600]  }
0x20e: {  	v16 =	vadd.f32 v19, v16;
	_ =	sdelay $0x1  }
0x20f: {  	v16 =	vmul.f32 v17, v16;
	_ =	sdelay $0x1  }
0x210: {  	v16 =	vmul.f32 v18, v16;
	_ =	sdelay $0x1  }
0x211: {  	s23 =	simm.s32 $0x100;
	[tilespmem:s0+$0x800] =	vst v16  }
0x212: {  	[tilespmem:s15], [sflag:$0x1] =	stream.indirect.gather [hbm4b:s3+s14], $0x80, s23, s14, $0xb8;
	[tilespmem:$0x10B00] =	vst v63  }
0x213: {  	_ = 	snop  }
0x214: {  	[tilespmem:s16], [sflag:$0x3] =	stream.indirect.gather [hbm4b:s3+s14], $0x80, s24, s14, $0xb8;
	[tilespmem:$0x10B00] =	vst v63  }
0x215: {  	_ =	swait.ge [sflag:s25], $0x4000  }
0x216: {  	[sflag:s25] =	ssyncset.done $0x0  }
0x217: {  	[sflag:s25] =	ssyncadd.s32 $0xFFFFC000  }
0x218: {  	_ =	swait.ge [sflag:s26], $0x4000  }
0x219: {  	[sflag:s26] =	ssyncset.done $0x0  }
0x21a: {  	s0 =	simm.s32 $0x4F00;
	[sflag:s26] =	ssyncadd.s32 $0xFFFFC000  }
0x21b: {  	s2 =	simm.s32 $0xCF00;
	v16 =	vld [tilespmem:s0+$0xFFFFFC00]  }
0x21c: {  	v17 =	vld [tilespmem:s2+$0xFFFFFC10]  }
0x21d: {  	v18 =	vld [tilespmem:s0+$0xFFFFFC10]  }
0x21e: {  	v19 =	vld [tilespmem:s2+$0xFFFFFC00]  }
0x21f: {  	v20 =	vld [tilespmem:s2+$0xFFFFFC20]  }
0x220: {  	v21 =	vld [tilespmem:s0+$0xFFFFFC20]  }
0x221: {  	v22 =	vld [tilespmem:s2+$0xFFFFFC30]  }
0x222: {  	v23 =	vld [tilespmem:s0+$0xFFFFFC30]  }
0x223: {  	v17 =	vmul.f32 v17, v18;
	v16 =	vmul.f32 v19, v16;
	_ =	sdelay $0x1  }
0x224: {  	v16 =	vadd.f32 v17, v16;
	v17 =	vmul.f32 v20, v21;
	_ =	sdelay $0x1  }
0x225: {  	v16 =	vadd.f32 v17, v16;
	v17 =	vmul.f32 v22, v23;
	_ =	sdelay $0x1  }
0x226: {  	v16 =	vadd.f32 v17, v16;
	_ =	sdelay $0x1  }
0x227: {  	[tilespmem:$0xA00] =	vst v16  }
0x228: {  	v16 =	vld [tilespmem:s2+$0xFFFFFC90]  }
0x229: {  	v17 =	vld [tilespmem:s0+$0xFFFFFC80]  }
0x22a: {  	v18 =	vld [tilespmem:s0+$0xFFFFFC90]  }
0x22b: {  	v19 =	vld [tilespmem:s2+$0xFFFFFC80]  }
0x22c: {  	v20 =	vld [tilespmem:s2+$0xFFFFFCA0]  }
0x22d: {  	v60 =	vld [tilespmem:s0+$0xFFFFFCA0]  }
0x22e: {  	v61 =	vld [tilespmem:s2+$0xFFFFFCB0]  }
0x22f: {  	v62 =	vld [tilespmem:s0+$0xFFFFFCB0]  }
0x230: {  	v16 =	vmul.f32 v16, v18;
	v17 =	vmul.f32 v19, v17;
	_ =	sdelay $0x1  }
0x231: {  	v16 =	vadd.f32 v16, v17;
	v17 =	vmul.f32 v20, v60;
	_ =	sdelay $0x1  }
0x232: {  	v16 =	vadd.f32 v17, v16;
	v17 =	vmul.f32 v61, v62;
	_ =	sdelay $0x1  }
0x233: {  	v16 =	vadd.f32 v17, v16;
	_ =	sdelay $0x1  }
0x234: {  	[tilespmem:$0xA10] =	vst v16  }
0x235: {  	v16 =	vld [tilespmem:s0+$0xFFFFFD00]  }
0x236: {  	v17 =	vld [tilespmem:s2+$0xFFFFFD00]  }
0x237: {  	v18 =	vld [tilespmem:s2+$0xFFFFFD10]  }
0x238: {  	v19 =	vld [tilespmem:s0+$0xFFFFFD10]  }
0x239: {  	v20 =	vld [tilespmem:s2+$0xFFFFFD20]  }
0x23a: {  	v63 =	vld [tilespmem:s0+$0xFFFFFD20]  }
0x23b: {  	v24 =	vld [tilespmem:s2+$0xFFFFFD30]  }
0x23c: {  	v25 =	vld [tilespmem:s0+$0xFFFFFD30]  }
0x23d: {  	v16 =	vmul.f32 v17, v16;
	v17 =	vmul.f32 v18, v19;
	_ =	sdelay $0x1  }
0x23e: {  	v16 =	vadd.f32 v17, v16;
	v17 =	vmul.f32 v20, v63;
	_ =	sdelay $0x1  }
0x23f: {  	v16 =	vadd.f32 v17, v16;
	v17 =	vmul.f32 v24, v25;
	_ =	sdelay $0x1  }
0x240: {  	v16 =	vadd.f32 v17, v16;
	_ =	sdelay $0x1  }
0x241: {  	[tilespmem:$0xA20] =	vst v16  }
0x242: {  	v16 =	vld [tilespmem:s2+$0xFFFFFD80]  }
0x243: {  	v17 =	vld [tilespmem:s0+$0xFFFFFD80]  }
0x244: {  	v18 =	vld [tilespmem:s0+$0xFFFFFD90]  }
0x245: {  	v19 =	vld [tilespmem:s2+$0xFFFFFD90]  }
0x246: {  	v20 =	vld [tilespmem:s2+$0xFFFFFDA0]  }
0x247: {  	v26 =	vld [tilespmem:s0+$0xFFFFFDA0]  }
0x248: {  	v27 =	vld [tilespmem:s2+$0xFFFFFDB0]  }
0x249: {  	v28 =	vld [tilespmem:s0+$0xFFFFFDB0]  }
0x24a: {  	v16 =	vmul.f32 v16, v17;
	v17 =	vmul.f32 v19, v18;
	_ =	sdelay $0x1  }
0x24b: {  	v16 =	vadd.f32 v17, v16;
	v17 =	vmul.f32 v20, v26;
	_ =	sdelay $0x1  }
0x24c: {  	v16 =	vadd.f32 v17, v16;
	v17 =	vmul.f32 v27, v28;
	_ =	sdelay $0x1  }
0x24d: {  	v16 =	vadd.f32 v17, v16;
	_ =	sdelay $0x1  }
0x24e: {  	[tilespmem:$0xA30] =	vst v16  }
0x24f: {  	v16 =	vld [tilespmem:s2+$0xFFFFFE10]  }
0x250: {  	v17 =	vld [tilespmem:s0+$0xFFFFFE00]  }
0x251: {  	v18 =	vld [tilespmem:s2+$0xFFFFFE00]  }
0x252: {  	v19 =	vld [tilespmem:s0+$0xFFFFFE10]  }
0x253: {  	v20 =	vld [tilespmem:s2+$0xFFFFFE20]  }
0x254: {  	v29 =	vld [tilespmem:s0+$0xFFFFFE20]  }
0x255: {  	v30 =	vld [tilespmem:s2+$0xFFFFFE30]  }
0x256: {  	v31 =	vld [tilespmem:s0+$0xFFFFFE30]  }
0x257: {  	v17 =	vmul.f32 v18, v17;
	v16 =	vmul.f32 v16, v19;
	_ =	sdelay $0x1  }
0x258: {  	v16 =	vadd.f32 v16, v17;
	v17 =	vmul.f32 v20, v29;
	_ =	sdelay $0x1  }
0x259: {  	v16 =	vadd.f32 v17, v16;
	v17 =	vmul.f32 v30, v31;
	_ =	sdelay $0x1  }
0x25a: {  	v16 =	vadd.f32 v17, v16;
	_ =	sdelay $0x1  }
0x25b: {  	[tilespmem:$0xA40] =	vst v16  }
0x25c: {  	v16 =	vld [tilespmem:s2+$0xFFFFFE90]  }
0x25d: {  	v17 =	vld [tilespmem:s0+$0xFFFFFE80]  }
0x25e: {  	v18 =	vld [tilespmem:s2+$0xFFFFFE80]  }
0x25f: {  	v19 =	vld [tilespmem:s0+$0xFFFFFE90]  }
0x260: {  	v20 =	vld [tilespmem:s2+$0xFFFFFEA0]  }
0x261: {  	v32 =	vld [tilespmem:s0+$0xFFFFFEA0]  }
0x262: {  	v33 =	vld [tilespmem:s2+$0xFFFFFEB0]  }
0x263: {  	v34 =	vld [tilespmem:s0+$0xFFFFFEB0]  }
0x264: {  	v17 =	vmul.f32 v18, v17;
	v16 =	vmul.f32 v16, v19;
	_ =	sdelay $0x1  }
0x265: {  	v16 =	vadd.f32 v16, v17;
	v17 =	vmul.f32 v20, v32;
	_ =	sdelay $0x1  }
0x266: {  	v16 =	vadd.f32 v17, v16;
	v17 =	vmul.f32 v33, v34;
	_ =	sdelay $0x1  }
0x267: {  	v16 =	vadd.f32 v17, v16;
	_ =	sdelay $0x1  }
0x268: {  	[tilespmem:$0xA50] =	vst v16  }
0x269: {  	v16 =	vld [tilespmem:s2+$0xFFFFFF00]  }
0x26a: {  	v17 =	vld [tilespmem:s2+$0xFFFFFF10]  }
0x26b: {  	v18 =	vld [tilespmem:s0+$0xFFFFFF10]  }
0x26c: {  	v19 =	vld [tilespmem:s0+$0xFFFFFF00]  }
0x26d: {  	v20 =	vld [tilespmem:s2+$0xFFFFFF20]  }
0x26e: {  	v35 =	vld [tilespmem:s0+$0xFFFFFF20]  }
0x26f: {  	v36 =	vld [tilespmem:s2+$0xFFFFFF30]  }
0x270: {  	v37 =	vld [tilespmem:s0+$0xFFFFFF30]  }
0x271: {  	v17 =	vmul.f32 v17, v18;
	v16 =	vmul.f32 v16, v19;
	_ =	sdelay $0x1  }
0x272: {  	v16 =	vadd.f32 v17, v16;
	v17 =	vmul.f32 v20, v35;
	_ =	sdelay $0x1  }
0x273: {  	v16 =	vadd.f32 v17, v16;
	v17 =	vmul.f32 v36, v37;
	_ =	sdelay $0x1  }
0x274: {  	v16 =	vadd.f32 v17, v16;
	_ =	sdelay $0x1  }
0x275: {  	[tilespmem:$0xA60] =	vst v16  }
0x276: {  	v16 =	vld [tilespmem:s2+$0xFFFFFF90]  }
0x277: {  	v17 =	vld [tilespmem:s2+$0xFFFFFF80]  }
0x278: {  	v18 =	vld [tilespmem:s0+$0xFFFFFF80]  }
0x279: {  	v19 =	vld [tilespmem:s0+$0xFFFFFF90]  }
0x27a: {  	v20 =	vld [tilespmem:s2+$0xFFFFFFA0]  }
0x27b: {  	v38 =	vld [tilespmem:s0+$0xFFFFFFA0]  }
0x27c: {  	v39 =	vld [tilespmem:s2+$0xFFFFFFB0]  }
0x27d: {  	v40 =	vld [tilespmem:s0+$0xFFFFFFB0]  }
0x27e: {  	v17 =	vmul.f32 v17, v18;
	v16 =	vmul.f32 v16, v19;
	_ =	sdelay $0x1  }
0x27f: {  	v16 =	vadd.f32 v16, v17;
	v17 =	vmul.f32 v20, v38;
	_ =	sdelay $0x1  }
0x280: {  	v16 =	vadd.f32 v17, v16;
	v17 =	vmul.f32 v39, v40;
	_ =	sdelay $0x1  }
0x281: {  	v16 =	vadd.f32 v17, v16;
	_ =	sdelay $0x1  }
0x282: {  	[tilespmem:$0xA70] =	vst v16  }
0x283: {  	v16 =	vld [tilespmem:s2+$0x0]  }
0x284: {  	v17 =	vld [tilespmem:s2+$0x10]  }
0x285: {  	v18 =	vld [tilespmem:s0+$0x0]  }
0x286: {  	v19 =	vld [tilespmem:s0+$0x10]  }
0x287: {  	v20 =	vld [tilespmem:s2+$0x20]  }
0x288: {  	v41 =	vld [tilespmem:s0+$0x20]  }
0x289: {  	v42 =	vld [tilespmem:s2+$0x30]  }
0x28a: {  	v43 =	vld [tilespmem:s0+$0x30]  }
0x28b: {  	v16 =	vmul.f32 v16, v18;
	v17 =	vmul.f32 v17, v19;
	_ =	sdelay $0x1  }
0x28c: {  	v16 =	vadd.f32 v17, v16;
	v17 =	vmul.f32 v20, v41;
	_ =	sdelay $0x1  }
0x28d: {  	v16 =	vadd.f32 v17, v16;
	v17 =	vmul.f32 v42, v43;
	_ =	sdelay $0x1  }
0x28e: {  	v16 =	vadd.f32 v17, v16;
	_ =	sdelay $0x1  }
0x28f: {  	[tilespmem:$0xA80] =	vst v16  }
0x290: {  	v16 =	vld [tilespmem:s2+$0x80]  }
0x291: {  	v17 =	vld [tilespmem:s2+$0x90]  }
0x292: {  	v18 =	vld [tilespmem:s0+$0x80]  }
0x293: {  	v19 =	vld [tilespmem:s0+$0x90]  }
0x294: {  	v20 =	vld [tilespmem:s0+$0xA0]  }
0x295: {  	v44 =	vld [tilespmem:s2+$0xA0]  }
0x296: {  	v45 =	vld [tilespmem:s0+$0xB0]  }
0x297: {  	v46 =	vld [tilespmem:s2+$0xB0]  }
0x298: {  	v16 =	vmul.f32 v16, v18;
	v17 =	vmul.f32 v17, v19;
	_ =	sdelay $0x1  }
0x299: {  	v16 =	vadd.f32 v17, v16;
	v17 =	vmul.f32 v44, v20;
	_ =	sdelay $0x1  }
0x29a: {  	v16 =	vadd.f32 v17, v16;
	v17 =	vmul.f32 v46, v45;
	_ =	sdelay $0x1  }
0x29b: {  	v16 =	vadd.f32 v17, v16;
	_ =	sdelay $0x1  }
0x29c: {  	[tilespmem:$0xA90] =	vst v16  }
0x29d: {  	v16 =	vld [tilespmem:s2+$0x100]  }
0x29e: {  	v17 =	vld [tilespmem:s2+$0x110]  }
0x29f: {  	v18 =	vld [tilespmem:s0+$0x100]  }
0x2a0: {  	v19 =	vld [tilespmem:s0+$0x110]  }
0x2a1: {  	v20 =	vld [tilespmem:s0+$0x120]  }
0x2a2: {  	v47 =	vld [tilespmem:s2+$0x120]  }
0x2a3: {  	v48 =	vld [tilespmem:s0+$0x130]  }
0x2a4: {  	v49 =	vld [tilespmem:s2+$0x130]  }
0x2a5: {  	v16 =	vmul.f32 v16, v18;
	v17 =	vmul.f32 v17, v19;
	_ =	sdelay $0x1  }
0x2a6: {  	v16 =	vadd.f32 v17, v16;
	v17 =	vmul.f32 v47, v20;
	_ =	sdelay $0x1  }
0x2a7: {  	v16 =	vadd.f32 v17, v16;
	v17 =	vmul.f32 v49, v48;
	_ =	sdelay $0x1  }
0x2a8: {  	v16 =	vadd.f32 v17, v16;
	_ =	sdelay $0x1  }
0x2a9: {  	[tilespmem:$0xAA0] =	vst v16  }
0x2aa: {  	v16 =	vld [tilespmem:s2+$0x180]  }
0x2ab: {  	v17 =	vld [tilespmem:s2+$0x190]  }
0x2ac: {  	v18 =	vld [tilespmem:s0+$0x180]  }
0x2ad: {  	v19 =	vld [tilespmem:s0+$0x190]  }
0x2ae: {  	v20 =	vld [tilespmem:s0+$0x1A0]  }
0x2af: {  	v50 =	vld [tilespmem:s2+$0x1A0]  }
0x2b0: {  	v51 =	vld [tilespmem:s0+$0x1B0]  }
0x2b1: {  	v52 =	vld [tilespmem:s2+$0x1B0]  }
0x2b2: {  	v16 =	vmul.f32 v16, v18;
	v17 =	vmul.f32 v17, v19;
	_ =	sdelay $0x1  }
0x2b3: {  	v16 =	vadd.f32 v17, v16;
	v17 =	vmul.f32 v50, v20;
	_ =	sdelay $0x1  }
0x2b4: {  	v16 =	vadd.f32 v17, v16;
	v17 =	vmul.f32 v52, v51;
	_ =	sdelay $0x1  }
0x2b5: {  	v16 =	vadd.f32 v17, v16;
	_ =	sdelay $0x1  }
0x2b6: {  	[tilespmem:$0xAB0] =	vst v16  }
0x2b7: {  	v16 =	vld [tilespmem:s2+$0x200]  }
0x2b8: {  	v17 =	vld [tilespmem:s2+$0x210]  }
0x2b9: {  	v18 =	vld [tilespmem:s0+$0x200]  }
0x2ba: {  	v19 =	vld [tilespmem:s0+$0x210]  }
0x2bb: {  	v20 =	vld [tilespmem:s0+$0x220]  }
0x2bc: {  	v53 =	vld [tilespmem:s2+$0x220]  }
0x2bd: {  	v54 =	vld [tilespmem:s0+$0x230]  }
0x2be: {  	v55 =	vld [tilespmem:s2+$0x230]  }
0x2bf: {  	v16 =	vmul.f32 v16, v18;
	v17 =	vmul.f32 v17, v19;
	_ =	sdelay $0x1  }
0x2c0: {  	v16 =	vadd.f32 v17, v16;
	v17 =	vmul.f32 v53, v20;
	_ =	sdelay $0x1  }
0x2c1: {  	v16 =	vadd.f32 v17, v16;
	v17 =	vmul.f32 v55, v54;
	_ =	sdelay $0x1  }
0x2c2: {  	v16 =	vadd.f32 v17, v16;
	_ =	sdelay $0x1  }
0x2c3: {  	[tilespmem:$0xAC0] =	vst v16  }
0x2c4: {  	v16 =	vld [tilespmem:s2+$0x280]  }
0x2c5: {  	v17 =	vld [tilespmem:s2+$0x290]  }
0x2c6: {  	v18 =	vld [tilespmem:s0+$0x280]  }
0x2c7: {  	v19 =	vld [tilespmem:s0+$0x290]  }
0x2c8: {  	v20 =	vld [tilespmem:s0+$0x2A0]  }
0x2c9: {  	v56 =	vld [tilespmem:s2+$0x2A0]  }
0x2ca: {  	v57 =	vld [tilespmem:s0+$0x2B0]  }
0x2cb: {  	v58 =	vld [tilespmem:s2+$0x2B0]  }
0x2cc: {  	v16 =	vmul.f32 v16, v18;
	v17 =	vmul.f32 v17, v19;
	_ =	sdelay $0x1  }
0x2cd: {  	v16 =	vadd.f32 v17, v16;
	v17 =	vmul.f32 v56, v20;
	_ =	sdelay $0x1  }
0x2ce: {  	v16 =	vadd.f32 v17, v16;
	v17 =	vmul.f32 v58, v57;
	_ =	sdelay $0x1  }
0x2cf: {  	v16 =	vadd.f32 v17, v16;
	_ =	sdelay $0x1  }
0x2d0: {  	[tilespmem:$0xAD0] =	vst v16  }
0x2d1: {  	v16 =	vld [tilespmem:s2+$0x300]  }
0x2d2: {  	v17 =	vld [tilespmem:s2+$0x310]  }
0x2d3: {  	v18 =	vld [tilespmem:s0+$0x310]  }
0x2d4: {  	v19 =	vld [tilespmem:s0+$0x300]  }
0x2d5: {  	v20 =	vld [tilespmem:s0+$0x320]  }
0x2d6: {  	v59 =	vld [tilespmem:s2+$0x320]  }
0x2d7: {  	v60 =	vld [tilespmem:s0+$0x330]  }
0x2d8: {  	v61 =	vld [tilespmem:s2+$0x330]  }
0x2d9: {  	v17 =	vmul.f32 v17, v18;
	v16 =	vmul.f32 v16, v19;
	_ =	sdelay $0x1  }
0x2da: {  	v16 =	vadd.f32 v17, v16;
	v17 =	vmul.f32 v59, v20;
	_ =	sdelay $0x1  }
0x2db: {  	v16 =	vadd.f32 v17, v16;
	v17 =	vmul.f32 v61, v60;
	_ =	sdelay $0x1  }
0x2dc: {  	v16 =	vadd.f32 v17, v16;
	_ =	sdelay $0x1  }
0x2dd: {  	[tilespmem:$0xAE0] =	vst v16  }
0x2de: {  	v16 =	vld [tilespmem:s0+$0x380]  }
0x2df: {  	v17 =	vld [tilespmem:s2+$0x380]  }
0x2e0: {  	v18 =	vld [tilespmem:s2+$0x390]  }
0x2e1: {  	v19 =	vld [tilespmem:s0+$0x390]  }
0x2e2: {  	v20 =	vld [tilespmem:s0+$0x3A0]  }
0x2e3: {  	v62 =	vld [tilespmem:s2+$0x3A0]  }
0x2e4: {  	v63 =	vmul.f32 v17, v16;
	v16 =	vld [tilespmem:s0+$0x3B0]  }
0x2e5: {  	v17 =	vld [tilespmem:s2+$0x3B0]  }
0x2e6: {  	v18 =	vmul.f32 v18, v19;
	_ =	sdelay $0x1  }
0x2e7: {  	s12 =	simm.s32 $0x0;
	s13 =	simm.s32 $0x40;
	v19 =	vmul.f32 v62, v20;
	v18 =	vadd.f32 v18, v63  }
.LBB2_4:
0x2e8: {  	_ = 	snop  }
0x2e9: {  	p0 =	sne.s32 s13, $0x1C0;
	s0 =	sadd.s32 $0x800, s0;
	s2 =	sadd.s32 $0x800, s2;
	v18 =	vadd.f32 v19, v18;
	v16 =	vmul.f32 v17, v16  }
0x2ea: {  	s18 =	smov.u32 s13;
	s13 =	sadd.s32 $0x40, s13  }
0x2eb: {  	v16 =	vadd.f32 v16, v18;
	_ =	sdelay $0x1  }
0x2ec: {  	[tilespmem:$0xAF0] =	vst v16  }
0x2ed: {  	v16 =	vld.idx.msk [tilespmem:v0+s22+$0x0], $0xffff  }
0x2ee: {  	v17 =	vld.idx.msk [tilespmem:v1+s22+$0x0], $0xffff  }
0x2ef: {  	v18 =	vld.idx.msk [tilespmem:v2+s22+$0x0], $0xffff  }
0x2f0: {  	v19 =	vld.idx.msk [tilespmem:v3+s22+$0x0], $0xffff  }
0x2f1: {  	v20 =	vld.idx.msk [tilespmem:v4+s22+$0x0], $0xffff  }
0x2f2: {  	v21 =	vld.idx.msk [tilespmem:v5+s22+$0x0], $0xffff  }
0x2f3: {  	v22 =	vld.idx.msk [tilespmem:v6+s22+$0x0], $0xffff  }
0x2f4: {  	v16 =	vadd.f32 v17, v16;
	v17 =	vld.idx.msk [tilespmem:v7+s22+$0x0], $0xffff  }
0x2f5: {  	v23 =	vld.idx.msk [tilespmem:v8+s22+$0x0], $0xffff  }
0x2f6: {  	v16 =	vadd.f32 v18, v16;
	v18 =	vld.idx.msk [tilespmem:v9+s22+$0x0], $0xffff  }
0x2f7: {  	v24 =	vld.idx.msk [tilespmem:v10+s22+$0x0], $0xffff  }
0x2f8: {  	v16 =	vadd.f32 v19, v16;
	v19 =	vld.idx.msk [tilespmem:v11+s22+$0x0], $0xffff  }
0x2f9: {  	v25 =	vld.idx.msk [tilespmem:v12+s22+$0x0], $0xffff  }
0x2fa: {  	v16 =	vadd.f32 v20, v16;
	v20 =	vld.idx.msk [tilespmem:v13+s22+$0x0], $0xffff  }
0x2fb: {  	v26 =	vld.idx.msk [tilespmem:v14+s22+$0x0], $0xffff  }
0x2fc: {  	s23 =	sshra.s32 s12, $0x2;
	s12 =	smov.u32 s18;
	v16 =	vadd.f32 v21, v16;
	v21 =	vld.idx.msk [tilespmem:v15+s22+$0x0], $0xffff  }
0x2fd: {  	v27 =	vld [tilespmem:s23+$0x480]  }
0x2fe: {  	v16 =	vadd.f32 v22, v16;
	v22 =	vld [tilespmem:s23+$0x680];
	_ =	sdelay $0x1  }
0x2ff: {  	v16 =	vadd.f32 v17, v16;
	_ =	sdelay $0x1  }
0x300: {  	v16 =	vadd.f32 v23, v16;
	_ =	sdelay $0x1  }
0x301: {  	v16 =	vadd.f32 v18, v16;
	_ =	sdelay $0x1  }
0x302: {  	v16 =	vadd.f32 v24, v16;
	_ =	sdelay $0x1  }
0x303: {  	v16 =	vadd.f32 v19, v16;
	_ =	sdelay $0x1  }
0x304: {  	v16 =	vadd.f32 v25, v16;
	_ =	sdelay $0x1  }
0x305: {  	v16 =	vadd.f32 v20, v16;
	_ =	sdelay $0x1  }
0x306: {  	v16 =	vadd.f32 v26, v16;
	_ =	sdelay $0x1  }
0x307: {  	v16 =	vadd.f32 v21, v16;
	_ =	sdelay $0x1  }
0x308: {  	v16 =	vmul.f32 v27, v16;
	_ =	sdelay $0x1  }
0x309: {  	v16 =	vmul.f32 v22, v16;
	_ =	sdelay $0x1  }
0x30a: {  	[tilespmem:s23+$0x880] =	vst v16  }
0x30b: {  	v16 =	vld [tilespmem:s0+$0xFFFFFC00]  }
0x30c: {  	v17 =	vld [tilespmem:s2+$0xFFFFFC10]  }
0x30d: {  	v18 =	vld [tilespmem:s0+$0xFFFFFC10]  }
0x30e: {  	v19 =	vld [tilespmem:s2+$0xFFFFFC00]  }
0x30f: {  	v20 =	vld [tilespmem:s2+$0xFFFFFC20]  }
0x310: {  	v21 =	vld [tilespmem:s0+$0xFFFFFC20]  }
0x311: {  	v22 =	vld [tilespmem:s2+$0xFFFFFC30]  }
0x312: {  	v17 =	vmul.f32 v17, v18;
	v18 =	vld [tilespmem:s0+$0xFFFFFC30]  }
0x313: {  	v16 =	vmul.f32 v19, v16;
	_ =	sdelay $0x1  }
0x314: {  	v16 =	vadd.f32 v17, v16;
	v17 =	vmul.f32 v20, v21;
	_ =	sdelay $0x1  }
0x315: {  	v16 =	vadd.f32 v17, v16;
	v17 =	vmul.f32 v22, v18;
	_ =	sdelay $0x1  }
0x316: {  	v16 =	vadd.f32 v17, v16;
	_ =	sdelay $0x1  }
0x317: {  	[tilespmem:$0xA00] =	vst v16  }
0x318: {  	v16 =	vld [tilespmem:s2+$0xFFFFFC90]  }
0x319: {  	v17 =	vld [tilespmem:s0+$0xFFFFFC80]  }
0x31a: {  	v18 =	vld [tilespmem:s0+$0xFFFFFC90]  }
0x31b: {  	v19 =	vld [tilespmem:s2+$0xFFFFFC80]  }
0x31c: {  	v20 =	vld [tilespmem:s2+$0xFFFFFCA0]  }
0x31d: {  	v21 =	vld [tilespmem:s0+$0xFFFFFCA0]  }
0x31e: {  	v22 =	vld [tilespmem:s2+$0xFFFFFCB0]  }
0x31f: {  	v16 =	vmul.f32 v16, v18;
	v18 =	vld [tilespmem:s0+$0xFFFFFCB0]  }
0x320: {  	v17 =	vmul.f32 v19, v17;
	_ =	sdelay $0x1  }
0x321: {  	v16 =	vadd.f32 v16, v17;
	v17 =	vmul.f32 v20, v21;
	_ =	sdelay $0x1  }
0x322: {  	v16 =	vadd.f32 v17, v16;
	v17 =	vmul.f32 v22, v18;
	_ =	sdelay $0x1  }
0x323: {  	v16 =	vadd.f32 v17, v16;
	_ =	sdelay $0x1  }
0x324: {  	[tilespmem:$0xA10] =	vst v16  }
0x325: {  	v16 =	vld [tilespmem:s0+$0xFFFFFD00]  }
0x326: {  	v17 =	vld [tilespmem:s2+$0xFFFFFD00]  }
0x327: {  	v18 =	vld [tilespmem:s2+$0xFFFFFD10]  }
0x328: {  	v19 =	vld [tilespmem:s0+$0xFFFFFD10]  }
0x329: {  	v20 =	vld [tilespmem:s2+$0xFFFFFD20]  }
0x32a: {  	v21 =	vld [tilespmem:s0+$0xFFFFFD20]  }
0x32b: {  	v16 =	vmul.f32 v17, v16;
	v17 =	vld [tilespmem:s2+$0xFFFFFD30]  }
0x32c: {  	v22 =	vld [tilespmem:s0+$0xFFFFFD30]  }
0x32d: {  	v18 =	vmul.f32 v18, v19;
	_ =	sdelay $0x1  }
0x32e: {  	v16 =	vadd.f32 v18, v16;
	v18 =	vmul.f32 v20, v21;
	_ =	sdelay $0x1  }
0x32f: {  	v16 =	vadd.f32 v18, v16;
	v17 =	vmul.f32 v17, v22;
	_ =	sdelay $0x1  }
0x330: {  	v16 =	vadd.f32 v17, v16;
	_ =	sdelay $0x1  }
0x331: {  	[tilespmem:$0xA20] =	vst v16  }
0x332: {  	v16 =	vld [tilespmem:s2+$0xFFFFFD80]  }
0x333: {  	v17 =	vld [tilespmem:s0+$0xFFFFFD80]  }
0x334: {  	v18 =	vld [tilespmem:s0+$0xFFFFFD90]  }
0x335: {  	v19 =	vld [tilespmem:s2+$0xFFFFFD90]  }
0x336: {  	v20 =	vld [tilespmem:s2+$0xFFFFFDA0]  }
0x337: {  	v21 =	vld [tilespmem:s0+$0xFFFFFDA0]  }
0x338: {  	v16 =	vmul.f32 v16, v17;
	v17 =	vld [tilespmem:s2+$0xFFFFFDB0]  }
0x339: {  	v22 =	vld [tilespmem:s0+$0xFFFFFDB0]  }
0x33a: {  	v18 =	vmul.f32 v19, v18;
	_ =	sdelay $0x1  }
0x33b: {  	v16 =	vadd.f32 v18, v16;
	v18 =	vmul.f32 v20, v21;
	_ =	sdelay $0x1  }
0x33c: {  	v16 =	vadd.f32 v18, v16;
	v17 =	vmul.f32 v17, v22;
	_ =	sdelay $0x1  }
0x33d: {  	v16 =	vadd.f32 v17, v16;
	_ =	sdelay $0x1  }
0x33e: {  	[tilespmem:$0xA30] =	vst v16  }
0x33f: {  	v16 =	vld [tilespmem:s2+$0xFFFFFE10]  }
0x340: {  	v17 =	vld [tilespmem:s0+$0xFFFFFE00]  }
0x341: {  	v18 =	vld [tilespmem:s2+$0xFFFFFE00]  }
0x342: {  	v19 =	vld [tilespmem:s0+$0xFFFFFE10]  }
0x343: {  	v20 =	vld [tilespmem:s2+$0xFFFFFE20]  }
0x344: {  	v21 =	vld [tilespmem:s0+$0xFFFFFE20]  }
0x345: {  	v22 =	vld [tilespmem:s2+$0xFFFFFE30]  }
0x346: {  	v17 =	vmul.f32 v18, v17;
	v18 =	vld [tilespmem:s0+$0xFFFFFE30]  }
0x347: {  	v16 =	vmul.f32 v16, v19;
	_ =	sdelay $0x1  }
0x348: {  	v16 =	vadd.f32 v16, v17;
	v17 =	vmul.f32 v20, v21;
	_ =	sdelay $0x1  }
0x349: {  	v16 =	vadd.f32 v17, v16;
	v17 =	vmul.f32 v22, v18;
	_ =	sdelay $0x1  }
0x34a: {  	v16 =	vadd.f32 v17, v16;
	_ =	sdelay $0x1  }
0x34b: {  	[tilespmem:$0xA40] =	vst v16  }
0x34c: {  	v16 =	vld [tilespmem:s2+$0xFFFFFE90]  }
0x34d: {  	v17 =	vld [tilespmem:s0+$0xFFFFFE80]  }
0x34e: {  	v18 =	vld [tilespmem:s2+$0xFFFFFE80]  }
0x34f: {  	v19 =	vld [tilespmem:s0+$0xFFFFFE90]  }
0x350: {  	v20 =	vld [tilespmem:s2+$0xFFFFFEA0]  }
0x351: {  	v21 =	vld [tilespmem:s0+$0xFFFFFEA0]  }
0x352: {  	v22 =	vld [tilespmem:s2+$0xFFFFFEB0]  }
0x353: {  	v17 =	vmul.f32 v18, v17;
	v18 =	vld [tilespmem:s0+$0xFFFFFEB0]  }
0x354: {  	v16 =	vmul.f32 v16, v19;
	_ =	sdelay $0x1  }
0x355: {  	v16 =	vadd.f32 v16, v17;
	v17 =	vmul.f32 v20, v21;
	_ =	sdelay $0x1  }
0x356: {  	v16 =	vadd.f32 v17, v16;
	v17 =	vmul.f32 v22, v18;
	_ =	sdelay $0x1  }
0x357: {  	v16 =	vadd.f32 v17, v16;
	_ =	sdelay $0x1  }
0x358: {  	[tilespmem:$0xA50] =	vst v16  }
0x359: {  	v16 =	vld [tilespmem:s2+$0xFFFFFF00]  }
0x35a: {  	v17 =	vld [tilespmem:s2+$0xFFFFFF10]  }
0x35b: {  	v18 =	vld [tilespmem:s0+$0xFFFFFF10]  }
0x35c: {  	v19 =	vld [tilespmem:s0+$0xFFFFFF00]  }
0x35d: {  	v20 =	vld [tilespmem:s2+$0xFFFFFF20]  }
0x35e: {  	v21 =	vld [tilespmem:s0+$0xFFFFFF20]  }
0x35f: {  	v22 =	vld [tilespmem:s2+$0xFFFFFF30]  }
0x360: {  	v17 =	vmul.f32 v17, v18;
	v18 =	vld [tilespmem:s0+$0xFFFFFF30]  }
0x361: {  	v16 =	vmul.f32 v16, v19;
	_ =	sdelay $0x1  }
0x362: {  	v16 =	vadd.f32 v17, v16;
	v17 =	vmul.f32 v20, v21;
	_ =	sdelay $0x1  }
0x363: {  	v16 =	vadd.f32 v17, v16;
	v17 =	vmul.f32 v22, v18;
	_ =	sdelay $0x1  }
0x364: {  	v16 =	vadd.f32 v17, v16;
	_ =	sdelay $0x1  }
0x365: {  	[tilespmem:$0xA60] =	vst v16  }
0x366: {  	v16 =	vld [tilespmem:s2+$0xFFFFFF90]  }
0x367: {  	v17 =	vld [tilespmem:s2+$0xFFFFFF80]  }
0x368: {  	v18 =	vld [tilespmem:s0+$0xFFFFFF80]  }
0x369: {  	v19 =	vld [tilespmem:s0+$0xFFFFFF90]  }
0x36a: {  	v20 =	vld [tilespmem:s2+$0xFFFFFFA0]  }
0x36b: {  	v21 =	vld [tilespmem:s0+$0xFFFFFFA0]  }
0x36c: {  	v22 =	vld [tilespmem:s2+$0xFFFFFFB0]  }
0x36d: {  	v17 =	vmul.f32 v17, v18;
	v18 =	vld [tilespmem:s0+$0xFFFFFFB0]  }
0x36e: {  	v16 =	vmul.f32 v16, v19;
	_ =	sdelay $0x1  }
0x36f: {  	v16 =	vadd.f32 v16, v17;
	v17 =	vmul.f32 v20, v21;
	_ =	sdelay $0x1  }
0x370: {  	v16 =	vadd.f32 v17, v16;
	v17 =	vmul.f32 v22, v18;
	_ =	sdelay $0x1  }
0x371: {  	v16 =	vadd.f32 v17, v16;
	_ =	sdelay $0x1  }
0x372: {  	[tilespmem:$0xA70] =	vst v16  }
0x373: {  	v16 =	vld [tilespmem:s2+$0x0]  }
0x374: {  	v17 =	vld [tilespmem:s2+$0x10]  }
0x375: {  	v18 =	vld [tilespmem:s0+$0x0]  }
0x376: {  	v19 =	vld [tilespmem:s0+$0x10]  }
0x377: {  	v20 =	vld [tilespmem:s2+$0x20]  }
0x378: {  	v21 =	vld [tilespmem:s0+$0x20]  }
0x379: {  	v22 =	vld [tilespmem:s2+$0x30]  }
0x37a: {  	v16 =	vmul.f32 v16, v18;
	v18 =	vld [tilespmem:s0+$0x30]  }
0x37b: {  	v17 =	vmul.f32 v17, v19;
	_ =	sdelay $0x1  }
0x37c: {  	v16 =	vadd.f32 v17, v16;
	v17 =	vmul.f32 v20, v21;
	_ =	sdelay $0x1  }
0x37d: {  	v16 =	vadd.f32 v17, v16;
	v17 =	vmul.f32 v22, v18;
	_ =	sdelay $0x1  }
0x37e: {  	v16 =	vadd.f32 v17, v16;
	_ =	sdelay $0x1  }
0x37f: {  	[tilespmem:$0xA80] =	vst v16  }
0x380: {  	v16 =	vld [tilespmem:s2+$0x80]  }
0x381: {  	v17 =	vld [tilespmem:s2+$0x90]  }
0x382: {  	v18 =	vld [tilespmem:s0+$0x80]  }
0x383: {  	v19 =	vld [tilespmem:s0+$0x90]  }
0x384: {  	v20 =	vld [tilespmem:s0+$0xA0]  }
0x385: {  	v21 =	vld [tilespmem:s2+$0xA0]  }
0x386: {  	v22 =	vld [tilespmem:s0+$0xB0]  }
0x387: {  	v16 =	vmul.f32 v16, v18;
	v18 =	vld [tilespmem:s2+$0xB0]  }
0x388: {  	v17 =	vmul.f32 v17, v19;
	_ =	sdelay $0x1  }
0x389: {  	v16 =	vadd.f32 v17, v16;
	v17 =	vmul.f32 v21, v20;
	_ =	sdelay $0x1  }
0x38a: {  	v16 =	vadd.f32 v17, v16;
	v17 =	vmul.f32 v18, v22;
	_ =	sdelay $0x1  }
0x38b: {  	v16 =	vadd.f32 v17, v16;
	_ =	sdelay $0x1  }
0x38c: {  	[tilespmem:$0xA90] =	vst v16  }
0x38d: {  	v16 =	vld [tilespmem:s2+$0x100]  }
0x38e: {  	v17 =	vld [tilespmem:s2+$0x110]  }
0x38f: {  	v18 =	vld [tilespmem:s0+$0x100]  }
0x390: {  	v19 =	vld [tilespmem:s0+$0x110]  }
0x391: {  	v20 =	vld [tilespmem:s0+$0x120]  }
0x392: {  	v21 =	vld [tilespmem:s2+$0x120]  }
0x393: {  	v22 =	vld [tilespmem:s0+$0x130]  }
0x394: {  	v16 =	vmul.f32 v16, v18;
	v18 =	vld [tilespmem:s2+$0x130]  }
0x395: {  	v17 =	vmul.f32 v17, v19;
	_ =	sdelay $0x1  }
0x396: {  	v16 =	vadd.f32 v17, v16;
	v17 =	vmul.f32 v21, v20;
	_ =	sdelay $0x1  }
0x397: {  	v16 =	vadd.f32 v17, v16;
	v17 =	vmul.f32 v18, v22;
	_ =	sdelay $0x1  }
0x398: {  	v16 =	vadd.f32 v17, v16;
	_ =	sdelay $0x1  }
0x399: {  	[tilespmem:$0xAA0] =	vst v16  }
0x39a: {  	v16 =	vld [tilespmem:s2+$0x180]  }
0x39b: {  	v17 =	vld [tilespmem:s2+$0x190]  }
0x39c: {  	v18 =	vld [tilespmem:s0+$0x180]  }
0x39d: {  	v19 =	vld [tilespmem:s0+$0x190]  }
0x39e: {  	v20 =	vld [tilespmem:s0+$0x1A0]  }
0x39f: {  	v21 =	vld [tilespmem:s2+$0x1A0]  }
0x3a0: {  	v22 =	vld [tilespmem:s0+$0x1B0]  }
0x3a1: {  	v16 =	vmul.f32 v16, v18;
	v18 =	vld [tilespmem:s2+$0x1B0]  }
0x3a2: {  	v17 =	vmul.f32 v17, v19;
	_ =	sdelay $0x1  }
0x3a3: {  	v16 =	vadd.f32 v17, v16;
	v17 =	vmul.f32 v21, v20;
	_ =	sdelay $0x1  }
0x3a4: {  	v16 =	vadd.f32 v17, v16;
	v17 =	vmul.f32 v18, v22;
	_ =	sdelay $0x1  }
0x3a5: {  	v16 =	vadd.f32 v17, v16;
	_ =	sdelay $0x1  }
0x3a6: {  	[tilespmem:$0xAB0] =	vst v16  }
0x3a7: {  	v16 =	vld [tilespmem:s2+$0x200]  }
0x3a8: {  	v17 =	vld [tilespmem:s2+$0x210]  }
0x3a9: {  	v18 =	vld [tilespmem:s0+$0x200]  }
0x3aa: {  	v19 =	vld [tilespmem:s0+$0x210]  }
0x3ab: {  	v20 =	vld [tilespmem:s0+$0x220]  }
0x3ac: {  	v21 =	vld [tilespmem:s2+$0x220]  }
0x3ad: {  	v22 =	vld [tilespmem:s0+$0x230]  }
0x3ae: {  	v16 =	vmul.f32 v16, v18;
	v18 =	vld [tilespmem:s2+$0x230]  }
0x3af: {  	v17 =	vmul.f32 v17, v19;
	_ =	sdelay $0x1  }
0x3b0: {  	v16 =	vadd.f32 v17, v16;
	v17 =	vmul.f32 v21, v20;
	_ =	sdelay $0x1  }
0x3b1: {  	v16 =	vadd.f32 v17, v16;
	v17 =	vmul.f32 v18, v22;
	_ =	sdelay $0x1  }
0x3b2: {  	v16 =	vadd.f32 v17, v16;
	_ =	sdelay $0x1  }
0x3b3: {  	[tilespmem:$0xAC0] =	vst v16  }
0x3b4: {  	v16 =	vld [tilespmem:s2+$0x280]  }
0x3b5: {  	v17 =	vld [tilespmem:s2+$0x290]  }
0x3b6: {  	v18 =	vld [tilespmem:s0+$0x280]  }
0x3b7: {  	v19 =	vld [tilespmem:s0+$0x290]  }
0x3b8: {  	v20 =	vld [tilespmem:s0+$0x2A0]  }
0x3b9: {  	v21 =	vld [tilespmem:s2+$0x2A0]  }
0x3ba: {  	v22 =	vld [tilespmem:s0+$0x2B0]  }
0x3bb: {  	v16 =	vmul.f32 v16, v18;
	v18 =	vld [tilespmem:s2+$0x2B0]  }
0x3bc: {  	v17 =	vmul.f32 v17, v19;
	_ =	sdelay $0x1  }
0x3bd: {  	v16 =	vadd.f32 v17, v16;
	v17 =	vmul.f32 v21, v20;
	_ =	sdelay $0x1  }
0x3be: {  	v16 =	vadd.f32 v17, v16;
	v17 =	vmul.f32 v18, v22;
	_ =	sdelay $0x1  }
0x3bf: {  	v16 =	vadd.f32 v17, v16;
	_ =	sdelay $0x1  }
0x3c0: {  	[tilespmem:$0xAD0] =	vst v16  }
0x3c1: {  	v16 =	vld [tilespmem:s2+$0x300]  }
0x3c2: {  	v17 =	vld [tilespmem:s2+$0x310]  }
0x3c3: {  	v18 =	vld [tilespmem:s0+$0x310]  }
0x3c4: {  	v19 =	vld [tilespmem:s0+$0x300]  }
0x3c5: {  	v20 =	vld [tilespmem:s0+$0x320]  }
0x3c6: {  	v21 =	vld [tilespmem:s2+$0x320]  }
0x3c7: {  	v22 =	vld [tilespmem:s0+$0x330]  }
0x3c8: {  	v17 =	vmul.f32 v17, v18;
	v18 =	vld [tilespmem:s2+$0x330]  }
0x3c9: {  	v16 =	vmul.f32 v16, v19;
	_ =	sdelay $0x1  }
0x3ca: {  	v16 =	vadd.f32 v17, v16;
	v17 =	vmul.f32 v21, v20;
	_ =	sdelay $0x1  }
0x3cb: {  	v16 =	vadd.f32 v17, v16;
	v17 =	vmul.f32 v18, v22;
	_ =	sdelay $0x1  }
0x3cc: {  	v16 =	vadd.f32 v17, v16;
	_ =	sdelay $0x1  }
0x3cd: {  	[tilespmem:$0xAE0] =	vst v16  }
0x3ce: {  	v16 =	vld [tilespmem:s0+$0x380]  }
0x3cf: {  	v17 =	vld [tilespmem:s2+$0x380]  }
0x3d0: {  	v18 =	vld [tilespmem:s2+$0x390]  }
0x3d1: {  	v19 =	vld [tilespmem:s0+$0x390]  }
0x3d2: {  	v20 =	vld [tilespmem:s0+$0x3A0]  }
0x3d3: {  	v21 =	vld [tilespmem:s2+$0x3A0]  }
.Ltmp1:
0x3d4: {  	v22 =	vmul.f32 v17, v16;
	v16 =	vld [tilespmem:s0+$0x3B0];
	(pc) =	sbr.rel @p0 .LBB2_4-.Ltmp1, $3  }
0x3d5: {  	v17 =	vld [tilespmem:s2+$0x3B0]  }
0x3d6: {  	v18 =	vmul.f32 v18, v19;
	_ =	sdelay $0x1  }
0x3d7: {  	v18 =	vadd.f32 v18, v22;
	v19 =	vmul.f32 v21, v20  }
0x3d8: {  	_ = 	snop  }
0x3d9: {  	v18 =	vadd.f32 v19, v18;
	v16 =	vmul.f32 v17, v16;
	_ =	sdelay $0x1  }
0x3da: {  	v16 =	vadd.f32 v16, v18;
	_ =	sdelay $0x1  }
0x3db: {  	[tilespmem:$0xAF0] =	vst v16  }
0x3dc: {  	v16 =	vld.idx.msk [tilespmem:v0+s22+$0x0], $0xffff  }
0x3dd: {  	v17 =	vld.idx.msk [tilespmem:v1+s22+$0x0], $0xffff;
	_ =	sdelay $0x1  }
0x3de: {  	v18 =	vld.idx.msk [tilespmem:v2+s22+$0x0], $0xffff;
	_ =	sdelay $0x1  }
0x3df: {  	v19 =	vld.idx.msk [tilespmem:v3+s22+$0x0], $0xffff  }
0x3e0: {  	v16 =	vadd.f32 v17, v16  }
0x3e1: {  	v17 =	vld.idx.msk [tilespmem:v4+s22+$0x0], $0xffff  }
0x3e2: {  	v16 =	vadd.f32 v18, v16  }
0x3e3: {  	v18 =	vld.idx.msk [tilespmem:v5+s22+$0x0], $0xffff  }
0x3e4: {  	v16 =	vadd.f32 v19, v16  }
0x3e5: {  	v19 =	vld.idx.msk [tilespmem:v6+s22+$0x0], $0xffff  }
0x3e6: {  	v16 =	vadd.f32 v17, v16  }
0x3e7: {  	v17 =	vld.idx.msk [tilespmem:v7+s22+$0x0], $0xffff  }
0x3e8: {  	v16 =	vadd.f32 v18, v16  }
0x3e9: {  	v18 =	vld.idx.msk [tilespmem:v8+s22+$0x0], $0xffff  }
0x3ea: {  	v16 =	vadd.f32 v19, v16  }
0x3eb: {  	v19 =	vld.idx.msk [tilespmem:v9+s22+$0x0], $0xffff  }
0x3ec: {  	v16 =	vadd.f32 v17, v16  }
0x3ed: {  	v17 =	vld.idx.msk [tilespmem:v10+s22+$0x0], $0xffff  }
0x3ee: {  	v16 =	vadd.f32 v18, v16  }
0x3ef: {  	v18 =	vld.idx.msk [tilespmem:v11+s22+$0x0], $0xffff  }
0x3f0: {  	v16 =	vadd.f32 v19, v16  }
0x3f1: {  	v19 =	vld.idx.msk [tilespmem:v12+s22+$0x0], $0xffff  }
0x3f2: {  	v16 =	vadd.f32 v17, v16  }
0x3f3: {  	v17 =	vld.idx.msk [tilespmem:v13+s22+$0x0], $0xffff  }
0x3f4: {  	v16 =	vadd.f32 v18, v16  }
0x3f5: {  	v18 =	vld.idx.msk [tilespmem:v14+s22+$0x0], $0xffff  }
0x3f6: {  	v16 =	vadd.f32 v19, v16  }
0x3f7: {  	v19 =	vld.idx.msk [tilespmem:v15+s22+$0x0], $0xffff  }
0x3f8: {  	s0 =	sshra.s32 s12, $0x2;
	v16 =	vadd.f32 v17, v16  }
0x3f9: {  	v17 =	vld [tilespmem:s0+$0x480]  }
0x3fa: {  	v16 =	vadd.f32 v18, v16  }
0x3fb: {  	v18 =	vld [tilespmem:s0+$0x680]  }
0x3fc: {  	v16 =	vadd.f32 v19, v16;
	_ =	sdelay $0x1  }
0x3fd: {  	v16 =	vmul.f32 v17, v16;
	_ =	sdelay $0x1  }
0x3fe: {  	v16 =	vmul.f32 v18, v16;
	_ =	sdelay $0x1  }
0x3ff: {  	[tilespmem:s0+$0x880] =	vst v16  }
0x400: {  	[tilespmem:s17], [sflag:$0x2] =	stream.indirect.gather [hbm4b:s3+s14], $0x80, s28, s14, $0xb8;
	[tilespmem:$0x10B00] =	vst v63  }
0x401: {  	_ = 	snop  }
0x402: {  	[tilespmem:s19], [sflag:$0x4] =	stream.indirect.gather [hbm4b:s3+s14], $0x80, s29, s14, $0xb8;
	[tilespmem:$0x10B00] =	vst v63  }
0x403: {  	_ =	swait.ge [sflag:s20], $0x4000  }
0x404: {  	[sflag:s20] =	ssyncset.done $0x0  }
0x405: {  	[sflag:s20] =	ssyncadd.s32 $0xFFFFC000  }
0x406: {  	_ =	swait.ge [sflag:s21], $0x4000  }
0x407: {  	[sflag:s21] =	ssyncset.done $0x0  }
0x408: {  	s0 =	simm.s32 $0xF00;
	[sflag:s21] =	ssyncadd.s32 $0xFFFFC000  }
0x409: {  	s2 =	simm.s32 $0x8F00;
	v16 =	vld [tilespmem:s0+$0xFFFFFC00]  }
0x40a: {  	v17 =	vld [tilespmem:s2+$0xFFFFFC10]  }
0x40b: {  	v18 =	vld [tilespmem:s0+$0xFFFFFC10]  }
0x40c: {  	v19 =	vld [tilespmem:s2+$0xFFFFFC00]  }
0x40d: {  	v20 =	vld [tilespmem:s2+$0xFFFFFC20]  }
0x40e: {  	v21 =	vld [tilespmem:s0+$0xFFFFFC20]  }
0x40f: {  	v22 =	vld [tilespmem:s2+$0xFFFFFC30]  }
0x410: {  	v23 =	vld [tilespmem:s0+$0xFFFFFC30]  }
0x411: {  	v17 =	vmul.f32 v17, v18;
	v16 =	vmul.f32 v19, v16;
	_ =	sdelay $0x1  }
0x412: {  	v16 =	vadd.f32 v17, v16;
	v17 =	vmul.f32 v20, v21;
	_ =	sdelay $0x1  }
0x413: {  	v16 =	vadd.f32 v17, v16;
	v17 =	vmul.f32 v22, v23;
	_ =	sdelay $0x1  }
0x414: {  	v16 =	vadd.f32 v17, v16;
	_ =	sdelay $0x1  }
0x415: {  	[tilespmem:$0xA00] =	vst v16  }
0x416: {  	v16 =	vld [tilespmem:s2+$0xFFFFFC90]  }
0x417: {  	v17 =	vld [tilespmem:s0+$0xFFFFFC80]  }
0x418: {  	v18 =	vld [tilespmem:s0+$0xFFFFFC90]  }
0x419: {  	v19 =	vld [tilespmem:s2+$0xFFFFFC80]  }
0x41a: {  	v20 =	vld [tilespmem:s2+$0xFFFFFCA0]  }
0x41b: {  	v60 =	vld [tilespmem:s0+$0xFFFFFCA0]  }
0x41c: {  	v61 =	vld [tilespmem:s2+$0xFFFFFCB0]  }
0x41d: {  	v62 =	vld [tilespmem:s0+$0xFFFFFCB0]  }
0x41e: {  	v16 =	vmul.f32 v16, v18;
	v17 =	vmul.f32 v19, v17;
	_ =	sdelay $0x1  }
0x41f: {  	v16 =	vadd.f32 v16, v17;
	v17 =	vmul.f32 v20, v60;
	_ =	sdelay $0x1  }
0x420: {  	v16 =	vadd.f32 v17, v16;
	v17 =	vmul.f32 v61, v62;
	_ =	sdelay $0x1  }
0x421: {  	v16 =	vadd.f32 v17, v16;
	_ =	sdelay $0x1  }
0x422: {  	[tilespmem:$0xA10] =	vst v16  }
0x423: {  	v16 =	vld [tilespmem:s0+$0xFFFFFD00]  }
0x424: {  	v17 =	vld [tilespmem:s2+$0xFFFFFD00]  }
0x425: {  	v18 =	vld [tilespmem:s2+$0xFFFFFD10]  }
0x426: {  	v19 =	vld [tilespmem:s0+$0xFFFFFD10]  }
0x427: {  	v20 =	vld [tilespmem:s2+$0xFFFFFD20]  }
0x428: {  	v63 =	vld [tilespmem:s0+$0xFFFFFD20]  }
0x429: {  	v24 =	vld [tilespmem:s2+$0xFFFFFD30]  }
0x42a: {  	v25 =	vld [tilespmem:s0+$0xFFFFFD30]  }
0x42b: {  	v16 =	vmul.f32 v17, v16;
	v17 =	vmul.f32 v18, v19;
	_ =	sdelay $0x1  }
0x42c: {  	v16 =	vadd.f32 v17, v16;
	v17 =	vmul.f32 v20, v63;
	_ =	sdelay $0x1  }
0x42d: {  	v16 =	vadd.f32 v17, v16;
	v17 =	vmul.f32 v24, v25;
	_ =	sdelay $0x1  }
0x42e: {  	v16 =	vadd.f32 v17, v16;
	_ =	sdelay $0x1  }
0x42f: {  	[tilespmem:$0xA20] =	vst v16  }
0x430: {  	v16 =	vld [tilespmem:s2+$0xFFFFFD80]  }
0x431: {  	v17 =	vld [tilespmem:s0+$0xFFFFFD80]  }
0x432: {  	v18 =	vld [tilespmem:s0+$0xFFFFFD90]  }
0x433: {  	v19 =	vld [tilespmem:s2+$0xFFFFFD90]  }
0x434: {  	v20 =	vld [tilespmem:s2+$0xFFFFFDA0]  }
0x435: {  	v26 =	vld [tilespmem:s0+$0xFFFFFDA0]  }
0x436: {  	v27 =	vld [tilespmem:s2+$0xFFFFFDB0]  }
0x437: {  	v28 =	vld [tilespmem:s0+$0xFFFFFDB0]  }
0x438: {  	v16 =	vmul.f32 v16, v17;
	v17 =	vmul.f32 v19, v18;
	_ =	sdelay $0x1  }
0x439: {  	v16 =	vadd.f32 v17, v16;
	v17 =	vmul.f32 v20, v26;
	_ =	sdelay $0x1  }
0x43a: {  	v16 =	vadd.f32 v17, v16;
	v17 =	vmul.f32 v27, v28;
	_ =	sdelay $0x1  }
0x43b: {  	v16 =	vadd.f32 v17, v16;
	_ =	sdelay $0x1  }
0x43c: {  	[tilespmem:$0xA30] =	vst v16  }
0x43d: {  	v16 =	vld [tilespmem:s2+$0xFFFFFE10]  }
0x43e: {  	v17 =	vld [tilespmem:s0+$0xFFFFFE00]  }
0x43f: {  	v18 =	vld [tilespmem:s2+$0xFFFFFE00]  }
0x440: {  	v19 =	vld [tilespmem:s0+$0xFFFFFE10]  }
0x441: {  	v20 =	vld [tilespmem:s2+$0xFFFFFE20]  }
0x442: {  	v29 =	vld [tilespmem:s0+$0xFFFFFE20]  }
0x443: {  	v30 =	vld [tilespmem:s2+$0xFFFFFE30]  }
0x444: {  	v31 =	vld [tilespmem:s0+$0xFFFFFE30]  }
0x445: {  	v17 =	vmul.f32 v18, v17;
	v16 =	vmul.f32 v16, v19;
	_ =	sdelay $0x1  }
0x446: {  	v16 =	vadd.f32 v16, v17;
	v17 =	vmul.f32 v20, v29;
	_ =	sdelay $0x1  }
0x447: {  	v16 =	vadd.f32 v17, v16;
	v17 =	vmul.f32 v30, v31;
	_ =	sdelay $0x1  }
0x448: {  	v16 =	vadd.f32 v17, v16;
	_ =	sdelay $0x1  }
0x449: {  	[tilespmem:$0xA40] =	vst v16  }
0x44a: {  	v16 =	vld [tilespmem:s2+$0xFFFFFE90]  }
0x44b: {  	v17 =	vld [tilespmem:s0+$0xFFFFFE80]  }
0x44c: {  	v18 =	vld [tilespmem:s2+$0xFFFFFE80]  }
0x44d: {  	v19 =	vld [tilespmem:s0+$0xFFFFFE90]  }
0x44e: {  	v20 =	vld [tilespmem:s2+$0xFFFFFEA0]  }
0x44f: {  	v32 =	vld [tilespmem:s0+$0xFFFFFEA0]  }
0x450: {  	v33 =	vld [tilespmem:s2+$0xFFFFFEB0]  }
0x451: {  	v34 =	vld [tilespmem:s0+$0xFFFFFEB0]  }
0x452: {  	v17 =	vmul.f32 v18, v17;
	v16 =	vmul.f32 v16, v19;
	_ =	sdelay $0x1  }
0x453: {  	v16 =	vadd.f32 v16, v17;
	v17 =	vmul.f32 v20, v32;
	_ =	sdelay $0x1  }
0x454: {  	v16 =	vadd.f32 v17, v16;
	v17 =	vmul.f32 v33, v34;
	_ =	sdelay $0x1  }
0x455: {  	v16 =	vadd.f32 v17, v16;
	_ =	sdelay $0x1  }
0x456: {  	[tilespmem:$0xA50] =	vst v16  }
0x457: {  	v16 =	vld [tilespmem:s2+$0xFFFFFF00]  }
0x458: {  	v17 =	vld [tilespmem:s2+$0xFFFFFF10]  }
0x459: {  	v18 =	vld [tilespmem:s0+$0xFFFFFF10]  }
0x45a: {  	v19 =	vld [tilespmem:s0+$0xFFFFFF00]  }
0x45b: {  	v20 =	vld [tilespmem:s2+$0xFFFFFF20]  }
0x45c: {  	v35 =	vld [tilespmem:s0+$0xFFFFFF20]  }
0x45d: {  	v36 =	vld [tilespmem:s2+$0xFFFFFF30]  }
0x45e: {  	v37 =	vld [tilespmem:s0+$0xFFFFFF30]  }
0x45f: {  	v17 =	vmul.f32 v17, v18;
	v16 =	vmul.f32 v16, v19;
	_ =	sdelay $0x1  }
0x460: {  	v16 =	vadd.f32 v17, v16;
	v17 =	vmul.f32 v20, v35;
	_ =	sdelay $0x1  }
0x461: {  	v16 =	vadd.f32 v17, v16;
	v17 =	vmul.f32 v36, v37;
	_ =	sdelay $0x1  }
0x462: {  	v16 =	vadd.f32 v17, v16;
	_ =	sdelay $0x1  }
0x463: {  	[tilespmem:$0xA60] =	vst v16  }
0x464: {  	v16 =	vld [tilespmem:s2+$0xFFFFFF90]  }
0x465: {  	v17 =	vld [tilespmem:s2+$0xFFFFFF80]  }
0x466: {  	v18 =	vld [tilespmem:s0+$0xFFFFFF80]  }
0x467: {  	v19 =	vld [tilespmem:s0+$0xFFFFFF90]  }
0x468: {  	v20 =	vld [tilespmem:s2+$0xFFFFFFA0]  }
0x469: {  	v38 =	vld [tilespmem:s0+$0xFFFFFFA0]  }
0x46a: {  	v39 =	vld [tilespmem:s2+$0xFFFFFFB0]  }
0x46b: {  	v40 =	vld [tilespmem:s0+$0xFFFFFFB0]  }
0x46c: {  	v17 =	vmul.f32 v17, v18;
	v16 =	vmul.f32 v16, v19;
	_ =	sdelay $0x1  }
0x46d: {  	v16 =	vadd.f32 v16, v17;
	v17 =	vmul.f32 v20, v38;
	_ =	sdelay $0x1  }
0x46e: {  	v16 =	vadd.f32 v17, v16;
	v17 =	vmul.f32 v39, v40;
	_ =	sdelay $0x1  }
0x46f: {  	v16 =	vadd.f32 v17, v16;
	_ =	sdelay $0x1  }
0x470: {  	[tilespmem:$0xA70] =	vst v16  }
0x471: {  	v16 =	vld [tilespmem:s2+$0x0]  }
0x472: {  	v17 =	vld [tilespmem:s2+$0x10]  }
0x473: {  	v18 =	vld [tilespmem:s0+$0x0]  }
0x474: {  	v19 =	vld [tilespmem:s0+$0x10]  }
0x475: {  	v20 =	vld [tilespmem:s2+$0x20]  }
0x476: {  	v41 =	vld [tilespmem:s0+$0x20]  }
0x477: {  	v42 =	vld [tilespmem:s2+$0x30]  }
0x478: {  	v43 =	vld [tilespmem:s0+$0x30]  }
0x479: {  	v16 =	vmul.f32 v16, v18;
	v17 =	vmul.f32 v17, v19;
	_ =	sdelay $0x1  }
0x47a: {  	v16 =	vadd.f32 v17, v16;
	v17 =	vmul.f32 v20, v41;
	_ =	sdelay $0x1  }
0x47b: {  	v16 =	vadd.f32 v17, v16;
	v17 =	vmul.f32 v42, v43;
	_ =	sdelay $0x1  }
0x47c: {  	v16 =	vadd.f32 v17, v16;
	_ =	sdelay $0x1  }
0x47d: {  	[tilespmem:$0xA80] =	vst v16  }
0x47e: {  	v16 =	vld [tilespmem:s2+$0x80]  }
0x47f: {  	v17 =	vld [tilespmem:s2+$0x90]  }
0x480: {  	v18 =	vld [tilespmem:s0+$0x80]  }
0x481: {  	v19 =	vld [tilespmem:s0+$0x90]  }
0x482: {  	v20 =	vld [tilespmem:s0+$0xA0]  }
0x483: {  	v44 =	vld [tilespmem:s2+$0xA0]  }
0x484: {  	v45 =	vld [tilespmem:s0+$0xB0]  }
0x485: {  	v46 =	vld [tilespmem:s2+$0xB0]  }
0x486: {  	v16 =	vmul.f32 v16, v18;
	v17 =	vmul.f32 v17, v19;
	_ =	sdelay $0x1  }
0x487: {  	v16 =	vadd.f32 v17, v16;
	v17 =	vmul.f32 v44, v20;
	_ =	sdelay $0x1  }
0x488: {  	v16 =	vadd.f32 v17, v16;
	v17 =	vmul.f32 v46, v45;
	_ =	sdelay $0x1  }
0x489: {  	v16 =	vadd.f32 v17, v16;
	_ =	sdelay $0x1  }
0x48a: {  	[tilespmem:$0xA90] =	vst v16  }
0x48b: {  	v16 =	vld [tilespmem:s2+$0x100]  }
0x48c: {  	v17 =	vld [tilespmem:s2+$0x110]  }
0x48d: {  	v18 =	vld [tilespmem:s0+$0x100]  }
0x48e: {  	v19 =	vld [tilespmem:s0+$0x110]  }
0x48f: {  	v20 =	vld [tilespmem:s0+$0x120]  }
0x490: {  	v47 =	vld [tilespmem:s2+$0x120]  }
0x491: {  	v48 =	vld [tilespmem:s0+$0x130]  }
0x492: {  	v49 =	vld [tilespmem:s2+$0x130]  }
0x493: {  	v16 =	vmul.f32 v16, v18;
	v17 =	vmul.f32 v17, v19;
	_ =	sdelay $0x1  }
0x494: {  	v16 =	vadd.f32 v17, v16;
	v17 =	vmul.f32 v47, v20;
	_ =	sdelay $0x1  }
0x495: {  	v16 =	vadd.f32 v17, v16;
	v17 =	vmul.f32 v49, v48;
	_ =	sdelay $0x1  }
0x496: {  	v16 =	vadd.f32 v17, v16;
	_ =	sdelay $0x1  }
0x497: {  	[tilespmem:$0xAA0] =	vst v16  }
0x498: {  	v16 =	vld [tilespmem:s2+$0x180]  }
0x499: {  	v17 =	vld [tilespmem:s2+$0x190]  }
0x49a: {  	v18 =	vld [tilespmem:s0+$0x180]  }
0x49b: {  	v19 =	vld [tilespmem:s0+$0x190]  }
0x49c: {  	v20 =	vld [tilespmem:s0+$0x1A0]  }
0x49d: {  	v50 =	vld [tilespmem:s2+$0x1A0]  }
0x49e: {  	v51 =	vld [tilespmem:s0+$0x1B0]  }
0x49f: {  	v52 =	vld [tilespmem:s2+$0x1B0]  }
0x4a0: {  	v16 =	vmul.f32 v16, v18;
	v17 =	vmul.f32 v17, v19;
	_ =	sdelay $0x1  }
0x4a1: {  	v16 =	vadd.f32 v17, v16;
	v17 =	vmul.f32 v50, v20;
	_ =	sdelay $0x1  }
0x4a2: {  	v16 =	vadd.f32 v17, v16;
	v17 =	vmul.f32 v52, v51;
	_ =	sdelay $0x1  }
0x4a3: {  	v16 =	vadd.f32 v17, v16;
	_ =	sdelay $0x1  }
0x4a4: {  	[tilespmem:$0xAB0] =	vst v16  }
0x4a5: {  	v16 =	vld [tilespmem:s2+$0x200]  }
0x4a6: {  	v17 =	vld [tilespmem:s2+$0x210]  }
0x4a7: {  	v18 =	vld [tilespmem:s0+$0x200]  }
0x4a8: {  	v19 =	vld [tilespmem:s0+$0x210]  }
0x4a9: {  	v20 =	vld [tilespmem:s0+$0x220]  }
0x4aa: {  	v53 =	vld [tilespmem:s2+$0x220]  }
0x4ab: {  	v54 =	vld [tilespmem:s0+$0x230]  }
0x4ac: {  	v55 =	vld [tilespmem:s2+$0x230]  }
0x4ad: {  	v16 =	vmul.f32 v16, v18;
	v17 =	vmul.f32 v17, v19;
	_ =	sdelay $0x1  }
0x4ae: {  	v16 =	vadd.f32 v17, v16;
	v17 =	vmul.f32 v53, v20;
	_ =	sdelay $0x1  }
0x4af: {  	v16 =	vadd.f32 v17, v16;
	v17 =	vmul.f32 v55, v54;
	_ =	sdelay $0x1  }
0x4b0: {  	v16 =	vadd.f32 v17, v16;
	_ =	sdelay $0x1  }
0x4b1: {  	[tilespmem:$0xAC0] =	vst v16  }
0x4b2: {  	v16 =	vld [tilespmem:s2+$0x280]  }
0x4b3: {  	v17 =	vld [tilespmem:s2+$0x290]  }
0x4b4: {  	v18 =	vld [tilespmem:s0+$0x280]  }
0x4b5: {  	v19 =	vld [tilespmem:s0+$0x290]  }
0x4b6: {  	v20 =	vld [tilespmem:s0+$0x2A0]  }
0x4b7: {  	v56 =	vld [tilespmem:s2+$0x2A0]  }
0x4b8: {  	v57 =	vld [tilespmem:s0+$0x2B0]  }
0x4b9: {  	v58 =	vld [tilespmem:s2+$0x2B0]  }
0x4ba: {  	v16 =	vmul.f32 v16, v18;
	v17 =	vmul.f32 v17, v19;
	_ =	sdelay $0x1  }
0x4bb: {  	v16 =	vadd.f32 v17, v16;
	v17 =	vmul.f32 v56, v20;
	_ =	sdelay $0x1  }
0x4bc: {  	v16 =	vadd.f32 v17, v16;
	v17 =	vmul.f32 v58, v57;
	_ =	sdelay $0x1  }
0x4bd: {  	v16 =	vadd.f32 v17, v16;
	_ =	sdelay $0x1  }
0x4be: {  	[tilespmem:$0xAD0] =	vst v16  }
0x4bf: {  	v16 =	vld [tilespmem:s2+$0x300]  }
0x4c0: {  	v17 =	vld [tilespmem:s2+$0x310]  }
0x4c1: {  	v18 =	vld [tilespmem:s0+$0x310]  }
0x4c2: {  	v19 =	vld [tilespmem:s0+$0x300]  }
0x4c3: {  	v20 =	vld [tilespmem:s0+$0x320]  }
0x4c4: {  	v59 =	vld [tilespmem:s2+$0x320]  }
0x4c5: {  	v60 =	vld [tilespmem:s0+$0x330]  }
0x4c6: {  	v61 =	vld [tilespmem:s2+$0x330]  }
0x4c7: {  	v17 =	vmul.f32 v17, v18;
	v16 =	vmul.f32 v16, v19;
	_ =	sdelay $0x1  }
0x4c8: {  	v16 =	vadd.f32 v17, v16;
	v17 =	vmul.f32 v59, v20;
	_ =	sdelay $0x1  }
0x4c9: {  	v16 =	vadd.f32 v17, v16;
	v17 =	vmul.f32 v61, v60;
	_ =	sdelay $0x1  }
0x4ca: {  	v16 =	vadd.f32 v17, v16;
	_ =	sdelay $0x1  }
0x4cb: {  	[tilespmem:$0xAE0] =	vst v16  }
0x4cc: {  	v16 =	vld [tilespmem:s0+$0x380]  }
0x4cd: {  	v17 =	vld [tilespmem:s2+$0x380]  }
0x4ce: {  	v18 =	vld [tilespmem:s2+$0x390]  }
0x4cf: {  	v19 =	vld [tilespmem:s0+$0x390]  }
0x4d0: {  	v20 =	vld [tilespmem:s0+$0x3A0]  }
0x4d1: {  	v62 =	vld [tilespmem:s2+$0x3A0]  }
0x4d2: {  	v63 =	vmul.f32 v17, v16;
	v16 =	vld [tilespmem:s0+$0x3B0]  }
0x4d3: {  	v17 =	vld [tilespmem:s2+$0x3B0]  }
0x4d4: {  	v18 =	vmul.f32 v18, v19;
	_ =	sdelay $0x1  }
0x4d5: {  	s12 =	simm.s32 $0x0;
	s13 =	simm.s32 $0x40;
	v19 =	vmul.f32 v62, v20;
	v18 =	vadd.f32 v18, v63  }
.LBB2_6:
0x4d6: {  	_ = 	snop  }
0x4d7: {  	p0 =	sne.s32 s13, $0x1C0;
	s0 =	sadd.s32 $0x800, s0;
	s2 =	sadd.s32 $0x800, s2;
	v18 =	vadd.f32 v19, v18;
	v16 =	vmul.f32 v17, v16  }
0x4d8: {  	s18 =	smov.u32 s13;
	s13 =	sadd.s32 $0x40, s13  }
0x4d9: {  	v16 =	vadd.f32 v16, v18;
	_ =	sdelay $0x1  }
0x4da: {  	[tilespmem:$0xAF0] =	vst v16  }
0x4db: {  	v16 =	vld.idx.msk [tilespmem:v0+s22+$0x0], $0xffff  }
0x4dc: {  	v17 =	vld.idx.msk [tilespmem:v1+s22+$0x0], $0xffff  }
0x4dd: {  	v18 =	vld.idx.msk [tilespmem:v2+s22+$0x0], $0xffff  }
0x4de: {  	v19 =	vld.idx.msk [tilespmem:v3+s22+$0x0], $0xffff  }
0x4df: {  	v20 =	vld.idx.msk [tilespmem:v4+s22+$0x0], $0xffff  }
0x4e0: {  	v21 =	vld.idx.msk [tilespmem:v5+s22+$0x0], $0xffff  }
0x4e1: {  	v22 =	vld.idx.msk [tilespmem:v6+s22+$0x0], $0xffff  }
0x4e2: {  	v16 =	vadd.f32 v17, v16;
	v17 =	vld.idx.msk [tilespmem:v7+s22+$0x0], $0xffff  }
0x4e3: {  	v23 =	vld.idx.msk [tilespmem:v8+s22+$0x0], $0xffff  }
0x4e4: {  	v16 =	vadd.f32 v18, v16;
	v18 =	vld.idx.msk [tilespmem:v9+s22+$0x0], $0xffff  }
0x4e5: {  	v24 =	vld.idx.msk [tilespmem:v10+s22+$0x0], $0xffff  }
0x4e6: {  	v16 =	vadd.f32 v19, v16;
	v19 =	vld.idx.msk [tilespmem:v11+s22+$0x0], $0xffff  }
0x4e7: {  	v25 =	vld.idx.msk [tilespmem:v12+s22+$0x0], $0xffff  }
0x4e8: {  	v16 =	vadd.f32 v20, v16;
	v20 =	vld.idx.msk [tilespmem:v13+s22+$0x0], $0xffff  }
0x4e9: {  	v26 =	vld.idx.msk [tilespmem:v14+s22+$0x0], $0xffff  }
0x4ea: {  	s23 =	sshra.s32 s12, $0x2;
	s12 =	smov.u32 s18;
	v16 =	vadd.f32 v21, v16;
	v21 =	vld.idx.msk [tilespmem:v15+s22+$0x0], $0xffff  }
0x4eb: {  	v27 =	vld [tilespmem:s23+$0x500]  }
0x4ec: {  	v16 =	vadd.f32 v22, v16;
	v22 =	vld [tilespmem:s23+$0x700];
	_ =	sdelay $0x1  }
0x4ed: {  	v16 =	vadd.f32 v17, v16;
	_ =	sdelay $0x1  }
0x4ee: {  	v16 =	vadd.f32 v23, v16;
	_ =	sdelay $0x1  }
0x4ef: {  	v16 =	vadd.f32 v18, v16;
	_ =	sdelay $0x1  }
0x4f0: {  	v16 =	vadd.f32 v24, v16;
	_ =	sdelay $0x1  }
0x4f1: {  	v16 =	vadd.f32 v19, v16;
	_ =	sdelay $0x1  }
0x4f2: {  	v16 =	vadd.f32 v25, v16;
	_ =	sdelay $0x1  }
0x4f3: {  	v16 =	vadd.f32 v20, v16;
	_ =	sdelay $0x1  }
0x4f4: {  	v16 =	vadd.f32 v26, v16;
	_ =	sdelay $0x1  }
0x4f5: {  	v16 =	vadd.f32 v21, v16;
	_ =	sdelay $0x1  }
0x4f6: {  	v16 =	vmul.f32 v27, v16;
	_ =	sdelay $0x1  }
0x4f7: {  	v16 =	vmul.f32 v22, v16;
	_ =	sdelay $0x1  }
0x4f8: {  	[tilespmem:s23+$0x900] =	vst v16  }
0x4f9: {  	v16 =	vld [tilespmem:s0+$0xFFFFFC00]  }
0x4fa: {  	v17 =	vld [tilespmem:s2+$0xFFFFFC10]  }
0x4fb: {  	v18 =	vld [tilespmem:s0+$0xFFFFFC10]  }
0x4fc: {  	v19 =	vld [tilespmem:s2+$0xFFFFFC00]  }
0x4fd: {  	v20 =	vld [tilespmem:s2+$0xFFFFFC20]  }
0x4fe: {  	v21 =	vld [tilespmem:s0+$0xFFFFFC20]  }
0x4ff: {  	v22 =	vld [tilespmem:s2+$0xFFFFFC30]  }
0x500: {  	v17 =	vmul.f32 v17, v18;
	v18 =	vld [tilespmem:s0+$0xFFFFFC30]  }
0x501: {  	v16 =	vmul.f32 v19, v16;
	_ =	sdelay $0x1  }
0x502: {  	v16 =	vadd.f32 v17, v16;
	v17 =	vmul.f32 v20, v21;
	_ =	sdelay $0x1  }
0x503: {  	v16 =	vadd.f32 v17, v16;
	v17 =	vmul.f32 v22, v18;
	_ =	sdelay $0x1  }
0x504: {  	v16 =	vadd.f32 v17, v16;
	_ =	sdelay $0x1  }
0x505: {  	[tilespmem:$0xA00] =	vst v16  }
0x506: {  	v16 =	vld [tilespmem:s2+$0xFFFFFC90]  }
0x507: {  	v17 =	vld [tilespmem:s0+$0xFFFFFC80]  }
0x508: {  	v18 =	vld [tilespmem:s0+$0xFFFFFC90]  }
0x509: {  	v19 =	vld [tilespmem:s2+$0xFFFFFC80]  }
0x50a: {  	v20 =	vld [tilespmem:s2+$0xFFFFFCA0]  }
0x50b: {  	v21 =	vld [tilespmem:s0+$0xFFFFFCA0]  }
0x50c: {  	v22 =	vld [tilespmem:s2+$0xFFFFFCB0]  }
0x50d: {  	v16 =	vmul.f32 v16, v18;
	v18 =	vld [tilespmem:s0+$0xFFFFFCB0]  }
0x50e: {  	v17 =	vmul.f32 v19, v17;
	_ =	sdelay $0x1  }
0x50f: {  	v16 =	vadd.f32 v16, v17;
	v17 =	vmul.f32 v20, v21;
	_ =	sdelay $0x1  }
0x510: {  	v16 =	vadd.f32 v17, v16;
	v17 =	vmul.f32 v22, v18;
	_ =	sdelay $0x1  }
0x511: {  	v16 =	vadd.f32 v17, v16;
	_ =	sdelay $0x1  }
0x512: {  	[tilespmem:$0xA10] =	vst v16  }
0x513: {  	v16 =	vld [tilespmem:s0+$0xFFFFFD00]  }
0x514: {  	v17 =	vld [tilespmem:s2+$0xFFFFFD00]  }
0x515: {  	v18 =	vld [tilespmem:s2+$0xFFFFFD10]  }
0x516: {  	v19 =	vld [tilespmem:s0+$0xFFFFFD10]  }
0x517: {  	v20 =	vld [tilespmem:s2+$0xFFFFFD20]  }
0x518: {  	v21 =	vld [tilespmem:s0+$0xFFFFFD20]  }
0x519: {  	v16 =	vmul.f32 v17, v16;
	v17 =	vld [tilespmem:s2+$0xFFFFFD30]  }
0x51a: {  	v22 =	vld [tilespmem:s0+$0xFFFFFD30]  }
0x51b: {  	v18 =	vmul.f32 v18, v19;
	_ =	sdelay $0x1  }
0x51c: {  	v16 =	vadd.f32 v18, v16;
	v18 =	vmul.f32 v20, v21;
	_ =	sdelay $0x1  }
0x51d: {  	v16 =	vadd.f32 v18, v16;
	v17 =	vmul.f32 v17, v22;
	_ =	sdelay $0x1  }
0x51e: {  	v16 =	vadd.f32 v17, v16;
	_ =	sdelay $0x1  }
0x51f: {  	[tilespmem:$0xA20] =	vst v16  }
0x520: {  	v16 =	vld [tilespmem:s2+$0xFFFFFD80]  }
0x521: {  	v17 =	vld [tilespmem:s0+$0xFFFFFD80]  }
0x522: {  	v18 =	vld [tilespmem:s0+$0xFFFFFD90]  }
0x523: {  	v19 =	vld [tilespmem:s2+$0xFFFFFD90]  }
0x524: {  	v20 =	vld [tilespmem:s2+$0xFFFFFDA0]  }
0x525: {  	v21 =	vld [tilespmem:s0+$0xFFFFFDA0]  }
0x526: {  	v16 =	vmul.f32 v16, v17;
	v17 =	vld [tilespmem:s2+$0xFFFFFDB0]  }
0x527: {  	v22 =	vld [tilespmem:s0+$0xFFFFFDB0]  }
0x528: {  	v18 =	vmul.f32 v19, v18;
	_ =	sdelay $0x1  }
0x529: {  	v16 =	vadd.f32 v18, v16;
	v18 =	vmul.f32 v20, v21;
	_ =	sdelay $0x1  }
0x52a: {  	v16 =	vadd.f32 v18, v16;
	v17 =	vmul.f32 v17, v22;
	_ =	sdelay $0x1  }
0x52b: {  	v16 =	vadd.f32 v17, v16;
	_ =	sdelay $0x1  }
0x52c: {  	[tilespmem:$0xA30] =	vst v16  }
0x52d: {  	v16 =	vld [tilespmem:s2+$0xFFFFFE10]  }
0x52e: {  	v17 =	vld [tilespmem:s0+$0xFFFFFE00]  }
0x52f: {  	v18 =	vld [tilespmem:s2+$0xFFFFFE00]  }
0x530: {  	v19 =	vld [tilespmem:s0+$0xFFFFFE10]  }
0x531: {  	v20 =	vld [tilespmem:s2+$0xFFFFFE20]  }
0x532: {  	v21 =	vld [tilespmem:s0+$0xFFFFFE20]  }
0x533: {  	v22 =	vld [tilespmem:s2+$0xFFFFFE30]  }
0x534: {  	v17 =	vmul.f32 v18, v17;
	v18 =	vld [tilespmem:s0+$0xFFFFFE30]  }
0x535: {  	v16 =	vmul.f32 v16, v19;
	_ =	sdelay $0x1  }
0x536: {  	v16 =	vadd.f32 v16, v17;
	v17 =	vmul.f32 v20, v21;
	_ =	sdelay $0x1  }
0x537: {  	v16 =	vadd.f32 v17, v16;
	v17 =	vmul.f32 v22, v18;
	_ =	sdelay $0x1  }
0x538: {  	v16 =	vadd.f32 v17, v16;
	_ =	sdelay $0x1  }
0x539: {  	[tilespmem:$0xA40] =	vst v16  }
0x53a: {  	v16 =	vld [tilespmem:s2+$0xFFFFFE90]  }
0x53b: {  	v17 =	vld [tilespmem:s0+$0xFFFFFE80]  }
0x53c: {  	v18 =	vld [tilespmem:s2+$0xFFFFFE80]  }
0x53d: {  	v19 =	vld [tilespmem:s0+$0xFFFFFE90]  }
0x53e: {  	v20 =	vld [tilespmem:s2+$0xFFFFFEA0]  }
0x53f: {  	v21 =	vld [tilespmem:s0+$0xFFFFFEA0]  }
0x540: {  	v22 =	vld [tilespmem:s2+$0xFFFFFEB0]  }
0x541: {  	v17 =	vmul.f32 v18, v17;
	v18 =	vld [tilespmem:s0+$0xFFFFFEB0]  }
0x542: {  	v16 =	vmul.f32 v16, v19;
	_ =	sdelay $0x1  }
0x543: {  	v16 =	vadd.f32 v16, v17;
	v17 =	vmul.f32 v20, v21;
	_ =	sdelay $0x1  }
0x544: {  	v16 =	vadd.f32 v17, v16;
	v17 =	vmul.f32 v22, v18;
	_ =	sdelay $0x1  }
0x545: {  	v16 =	vadd.f32 v17, v16;
	_ =	sdelay $0x1  }
0x546: {  	[tilespmem:$0xA50] =	vst v16  }
0x547: {  	v16 =	vld [tilespmem:s2+$0xFFFFFF00]  }
0x548: {  	v17 =	vld [tilespmem:s2+$0xFFFFFF10]  }
0x549: {  	v18 =	vld [tilespmem:s0+$0xFFFFFF10]  }
0x54a: {  	v19 =	vld [tilespmem:s0+$0xFFFFFF00]  }
0x54b: {  	v20 =	vld [tilespmem:s2+$0xFFFFFF20]  }
0x54c: {  	v21 =	vld [tilespmem:s0+$0xFFFFFF20]  }
0x54d: {  	v22 =	vld [tilespmem:s2+$0xFFFFFF30]  }
0x54e: {  	v17 =	vmul.f32 v17, v18;
	v18 =	vld [tilespmem:s0+$0xFFFFFF30]  }
0x54f: {  	v16 =	vmul.f32 v16, v19;
	_ =	sdelay $0x1  }
0x550: {  	v16 =	vadd.f32 v17, v16;
	v17 =	vmul.f32 v20, v21;
	_ =	sdelay $0x1  }
0x551: {  	v16 =	vadd.f32 v17, v16;
	v17 =	vmul.f32 v22, v18;
	_ =	sdelay $0x1  }
0x552: {  	v16 =	vadd.f32 v17, v16;
	_ =	sdelay $0x1  }
0x553: {  	[tilespmem:$0xA60] =	vst v16  }
0x554: {  	v16 =	vld [tilespmem:s2+$0xFFFFFF90]  }
0x555: {  	v17 =	vld [tilespmem:s2+$0xFFFFFF80]  }
0x556: {  	v18 =	vld [tilespmem:s0+$0xFFFFFF80]  }
0x557: {  	v19 =	vld [tilespmem:s0+$0xFFFFFF90]  }
0x558: {  	v20 =	vld [tilespmem:s2+$0xFFFFFFA0]  }
0x559: {  	v21 =	vld [tilespmem:s0+$0xFFFFFFA0]  }
0x55a: {  	v22 =	vld [tilespmem:s2+$0xFFFFFFB0]  }
0x55b: {  	v17 =	vmul.f32 v17, v18;
	v18 =	vld [tilespmem:s0+$0xFFFFFFB0]  }
0x55c: {  	v16 =	vmul.f32 v16, v19;
	_ =	sdelay $0x1  }
0x55d: {  	v16 =	vadd.f32 v16, v17;
	v17 =	vmul.f32 v20, v21;
	_ =	sdelay $0x1  }
0x55e: {  	v16 =	vadd.f32 v17, v16;
	v17 =	vmul.f32 v22, v18;
	_ =	sdelay $0x1  }
0x55f: {  	v16 =	vadd.f32 v17, v16;
	_ =	sdelay $0x1  }
0x560: {  	[tilespmem:$0xA70] =	vst v16  }
0x561: {  	v16 =	vld [tilespmem:s2+$0x0]  }
0x562: {  	v17 =	vld [tilespmem:s2+$0x10]  }
0x563: {  	v18 =	vld [tilespmem:s0+$0x0]  }
0x564: {  	v19 =	vld [tilespmem:s0+$0x10]  }
0x565: {  	v20 =	vld [tilespmem:s2+$0x20]  }
0x566: {  	v21 =	vld [tilespmem:s0+$0x20]  }
0x567: {  	v22 =	vld [tilespmem:s2+$0x30]  }
0x568: {  	v16 =	vmul.f32 v16, v18;
	v18 =	vld [tilespmem:s0+$0x30]  }
0x569: {  	v17 =	vmul.f32 v17, v19;
	_ =	sdelay $0x1  }
0x56a: {  	v16 =	vadd.f32 v17, v16;
	v17 =	vmul.f32 v20, v21;
	_ =	sdelay $0x1  }
0x56b: {  	v16 =	vadd.f32 v17, v16;
	v17 =	vmul.f32 v22, v18;
	_ =	sdelay $0x1  }
0x56c: {  	v16 =	vadd.f32 v17, v16;
	_ =	sdelay $0x1  }
0x56d: {  	[tilespmem:$0xA80] =	vst v16  }
0x56e: {  	v16 =	vld [tilespmem:s2+$0x80]  }
0x56f: {  	v17 =	vld [tilespmem:s2+$0x90]  }
0x570: {  	v18 =	vld [tilespmem:s0+$0x80]  }
0x571: {  	v19 =	vld [tilespmem:s0+$0x90]  }
0x572: {  	v20 =	vld [tilespmem:s0+$0xA0]  }
0x573: {  	v21 =	vld [tilespmem:s2+$0xA0]  }
0x574: {  	v22 =	vld [tilespmem:s0+$0xB0]  }
0x575: {  	v16 =	vmul.f32 v16, v18;
	v18 =	vld [tilespmem:s2+$0xB0]  }
0x576: {  	v17 =	vmul.f32 v17, v19;
	_ =	sdelay $0x1  }
0x577: {  	v16 =	vadd.f32 v17, v16;
	v17 =	vmul.f32 v21, v20;
	_ =	sdelay $0x1  }
0x578: {  	v16 =	vadd.f32 v17, v16;
	v17 =	vmul.f32 v18, v22;
	_ =	sdelay $0x1  }
0x579: {  	v16 =	vadd.f32 v17, v16;
	_ =	sdelay $0x1  }
0x57a: {  	[tilespmem:$0xA90] =	vst v16  }
0x57b: {  	v16 =	vld [tilespmem:s2+$0x100]  }
0x57c: {  	v17 =	vld [tilespmem:s2+$0x110]  }
0x57d: {  	v18 =	vld [tilespmem:s0+$0x100]  }
0x57e: {  	v19 =	vld [tilespmem:s0+$0x110]  }
0x57f: {  	v20 =	vld [tilespmem:s0+$0x120]  }
0x580: {  	v21 =	vld [tilespmem:s2+$0x120]  }
0x581: {  	v22 =	vld [tilespmem:s0+$0x130]  }
0x582: {  	v16 =	vmul.f32 v16, v18;
	v18 =	vld [tilespmem:s2+$0x130]  }
0x583: {  	v17 =	vmul.f32 v17, v19;
	_ =	sdelay $0x1  }
0x584: {  	v16 =	vadd.f32 v17, v16;
	v17 =	vmul.f32 v21, v20;
	_ =	sdelay $0x1  }
0x585: {  	v16 =	vadd.f32 v17, v16;
	v17 =	vmul.f32 v18, v22;
	_ =	sdelay $0x1  }
0x586: {  	v16 =	vadd.f32 v17, v16;
	_ =	sdelay $0x1  }
0x587: {  	[tilespmem:$0xAA0] =	vst v16  }
0x588: {  	v16 =	vld [tilespmem:s2+$0x180]  }
0x589: {  	v17 =	vld [tilespmem:s2+$0x190]  }
0x58a: {  	v18 =	vld [tilespmem:s0+$0x180]  }
0x58b: {  	v19 =	vld [tilespmem:s0+$0x190]  }
0x58c: {  	v20 =	vld [tilespmem:s0+$0x1A0]  }
0x58d: {  	v21 =	vld [tilespmem:s2+$0x1A0]  }
0x58e: {  	v22 =	vld [tilespmem:s0+$0x1B0]  }
0x58f: {  	v16 =	vmul.f32 v16, v18;
	v18 =	vld [tilespmem:s2+$0x1B0]  }
0x590: {  	v17 =	vmul.f32 v17, v19;
	_ =	sdelay $0x1  }
0x591: {  	v16 =	vadd.f32 v17, v16;
	v17 =	vmul.f32 v21, v20;
	_ =	sdelay $0x1  }
0x592: {  	v16 =	vadd.f32 v17, v16;
	v17 =	vmul.f32 v18, v22;
	_ =	sdelay $0x1  }
0x593: {  	v16 =	vadd.f32 v17, v16;
	_ =	sdelay $0x1  }
0x594: {  	[tilespmem:$0xAB0] =	vst v16  }
0x595: {  	v16 =	vld [tilespmem:s2+$0x200]  }
0x596: {  	v17 =	vld [tilespmem:s2+$0x210]  }
0x597: {  	v18 =	vld [tilespmem:s0+$0x200]  }
0x598: {  	v19 =	vld [tilespmem:s0+$0x210]  }
0x599: {  	v20 =	vld [tilespmem:s0+$0x220]  }
0x59a: {  	v21 =	vld [tilespmem:s2+$0x220]  }
0x59b: {  	v22 =	vld [tilespmem:s0+$0x230]  }
0x59c: {  	v16 =	vmul.f32 v16, v18;
	v18 =	vld [tilespmem:s2+$0x230]  }
0x59d: {  	v17 =	vmul.f32 v17, v19;
	_ =	sdelay $0x1  }
0x59e: {  	v16 =	vadd.f32 v17, v16;
	v17 =	vmul.f32 v21, v20;
	_ =	sdelay $0x1  }
0x59f: {  	v16 =	vadd.f32 v17, v16;
	v17 =	vmul.f32 v18, v22;
	_ =	sdelay $0x1  }
0x5a0: {  	v16 =	vadd.f32 v17, v16;
	_ =	sdelay $0x1  }
0x5a1: {  	[tilespmem:$0xAC0] =	vst v16  }
0x5a2: {  	v16 =	vld [tilespmem:s2+$0x280]  }
0x5a3: {  	v17 =	vld [tilespmem:s2+$0x290]  }
0x5a4: {  	v18 =	vld [tilespmem:s0+$0x280]  }
0x5a5: {  	v19 =	vld [tilespmem:s0+$0x290]  }
0x5a6: {  	v20 =	vld [tilespmem:s0+$0x2A0]  }
0x5a7: {  	v21 =	vld [tilespmem:s2+$0x2A0]  }
0x5a8: {  	v22 =	vld [tilespmem:s0+$0x2B0]  }
0x5a9: {  	v16 =	vmul.f32 v16, v18;
	v18 =	vld [tilespmem:s2+$0x2B0]  }
0x5aa: {  	v17 =	vmul.f32 v17, v19;
	_ =	sdelay $0x1  }
0x5ab: {  	v16 =	vadd.f32 v17, v16;
	v17 =	vmul.f32 v21, v20;
	_ =	sdelay $0x1  }
0x5ac: {  	v16 =	vadd.f32 v17, v16;
	v17 =	vmul.f32 v18, v22;
	_ =	sdelay $0x1  }
0x5ad: {  	v16 =	vadd.f32 v17, v16;
	_ =	sdelay $0x1  }
0x5ae: {  	[tilespmem:$0xAD0] =	vst v16  }
0x5af: {  	v16 =	vld [tilespmem:s2+$0x300]  }
0x5b0: {  	v17 =	vld [tilespmem:s2+$0x310]  }
0x5b1: {  	v18 =	vld [tilespmem:s0+$0x310]  }
0x5b2: {  	v19 =	vld [tilespmem:s0+$0x300]  }
0x5b3: {  	v20 =	vld [tilespmem:s0+$0x320]  }
0x5b4: {  	v21 =	vld [tilespmem:s2+$0x320]  }
0x5b5: {  	v22 =	vld [tilespmem:s0+$0x330]  }
0x5b6: {  	v17 =	vmul.f32 v17, v18;
	v18 =	vld [tilespmem:s2+$0x330]  }
0x5b7: {  	v16 =	vmul.f32 v16, v19;
	_ =	sdelay $0x1  }
0x5b8: {  	v16 =	vadd.f32 v17, v16;
	v17 =	vmul.f32 v21, v20;
	_ =	sdelay $0x1  }
0x5b9: {  	v16 =	vadd.f32 v17, v16;
	v17 =	vmul.f32 v18, v22;
	_ =	sdelay $0x1  }
0x5ba: {  	v16 =	vadd.f32 v17, v16;
	_ =	sdelay $0x1  }
0x5bb: {  	[tilespmem:$0xAE0] =	vst v16  }
0x5bc: {  	v16 =	vld [tilespmem:s0+$0x380]  }
0x5bd: {  	v17 =	vld [tilespmem:s2+$0x380]  }
0x5be: {  	v18 =	vld [tilespmem:s2+$0x390]  }
0x5bf: {  	v19 =	vld [tilespmem:s0+$0x390]  }
0x5c0: {  	v20 =	vld [tilespmem:s0+$0x3A0]  }
0x5c1: {  	v21 =	vld [tilespmem:s2+$0x3A0]  }
.Ltmp2:
0x5c2: {  	v22 =	vmul.f32 v17, v16;
	v16 =	vld [tilespmem:s0+$0x3B0];
	(pc) =	sbr.rel @p0 .LBB2_6-.Ltmp2, $3  }
0x5c3: {  	v17 =	vld [tilespmem:s2+$0x3B0]  }
0x5c4: {  	v18 =	vmul.f32 v18, v19;
	_ =	sdelay $0x1  }
0x5c5: {  	v18 =	vadd.f32 v18, v22;
	v19 =	vmul.f32 v21, v20  }
0x5c6: {  	_ = 	snop  }
0x5c7: {  	v18 =	vadd.f32 v19, v18;
	v16 =	vmul.f32 v17, v16;
	_ =	sdelay $0x1  }
0x5c8: {  	v16 =	vadd.f32 v16, v18;
	_ =	sdelay $0x1  }
0x5c9: {  	[tilespmem:$0xAF0] =	vst v16  }
0x5ca: {  	v16 =	vld.idx.msk [tilespmem:v0+s22+$0x0], $0xffff  }
0x5cb: {  	v17 =	vld.idx.msk [tilespmem:v1+s22+$0x0], $0xffff;
	_ =	sdelay $0x1  }
0x5cc: {  	v18 =	vld.idx.msk [tilespmem:v2+s22+$0x0], $0xffff;
	_ =	sdelay $0x1  }
0x5cd: {  	v19 =	vld.idx.msk [tilespmem:v3+s22+$0x0], $0xffff  }
0x5ce: {  	v16 =	vadd.f32 v17, v16  }
0x5cf: {  	v17 =	vld.idx.msk [tilespmem:v4+s22+$0x0], $0xffff  }
0x5d0: {  	v16 =	vadd.f32 v18, v16  }
0x5d1: {  	v18 =	vld.idx.msk [tilespmem:v5+s22+$0x0], $0xffff  }
0x5d2: {  	v16 =	vadd.f32 v19, v16  }
0x5d3: {  	v19 =	vld.idx.msk [tilespmem:v6+s22+$0x0], $0xffff  }
0x5d4: {  	v16 =	vadd.f32 v17, v16  }
0x5d5: {  	v17 =	vld.idx.msk [tilespmem:v7+s22+$0x0], $0xffff  }
0x5d6: {  	v16 =	vadd.f32 v18, v16  }
0x5d7: {  	v18 =	vld.idx.msk [tilespmem:v8+s22+$0x0], $0xffff  }
0x5d8: {  	v16 =	vadd.f32 v19, v16  }
0x5d9: {  	v19 =	vld.idx.msk [tilespmem:v9+s22+$0x0], $0xffff  }
0x5da: {  	v16 =	vadd.f32 v17, v16  }
0x5db: {  	v17 =	vld.idx.msk [tilespmem:v10+s22+$0x0], $0xffff  }
0x5dc: {  	v16 =	vadd.f32 v18, v16  }
0x5dd: {  	v18 =	vld.idx.msk [tilespmem:v11+s22+$0x0], $0xffff  }
0x5de: {  	v16 =	vadd.f32 v19, v16  }
0x5df: {  	v19 =	vld.idx.msk [tilespmem:v12+s22+$0x0], $0xffff  }
0x5e0: {  	v16 =	vadd.f32 v17, v16  }
0x5e1: {  	v17 =	vld.idx.msk [tilespmem:v13+s22+$0x0], $0xffff  }
0x5e2: {  	v16 =	vadd.f32 v18, v16  }
0x5e3: {  	v18 =	vld.idx.msk [tilespmem:v14+s22+$0x0], $0xffff  }
0x5e4: {  	v16 =	vadd.f32 v19, v16  }
0x5e5: {  	v19 =	vld.idx.msk [tilespmem:v15+s22+$0x0], $0xffff  }
0x5e6: {  	s0 =	sshra.s32 s12, $0x2;
	v16 =	vadd.f32 v17, v16  }
0x5e7: {  	v17 =	vld [tilespmem:s0+$0x500]  }
0x5e8: {  	v16 =	vadd.f32 v18, v16  }
0x5e9: {  	v18 =	vld [tilespmem:s0+$0x700]  }
0x5ea: {  	v16 =	vadd.f32 v19, v16;
	_ =	sdelay $0x1  }
0x5eb: {  	v16 =	vmul.f32 v17, v16;
	_ =	sdelay $0x1  }
0x5ec: {  	v16 =	vmul.f32 v18, v16;
	_ =	sdelay $0x1  }
0x5ed: {  	[tilespmem:s0+$0x900] =	vst v16  }
0x5ee: {  	_ =	swait.ge [sflag:s25], $0x4000  }
0x5ef: {  	[sflag:s25] =	ssyncset.done $0x0  }
0x5f0: {  	[sflag:s25] =	ssyncadd.s32 $0xFFFFC000  }
0x5f1: {  	_ =	swait.ge [sflag:s26], $0x4000  }
0x5f2: {  	[sflag:s26] =	ssyncset.done $0x0  }
0x5f3: {  	s0 =	simm.s32 $0x4F00;
	[sflag:s26] =	ssyncadd.s32 $0xFFFFC000  }
0x5f4: {  	s2 =	simm.s32 $0xCF00;
	v16 =	vld [tilespmem:s0+$0xFFFFFC00]  }
0x5f5: {  	v17 =	vld [tilespmem:s2+$0xFFFFFC10]  }
0x5f6: {  	v18 =	vld [tilespmem:s0+$0xFFFFFC10]  }
0x5f7: {  	v19 =	vld [tilespmem:s2+$0xFFFFFC00]  }
0x5f8: {  	v20 =	vld [tilespmem:s2+$0xFFFFFC20]  }
0x5f9: {  	v21 =	vld [tilespmem:s0+$0xFFFFFC20]  }
0x5fa: {  	v22 =	vld [tilespmem:s2+$0xFFFFFC30]  }
0x5fb: {  	v23 =	vld [tilespmem:s0+$0xFFFFFC30]  }
0x5fc: {  	v17 =	vmul.f32 v17, v18;
	v16 =	vmul.f32 v19, v16;
	_ =	sdelay $0x1  }
0x5fd: {  	v16 =	vadd.f32 v17, v16;
	v17 =	vmul.f32 v20, v21;
	_ =	sdelay $0x1  }
0x5fe: {  	v16 =	vadd.f32 v17, v16;
	v17 =	vmul.f32 v22, v23;
	_ =	sdelay $0x1  }
0x5ff: {  	v16 =	vadd.f32 v17, v16;
	_ =	sdelay $0x1  }
0x600: {  	[tilespmem:$0xA00] =	vst v16  }
0x601: {  	v16 =	vld [tilespmem:s2+$0xFFFFFC90]  }
0x602: {  	v17 =	vld [tilespmem:s0+$0xFFFFFC80]  }
0x603: {  	v18 =	vld [tilespmem:s0+$0xFFFFFC90]  }
0x604: {  	v19 =	vld [tilespmem:s2+$0xFFFFFC80]  }
0x605: {  	v20 =	vld [tilespmem:s2+$0xFFFFFCA0]  }
0x606: {  	v60 =	vld [tilespmem:s0+$0xFFFFFCA0]  }
0x607: {  	v61 =	vld [tilespmem:s2+$0xFFFFFCB0]  }
0x608: {  	v62 =	vld [tilespmem:s0+$0xFFFFFCB0]  }
0x609: {  	v16 =	vmul.f32 v16, v18;
	v17 =	vmul.f32 v19, v17;
	_ =	sdelay $0x1  }
0x60a: {  	v16 =	vadd.f32 v16, v17;
	v17 =	vmul.f32 v20, v60;
	_ =	sdelay $0x1  }
0x60b: {  	v16 =	vadd.f32 v17, v16;
	v17 =	vmul.f32 v61, v62;
	_ =	sdelay $0x1  }
0x60c: {  	v16 =	vadd.f32 v17, v16;
	_ =	sdelay $0x1  }
0x60d: {  	[tilespmem:$0xA10] =	vst v16  }
0x60e: {  	v16 =	vld [tilespmem:s0+$0xFFFFFD00]  }
0x60f: {  	v17 =	vld [tilespmem:s2+$0xFFFFFD00]  }
0x610: {  	v18 =	vld [tilespmem:s2+$0xFFFFFD10]  }
0x611: {  	v19 =	vld [tilespmem:s0+$0xFFFFFD10]  }
0x612: {  	v20 =	vld [tilespmem:s2+$0xFFFFFD20]  }
0x613: {  	v63 =	vld [tilespmem:s0+$0xFFFFFD20]  }
0x614: {  	v24 =	vld [tilespmem:s2+$0xFFFFFD30]  }
0x615: {  	v25 =	vld [tilespmem:s0+$0xFFFFFD30]  }
0x616: {  	v16 =	vmul.f32 v17, v16;
	v17 =	vmul.f32 v18, v19;
	_ =	sdelay $0x1  }
0x617: {  	v16 =	vadd.f32 v17, v16;
	v17 =	vmul.f32 v20, v63;
	_ =	sdelay $0x1  }
0x618: {  	v16 =	vadd.f32 v17, v16;
	v17 =	vmul.f32 v24, v25;
	_ =	sdelay $0x1  }
0x619: {  	v16 =	vadd.f32 v17, v16;
	_ =	sdelay $0x1  }
0x61a: {  	[tilespmem:$0xA20] =	vst v16  }
0x61b: {  	v16 =	vld [tilespmem:s2+$0xFFFFFD80]  }
0x61c: {  	v17 =	vld [tilespmem:s0+$0xFFFFFD80]  }
0x61d: {  	v18 =	vld [tilespmem:s0+$0xFFFFFD90]  }
0x61e: {  	v19 =	vld [tilespmem:s2+$0xFFFFFD90]  }
0x61f: {  	v20 =	vld [tilespmem:s2+$0xFFFFFDA0]  }
0x620: {  	v26 =	vld [tilespmem:s0+$0xFFFFFDA0]  }
0x621: {  	v27 =	vld [tilespmem:s2+$0xFFFFFDB0]  }
0x622: {  	v28 =	vld [tilespmem:s0+$0xFFFFFDB0]  }
0x623: {  	v16 =	vmul.f32 v16, v17;
	v17 =	vmul.f32 v19, v18;
	_ =	sdelay $0x1  }
0x624: {  	v16 =	vadd.f32 v17, v16;
	v17 =	vmul.f32 v20, v26;
	_ =	sdelay $0x1  }
0x625: {  	v16 =	vadd.f32 v17, v16;
	v17 =	vmul.f32 v27, v28;
	_ =	sdelay $0x1  }
0x626: {  	v16 =	vadd.f32 v17, v16;
	_ =	sdelay $0x1  }
0x627: {  	[tilespmem:$0xA30] =	vst v16  }
0x628: {  	v16 =	vld [tilespmem:s2+$0xFFFFFE10]  }
0x629: {  	v17 =	vld [tilespmem:s0+$0xFFFFFE00]  }
0x62a: {  	v18 =	vld [tilespmem:s2+$0xFFFFFE00]  }
0x62b: {  	v19 =	vld [tilespmem:s0+$0xFFFFFE10]  }
0x62c: {  	v20 =	vld [tilespmem:s2+$0xFFFFFE20]  }
0x62d: {  	v29 =	vld [tilespmem:s0+$0xFFFFFE20]  }
0x62e: {  	v30 =	vld [tilespmem:s2+$0xFFFFFE30]  }
0x62f: {  	v31 =	vld [tilespmem:s0+$0xFFFFFE30]  }
0x630: {  	v17 =	vmul.f32 v18, v17;
	v16 =	vmul.f32 v16, v19;
	_ =	sdelay $0x1  }
0x631: {  	v16 =	vadd.f32 v16, v17;
	v17 =	vmul.f32 v20, v29;
	_ =	sdelay $0x1  }
0x632: {  	v16 =	vadd.f32 v17, v16;
	v17 =	vmul.f32 v30, v31;
	_ =	sdelay $0x1  }
0x633: {  	v16 =	vadd.f32 v17, v16;
	_ =	sdelay $0x1  }
0x634: {  	[tilespmem:$0xA40] =	vst v16  }
0x635: {  	v16 =	vld [tilespmem:s2+$0xFFFFFE90]  }
0x636: {  	v17 =	vld [tilespmem:s0+$0xFFFFFE80]  }
0x637: {  	v18 =	vld [tilespmem:s2+$0xFFFFFE80]  }
0x638: {  	v19 =	vld [tilespmem:s0+$0xFFFFFE90]  }
0x639: {  	v20 =	vld [tilespmem:s2+$0xFFFFFEA0]  }
0x63a: {  	v32 =	vld [tilespmem:s0+$0xFFFFFEA0]  }
0x63b: {  	v33 =	vld [tilespmem:s2+$0xFFFFFEB0]  }
0x63c: {  	v34 =	vld [tilespmem:s0+$0xFFFFFEB0]  }
0x63d: {  	v17 =	vmul.f32 v18, v17;
	v16 =	vmul.f32 v16, v19;
	_ =	sdelay $0x1  }
0x63e: {  	v16 =	vadd.f32 v16, v17;
	v17 =	vmul.f32 v20, v32;
	_ =	sdelay $0x1  }
0x63f: {  	v16 =	vadd.f32 v17, v16;
	v17 =	vmul.f32 v33, v34;
	_ =	sdelay $0x1  }
0x640: {  	v16 =	vadd.f32 v17, v16;
	_ =	sdelay $0x1  }
0x641: {  	[tilespmem:$0xA50] =	vst v16  }
0x642: {  	v16 =	vld [tilespmem:s2+$0xFFFFFF00]  }
0x643: {  	v17 =	vld [tilespmem:s2+$0xFFFFFF10]  }
0x644: {  	v18 =	vld [tilespmem:s0+$0xFFFFFF10]  }
0x645: {  	v19 =	vld [tilespmem:s0+$0xFFFFFF00]  }
0x646: {  	v20 =	vld [tilespmem:s2+$0xFFFFFF20]  }
0x647: {  	v35 =	vld [tilespmem:s0+$0xFFFFFF20]  }
0x648: {  	v36 =	vld [tilespmem:s2+$0xFFFFFF30]  }
0x649: {  	v37 =	vld [tilespmem:s0+$0xFFFFFF30]  }
0x64a: {  	v17 =	vmul.f32 v17, v18;
	v16 =	vmul.f32 v16, v19;
	_ =	sdelay $0x1  }
0x64b: {  	v16 =	vadd.f32 v17, v16;
	v17 =	vmul.f32 v20, v35;
	_ =	sdelay $0x1  }
0x64c: {  	v16 =	vadd.f32 v17, v16;
	v17 =	vmul.f32 v36, v37;
	_ =	sdelay $0x1  }
0x64d: {  	v16 =	vadd.f32 v17, v16;
	_ =	sdelay $0x1  }
0x64e: {  	[tilespmem:$0xA60] =	vst v16  }
0x64f: {  	v16 =	vld [tilespmem:s2+$0xFFFFFF90]  }
0x650: {  	v17 =	vld [tilespmem:s2+$0xFFFFFF80]  }
0x651: {  	v18 =	vld [tilespmem:s0+$0xFFFFFF80]  }
0x652: {  	v19 =	vld [tilespmem:s0+$0xFFFFFF90]  }
0x653: {  	v20 =	vld [tilespmem:s2+$0xFFFFFFA0]  }
0x654: {  	v38 =	vld [tilespmem:s0+$0xFFFFFFA0]  }
0x655: {  	v39 =	vld [tilespmem:s2+$0xFFFFFFB0]  }
0x656: {  	v40 =	vld [tilespmem:s0+$0xFFFFFFB0]  }
0x657: {  	v17 =	vmul.f32 v17, v18;
	v16 =	vmul.f32 v16, v19;
	_ =	sdelay $0x1  }
0x658: {  	v16 =	vadd.f32 v16, v17;
	v17 =	vmul.f32 v20, v38;
	_ =	sdelay $0x1  }
0x659: {  	v16 =	vadd.f32 v17, v16;
	v17 =	vmul.f32 v39, v40;
	_ =	sdelay $0x1  }
0x65a: {  	v16 =	vadd.f32 v17, v16;
	_ =	sdelay $0x1  }
0x65b: {  	[tilespmem:$0xA70] =	vst v16  }
0x65c: {  	v16 =	vld [tilespmem:s2+$0x0]  }
0x65d: {  	v17 =	vld [tilespmem:s2+$0x10]  }
0x65e: {  	v18 =	vld [tilespmem:s0+$0x0]  }
0x65f: {  	v19 =	vld [tilespmem:s0+$0x10]  }
0x660: {  	v20 =	vld [tilespmem:s2+$0x20]  }
0x661: {  	v41 =	vld [tilespmem:s0+$0x20]  }
0x662: {  	v42 =	vld [tilespmem:s2+$0x30]  }
0x663: {  	v43 =	vld [tilespmem:s0+$0x30]  }
0x664: {  	v16 =	vmul.f32 v16, v18;
	v17 =	vmul.f32 v17, v19;
	_ =	sdelay $0x1  }
0x665: {  	v16 =	vadd.f32 v17, v16;
	v17 =	vmul.f32 v20, v41;
	_ =	sdelay $0x1  }
0x666: {  	v16 =	vadd.f32 v17, v16;
	v17 =	vmul.f32 v42, v43;
	_ =	sdelay $0x1  }
0x667: {  	v16 =	vadd.f32 v17, v16;
	_ =	sdelay $0x1  }
0x668: {  	[tilespmem:$0xA80] =	vst v16  }
0x669: {  	v16 =	vld [tilespmem:s2+$0x80]  }
0x66a: {  	v17 =	vld [tilespmem:s2+$0x90]  }
0x66b: {  	v18 =	vld [tilespmem:s0+$0x80]  }
0x66c: {  	v19 =	vld [tilespmem:s0+$0x90]  }
0x66d: {  	v20 =	vld [tilespmem:s0+$0xA0]  }
0x66e: {  	v44 =	vld [tilespmem:s2+$0xA0]  }
0x66f: {  	v45 =	vld [tilespmem:s0+$0xB0]  }
0x670: {  	v46 =	vld [tilespmem:s2+$0xB0]  }
0x671: {  	v16 =	vmul.f32 v16, v18;
	v17 =	vmul.f32 v17, v19;
	_ =	sdelay $0x1  }
0x672: {  	v16 =	vadd.f32 v17, v16;
	v17 =	vmul.f32 v44, v20;
	_ =	sdelay $0x1  }
0x673: {  	v16 =	vadd.f32 v17, v16;
	v17 =	vmul.f32 v46, v45;
	_ =	sdelay $0x1  }
0x674: {  	v16 =	vadd.f32 v17, v16;
	_ =	sdelay $0x1  }
0x675: {  	[tilespmem:$0xA90] =	vst v16  }
0x676: {  	v16 =	vld [tilespmem:s2+$0x100]  }
0x677: {  	v17 =	vld [tilespmem:s2+$0x110]  }
0x678: {  	v18 =	vld [tilespmem:s0+$0x100]  }
0x679: {  	v19 =	vld [tilespmem:s0+$0x110]  }
0x67a: {  	v20 =	vld [tilespmem:s0+$0x120]  }
0x67b: {  	v47 =	vld [tilespmem:s2+$0x120]  }
0x67c: {  	v48 =	vld [tilespmem:s0+$0x130]  }
0x67d: {  	v49 =	vld [tilespmem:s2+$0x130]  }
0x67e: {  	v16 =	vmul.f32 v16, v18;
	v17 =	vmul.f32 v17, v19;
	_ =	sdelay $0x1  }
0x67f: {  	v16 =	vadd.f32 v17, v16;
	v17 =	vmul.f32 v47, v20;
	_ =	sdelay $0x1  }
0x680: {  	v16 =	vadd.f32 v17, v16;
	v17 =	vmul.f32 v49, v48;
	_ =	sdelay $0x1  }
0x681: {  	v16 =	vadd.f32 v17, v16;
	_ =	sdelay $0x1  }
0x682: {  	[tilespmem:$0xAA0] =	vst v16  }
0x683: {  	v16 =	vld [tilespmem:s2+$0x180]  }
0x684: {  	v17 =	vld [tilespmem:s2+$0x190]  }
0x685: {  	v18 =	vld [tilespmem:s0+$0x180]  }
0x686: {  	v19 =	vld [tilespmem:s0+$0x190]  }
0x687: {  	v20 =	vld [tilespmem:s0+$0x1A0]  }
0x688: {  	v50 =	vld [tilespmem:s2+$0x1A0]  }
0x689: {  	v51 =	vld [tilespmem:s0+$0x1B0]  }
0x68a: {  	v52 =	vld [tilespmem:s2+$0x1B0]  }
0x68b: {  	v16 =	vmul.f32 v16, v18;
	v17 =	vmul.f32 v17, v19;
	_ =	sdelay $0x1  }
0x68c: {  	v16 =	vadd.f32 v17, v16;
	v17 =	vmul.f32 v50, v20;
	_ =	sdelay $0x1  }
0x68d: {  	v16 =	vadd.f32 v17, v16;
	v17 =	vmul.f32 v52, v51;
	_ =	sdelay $0x1  }
0x68e: {  	v16 =	vadd.f32 v17, v16;
	_ =	sdelay $0x1  }
0x68f: {  	[tilespmem:$0xAB0] =	vst v16  }
0x690: {  	v16 =	vld [tilespmem:s2+$0x200]  }
0x691: {  	v17 =	vld [tilespmem:s2+$0x210]  }
0x692: {  	v18 =	vld [tilespmem:s0+$0x200]  }
0x693: {  	v19 =	vld [tilespmem:s0+$0x210]  }
0x694: {  	v20 =	vld [tilespmem:s0+$0x220]  }
0x695: {  	v53 =	vld [tilespmem:s2+$0x220]  }
0x696: {  	v54 =	vld [tilespmem:s0+$0x230]  }
0x697: {  	v55 =	vld [tilespmem:s2+$0x230]  }
0x698: {  	v16 =	vmul.f32 v16, v18;
	v17 =	vmul.f32 v17, v19;
	_ =	sdelay $0x1  }
0x699: {  	v16 =	vadd.f32 v17, v16;
	v17 =	vmul.f32 v53, v20;
	_ =	sdelay $0x1  }
0x69a: {  	v16 =	vadd.f32 v17, v16;
	v17 =	vmul.f32 v55, v54;
	_ =	sdelay $0x1  }
0x69b: {  	v16 =	vadd.f32 v17, v16;
	_ =	sdelay $0x1  }
0x69c: {  	[tilespmem:$0xAC0] =	vst v16  }
0x69d: {  	v16 =	vld [tilespmem:s2+$0x280]  }
0x69e: {  	v17 =	vld [tilespmem:s2+$0x290]  }
0x69f: {  	v18 =	vld [tilespmem:s0+$0x280]  }
0x6a0: {  	v19 =	vld [tilespmem:s0+$0x290]  }
0x6a1: {  	v20 =	vld [tilespmem:s0+$0x2A0]  }
0x6a2: {  	v56 =	vld [tilespmem:s2+$0x2A0]  }
0x6a3: {  	v57 =	vld [tilespmem:s0+$0x2B0]  }
0x6a4: {  	v58 =	vld [tilespmem:s2+$0x2B0]  }
0x6a5: {  	v16 =	vmul.f32 v16, v18;
	v17 =	vmul.f32 v17, v19;
	_ =	sdelay $0x1  }
0x6a6: {  	v16 =	vadd.f32 v17, v16;
	v17 =	vmul.f32 v56, v20;
	_ =	sdelay $0x1  }
0x6a7: {  	v16 =	vadd.f32 v17, v16;
	v17 =	vmul.f32 v58, v57;
	_ =	sdelay $0x1  }
0x6a8: {  	v16 =	vadd.f32 v17, v16;
	_ =	sdelay $0x1  }
0x6a9: {  	[tilespmem:$0xAD0] =	vst v16  }
0x6aa: {  	v16 =	vld [tilespmem:s2+$0x300]  }
0x6ab: {  	v17 =	vld [tilespmem:s2+$0x310]  }
0x6ac: {  	v18 =	vld [tilespmem:s0+$0x310]  }
0x6ad: {  	v19 =	vld [tilespmem:s0+$0x300]  }
0x6ae: {  	v20 =	vld [tilespmem:s0+$0x320]  }
0x6af: {  	v59 =	vld [tilespmem:s2+$0x320]  }
0x6b0: {  	v60 =	vld [tilespmem:s0+$0x330]  }
0x6b1: {  	v61 =	vld [tilespmem:s2+$0x330]  }
0x6b2: {  	v17 =	vmul.f32 v17, v18;
	v16 =	vmul.f32 v16, v19;
	_ =	sdelay $0x1  }
0x6b3: {  	v16 =	vadd.f32 v17, v16;
	v17 =	vmul.f32 v59, v20;
	_ =	sdelay $0x1  }
0x6b4: {  	v16 =	vadd.f32 v17, v16;
	v17 =	vmul.f32 v61, v60;
	_ =	sdelay $0x1  }
0x6b5: {  	v16 =	vadd.f32 v17, v16;
	_ =	sdelay $0x1  }
0x6b6: {  	[tilespmem:$0xAE0] =	vst v16  }
0x6b7: {  	v16 =	vld [tilespmem:s0+$0x380]  }
0x6b8: {  	v17 =	vld [tilespmem:s2+$0x380]  }
0x6b9: {  	v18 =	vld [tilespmem:s2+$0x390]  }
0x6ba: {  	v19 =	vld [tilespmem:s0+$0x390]  }
0x6bb: {  	v20 =	vld [tilespmem:s0+$0x3A0]  }
0x6bc: {  	v62 =	vld [tilespmem:s2+$0x3A0]  }
0x6bd: {  	v63 =	vmul.f32 v17, v16;
	v16 =	vld [tilespmem:s0+$0x3B0]  }
0x6be: {  	v17 =	vld [tilespmem:s2+$0x3B0]  }
0x6bf: {  	v18 =	vmul.f32 v18, v19;
	_ =	sdelay $0x1  }
0x6c0: {  	s12 =	simm.s32 $0x0;
	s13 =	simm.s32 $0x40;
	v19 =	vmul.f32 v62, v20;
	v18 =	vadd.f32 v18, v63  }
.LBB2_8:
0x6c1: {  	_ = 	snop  }
0x6c2: {  	p0 =	sne.s32 s13, $0x1C0;
	s0 =	sadd.s32 $0x800, s0;
	s2 =	sadd.s32 $0x800, s2;
	v18 =	vadd.f32 v19, v18;
	v16 =	vmul.f32 v17, v16  }
0x6c3: {  	s18 =	smov.u32 s13;
	s13 =	sadd.s32 $0x40, s13  }
0x6c4: {  	v16 =	vadd.f32 v16, v18;
	_ =	sdelay $0x1  }
0x6c5: {  	[tilespmem:$0xAF0] =	vst v16  }
0x6c6: {  	v16 =	vld.idx.msk [tilespmem:v0+s22+$0x0], $0xffff  }
0x6c7: {  	v17 =	vld.idx.msk [tilespmem:v1+s22+$0x0], $0xffff  }
0x6c8: {  	v18 =	vld.idx.msk [tilespmem:v2+s22+$0x0], $0xffff  }
0x6c9: {  	v19 =	vld.idx.msk [tilespmem:v3+s22+$0x0], $0xffff  }
0x6ca: {  	v20 =	vld.idx.msk [tilespmem:v4+s22+$0x0], $0xffff  }
0x6cb: {  	v21 =	vld.idx.msk [tilespmem:v5+s22+$0x0], $0xffff  }
0x6cc: {  	v22 =	vld.idx.msk [tilespmem:v6+s22+$0x0], $0xffff  }
0x6cd: {  	v16 =	vadd.f32 v17, v16;
	v17 =	vld.idx.msk [tilespmem:v7+s22+$0x0], $0xffff  }
0x6ce: {  	v23 =	vld.idx.msk [tilespmem:v8+s22+$0x0], $0xffff  }
0x6cf: {  	v16 =	vadd.f32 v18, v16;
	v18 =	vld.idx.msk [tilespmem:v9+s22+$0x0], $0xffff  }
0x6d0: {  	v24 =	vld.idx.msk [tilespmem:v10+s22+$0x0], $0xffff  }
0x6d1: {  	v16 =	vadd.f32 v19, v16;
	v19 =	vld.idx.msk [tilespmem:v11+s22+$0x0], $0xffff  }
0x6d2: {  	v25 =	vld.idx.msk [tilespmem:v12+s22+$0x0], $0xffff  }
0x6d3: {  	v16 =	vadd.f32 v20, v16;
	v20 =	vld.idx.msk [tilespmem:v13+s22+$0x0], $0xffff  }
0x6d4: {  	v26 =	vld.idx.msk [tilespmem:v14+s22+$0x0], $0xffff  }
0x6d5: {  	s23 =	sshra.s32 s12, $0x2;
	s12 =	smov.u32 s18;
	v16 =	vadd.f32 v21, v16;
	v21 =	vld.idx.msk [tilespmem:v15+s22+$0x0], $0xffff  }
0x6d6: {  	v27 =	vld [tilespmem:s23+$0x580]  }
0x6d7: {  	v16 =	vadd.f32 v22, v16;
	v22 =	vld [tilespmem:s23+$0x780];
	_ =	sdelay $0x1  }
0x6d8: {  	v16 =	vadd.f32 v17, v16;
	_ =	sdelay $0x1  }
0x6d9: {  	v16 =	vadd.f32 v23, v16;
	_ =	sdelay $0x1  }
0x6da: {  	v16 =	vadd.f32 v18, v16;
	_ =	sdelay $0x1  }
0x6db: {  	v16 =	vadd.f32 v24, v16;
	_ =	sdelay $0x1  }
0x6dc: {  	v16 =	vadd.f32 v19, v16;
	_ =	sdelay $0x1  }
0x6dd: {  	v16 =	vadd.f32 v25, v16;
	_ =	sdelay $0x1  }
0x6de: {  	v16 =	vadd.f32 v20, v16;
	_ =	sdelay $0x1  }
0x6df: {  	v16 =	vadd.f32 v26, v16;
	_ =	sdelay $0x1  }
0x6e0: {  	v16 =	vadd.f32 v21, v16;
	_ =	sdelay $0x1  }
0x6e1: {  	v16 =	vmul.f32 v27, v16;
	_ =	sdelay $0x1  }
0x6e2: {  	v16 =	vmul.f32 v22, v16;
	_ =	sdelay $0x1  }
0x6e3: {  	[tilespmem:s23+$0x980] =	vst v16  }
0x6e4: {  	v16 =	vld [tilespmem:s0+$0xFFFFFC00]  }
0x6e5: {  	v17 =	vld [tilespmem:s2+$0xFFFFFC10]  }
0x6e6: {  	v18 =	vld [tilespmem:s0+$0xFFFFFC10]  }
0x6e7: {  	v19 =	vld [tilespmem:s2+$0xFFFFFC00]  }
0x6e8: {  	v20 =	vld [tilespmem:s2+$0xFFFFFC20]  }
0x6e9: {  	v21 =	vld [tilespmem:s0+$0xFFFFFC20]  }
0x6ea: {  	v22 =	vld [tilespmem:s2+$0xFFFFFC30]  }
0x6eb: {  	v17 =	vmul.f32 v17, v18;
	v18 =	vld [tilespmem:s0+$0xFFFFFC30]  }
0x6ec: {  	v16 =	vmul.f32 v19, v16;
	_ =	sdelay $0x1  }
0x6ed: {  	v16 =	vadd.f32 v17, v16;
	v17 =	vmul.f32 v20, v21;
	_ =	sdelay $0x1  }
0x6ee: {  	v16 =	vadd.f32 v17, v16;
	v17 =	vmul.f32 v22, v18;
	_ =	sdelay $0x1  }
0x6ef: {  	v16 =	vadd.f32 v17, v16;
	_ =	sdelay $0x1  }
0x6f0: {  	[tilespmem:$0xA00] =	vst v16  }
0x6f1: {  	v16 =	vld [tilespmem:s2+$0xFFFFFC90]  }
0x6f2: {  	v17 =	vld [tilespmem:s0+$0xFFFFFC80]  }
0x6f3: {  	v18 =	vld [tilespmem:s0+$0xFFFFFC90]  }
0x6f4: {  	v19 =	vld [tilespmem:s2+$0xFFFFFC80]  }
0x6f5: {  	v20 =	vld [tilespmem:s2+$0xFFFFFCA0]  }
0x6f6: {  	v21 =	vld [tilespmem:s0+$0xFFFFFCA0]  }
0x6f7: {  	v22 =	vld [tilespmem:s2+$0xFFFFFCB0]  }
0x6f8: {  	v16 =	vmul.f32 v16, v18;
	v18 =	vld [tilespmem:s0+$0xFFFFFCB0]  }
0x6f9: {  	v17 =	vmul.f32 v19, v17;
	_ =	sdelay $0x1  }
0x6fa: {  	v16 =	vadd.f32 v16, v17;
	v17 =	vmul.f32 v20, v21;
	_ =	sdelay $0x1  }
0x6fb: {  	v16 =	vadd.f32 v17, v16;
	v17 =	vmul.f32 v22, v18;
	_ =	sdelay $0x1  }
0x6fc: {  	v16 =	vadd.f32 v17, v16;
	_ =	sdelay $0x1  }
0x6fd: {  	[tilespmem:$0xA10] =	vst v16  }
0x6fe: {  	v16 =	vld [tilespmem:s0+$0xFFFFFD00]  }
0x6ff: {  	v17 =	vld [tilespmem:s2+$0xFFFFFD00]  }
0x700: {  	v18 =	vld [tilespmem:s2+$0xFFFFFD10]  }
0x701: {  	v19 =	vld [tilespmem:s0+$0xFFFFFD10]  }
0x702: {  	v20 =	vld [tilespmem:s2+$0xFFFFFD20]  }
0x703: {  	v21 =	vld [tilespmem:s0+$0xFFFFFD20]  }
0x704: {  	v16 =	vmul.f32 v17, v16;
	v17 =	vld [tilespmem:s2+$0xFFFFFD30]  }
0x705: {  	v22 =	vld [tilespmem:s0+$0xFFFFFD30]  }
0x706: {  	v18 =	vmul.f32 v18, v19;
	_ =	sdelay $0x1  }
0x707: {  	v16 =	vadd.f32 v18, v16;
	v18 =	vmul.f32 v20, v21;
	_ =	sdelay $0x1  }
0x708: {  	v16 =	vadd.f32 v18, v16;
	v17 =	vmul.f32 v17, v22;
	_ =	sdelay $0x1  }
0x709: {  	v16 =	vadd.f32 v17, v16;
	_ =	sdelay $0x1  }
0x70a: {  	[tilespmem:$0xA20] =	vst v16  }
0x70b: {  	v16 =	vld [tilespmem:s2+$0xFFFFFD80]  }
0x70c: {  	v17 =	vld [tilespmem:s0+$0xFFFFFD80]  }
0x70d: {  	v18 =	vld [tilespmem:s0+$0xFFFFFD90]  }
0x70e: {  	v19 =	vld [tilespmem:s2+$0xFFFFFD90]  }
0x70f: {  	v20 =	vld [tilespmem:s2+$0xFFFFFDA0]  }
0x710: {  	v21 =	vld [tilespmem:s0+$0xFFFFFDA0]  }
0x711: {  	v16 =	vmul.f32 v16, v17;
	v17 =	vld [tilespmem:s2+$0xFFFFFDB0]  }
0x712: {  	v22 =	vld [tilespmem:s0+$0xFFFFFDB0]  }
0x713: {  	v18 =	vmul.f32 v19, v18;
	_ =	sdelay $0x1  }
0x714: {  	v16 =	vadd.f32 v18, v16;
	v18 =	vmul.f32 v20, v21;
	_ =	sdelay $0x1  }
0x715: {  	v16 =	vadd.f32 v18, v16;
	v17 =	vmul.f32 v17, v22;
	_ =	sdelay $0x1  }
0x716: {  	v16 =	vadd.f32 v17, v16;
	_ =	sdelay $0x1  }
0x717: {  	[tilespmem:$0xA30] =	vst v16  }
0x718: {  	v16 =	vld [tilespmem:s2+$0xFFFFFE10]  }
0x719: {  	v17 =	vld [tilespmem:s0+$0xFFFFFE00]  }
0x71a: {  	v18 =	vld [tilespmem:s2+$0xFFFFFE00]  }
0x71b: {  	v19 =	vld [tilespmem:s0+$0xFFFFFE10]  }
0x71c: {  	v20 =	vld [tilespmem:s2+$0xFFFFFE20]  }
0x71d: {  	v21 =	vld [tilespmem:s0+$0xFFFFFE20]  }
0x71e: {  	v22 =	vld [tilespmem:s2+$0xFFFFFE30]  }
0x71f: {  	v17 =	vmul.f32 v18, v17;
	v18 =	vld [tilespmem:s0+$0xFFFFFE30]  }
0x720: {  	v16 =	vmul.f32 v16, v19;
	_ =	sdelay $0x1  }
0x721: {  	v16 =	vadd.f32 v16, v17;
	v17 =	vmul.f32 v20, v21;
	_ =	sdelay $0x1  }
0x722: {  	v16 =	vadd.f32 v17, v16;
	v17 =	vmul.f32 v22, v18;
	_ =	sdelay $0x1  }
0x723: {  	v16 =	vadd.f32 v17, v16;
	_ =	sdelay $0x1  }
0x724: {  	[tilespmem:$0xA40] =	vst v16  }
0x725: {  	v16 =	vld [tilespmem:s2+$0xFFFFFE90]  }
0x726: {  	v17 =	vld [tilespmem:s0+$0xFFFFFE80]  }
0x727: {  	v18 =	vld [tilespmem:s2+$0xFFFFFE80]  }
0x728: {  	v19 =	vld [tilespmem:s0+$0xFFFFFE90]  }
0x729: {  	v20 =	vld [tilespmem:s2+$0xFFFFFEA0]  }
0x72a: {  	v21 =	vld [tilespmem:s0+$0xFFFFFEA0]  }
0x72b: {  	v22 =	vld [tilespmem:s2+$0xFFFFFEB0]  }
0x72c: {  	v17 =	vmul.f32 v18, v17;
	v18 =	vld [tilespmem:s0+$0xFFFFFEB0]  }
0x72d: {  	v16 =	vmul.f32 v16, v19;
	_ =	sdelay $0x1  }
0x72e: {  	v16 =	vadd.f32 v16, v17;
	v17 =	vmul.f32 v20, v21;
	_ =	sdelay $0x1  }
0x72f: {  	v16 =	vadd.f32 v17, v16;
	v17 =	vmul.f32 v22, v18;
	_ =	sdelay $0x1  }
0x730: {  	v16 =	vadd.f32 v17, v16;
	_ =	sdelay $0x1  }
0x731: {  	[tilespmem:$0xA50] =	vst v16  }
0x732: {  	v16 =	vld [tilespmem:s2+$0xFFFFFF00]  }
0x733: {  	v17 =	vld [tilespmem:s2+$0xFFFFFF10]  }
0x734: {  	v18 =	vld [tilespmem:s0+$0xFFFFFF10]  }
0x735: {  	v19 =	vld [tilespmem:s0+$0xFFFFFF00]  }
0x736: {  	v20 =	vld [tilespmem:s2+$0xFFFFFF20]  }
0x737: {  	v21 =	vld [tilespmem:s0+$0xFFFFFF20]  }
0x738: {  	v22 =	vld [tilespmem:s2+$0xFFFFFF30]  }
0x739: {  	v17 =	vmul.f32 v17, v18;
	v18 =	vld [tilespmem:s0+$0xFFFFFF30]  }
0x73a: {  	v16 =	vmul.f32 v16, v19;
	_ =	sdelay $0x1  }
0x73b: {  	v16 =	vadd.f32 v17, v16;
	v17 =	vmul.f32 v20, v21;
	_ =	sdelay $0x1  }
0x73c: {  	v16 =	vadd.f32 v17, v16;
	v17 =	vmul.f32 v22, v18;
	_ =	sdelay $0x1  }
0x73d: {  	v16 =	vadd.f32 v17, v16;
	_ =	sdelay $0x1  }
0x73e: {  	[tilespmem:$0xA60] =	vst v16  }
0x73f: {  	v16 =	vld [tilespmem:s2+$0xFFFFFF90]  }
0x740: {  	v17 =	vld [tilespmem:s2+$0xFFFFFF80]  }
0x741: {  	v18 =	vld [tilespmem:s0+$0xFFFFFF80]  }
0x742: {  	v19 =	vld [tilespmem:s0+$0xFFFFFF90]  }
0x743: {  	v20 =	vld [tilespmem:s2+$0xFFFFFFA0]  }
0x744: {  	v21 =	vld [tilespmem:s0+$0xFFFFFFA0]  }
0x745: {  	v22 =	vld [tilespmem:s2+$0xFFFFFFB0]  }
0x746: {  	v17 =	vmul.f32 v17, v18;
	v18 =	vld [tilespmem:s0+$0xFFFFFFB0]  }
0x747: {  	v16 =	vmul.f32 v16, v19;
	_ =	sdelay $0x1  }
0x748: {  	v16 =	vadd.f32 v16, v17;
	v17 =	vmul.f32 v20, v21;
	_ =	sdelay $0x1  }
0x749: {  	v16 =	vadd.f32 v17, v16;
	v17 =	vmul.f32 v22, v18;
	_ =	sdelay $0x1  }
0x74a: {  	v16 =	vadd.f32 v17, v16;
	_ =	sdelay $0x1  }
0x74b: {  	[tilespmem:$0xA70] =	vst v16  }
0x74c: {  	v16 =	vld [tilespmem:s2+$0x0]  }
0x74d: {  	v17 =	vld [tilespmem:s2+$0x10]  }
0x74e: {  	v18 =	vld [tilespmem:s0+$0x0]  }
0x74f: {  	v19 =	vld [tilespmem:s0+$0x10]  }
0x750: {  	v20 =	vld [tilespmem:s2+$0x20]  }
0x751: {  	v21 =	vld [tilespmem:s0+$0x20]  }
0x752: {  	v22 =	vld [tilespmem:s2+$0x30]  }
0x753: {  	v16 =	vmul.f32 v16, v18;
	v18 =	vld [tilespmem:s0+$0x30]  }
0x754: {  	v17 =	vmul.f32 v17, v19;
	_ =	sdelay $0x1  }
0x755: {  	v16 =	vadd.f32 v17, v16;
	v17 =	vmul.f32 v20, v21;
	_ =	sdelay $0x1  }
0x756: {  	v16 =	vadd.f32 v17, v16;
	v17 =	vmul.f32 v22, v18;
	_ =	sdelay $0x1  }
0x757: {  	v16 =	vadd.f32 v17, v16;
	_ =	sdelay $0x1  }
0x758: {  	[tilespmem:$0xA80] =	vst v16  }
0x759: {  	v16 =	vld [tilespmem:s2+$0x80]  }
0x75a: {  	v17 =	vld [tilespmem:s2+$0x90]  }
0x75b: {  	v18 =	vld [tilespmem:s0+$0x80]  }
0x75c: {  	v19 =	vld [tilespmem:s0+$0x90]  }
0x75d: {  	v20 =	vld [tilespmem:s0+$0xA0]  }
0x75e: {  	v21 =	vld [tilespmem:s2+$0xA0]  }
0x75f: {  	v22 =	vld [tilespmem:s0+$0xB0]  }
0x760: {  	v16 =	vmul.f32 v16, v18;
	v18 =	vld [tilespmem:s2+$0xB0]  }
0x761: {  	v17 =	vmul.f32 v17, v19;
	_ =	sdelay $0x1  }
0x762: {  	v16 =	vadd.f32 v17, v16;
	v17 =	vmul.f32 v21, v20;
	_ =	sdelay $0x1  }
0x763: {  	v16 =	vadd.f32 v17, v16;
	v17 =	vmul.f32 v18, v22;
	_ =	sdelay $0x1  }
0x764: {  	v16 =	vadd.f32 v17, v16;
	_ =	sdelay $0x1  }
0x765: {  	[tilespmem:$0xA90] =	vst v16  }
0x766: {  	v16 =	vld [tilespmem:s2+$0x100]  }
0x767: {  	v17 =	vld [tilespmem:s2+$0x110]  }
0x768: {  	v18 =	vld [tilespmem:s0+$0x100]  }
0x769: {  	v19 =	vld [tilespmem:s0+$0x110]  }
0x76a: {  	v20 =	vld [tilespmem:s0+$0x120]  }
0x76b: {  	v21 =	vld [tilespmem:s2+$0x120]  }
0x76c: {  	v22 =	vld [tilespmem:s0+$0x130]  }
0x76d: {  	v16 =	vmul.f32 v16, v18;
	v18 =	vld [tilespmem:s2+$0x130]  }
0x76e: {  	v17 =	vmul.f32 v17, v19;
	_ =	sdelay $0x1  }
0x76f: {  	v16 =	vadd.f32 v17, v16;
	v17 =	vmul.f32 v21, v20;
	_ =	sdelay $0x1  }
0x770: {  	v16 =	vadd.f32 v17, v16;
	v17 =	vmul.f32 v18, v22;
	_ =	sdelay $0x1  }
0x771: {  	v16 =	vadd.f32 v17, v16;
	_ =	sdelay $0x1  }
0x772: {  	[tilespmem:$0xAA0] =	vst v16  }
0x773: {  	v16 =	vld [tilespmem:s2+$0x180]  }
0x774: {  	v17 =	vld [tilespmem:s2+$0x190]  }
0x775: {  	v18 =	vld [tilespmem:s0+$0x180]  }
0x776: {  	v19 =	vld [tilespmem:s0+$0x190]  }
0x777: {  	v20 =	vld [tilespmem:s0+$0x1A0]  }
0x778: {  	v21 =	vld [tilespmem:s2+$0x1A0]  }
0x779: {  	v22 =	vld [tilespmem:s0+$0x1B0]  }
0x77a: {  	v16 =	vmul.f32 v16, v18;
	v18 =	vld [tilespmem:s2+$0x1B0]  }
0x77b: {  	v17 =	vmul.f32 v17, v19;
	_ =	sdelay $0x1  }
0x77c: {  	v16 =	vadd.f32 v17, v16;
	v17 =	vmul.f32 v21, v20;
	_ =	sdelay $0x1  }
0x77d: {  	v16 =	vadd.f32 v17, v16;
	v17 =	vmul.f32 v18, v22;
	_ =	sdelay $0x1  }
0x77e: {  	v16 =	vadd.f32 v17, v16;
	_ =	sdelay $0x1  }
0x77f: {  	[tilespmem:$0xAB0] =	vst v16  }
0x780: {  	v16 =	vld [tilespmem:s2+$0x200]  }
0x781: {  	v17 =	vld [tilespmem:s2+$0x210]  }
0x782: {  	v18 =	vld [tilespmem:s0+$0x200]  }
0x783: {  	v19 =	vld [tilespmem:s0+$0x210]  }
0x784: {  	v20 =	vld [tilespmem:s0+$0x220]  }
0x785: {  	v21 =	vld [tilespmem:s2+$0x220]  }
0x786: {  	v22 =	vld [tilespmem:s0+$0x230]  }
0x787: {  	v16 =	vmul.f32 v16, v18;
	v18 =	vld [tilespmem:s2+$0x230]  }
0x788: {  	v17 =	vmul.f32 v17, v19;
	_ =	sdelay $0x1  }
0x789: {  	v16 =	vadd.f32 v17, v16;
	v17 =	vmul.f32 v21, v20;
	_ =	sdelay $0x1  }
0x78a: {  	v16 =	vadd.f32 v17, v16;
	v17 =	vmul.f32 v18, v22;
	_ =	sdelay $0x1  }
0x78b: {  	v16 =	vadd.f32 v17, v16;
	_ =	sdelay $0x1  }
0x78c: {  	[tilespmem:$0xAC0] =	vst v16  }
0x78d: {  	v16 =	vld [tilespmem:s2+$0x280]  }
0x78e: {  	v17 =	vld [tilespmem:s2+$0x290]  }
0x78f: {  	v18 =	vld [tilespmem:s0+$0x280]  }
0x790: {  	v19 =	vld [tilespmem:s0+$0x290]  }
0x791: {  	v20 =	vld [tilespmem:s0+$0x2A0]  }
0x792: {  	v21 =	vld [tilespmem:s2+$0x2A0]  }
0x793: {  	v22 =	vld [tilespmem:s0+$0x2B0]  }
0x794: {  	v16 =	vmul.f32 v16, v18;
	v18 =	vld [tilespmem:s2+$0x2B0]  }
0x795: {  	v17 =	vmul.f32 v17, v19;
	_ =	sdelay $0x1  }
0x796: {  	v16 =	vadd.f32 v17, v16;
	v17 =	vmul.f32 v21, v20;
	_ =	sdelay $0x1  }
0x797: {  	v16 =	vadd.f32 v17, v16;
	v17 =	vmul.f32 v18, v22;
	_ =	sdelay $0x1  }
0x798: {  	v16 =	vadd.f32 v17, v16;
	_ =	sdelay $0x1  }
0x799: {  	[tilespmem:$0xAD0] =	vst v16  }
0x79a: {  	v16 =	vld [tilespmem:s2+$0x300]  }
0x79b: {  	v17 =	vld [tilespmem:s2+$0x310]  }
0x79c: {  	v18 =	vld [tilespmem:s0+$0x310]  }
0x79d: {  	v19 =	vld [tilespmem:s0+$0x300]  }
0x79e: {  	v20 =	vld [tilespmem:s0+$0x320]  }
0x79f: {  	v21 =	vld [tilespmem:s2+$0x320]  }
0x7a0: {  	v22 =	vld [tilespmem:s0+$0x330]  }
0x7a1: {  	v17 =	vmul.f32 v17, v18;
	v18 =	vld [tilespmem:s2+$0x330]  }
0x7a2: {  	v16 =	vmul.f32 v16, v19;
	_ =	sdelay $0x1  }
0x7a3: {  	v16 =	vadd.f32 v17, v16;
	v17 =	vmul.f32 v21, v20;
	_ =	sdelay $0x1  }
0x7a4: {  	v16 =	vadd.f32 v17, v16;
	v17 =	vmul.f32 v18, v22;
	_ =	sdelay $0x1  }
0x7a5: {  	v16 =	vadd.f32 v17, v16;
	_ =	sdelay $0x1  }
0x7a6: {  	[tilespmem:$0xAE0] =	vst v16  }
0x7a7: {  	v16 =	vld [tilespmem:s0+$0x380]  }
0x7a8: {  	v17 =	vld [tilespmem:s2+$0x380]  }
0x7a9: {  	v18 =	vld [tilespmem:s2+$0x390]  }
0x7aa: {  	v19 =	vld [tilespmem:s0+$0x390]  }
0x7ab: {  	v20 =	vld [tilespmem:s0+$0x3A0]  }
0x7ac: {  	v21 =	vld [tilespmem:s2+$0x3A0]  }
.Ltmp3:
0x7ad: {  	v22 =	vmul.f32 v17, v16;
	v16 =	vld [tilespmem:s0+$0x3B0];
	(pc) =	sbr.rel @p0 .LBB2_8-.Ltmp3, $3  }
0x7ae: {  	v17 =	vld [tilespmem:s2+$0x3B0]  }
0x7af: {  	v18 =	vmul.f32 v18, v19;
	_ =	sdelay $0x1  }
0x7b0: {  	v18 =	vadd.f32 v18, v22;
	v19 =	vmul.f32 v21, v20  }
0x7b1: {  	_ = 	snop  }
0x7b2: {  	v18 =	vadd.f32 v19, v18;
	v16 =	vmul.f32 v17, v16;
	_ =	sdelay $0x1  }
0x7b3: {  	v16 =	vadd.f32 v16, v18;
	_ =	sdelay $0x1  }
0x7b4: {  	[tilespmem:$0xAF0] =	vst v16  }
0x7b5: {  	v16 =	vld.idx.msk [tilespmem:v0+s22+$0x0], $0xffff  }
0x7b6: {  	v17 =	vld.idx.msk [tilespmem:v1+s22+$0x0], $0xffff;
	_ =	sdelay $0x1  }
0x7b7: {  	v53 =	vld.idx.msk [tilespmem:v2+s22+$0x0], $0xffff;
	_ =	sdelay $0x1  }
0x7b8: {  	v54 =	vld.idx.msk [tilespmem:v3+s22+$0x0], $0xffff  }
0x7b9: {  	v16 =	vadd.f32 v17, v16  }
0x7ba: {  	v17 =	vld.idx.msk [tilespmem:v4+s22+$0x0], $0xffff  }
0x7bb: {  	v16 =	vadd.f32 v53, v16  }
0x7bc: {  	v55 =	vld.idx.msk [tilespmem:v5+s22+$0x0], $0xffff  }
0x7bd: {  	v16 =	vadd.f32 v54, v16  }
0x7be: {  	v56 =	vld.idx.msk [tilespmem:v6+s22+$0x0], $0xffff  }
0x7bf: {  	v16 =	vadd.f32 v17, v16  }
0x7c0: {  	v17 =	vld.idx.msk [tilespmem:v7+s22+$0x0], $0xffff  }
0x7c1: {  	v16 =	vadd.f32 v55, v16  }
0x7c2: {  	v57 =	vld.idx.msk [tilespmem:v8+s22+$0x0], $0xffff  }
0x7c3: {  	v16 =	vadd.f32 v56, v16  }
0x7c4: {  	v58 =	vld.idx.msk [tilespmem:v9+s22+$0x0], $0xffff  }
0x7c5: {  	v16 =	vadd.f32 v17, v16  }
0x7c6: {  	v17 =	vld.idx.msk [tilespmem:v10+s22+$0x0], $0xffff  }
0x7c7: {  	v16 =	vadd.f32 v57, v16  }
0x7c8: {  	v59 =	vld.idx.msk [tilespmem:v11+s22+$0x0], $0xffff  }
0x7c9: {  	v16 =	vadd.f32 v58, v16  }
0x7ca: {  	v60 =	vld.idx.msk [tilespmem:v12+s22+$0x0], $0xffff  }
0x7cb: {  	v16 =	vadd.f32 v17, v16  }
0x7cc: {  	v17 =	vld.idx.msk [tilespmem:v13+s22+$0x0], $0xffff  }
0x7cd: {  	v16 =	vadd.f32 v59, v16  }
0x7ce: {  	v61 =	vld.idx.msk [tilespmem:v14+s22+$0x0], $0xffff  }
0x7cf: {  	v16 =	vadd.f32 v60, v16  }
0x7d0: {  	v62 =	vld.idx.msk [tilespmem:v15+s22+$0x0], $0xffff  }
0x7d1: {  	s0 =	sshra.s32 s12, $0x2;
	v16 =	vadd.f32 v17, v16  }
0x7d2: {  	v17 =	vld [tilespmem:s0+$0x580]  }
0x7d3: {  	v16 =	vadd.f32 v61, v16  }
0x7d4: {  	v63 =	vld [tilespmem:s0+$0x780]  }
0x7d5: {  	v16 =	vadd.f32 v62, v16;
	_ =	sdelay $0x1  }
0x7d6: {  	v16 =	vmul.f32 v17, v16;
	_ =	sdelay $0x1  }
0x7d7: {  	s31 =	sadd.s32 $0x1, s31;
	v16 =	vmul.f32 v63, v16  }
0x7d8: {  	p0 =	sne.s32 s31, s9  }
.Ltmp4:
0x7d9: {  	[tilespmem:s0+$0x980] =	vst v16;
	(pc) =	sbr.rel @p0 .LBB2_1-.Ltmp4, $4  }
0x7da: {  	[hbm4b:s8+s1] =	stream.linear.scatter [tilespmem:s30], [sflag:$0x5], $0x200, $0x38;
	[tilespmem:$0x10B00] =	vst v63  }
0x7db: {  	_ =	swait.ge [sflag:s10], $0x200  }
0x7dc: {  	[sflag:s10] =	ssyncset.done $0x0  }
0x7dd: {  	[sflag:s10] =	ssyncadd.s32 $0xFFFFFE00  }
0x7de: {  	_ =	sfence.sel $0x180000  }
0x7df: {  	[bflag:$0x0] =	sbarrier.arrive $0xFFFF  }
0x7e0: {  	_ =	strace $0x90000047  }
0x7e1: {  	s0 =	stileid.u32;
	[bflag:$0x2] =	sbarrier.arrive $0xFFFF  }
0x7e2: {  	p0 =	sne.s32 s0, $0x0;
	s0 =	rddreg [dreg:$0x2]  }
0x7e3: {  	s0 =	sadd.s32 @!p0 $0x100000, s0  }
0x7e4: {  	[sflag:s0] =	ssyncadd.tile.s32 @!p0 $0x1;
	_ =	shalt  }
.Lfunc_end2:
_tile_overlayer_lowered:
.L_overlay_start_2:
0x7e5: {  	(tag) =	ssettag $0x2  }
0x7e6: {  	s0 =	rddreg [dreg:$0x0];
	s2 =	stileid.u32  }
0x7e7: {  	s1 =	rddreg [dreg:$0x1];
	p0 =	sne.s32 s2, $0x0  }
0x7e8: {  	s3 =	rddreg [dreg:$0x2];
	[bflag:$0x3] =	sbarrier.arrive $0xFFFF;
	s2 =	simm.s32 @!p0 $0x1C05  }
0x7e9: {  	[timem:s3], [sflag:s2] =	dma.local @!p0 [hbm:s0], s1  }
0x7ea: {  	s0 =	simm.s32 @!p0 $0x5  }
0x7eb: {  	_ =	swait.ge @!p0 [sflag:s0], s1  }
0x7ec: {  	s1 =	ssub.s32 @!p0 $0x0, s1;
	[sflag:s0] =	ssyncset.done @!p0 $0x0  }
0x7ed: {  	[sflag:s0] =	ssyncadd.s32 @!p0 s1  }
0x7ee: {  	[bflag:$0x3] =	sbarrier.arrive $0xFFFF  }
0x7ef: {  	_ =	shalt  }

</sc_bundles>
